<compile_context>
chip_gen: v7x
topology: tpu7x:2x2x1
jax: 0.10.2.dev20260603
libtpu: 0.0.44.dev20260713+nightly
codegen_flags: <defaults>
</compile_context>

<pallas_src>
import functools

import jax
import jax.numpy as jnp
from jax import lax
from jax.experimental import pallas as pl
from jax.experimental.pallas import tpu as pltpu
from jax.experimental.pallas import tpu_sc as plsc


def kernel(x):
    B, C, H, W, Z = x.shape
    r = 2
    Ho, Wo, Zo = H // r, W // r, Z // r
    OC = C * r**3
    K = r**3
    NIN = 3
    NOUT = 2
    GRP = NIN * NOUT

    info = plsc.get_sparse_core_info()
    NC, NS, L = info.num_cores, info.num_subcores, info.num_lanes
    NW = NC * NS

    UNITS = B * C * Ho
    UPW = UNITS // NW
    VECS = (Wo * Zo) // L

    mesh = plsc.VectorSubcoreMesh(core_axis_name="c", subcore_axis_name="s")

    @functools.partial(
        pl.kernel,
        mesh=mesh,
        out_type=jax.ShapeDtypeStruct((B, OC, Ho, Wo, Zo), jnp.float32),
        scratch_types=(
            [pltpu.VMEM((NIN, r, W, Z), jnp.float32),
             pltpu.VMEM((NOUT, K, Wo, Zo), jnp.float32)]
            + [pltpu.SemaphoreType.DMA] * (NIN + NOUT)
        ),
        compiler_params=pltpu.CompilerParams(needs_layout_passes=False),
    )
    def body(x_hbm, y_hbm, in_ring, out_ring, *sems):
        in_sems = sems[:NIN]
        out_sems = sems[NIN:]
        wid = lax.axis_index("s") * NC + lax.axis_index("c")
        lane = lax.iota(jnp.int32, L)
        u0 = wid * UPW

        def unit_coords(t):
            u = u0 + t
            b = u // (C * Ho)
            rem = u % (C * Ho)
            c = rem // Ho
            ho = rem % Ho
            return b, c, ho

        def issue_in(t, j):
            b, c, ho = unit_coords(t)
            pltpu.make_async_copy(
                x_hbm.at[b, c, pl.ds(r * ho, r)],
                in_ring.at[j], in_sems[j]).start()

        def wait_in(j):
            pltpu.make_async_copy(
                x_hbm.at[0, 0, pl.ds(0, r)],
                in_ring.at[j], in_sems[j]).wait()

        def issue_out(t, j):
            b, c, ho = unit_coords(t)
            pltpu.make_async_copy(
                out_ring.at[j],
                y_hbm.at[b, pl.ds(c * K, K), ho], out_sems[j]).start()

        def drain_out(j):
            pltpu.make_async_copy(
                out_ring.at[j],
                y_hbm.at[0, pl.ds(0, K), 0], out_sems[j]).wait()

        def compute(ji, jo):
            in_b = in_ring.at[ji]

            def vec_body(v, carry):
                wo = v >> 1
                zo0 = (v & 1) * L
                idx_z0 = r * zo0 + lane * r
                for k in range(K):
                    hr, wr, zr = (k >> 2) & 1, (k >> 1) & 1, k & 1
                    vals = plsc.load_gather(
                        in_b,
                        [jnp.full((L,), hr, jnp.int32),
                         jnp.full((L,), r * wo + wr, jnp.int32),
                         idx_z0 + zr])
                    out_ring[jo, k, wo, pl.ds(zo0, L)] = vals
                return carry

            lax.fori_loop(0, VECS, vec_body, 0)

        for j in range(NIN):
            issue_in(j, j)

        def grp_body(p, carry):
            for j in range(GRP):
                t_traced = GRP * p + j
                ji, jo = j % NIN, j % NOUT
                wait_in(ji)

                @pl.when(t_traced >= NOUT)
                def _():
                    drain_out(jo)

                compute(ji, jo)
                issue_out(t_traced, jo)

                @pl.when(t_traced < UPW - NIN)
                def _():
                    issue_in(t_traced + NIN, ji)
            return carry

        NFULL = UPW // GRP
        lax.fori_loop(0, NFULL, grp_body, 0)
        for t in range(NFULL * GRP, UPW):
            j = t % GRP
            ji, jo = j % NIN, j % NOUT
            wait_in(ji)
            drain_out(jo)
            compute(ji, jo)
            issue_out(t, jo)
            if t + NIN < UPW:
                issue_in(t + NIN, ji)
        for t in range(UPW - NOUT, UPW):
            drain_out(t % NOUT)

    return body(x)

# --- scband reference (transcript-rebuilt; emitter-appended) ---
"""Pipeline reference for scband-interleaver-40939628265708 (READ-ONLY COPY).

The authoritative reference and input builder live on the scoring server;
editing this copy changes nothing except your own understanding.
"""

import jax, jax.numpy as jnp
import numpy as np

R = 2

def setup_inputs(seed: int = 0) -> dict:
    key = jax.random.key(seed)
    x = jax.random.normal(key, (2, 32, 64, 64, 64), dtype=jnp.float32)
    return {"x": x}

def reference(x):
    r = R
    B, C, H, W, Z = x.shape
    assert H % r == 0 and W % r == 0 and Z % r == 0
    x = x.reshape(B, C, H // r, r, W // r, r, Z // r, r)
    x = jnp.transpose(x, (0, 1, 3, 5, 7, 2, 4, 6))
    x = x.reshape(B, C * r ** 3, H // r, W // r, Z // r)
    return x

if __name__ == "__main__":
    import jax
    _d = setup_inputs()
    print(jax.jit(kernel)(*tuple(_d.values())))

</pallas_src>

<mosaic_0001>
#map = affine_map<(d0, d1) -> (0, 0, 0, 0, 0)>
module attributes {stable_mosaic.version = 14 : i64} {
  func.func @body(%arg0: i32, %arg1: i32, %arg2: memref<2x32x64x64x64xf32, #tpu.memory_space<hbm>>, %arg3: memref<2x256x32x32x32xf32, #tpu.memory_space<hbm>>, %arg4: memref<3x2x64x64xf32, #tpu.memory_space<vmem>>, %arg5: memref<2x8x32x32xf32, #tpu.memory_space<vmem>>, %arg6: memref<!tpu.dma_semaphore, #tpu.memory_space<semaphore_mem>>, %arg7: memref<!tpu.dma_semaphore, #tpu.memory_space<semaphore_mem>>, %arg8: memref<!tpu.dma_semaphore, #tpu.memory_space<semaphore_mem>>, %arg9: memref<!tpu.dma_semaphore, #tpu.memory_space<semaphore_mem>>, %arg10: memref<!tpu.dma_semaphore, #tpu.memory_space<semaphore_mem>>) attributes {dimension_semantics = [#tpu.dimension_semantics<core_parallel>, #tpu.dimension_semantics<subcore_parallel>], iteration_bounds = array<i64: 2, 16>, scalar_prefetch = 0 : i64, scratch_operands = 7 : i64, tpu.core_type = #tpu.core_type<sc_vector_subcore>, window_params = [{transform_indices = #map}, {transform_indices = #map}]} {
    %mul3A = arith.constant 2 : i32
    %mul3A_0 = arith.muli %arg1, %mul3A : i32
    %add3A = arith.addi %mul3A_0, %arg0 : i32
    %iota3A = tpu.iota {dimensions = array<i32: 0>} : vector<16xi32>
    %mul3A_1 = arith.constant 64 : i32
    %mul3A_2 = arith.muli %add3A, %mul3A_1 : i32
    %add3A_3 = arith.constant 0 : i32
    %add3A_4 = arith.addi %mul3A_2, %add3A_3 : i32
    %jit3A = arith.constant 1024 : i32
    %div3A = arith.divsi %add3A_4, %jit3A : i32
    %sign3A = arith.constant 0 : i32
    %sign3A_5 = arith.cmpi sgt, %add3A_4, %sign3A : i32
    %sign3A_6 = arith.extui %sign3A_5 : i1 to i32
    %sign3A_7 = arith.constant 0 : i32
    %sign3A_8 = arith.cmpi slt, %add3A_4, %sign3A_7 : i32
    %sign3A_9 = arith.extui %sign3A_8 : i1 to i32
    %sign3A_10 = arith.subi %sign3A_6, %sign3A_9 : i32
    %sign3A_11 = arith.constant 0 : i32
    %sign3A_12 = arith.cmpi sgt, %jit3A, %sign3A_11 : i32
    %sign3A_13 = arith.extui %sign3A_12 : i1 to i32
    %sign3A_14 = arith.constant 0 : i32
    %sign3A_15 = arith.cmpi slt, %jit3A, %sign3A_14 : i32
    %sign3A_16 = arith.extui %sign3A_15 : i1 to i32
    %sign3A_17 = arith.subi %sign3A_13, %sign3A_16 : i32
    %ne3A = arith.cmpi ne, %sign3A_10, %sign3A_17 : i32
    %rem3A = arith.remsi %add3A_4, %jit3A : i32
    %ne3A_18 = arith.constant 0 : i32
    %ne3A_19 = arith.cmpi ne, %rem3A, %ne3A_18 : i32
    %and3A = arith.andi %ne3A, %ne3A_19 : i1
    %sub3A = arith.constant 1 : i32
    %sub3A_20 = arith.subi %div3A, %sub3A : i32
    %select_n3A = arith.select %and3A, %sub3A_20, %div3A : i32
    %jit3A_21 = arith.constant 1024 : i32
    %eq3A = arith.constant 0 : i32
    %eq3A_22 = arith.cmpi eq, %jit3A_21, %eq3A : i32
    %jit3A_23 = arith.constant 1 : i32
    %select_n3A_24 = arith.select %eq3A_22, %jit3A_23, %jit3A_21 : i32
    %rem3A_25 = arith.remsi %add3A_4, %select_n3A_24 : i32
    %ne3A_26 = arith.constant 0 : i32
    %ne3A_27 = arith.cmpi ne, %rem3A_25, %ne3A_26 : i32
    %lt3A = arith.constant 0 : i32
    %lt3A_28 = arith.cmpi slt, %rem3A_25, %lt3A : i32
    %lt3A_29 = arith.constant 0 : i32
    %lt3A_30 = arith.cmpi slt, %select_n3A_24, %lt3A_29 : i32
    %ne3A_31 = arith.xori %lt3A_28, %lt3A_30 : i1
    %and3A_32 = arith.andi %ne3A_31, %ne3A_27 : i1
    %add3A_33 = arith.addi %rem3A_25, %select_n3A_24 : i32
    %select_n3A_34 = arith.select %and3A_32, %add3A_33, %rem3A_25 : i32
    %jit3A_35 = arith.constant 32 : i32
    %div3A_36 = arith.divsi %select_n3A_34, %jit3A_35 : i32
    %sign3A_37 = arith.constant 0 : i32
    %sign3A_38 = arith.cmpi sgt, %select_n3A_34, %sign3A_37 : i32
    %sign3A_39 = arith.extui %sign3A_38 : i1 to i32
    %sign3A_40 = arith.constant 0 : i32
    %sign3A_41 = arith.cmpi slt, %select_n3A_34, %sign3A_40 : i32
    %sign3A_42 = arith.extui %sign3A_41 : i1 to i32
    %sign3A_43 = arith.subi %sign3A_39, %sign3A_42 : i32
    %sign3A_44 = arith.constant 0 : i32
    %sign3A_45 = arith.cmpi sgt, %jit3A_35, %sign3A_44 : i32
    %sign3A_46 = arith.extui %sign3A_45 : i1 to i32
    %sign3A_47 = arith.constant 0 : i32
    %sign3A_48 = arith.cmpi slt, %jit3A_35, %sign3A_47 : i32
    %sign3A_49 = arith.extui %sign3A_48 : i1 to i32
    %sign3A_50 = arith.subi %sign3A_46, %sign3A_49 : i32
    %ne3A_51 = arith.cmpi ne, %sign3A_43, %sign3A_50 : i32
    %rem3A_52 = arith.remsi %select_n3A_34, %jit3A_35 : i32
    %ne3A_53 = arith.constant 0 : i32
    %ne3A_54 = arith.cmpi ne, %rem3A_52, %ne3A_53 : i32
    %and3A_55 = arith.andi %ne3A_51, %ne3A_54 : i1
    %sub3A_56 = arith.constant 1 : i32
    %sub3A_57 = arith.subi %div3A_36, %sub3A_56 : i32
    %select_n3A_58 = arith.select %and3A_55, %sub3A_57, %div3A_36 : i32
    %jit3A_59 = arith.constant 32 : i32
    %eq3A_60 = arith.constant 0 : i32
    %eq3A_61 = arith.cmpi eq, %jit3A_59, %eq3A_60 : i32
    %jit3A_62 = arith.constant 1 : i32
    %select_n3A_63 = arith.select %eq3A_61, %jit3A_62, %jit3A_59 : i32
    %rem3A_64 = arith.remsi %select_n3A_34, %select_n3A_63 : i32
    %ne3A_65 = arith.constant 0 : i32
    %ne3A_66 = arith.cmpi ne, %rem3A_64, %ne3A_65 : i32
    %lt3A_67 = arith.constant 0 : i32
    %lt3A_68 = arith.cmpi slt, %rem3A_64, %lt3A_67 : i32
    %lt3A_69 = arith.constant 0 : i32
    %lt3A_70 = arith.cmpi slt, %select_n3A_63, %lt3A_69 : i32
    %ne3A_71 = arith.xori %lt3A_68, %lt3A_70 : i1
    %and3A_72 = arith.andi %ne3A_71, %ne3A_66 : i1
    %add3A_73 = arith.addi %rem3A_64, %select_n3A_63 : i32
    %select_n3A_74 = arith.select %and3A_72, %add3A_73, %rem3A_64 : i32
    %mul3A_75 = arith.constant 2 : i32
    %mul3A_76 = arith.muli %mul3A_75, %select_n3A_74 : i32
    %dma_start3A = arith.constant 0 : i32
    %dma_start3A_77 = arith.constant 0 : i32
    %dma_start3A_78 = arith.constant 0 : i32
    %dma_start3A_79 = arith.constant 0 : i32
    %dma_start3A_80 = tpu.memref_slice %arg4[%dma_start3A, %dma_start3A_77, %dma_start3A_78, %dma_start3A_79] : memref<3x2x64x64xf32, #tpu.memory_space<vmem>> -> memref<1x2x64x64xf32, #tpu.memory_space<vmem>>
    %dma_start3A_81 = tpu.memref_squeeze %dma_start3A_80 : memref<1x2x64x64xf32, #tpu.memory_space<vmem>> -> memref<2x64x64xf32, #tpu.memory_space<vmem>>
    %dma_start3A_82 = arith.constant 0 : i32
    %dma_start3A_83 = arith.constant 0 : i32
    %dma_start3A_84 = tpu.memref_slice %arg2[%select_n3A, %select_n3A_58, %mul3A_76, %dma_start3A_82, %dma_start3A_83] : memref<2x32x64x64x64xf32, #tpu.memory_space<hbm>> -> memref<1x1x2x64x64xf32, #tpu.memory_space<hbm>>
    %dma_start3A_85 = tpu.memref_squeeze %dma_start3A_84 : memref<1x1x2x64x64xf32, #tpu.memory_space<hbm>> -> memref<2x64x64xf32, #tpu.memory_space<hbm>>
    %dma_start3A_86 = arith.constant 0 : i32
    %dma_start3A_87 = arith.constant 0 : i32
    %dma_start3A_88 = arith.constant 0 : i32
    %dma_start3A_89 = tpu.memref_slice %arg4[%dma_start3A, %dma_start3A_86, %dma_start3A_87, %dma_start3A_88] : memref<3x2x64x64xf32, #tpu.memory_space<vmem>> -> memref<1x2x64x64xf32, #tpu.memory_space<vmem>>
    %dma_start3A_90 = tpu.memref_squeeze %dma_start3A_89 : memref<1x2x64x64xf32, #tpu.memory_space<vmem>> -> memref<2x64x64xf32, #tpu.memory_space<vmem>>
    %dma_start3A_91 = arith.constant 0 : i32
    %dma_start3A_92 = arith.constant 0 : i32
    %dma_start3A_93 = tpu.memref_slice %arg2[%select_n3A, %select_n3A_58, %mul3A_76, %dma_start3A_91, %dma_start3A_92] : memref<2x32x64x64x64xf32, #tpu.memory_space<hbm>> -> memref<1x1x2x64x64xf32, #tpu.memory_space<hbm>>
    %dma_start3A_94 = tpu.memref_squeeze %dma_start3A_93 : memref<1x1x2x64x64xf32, #tpu.memory_space<hbm>> -> memref<2x64x64xf32, #tpu.memory_space<hbm>>
    tpu.enqueue_dma source(%dma_start3A_94 : memref<2x64x64xf32, #tpu.memory_space<hbm>>) target(%dma_start3A_90 : memref<2x64x64xf32, #tpu.memory_space<vmem>>) target_semaphore(%arg6 : memref<!tpu.dma_semaphore, #tpu.memory_space<semaphore_mem>>)
    %add3A_95 = arith.constant 1 : i32
    %add3A_96 = arith.addi %mul3A_2, %add3A_95 : i32
    %jit3A_97 = arith.constant 1024 : i32
    %div3A_98 = arith.divsi %add3A_96, %jit3A_97 : i32
    %sign3A_99 = arith.constant 0 : i32
    %sign3A_100 = arith.cmpi sgt, %add3A_96, %sign3A_99 : i32
    %sign3A_101 = arith.extui %sign3A_100 : i1 to i32
    %sign3A_102 = arith.constant 0 : i32
    %sign3A_103 = arith.cmpi slt, %add3A_96, %sign3A_102 : i32
    %sign3A_104 = arith.extui %sign3A_103 : i1 to i32
    %sign3A_105 = arith.subi %sign3A_101, %sign3A_104 : i32
    %sign3A_106 = arith.constant 0 : i32
    %sign3A_107 = arith.cmpi sgt, %jit3A_97, %sign3A_106 : i32
    %sign3A_108 = arith.extui %sign3A_107 : i1 to i32
    %sign3A_109 = arith.constant 0 : i32
    %sign3A_110 = arith.cmpi slt, %jit3A_97, %sign3A_109 : i32
    %sign3A_111 = arith.extui %sign3A_110 : i1 to i32
    %sign3A_112 = arith.subi %sign3A_108, %sign3A_111 : i32
    %ne3A_113 = arith.cmpi ne, %sign3A_105, %sign3A_112 : i32
    %rem3A_114 = arith.remsi %add3A_96, %jit3A_97 : i32
    %ne3A_115 = arith.constant 0 : i32
    %ne3A_116 = arith.cmpi ne, %rem3A_114, %ne3A_115 : i32
    %and3A_117 = arith.andi %ne3A_113, %ne3A_116 : i1
    %sub3A_118 = arith.constant 1 : i32
    %sub3A_119 = arith.subi %div3A_98, %sub3A_118 : i32
    %select_n3A_120 = arith.select %and3A_117, %sub3A_119, %div3A_98 : i32
    %jit3A_121 = arith.constant 1024 : i32
    %eq3A_122 = arith.constant 0 : i32
    %eq3A_123 = arith.cmpi eq, %jit3A_121, %eq3A_122 : i32
    %jit3A_124 = arith.constant 1 : i32
    %select_n3A_125 = arith.select %eq3A_123, %jit3A_124, %jit3A_121 : i32
    %rem3A_126 = arith.remsi %add3A_96, %select_n3A_125 : i32
    %ne3A_127 = arith.constant 0 : i32
    %ne3A_128 = arith.cmpi ne, %rem3A_126, %ne3A_127 : i32
    %lt3A_129 = arith.constant 0 : i32
    %lt3A_130 = arith.cmpi slt, %rem3A_126, %lt3A_129 : i32
    %lt3A_131 = arith.constant 0 : i32
    %lt3A_132 = arith.cmpi slt, %select_n3A_125, %lt3A_131 : i32
    %ne3A_133 = arith.xori %lt3A_130, %lt3A_132 : i1
    %and3A_134 = arith.andi %ne3A_133, %ne3A_128 : i1
    %add3A_135 = arith.addi %rem3A_126, %select_n3A_125 : i32
    %select_n3A_136 = arith.select %and3A_134, %add3A_135, %rem3A_126 : i32
    %jit3A_137 = arith.constant 32 : i32
    %div3A_138 = arith.divsi %select_n3A_136, %jit3A_137 : i32
    %sign3A_139 = arith.constant 0 : i32
    %sign3A_140 = arith.cmpi sgt, %select_n3A_136, %sign3A_139 : i32
    %sign3A_141 = arith.extui %sign3A_140 : i1 to i32
    %sign3A_142 = arith.constant 0 : i32
    %sign3A_143 = arith.cmpi slt, %select_n3A_136, %sign3A_142 : i32
    %sign3A_144 = arith.extui %sign3A_143 : i1 to i32
    %sign3A_145 = arith.subi %sign3A_141, %sign3A_144 : i32
    %sign3A_146 = arith.constant 0 : i32
    %sign3A_147 = arith.cmpi sgt, %jit3A_137, %sign3A_146 : i32
    %sign3A_148 = arith.extui %sign3A_147 : i1 to i32
    %sign3A_149 = arith.constant 0 : i32
    %sign3A_150 = arith.cmpi slt, %jit3A_137, %sign3A_149 : i32
    %sign3A_151 = arith.extui %sign3A_150 : i1 to i32
    %sign3A_152 = arith.subi %sign3A_148, %sign3A_151 : i32
    %ne3A_153 = arith.cmpi ne, %sign3A_145, %sign3A_152 : i32
    %rem3A_154 = arith.remsi %select_n3A_136, %jit3A_137 : i32
    %ne3A_155 = arith.constant 0 : i32
    %ne3A_156 = arith.cmpi ne, %rem3A_154, %ne3A_155 : i32
    %and3A_157 = arith.andi %ne3A_153, %ne3A_156 : i1
    %sub3A_158 = arith.constant 1 : i32
    %sub3A_159 = arith.subi %div3A_138, %sub3A_158 : i32
    %select_n3A_160 = arith.select %and3A_157, %sub3A_159, %div3A_138 : i32
    %jit3A_161 = arith.constant 32 : i32
    %eq3A_162 = arith.constant 0 : i32
    %eq3A_163 = arith.cmpi eq, %jit3A_161, %eq3A_162 : i32
    %jit3A_164 = arith.constant 1 : i32
    %select_n3A_165 = arith.select %eq3A_163, %jit3A_164, %jit3A_161 : i32
    %rem3A_166 = arith.remsi %select_n3A_136, %select_n3A_165 : i32
    %ne3A_167 = arith.constant 0 : i32
    %ne3A_168 = arith.cmpi ne, %rem3A_166, %ne3A_167 : i32
    %lt3A_169 = arith.constant 0 : i32
    %lt3A_170 = arith.cmpi slt, %rem3A_166, %lt3A_169 : i32
    %lt3A_171 = arith.constant 0 : i32
    %lt3A_172 = arith.cmpi slt, %select_n3A_165, %lt3A_171 : i32
    %ne3A_173 = arith.xori %lt3A_170, %lt3A_172 : i1
    %and3A_174 = arith.andi %ne3A_173, %ne3A_168 : i1
    %add3A_175 = arith.addi %rem3A_166, %select_n3A_165 : i32
    %select_n3A_176 = arith.select %and3A_174, %add3A_175, %rem3A_166 : i32
    %mul3A_177 = arith.constant 2 : i32
    %mul3A_178 = arith.muli %mul3A_177, %select_n3A_176 : i32
    %dma_start3A_179 = arith.constant 1 : i32
    %dma_start3A_180 = arith.constant 0 : i32
    %dma_start3A_181 = arith.constant 0 : i32
    %dma_start3A_182 = arith.constant 0 : i32
    %dma_start3A_183 = tpu.memref_slice %arg4[%dma_start3A_179, %dma_start3A_180, %dma_start3A_181, %dma_start3A_182] : memref<3x2x64x64xf32, #tpu.memory_space<vmem>> -> memref<1x2x64x64xf32, #tpu.memory_space<vmem>>
    %dma_start3A_184 = tpu.memref_squeeze %dma_start3A_183 : memref<1x2x64x64xf32, #tpu.memory_space<vmem>> -> memref<2x64x64xf32, #tpu.memory_space<vmem>>
    %dma_start3A_185 = arith.constant 0 : i32
    %dma_start3A_186 = arith.constant 0 : i32
    %dma_start3A_187 = tpu.memref_slice %arg2[%select_n3A_120, %select_n3A_160, %mul3A_178, %dma_start3A_185, %dma_start3A_186] : memref<2x32x64x64x64xf32, #tpu.memory_space<hbm>> -> memref<1x1x2x64x64xf32, #tpu.memory_space<hbm>>
    %dma_start3A_188 = tpu.memref_squeeze %dma_start3A_187 : memref<1x1x2x64x64xf32, #tpu.memory_space<hbm>> -> memref<2x64x64xf32, #tpu.memory_space<hbm>>
    %dma_start3A_189 = arith.constant 0 : i32
    %dma_start3A_190 = arith.constant 0 : i32
    %dma_start3A_191 = arith.constant 0 : i32
    %dma_start3A_192 = tpu.memref_slice %arg4[%dma_start3A_179, %dma_start3A_189, %dma_start3A_190, %dma_start3A_191] : memref<3x2x64x64xf32, #tpu.memory_space<vmem>> -> memref<1x2x64x64xf32, #tpu.memory_space<vmem>>
    %dma_start3A_193 = tpu.memref_squeeze %dma_start3A_192 : memref<1x2x64x64xf32, #tpu.memory_space<vmem>> -> memref<2x64x64xf32, #tpu.memory_space<vmem>>
    %dma_start3A_194 = arith.constant 0 : i32
    %dma_start3A_195 = arith.constant 0 : i32
    %dma_start3A_196 = tpu.memref_slice %arg2[%select_n3A_120, %select_n3A_160, %mul3A_178, %dma_start3A_194, %dma_start3A_195] : memref<2x32x64x64x64xf32, #tpu.memory_space<hbm>> -> memref<1x1x2x64x64xf32, #tpu.memory_space<hbm>>
    %dma_start3A_197 = tpu.memref_squeeze %dma_start3A_196 : memref<1x1x2x64x64xf32, #tpu.memory_space<hbm>> -> memref<2x64x64xf32, #tpu.memory_space<hbm>>
    tpu.enqueue_dma source(%dma_start3A_197 : memref<2x64x64xf32, #tpu.memory_space<hbm>>) target(%dma_start3A_193 : memref<2x64x64xf32, #tpu.memory_space<vmem>>) target_semaphore(%arg7 : memref<!tpu.dma_semaphore, #tpu.memory_space<semaphore_mem>>)
    %add3A_198 = arith.constant 2 : i32
    %add3A_199 = arith.addi %mul3A_2, %add3A_198 : i32
    %jit3A_200 = arith.constant 1024 : i32
    %div3A_201 = arith.divsi %add3A_199, %jit3A_200 : i32
    %sign3A_202 = arith.constant 0 : i32
    %sign3A_203 = arith.cmpi sgt, %add3A_199, %sign3A_202 : i32
    %sign3A_204 = arith.extui %sign3A_203 : i1 to i32
    %sign3A_205 = arith.constant 0 : i32
    %sign3A_206 = arith.cmpi slt, %add3A_199, %sign3A_205 : i32
    %sign3A_207 = arith.extui %sign3A_206 : i1 to i32
    %sign3A_208 = arith.subi %sign3A_204, %sign3A_207 : i32
    %sign3A_209 = arith.constant 0 : i32
    %sign3A_210 = arith.cmpi sgt, %jit3A_200, %sign3A_209 : i32
    %sign3A_211 = arith.extui %sign3A_210 : i1 to i32
    %sign3A_212 = arith.constant 0 : i32
    %sign3A_213 = arith.cmpi slt, %jit3A_200, %sign3A_212 : i32
    %sign3A_214 = arith.extui %sign3A_213 : i1 to i32
    %sign3A_215 = arith.subi %sign3A_211, %sign3A_214 : i32
    %ne3A_216 = arith.cmpi ne, %sign3A_208, %sign3A_215 : i32
    %rem3A_217 = arith.remsi %add3A_199, %jit3A_200 : i32
    %ne3A_218 = arith.constant 0 : i32
    %ne3A_219 = arith.cmpi ne, %rem3A_217, %ne3A_218 : i32
    %and3A_220 = arith.andi %ne3A_216, %ne3A_219 : i1
    %sub3A_221 = arith.constant 1 : i32
    %sub3A_222 = arith.subi %div3A_201, %sub3A_221 : i32
    %select_n3A_223 = arith.select %and3A_220, %sub3A_222, %div3A_201 : i32
    %jit3A_224 = arith.constant 1024 : i32
    %eq3A_225 = arith.constant 0 : i32
    %eq3A_226 = arith.cmpi eq, %jit3A_224, %eq3A_225 : i32
    %jit3A_227 = arith.constant 1 : i32
    %select_n3A_228 = arith.select %eq3A_226, %jit3A_227, %jit3A_224 : i32
    %rem3A_229 = arith.remsi %add3A_199, %select_n3A_228 : i32
    %ne3A_230 = arith.constant 0 : i32
    %ne3A_231 = arith.cmpi ne, %rem3A_229, %ne3A_230 : i32
    %lt3A_232 = arith.constant 0 : i32
    %lt3A_233 = arith.cmpi slt, %rem3A_229, %lt3A_232 : i32
    %lt3A_234 = arith.constant 0 : i32
    %lt3A_235 = arith.cmpi slt, %select_n3A_228, %lt3A_234 : i32
    %ne3A_236 = arith.xori %lt3A_233, %lt3A_235 : i1
    %and3A_237 = arith.andi %ne3A_236, %ne3A_231 : i1
    %add3A_238 = arith.addi %rem3A_229, %select_n3A_228 : i32
    %select_n3A_239 = arith.select %and3A_237, %add3A_238, %rem3A_229 : i32
    %jit3A_240 = arith.constant 32 : i32
    %div3A_241 = arith.divsi %select_n3A_239, %jit3A_240 : i32
    %sign3A_242 = arith.constant 0 : i32
    %sign3A_243 = arith.cmpi sgt, %select_n3A_239, %sign3A_242 : i32
    %sign3A_244 = arith.extui %sign3A_243 : i1 to i32
    %sign3A_245 = arith.constant 0 : i32
    %sign3A_246 = arith.cmpi slt, %select_n3A_239, %sign3A_245 : i32
    %sign3A_247 = arith.extui %sign3A_246 : i1 to i32
    %sign3A_248 = arith.subi %sign3A_244, %sign3A_247 : i32
    %sign3A_249 = arith.constant 0 : i32
    %sign3A_250 = arith.cmpi sgt, %jit3A_240, %sign3A_249 : i32
    %sign3A_251 = arith.extui %sign3A_250 : i1 to i32
    %sign3A_252 = arith.constant 0 : i32
    %sign3A_253 = arith.cmpi slt, %jit3A_240, %sign3A_252 : i32
    %sign3A_254 = arith.extui %sign3A_253 : i1 to i32
    %sign3A_255 = arith.subi %sign3A_251, %sign3A_254 : i32
    %ne3A_256 = arith.cmpi ne, %sign3A_248, %sign3A_255 : i32
    %rem3A_257 = arith.remsi %select_n3A_239, %jit3A_240 : i32
    %ne3A_258 = arith.constant 0 : i32
    %ne3A_259 = arith.cmpi ne, %rem3A_257, %ne3A_258 : i32
    %and3A_260 = arith.andi %ne3A_256, %ne3A_259 : i1
    %sub3A_261 = arith.constant 1 : i32
    %sub3A_262 = arith.subi %div3A_241, %sub3A_261 : i32
    %select_n3A_263 = arith.select %and3A_260, %sub3A_262, %div3A_241 : i32
    %jit3A_264 = arith.constant 32 : i32
    %eq3A_265 = arith.constant 0 : i32
    %eq3A_266 = arith.cmpi eq, %jit3A_264, %eq3A_265 : i32
    %jit3A_267 = arith.constant 1 : i32
    %select_n3A_268 = arith.select %eq3A_266, %jit3A_267, %jit3A_264 : i32
    %rem3A_269 = arith.remsi %select_n3A_239, %select_n3A_268 : i32
    %ne3A_270 = arith.constant 0 : i32
    %ne3A_271 = arith.cmpi ne, %rem3A_269, %ne3A_270 : i32
    %lt3A_272 = arith.constant 0 : i32
    %lt3A_273 = arith.cmpi slt, %rem3A_269, %lt3A_272 : i32
    %lt3A_274 = arith.constant 0 : i32
    %lt3A_275 = arith.cmpi slt, %select_n3A_268, %lt3A_274 : i32
    %ne3A_276 = arith.xori %lt3A_273, %lt3A_275 : i1
    %and3A_277 = arith.andi %ne3A_276, %ne3A_271 : i1
    %add3A_278 = arith.addi %rem3A_269, %select_n3A_268 : i32
    %select_n3A_279 = arith.select %and3A_277, %add3A_278, %rem3A_269 : i32
    %mul3A_280 = arith.constant 2 : i32
    %mul3A_281 = arith.muli %mul3A_280, %select_n3A_279 : i32
    %dma_start3A_282 = arith.constant 2 : i32
    %dma_start3A_283 = arith.constant 0 : i32
    %dma_start3A_284 = arith.constant 0 : i32
    %dma_start3A_285 = arith.constant 0 : i32
    %dma_start3A_286 = tpu.memref_slice %arg4[%dma_start3A_282, %dma_start3A_283, %dma_start3A_284, %dma_start3A_285] : memref<3x2x64x64xf32, #tpu.memory_space<vmem>> -> memref<1x2x64x64xf32, #tpu.memory_space<vmem>>
    %dma_start3A_287 = tpu.memref_squeeze %dma_start3A_286 : memref<1x2x64x64xf32, #tpu.memory_space<vmem>> -> memref<2x64x64xf32, #tpu.memory_space<vmem>>
    %dma_start3A_288 = arith.constant 0 : i32
    %dma_start3A_289 = arith.constant 0 : i32
    %dma_start3A_290 = tpu.memref_slice %arg2[%select_n3A_223, %select_n3A_263, %mul3A_281, %dma_start3A_288, %dma_start3A_289] : memref<2x32x64x64x64xf32, #tpu.memory_space<hbm>> -> memref<1x1x2x64x64xf32, #tpu.memory_space<hbm>>
    %dma_start3A_291 = tpu.memref_squeeze %dma_start3A_290 : memref<1x1x2x64x64xf32, #tpu.memory_space<hbm>> -> memref<2x64x64xf32, #tpu.memory_space<hbm>>
    %dma_start3A_292 = arith.constant 0 : i32
    %dma_start3A_293 = arith.constant 0 : i32
    %dma_start3A_294 = arith.constant 0 : i32
    %dma_start3A_295 = tpu.memref_slice %arg4[%dma_start3A_282, %dma_start3A_292, %dma_start3A_293, %dma_start3A_294] : memref<3x2x64x64xf32, #tpu.memory_space<vmem>> -> memref<1x2x64x64xf32, #tpu.memory_space<vmem>>
    %dma_start3A_296 = tpu.memref_squeeze %dma_start3A_295 : memref<1x2x64x64xf32, #tpu.memory_space<vmem>> -> memref<2x64x64xf32, #tpu.memory_space<vmem>>
    %dma_start3A_297 = arith.constant 0 : i32
    %dma_start3A_298 = arith.constant 0 : i32
    %dma_start3A_299 = tpu.memref_slice %arg2[%select_n3A_223, %select_n3A_263, %mul3A_281, %dma_start3A_297, %dma_start3A_298] : memref<2x32x64x64x64xf32, #tpu.memory_space<hbm>> -> memref<1x1x2x64x64xf32, #tpu.memory_space<hbm>>
    %dma_start3A_300 = tpu.memref_squeeze %dma_start3A_299 : memref<1x1x2x64x64xf32, #tpu.memory_space<hbm>> -> memref<2x64x64xf32, #tpu.memory_space<hbm>>
    tpu.enqueue_dma source(%dma_start3A_300 : memref<2x64x64xf32, #tpu.memory_space<hbm>>) target(%dma_start3A_296 : memref<2x64x64xf32, #tpu.memory_space<vmem>>) target_semaphore(%arg8 : memref<!tpu.dma_semaphore, #tpu.memory_space<semaphore_mem>>)
    %scan3A = arith.constant 0 : i32
    %scan3A_301 = arith.constant 0 : i32
    %scan3A_302 = arith.constant 10 : i32
    %scan3A_303 = arith.addi %scan3A_301, %scan3A_302 : i32
    %scan3A_304 = arith.constant 1 : i32
    scf.for %scan3A_1078 = %scan3A_301 to %scan3A_303 step %scan3A_304  : i32 {
      %mul3A_1079 = arith.constant 6 : i32
      %mul3A_1080 = arith.muli %mul3A_1079, %scan3A_1078 : i32
      %add3A_1081 = arith.constant 0 : i32
      %add3A_1082 = arith.addi %mul3A_1080, %add3A_1081 : i32
      %dma_wait3A_1083 = arith.constant 0 : i32
      %dma_wait3A_1084 = arith.constant 0 : i32
      %dma_wait3A_1085 = arith.constant 0 : i32
      %dma_wait3A_1086 = arith.constant 0 : i32
      %dma_wait3A_1087 = arith.constant 0 : i32
      %dma_wait3A_1088 = arith.constant 0 : i32
      %dma_wait3A_1089 = tpu.memref_slice %arg4[%dma_wait3A_1085, %dma_wait3A_1086, %dma_wait3A_1087, %dma_wait3A_1088] : memref<3x2x64x64xf32, #tpu.memory_space<vmem>> -> memref<1x2x64x64xf32, #tpu.memory_space<vmem>>
      %dma_wait3A_1090 = tpu.memref_squeeze %dma_wait3A_1089 : memref<1x2x64x64xf32, #tpu.memory_space<vmem>> -> memref<2x64x64xf32, #tpu.memory_space<vmem>>
      %dma_wait3A_1091 = arith.constant 0 : i32
      %dma_wait3A_1092 = arith.constant 0 : i32
      %dma_wait3A_1093 = arith.constant 0 : i32
      %dma_wait3A_1094 = tpu.memref_slice %arg2[%dma_wait3A_1083, %dma_wait3A_1084, %dma_wait3A_1091, %dma_wait3A_1092, %dma_wait3A_1093] : memref<2x32x64x64x64xf32, #tpu.memory_space<hbm>> -> memref<1x1x2x64x64xf32, #tpu.memory_space<hbm>>
      %dma_wait3A_1095 = tpu.memref_squeeze %dma_wait3A_1094 : memref<1x1x2x64x64xf32, #tpu.memory_space<hbm>> -> memref<2x64x64xf32, #tpu.memory_space<hbm>>
      %dma_wait3A_1096 = arith.constant 0 : i32
      %dma_wait3A_1097 = arith.constant 0 : i32
      %dma_wait3A_1098 = arith.constant 0 : i32
      %dma_wait3A_1099 = tpu.memref_slice %arg4[%dma_wait3A_1085, %dma_wait3A_1096, %dma_wait3A_1097, %dma_wait3A_1098] : memref<3x2x64x64xf32, #tpu.memory_space<vmem>> -> memref<1x2x64x64xf32, #tpu.memory_space<vmem>>
      %dma_wait3A_1100 = tpu.memref_squeeze %dma_wait3A_1099 : memref<1x2x64x64xf32, #tpu.memory_space<vmem>> -> memref<2x64x64xf32, #tpu.memory_space<vmem>>
      %dma_wait3A_1101 = arith.constant 0 : i32
      %dma_wait3A_1102 = arith.constant 0 : i32
      %dma_wait3A_1103 = arith.constant 0 : i32
      %dma_wait3A_1104 = tpu.memref_slice %arg2[%dma_wait3A_1083, %dma_wait3A_1084, %dma_wait3A_1101, %dma_wait3A_1102, %dma_wait3A_1103] : memref<2x32x64x64x64xf32, #tpu.memory_space<hbm>> -> memref<1x1x2x64x64xf32, #tpu.memory_space<hbm>>
      %dma_wait3A_1105 = tpu.memref_squeeze %dma_wait3A_1104 : memref<1x1x2x64x64xf32, #tpu.memory_space<hbm>> -> memref<2x64x64xf32, #tpu.memory_space<hbm>>
      tpu.wait_dma2 semaphore(%arg6 : memref<!tpu.dma_semaphore, #tpu.memory_space<semaphore_mem>>) src(%dma_wait3A_1105 : memref<2x64x64xf32, #tpu.memory_space<hbm>>) dst(%dma_wait3A_1100 : memref<2x64x64xf32, #tpu.memory_space<vmem>>)
      %ge3A = arith.constant 2 : i32
      %ge3A_1106 = arith.cmpi sge, %add3A_1082, %ge3A : i32
      %convert_element_type3A = arith.extui %ge3A_1106 : i1 to i32
      %cond3A = arith.constant 0 : i32
      %cond3A_1107 = arith.cmpi ne, %convert_element_type3A, %cond3A : i32
      scf.if %cond3A_1107 {
        %dma_wait3A_1952 = arith.constant 0 : i32
        %dma_wait3A_1953 = arith.constant 0 : i32
        %dma_wait3A_1954 = arith.constant 0 : i32
        %dma_wait3A_1955 = arith.constant 0 : i32
        %dma_wait3A_1956 = arith.constant 0 : i32
        %dma_wait3A_1957 = arith.constant 0 : i32
        %dma_wait3A_1958 = tpu.memref_slice %arg5[%dma_wait3A_1952, %dma_wait3A_1955, %dma_wait3A_1956, %dma_wait3A_1957] : memref<2x8x32x32xf32, #tpu.memory_space<vmem>> -> memref<1x8x32x32xf32, #tpu.memory_space<vmem>>
        %dma_wait3A_1959 = tpu.memref_squeeze %dma_wait3A_1958 : memref<1x8x32x32xf32, #tpu.memory_space<vmem>> -> memref<8x32x32xf32, #tpu.memory_space<vmem>>
        %dma_wait3A_1960 = arith.constant 0 : i32
        %dma_wait3A_1961 = arith.constant 0 : i32
        %dma_wait3A_1962 = arith.constant 0 : i32
        %dma_wait3A_1963 = tpu.memref_slice %arg3[%dma_wait3A_1953, %dma_wait3A_1960, %dma_wait3A_1954, %dma_wait3A_1961, %dma_wait3A_1962] : memref<2x256x32x32x32xf32, #tpu.memory_space<hbm>> -> memref<1x8x1x32x32xf32, #tpu.memory_space<hbm>>
        %dma_wait3A_1964 = tpu.memref_squeeze %dma_wait3A_1963 : memref<1x8x1x32x32xf32, #tpu.memory_space<hbm>> -> memref<8x32x32xf32, #tpu.memory_space<hbm>>
        %dma_wait3A_1965 = arith.constant 0 : i32
        %dma_wait3A_1966 = arith.constant 0 : i32
        %dma_wait3A_1967 = arith.constant 0 : i32
        %dma_wait3A_1968 = tpu.memref_slice %arg3[%dma_wait3A_1953, %dma_wait3A_1965, %dma_wait3A_1954, %dma_wait3A_1966, %dma_wait3A_1967] : memref<2x256x32x32x32xf32, #tpu.memory_space<hbm>> -> memref<1x8x1x32x32xf32, #tpu.memory_space<hbm>>
        %dma_wait3A_1969 = tpu.memref_squeeze %dma_wait3A_1968 : memref<1x8x1x32x32xf32, #tpu.memory_space<hbm>> -> memref<8x32x32xf32, #tpu.memory_space<hbm>>
        %dma_wait3A_1970 = arith.constant 0 : i32
        %dma_wait3A_1971 = arith.constant 0 : i32
        %dma_wait3A_1972 = arith.constant 0 : i32
        %dma_wait3A_1973 = tpu.memref_slice %arg5[%dma_wait3A_1952, %dma_wait3A_1970, %dma_wait3A_1971, %dma_wait3A_1972] : memref<2x8x32x32xf32, #tpu.memory_space<vmem>> -> memref<1x8x32x32xf32, #tpu.memory_space<vmem>>
        %dma_wait3A_1974 = tpu.memref_squeeze %dma_wait3A_1973 : memref<1x8x32x32xf32, #tpu.memory_space<vmem>> -> memref<8x32x32xf32, #tpu.memory_space<vmem>>
        tpu.wait_dma2 semaphore(%arg9 : memref<!tpu.dma_semaphore, #tpu.memory_space<semaphore_mem>>) src(%dma_wait3A_1974 : memref<8x32x32xf32, #tpu.memory_space<vmem>>) dst(%dma_wait3A_1969 : memref<8x32x32xf32, #tpu.memory_space<hbm>>)
      } else {
      }
      %scan3A_1108 = arith.constant 0 : i32
      %scan3A_1109 = arith.constant 0 : i32
      %scan3A_1110 = arith.constant 0 : i32
      %scan3A_1111 = arith.constant 64 : i32
      %scan3A_1112 = arith.addi %scan3A_1110, %scan3A_1111 : i32
      %scan3A_1113 = arith.constant 1 : i32
      scf.for %scan3A_1952 = %scan3A_1110 to %scan3A_1112 step %scan3A_1113  : i32 {
        %shift_right_arithmetic3A = arith.constant 1 : i32
        %shift_right_arithmetic3A_1953 = arith.shrsi %scan3A_1952, %shift_right_arithmetic3A : i32
        %and3A_1954 = arith.constant 1 : i32
        %and3A_1955 = arith.andi %scan3A_1952, %and3A_1954 : i32
        %mul3A_1956 = arith.constant 16 : i32
        %mul3A_1957 = arith.muli %and3A_1955, %mul3A_1956 : i32
        %mul3A_1958 = arith.constant 2 : i32
        %mul3A_1959 = arith.muli %mul3A_1958, %mul3A_1957 : i32
        %mul3A_1960 = arith.constant 2 : i32
        %mul3A_1961 = vector.broadcast %mul3A_1960 : i32 to vector<16xi32>
        %mul3A_1962 = arith.muli %iota3A, %mul3A_1961 : vector<16xi32>
        %add3A_1963 = vector.broadcast %mul3A_1959 : i32 to vector<16xi32>
        %add3A_1964 = arith.addi %add3A_1963, %mul3A_1962 : vector<16xi32>
        %broadcast_in_dim3A = arith.constant 0 : i32
        %broadcast_in_dim3A_1965 = vector.broadcast %broadcast_in_dim3A : i32 to vector<16xi32>
        %mul3A_1966 = arith.constant 2 : i32
        %mul3A_1967 = arith.muli %mul3A_1966, %shift_right_arithmetic3A_1953 : i32
        %add3A_1968 = arith.constant 0 : i32
        %add3A_1969 = arith.addi %mul3A_1967, %add3A_1968 : i32
        %broadcast_in_dim3A_1970 = vector.broadcast %add3A_1969 : i32 to vector<16xi32>
        %add3A_1971 = arith.constant 0 : i32
        %add3A_1972 = vector.broadcast %add3A_1971 : i32 to vector<16xi32>
        %add3A_1973 = arith.addi %add3A_1964, %add3A_1972 : vector<16xi32>
        %gather3A = arith.constant 0 : i32
        %gather3A_1974 = arith.constant 0 : i32
        %gather3A_1975 = arith.constant 0 : i32
        %gather3A_1976 = tpu.memref_slice %arg4[%scan3A_1109, %gather3A, %gather3A_1974, %gather3A_1975] : memref<3x2x64x64xf32, #tpu.memory_space<vmem>> -> memref<1x2x64x64xf32, #tpu.memory_space<vmem>>
        %gather3A_1977 = tpu.memref_squeeze %gather3A_1976 : memref<1x2x64x64xf32, #tpu.memory_space<vmem>> -> memref<2x64x64xf32, #tpu.memory_space<vmem>>
        %gather3A_1978 = tpu.vector_load_idx %gather3A_1977[%broadcast_in_dim3A_1965, %broadcast_in_dim3A_1970, %add3A_1973] : memref<2x64x64xf32, #tpu.memory_space<vmem>>[vector<16xi32>, vector<16xi32>, vector<16xi32>], vector<16xf32>,
        %swap3A = arith.constant 0 : i32
        %swap3A_1979 = arith.constant 0 : i32
        %swap3A_1980 = arith.index_cast %swap3A : i32 to index
        %swap3A_1981 = arith.index_cast %swap3A_1979 : i32 to index
        %swap3A_1982 = arith.index_cast %shift_right_arithmetic3A_1953 : i32 to index
        %swap3A_1983 = arith.index_cast %mul3A_1957 : i32 to index
        %swap3A_1984 = tpu.vector_load %arg5[%swap3A_1980, %swap3A_1981, %swap3A_1982, %swap3A_1983] {strides = array<i32>} : memref<2x8x32x32xf32, #tpu.memory_space<vmem>>, vector<16xf32>,
        tpu.vector_store %arg5[%swap3A_1980, %swap3A_1981, %swap3A_1982, %swap3A_1983], %gather3A_1978 {strides = array<i32>} : memref<2x8x32x32xf32, #tpu.memory_space<vmem>>, vector<16xf32>,
        %broadcast_in_dim3A_1985 = arith.constant 0 : i32
        %broadcast_in_dim3A_1986 = vector.broadcast %broadcast_in_dim3A_1985 : i32 to vector<16xi32>
        %mul3A_1987 = arith.constant 2 : i32
        %mul3A_1988 = arith.muli %mul3A_1987, %shift_right_arithmetic3A_1953 : i32
        %add3A_1989 = arith.constant 0 : i32
        %add3A_1990 = arith.addi %mul3A_1988, %add3A_1989 : i32
        %broadcast_in_dim3A_1991 = vector.broadcast %add3A_1990 : i32 to vector<16xi32>
        %add3A_1992 = arith.constant 1 : i32
        %add3A_1993 = vector.broadcast %add3A_1992 : i32 to vector<16xi32>
        %add3A_1994 = arith.addi %add3A_1964, %add3A_1993 : vector<16xi32>
        %gather3A_1995 = arith.constant 0 : i32
        %gather3A_1996 = arith.constant 0 : i32
        %gather3A_1997 = arith.constant 0 : i32
        %gather3A_1998 = tpu.memref_slice %arg4[%scan3A_1109, %gather3A_1995, %gather3A_1996, %gather3A_1997] : memref<3x2x64x64xf32, #tpu.memory_space<vmem>> -> memref<1x2x64x64xf32, #tpu.memory_space<vmem>>
        %gather3A_1999 = tpu.memref_squeeze %gather3A_1998 : memref<1x2x64x64xf32, #tpu.memory_space<vmem>> -> memref<2x64x64xf32, #tpu.memory_space<vmem>>
        %gather3A_2000 = tpu.vector_load_idx %gather3A_1999[%broadcast_in_dim3A_1986, %broadcast_in_dim3A_1991, %add3A_1994] : memref<2x64x64xf32, #tpu.memory_space<vmem>>[vector<16xi32>, vector<16xi32>, vector<16xi32>], vector<16xf32>,
        %swap3A_2001 = arith.constant 0 : i32
        %swap3A_2002 = arith.constant 1 : i32
        %swap3A_2003 = arith.index_cast %swap3A_2001 : i32 to index
        %swap3A_2004 = arith.index_cast %swap3A_2002 : i32 to index
        %swap3A_2005 = arith.index_cast %shift_right_arithmetic3A_1953 : i32 to index
        %swap3A_2006 = arith.index_cast %mul3A_1957 : i32 to index
        %swap3A_2007 = tpu.vector_load %arg5[%swap3A_2003, %swap3A_2004, %swap3A_2005, %swap3A_2006] {strides = array<i32>} : memref<2x8x32x32xf32, #tpu.memory_space<vmem>>, vector<16xf32>,
        tpu.vector_store %arg5[%swap3A_2003, %swap3A_2004, %swap3A_2005, %swap3A_2006], %gather3A_2000 {strides = array<i32>} : memref<2x8x32x32xf32, #tpu.memory_space<vmem>>, vector<16xf32>,
        %broadcast_in_dim3A_2008 = arith.constant 0 : i32
        %broadcast_in_dim3A_2009 = vector.broadcast %broadcast_in_dim3A_2008 : i32 to vector<16xi32>
        %mul3A_2010 = arith.constant 2 : i32
        %mul3A_2011 = arith.muli %mul3A_2010, %shift_right_arithmetic3A_1953 : i32
        %add3A_2012 = arith.constant 1 : i32
        %add3A_2013 = arith.addi %mul3A_2011, %add3A_2012 : i32
        %broadcast_in_dim3A_2014 = vector.broadcast %add3A_2013 : i32 to vector<16xi32>
        %add3A_2015 = arith.constant 0 : i32
        %add3A_2016 = vector.broadcast %add3A_2015 : i32 to vector<16xi32>
        %add3A_2017 = arith.addi %add3A_1964, %add3A_2016 : vector<16xi32>
        %gather3A_2018 = arith.constant 0 : i32
        %gather3A_2019 = arith.constant 0 : i32
        %gather3A_2020 = arith.constant 0 : i32
        %gather3A_2021 = tpu.memref_slice %arg4[%scan3A_1109, %gather3A_2018, %gather3A_2019, %gather3A_2020] : memref<3x2x64x64xf32, #tpu.memory_space<vmem>> -> memref<1x2x64x64xf32, #tpu.memory_space<vmem>>
        %gather3A_2022 = tpu.memref_squeeze %gather3A_2021 : memref<1x2x64x64xf32, #tpu.memory_space<vmem>> -> memref<2x64x64xf32, #tpu.memory_space<vmem>>
        %gather3A_2023 = tpu.vector_load_idx %gather3A_2022[%broadcast_in_dim3A_2009, %broadcast_in_dim3A_2014, %add3A_2017] : memref<2x64x64xf32, #tpu.memory_space<vmem>>[vector<16xi32>, vector<16xi32>, vector<16xi32>], vector<16xf32>,
        %swap3A_2024 = arith.constant 0 : i32
        %swap3A_2025 = arith.constant 2 : i32
        %swap3A_2026 = arith.index_cast %swap3A_2024 : i32 to index
        %swap3A_2027 = arith.index_cast %swap3A_2025 : i32 to index
        %swap3A_2028 = arith.index_cast %shift_right_arithmetic3A_1953 : i32 to index
        %swap3A_2029 = arith.index_cast %mul3A_1957 : i32 to index
        %swap3A_2030 = tpu.vector_load %arg5[%swap3A_2026, %swap3A_2027, %swap3A_2028, %swap3A_2029] {strides = array<i32>} : memref<2x8x32x32xf32, #tpu.memory_space<vmem>>, vector<16xf32>,
        tpu.vector_store %arg5[%swap3A_2026, %swap3A_2027, %swap3A_2028, %swap3A_2029], %gather3A_2023 {strides = array<i32>} : memref<2x8x32x32xf32, #tpu.memory_space<vmem>>, vector<16xf32>,
        %broadcast_in_dim3A_2031 = arith.constant 0 : i32
        %broadcast_in_dim3A_2032 = vector.broadcast %broadcast_in_dim3A_2031 : i32 to vector<16xi32>
        %mul3A_2033 = arith.constant 2 : i32
        %mul3A_2034 = arith.muli %mul3A_2033, %shift_right_arithmetic3A_1953 : i32
        %add3A_2035 = arith.constant 1 : i32
        %add3A_2036 = arith.addi %mul3A_2034, %add3A_2035 : i32
        %broadcast_in_dim3A_2037 = vector.broadcast %add3A_2036 : i32 to vector<16xi32>
        %add3A_2038 = arith.constant 1 : i32
        %add3A_2039 = vector.broadcast %add3A_2038 : i32 to vector<16xi32>
        %add3A_2040 = arith.addi %add3A_1964, %add3A_2039 : vector<16xi32>
        %gather3A_2041 = arith.constant 0 : i32
        %gather3A_2042 = arith.constant 0 : i32
        %gather3A_2043 = arith.constant 0 : i32
        %gather3A_2044 = tpu.memref_slice %arg4[%scan3A_1109, %gather3A_2041, %gather3A_2042, %gather3A_2043] : memref<3x2x64x64xf32, #tpu.memory_space<vmem>> -> memref<1x2x64x64xf32, #tpu.memory_space<vmem>>
        %gather3A_2045 = tpu.memref_squeeze %gather3A_2044 : memref<1x2x64x64xf32, #tpu.memory_space<vmem>> -> memref<2x64x64xf32, #tpu.memory_space<vmem>>
        %gather3A_2046 = tpu.vector_load_idx %gather3A_2045[%broadcast_in_dim3A_2032, %broadcast_in_dim3A_2037, %add3A_2040] : memref<2x64x64xf32, #tpu.memory_space<vmem>>[vector<16xi32>, vector<16xi32>, vector<16xi32>], vector<16xf32>,
        %swap3A_2047 = arith.constant 0 : i32
        %swap3A_2048 = arith.constant 3 : i32
        %swap3A_2049 = arith.index_cast %swap3A_2047 : i32 to index
        %swap3A_2050 = arith.index_cast %swap3A_2048 : i32 to index
        %swap3A_2051 = arith.index_cast %shift_right_arithmetic3A_1953 : i32 to index
        %swap3A_2052 = arith.index_cast %mul3A_1957 : i32 to index
        %swap3A_2053 = tpu.vector_load %arg5[%swap3A_2049, %swap3A_2050, %swap3A_2051, %swap3A_2052] {strides = array<i32>} : memref<2x8x32x32xf32, #tpu.memory_space<vmem>>, vector<16xf32>,
        tpu.vector_store %arg5[%swap3A_2049, %swap3A_2050, %swap3A_2051, %swap3A_2052], %gather3A_2046 {strides = array<i32>} : memref<2x8x32x32xf32, #tpu.memory_space<vmem>>, vector<16xf32>,
        %broadcast_in_dim3A_2054 = arith.constant 1 : i32
        %broadcast_in_dim3A_2055 = vector.broadcast %broadcast_in_dim3A_2054 : i32 to vector<16xi32>
        %mul3A_2056 = arith.constant 2 : i32
        %mul3A_2057 = arith.muli %mul3A_2056, %shift_right_arithmetic3A_1953 : i32
        %add3A_2058 = arith.constant 0 : i32
        %add3A_2059 = arith.addi %mul3A_2057, %add3A_2058 : i32
        %broadcast_in_dim3A_2060 = vector.broadcast %add3A_2059 : i32 to vector<16xi32>
        %add3A_2061 = arith.constant 0 : i32
        %add3A_2062 = vector.broadcast %add3A_2061 : i32 to vector<16xi32>
        %add3A_2063 = arith.addi %add3A_1964, %add3A_2062 : vector<16xi32>
        %gather3A_2064 = arith.constant 0 : i32
        %gather3A_2065 = arith.constant 0 : i32
        %gather3A_2066 = arith.constant 0 : i32
        %gather3A_2067 = tpu.memref_slice %arg4[%scan3A_1109, %gather3A_2064, %gather3A_2065, %gather3A_2066] : memref<3x2x64x64xf32, #tpu.memory_space<vmem>> -> memref<1x2x64x64xf32, #tpu.memory_space<vmem>>
        %gather3A_2068 = tpu.memref_squeeze %gather3A_2067 : memref<1x2x64x64xf32, #tpu.memory_space<vmem>> -> memref<2x64x64xf32, #tpu.memory_space<vmem>>
        %gather3A_2069 = tpu.vector_load_idx %gather3A_2068[%broadcast_in_dim3A_2055, %broadcast_in_dim3A_2060, %add3A_2063] : memref<2x64x64xf32, #tpu.memory_space<vmem>>[vector<16xi32>, vector<16xi32>, vector<16xi32>], vector<16xf32>,
        %swap3A_2070 = arith.constant 0 : i32
        %swap3A_2071 = arith.constant 4 : i32
        %swap3A_2072 = arith.index_cast %swap3A_2070 : i32 to index
        %swap3A_2073 = arith.index_cast %swap3A_2071 : i32 to index
        %swap3A_2074 = arith.index_cast %shift_right_arithmetic3A_1953 : i32 to index
        %swap3A_2075 = arith.index_cast %mul3A_1957 : i32 to index
        %swap3A_2076 = tpu.vector_load %arg5[%swap3A_2072, %swap3A_2073, %swap3A_2074, %swap3A_2075] {strides = array<i32>} : memref<2x8x32x32xf32, #tpu.memory_space<vmem>>, vector<16xf32>,
        tpu.vector_store %arg5[%swap3A_2072, %swap3A_2073, %swap3A_2074, %swap3A_2075], %gather3A_2069 {strides = array<i32>} : memref<2x8x32x32xf32, #tpu.memory_space<vmem>>, vector<16xf32>,
        %broadcast_in_dim3A_2077 = arith.constant 1 : i32
        %broadcast_in_dim3A_2078 = vector.broadcast %broadcast_in_dim3A_2077 : i32 to vector<16xi32>
        %mul3A_2079 = arith.constant 2 : i32
        %mul3A_2080 = arith.muli %mul3A_2079, %shift_right_arithmetic3A_1953 : i32
        %add3A_2081 = arith.constant 0 : i32
        %add3A_2082 = arith.addi %mul3A_2080, %add3A_2081 : i32
        %broadcast_in_dim3A_2083 = vector.broadcast %add3A_2082 : i32 to vector<16xi32>
        %add3A_2084 = arith.constant 1 : i32
        %add3A_2085 = vector.broadcast %add3A_2084 : i32 to vector<16xi32>
        %add3A_2086 = arith.addi %add3A_1964, %add3A_2085 : vector<16xi32>
        %gather3A_2087 = arith.constant 0 : i32
        %gather3A_2088 = arith.constant 0 : i32
        %gather3A_2089 = arith.constant 0 : i32
        %gather3A_2090 = tpu.memref_slice %arg4[%scan3A_1109, %gather3A_2087, %gather3A_2088, %gather3A_2089] : memref<3x2x64x64xf32, #tpu.memory_space<vmem>> -> memref<1x2x64x64xf32, #tpu.memory_space<vmem>>
        %gather3A_2091 = tpu.memref_squeeze %gather3A_2090 : memref<1x2x64x64xf32, #tpu.memory_space<vmem>> -> memref<2x64x64xf32, #tpu.memory_space<vmem>>
        %gather3A_2092 = tpu.vector_load_idx %gather3A_2091[%broadcast_in_dim3A_2078, %broadcast_in_dim3A_2083, %add3A_2086] : memref<2x64x64xf32, #tpu.memory_space<vmem>>[vector<16xi32>, vector<16xi32>, vector<16xi32>], vector<16xf32>,
        %swap3A_2093 = arith.constant 0 : i32
        %swap3A_2094 = arith.constant 5 : i32
        %swap3A_2095 = arith.index_cast %swap3A_2093 : i32 to index
        %swap3A_2096 = arith.index_cast %swap3A_2094 : i32 to index
        %swap3A_2097 = arith.index_cast %shift_right_arithmetic3A_1953 : i32 to index
        %swap3A_2098 = arith.index_cast %mul3A_1957 : i32 to index
        %swap3A_2099 = tpu.vector_load %arg5[%swap3A_2095, %swap3A_2096, %swap3A_2097, %swap3A_2098] {strides = array<i32>} : memref<2x8x32x32xf32, #tpu.memory_space<vmem>>, vector<16xf32>,
        tpu.vector_store %arg5[%swap3A_2095, %swap3A_2096, %swap3A_2097, %swap3A_2098], %gather3A_2092 {strides = array<i32>} : memref<2x8x32x32xf32, #tpu.memory_space<vmem>>, vector<16xf32>,
        %broadcast_in_dim3A_2100 = arith.constant 1 : i32
        %broadcast_in_dim3A_2101 = vector.broadcast %broadcast_in_dim3A_2100 : i32 to vector<16xi32>
        %mul3A_2102 = arith.constant 2 : i32
        %mul3A_2103 = arith.muli %mul3A_2102, %shift_right_arithmetic3A_1953 : i32
        %add3A_2104 = arith.constant 1 : i32
        %add3A_2105 = arith.addi %mul3A_2103, %add3A_2104 : i32
        %broadcast_in_dim3A_2106 = vector.broadcast %add3A_2105 : i32 to vector<16xi32>
        %add3A_2107 = arith.constant 0 : i32
        %add3A_2108 = vector.broadcast %add3A_2107 : i32 to vector<16xi32>
        %add3A_2109 = arith.addi %add3A_1964, %add3A_2108 : vector<16xi32>
        %gather3A_2110 = arith.constant 0 : i32
        %gather3A_2111 = arith.constant 0 : i32
        %gather3A_2112 = arith.constant 0 : i32
        %gather3A_2113 = tpu.memref_slice %arg4[%scan3A_1109, %gather3A_2110, %gather3A_2111, %gather3A_2112] : memref<3x2x64x64xf32, #tpu.memory_space<vmem>> -> memref<1x2x64x64xf32, #tpu.memory_space<vmem>>
        %gather3A_2114 = tpu.memref_squeeze %gather3A_2113 : memref<1x2x64x64xf32, #tpu.memory_space<vmem>> -> memref<2x64x64xf32, #tpu.memory_space<vmem>>
        %gather3A_2115 = tpu.vector_load_idx %gather3A_2114[%broadcast_in_dim3A_2101, %broadcast_in_dim3A_2106, %add3A_2109] : memref<2x64x64xf32, #tpu.memory_space<vmem>>[vector<16xi32>, vector<16xi32>, vector<16xi32>], vector<16xf32>,
        %swap3A_2116 = arith.constant 0 : i32
        %swap3A_2117 = arith.constant 6 : i32
        %swap3A_2118 = arith.index_cast %swap3A_2116 : i32 to index
        %swap3A_2119 = arith.index_cast %swap3A_2117 : i32 to index
        %swap3A_2120 = arith.index_cast %shift_right_arithmetic3A_1953 : i32 to index
        %swap3A_2121 = arith.index_cast %mul3A_1957 : i32 to index
        %swap3A_2122 = tpu.vector_load %arg5[%swap3A_2118, %swap3A_2119, %swap3A_2120, %swap3A_2121] {strides = array<i32>} : memref<2x8x32x32xf32, #tpu.memory_space<vmem>>, vector<16xf32>,
        tpu.vector_store %arg5[%swap3A_2118, %swap3A_2119, %swap3A_2120, %swap3A_2121], %gather3A_2115 {strides = array<i32>} : memref<2x8x32x32xf32, #tpu.memory_space<vmem>>, vector<16xf32>,
        %broadcast_in_dim3A_2123 = arith.constant 1 : i32
        %broadcast_in_dim3A_2124 = vector.broadcast %broadcast_in_dim3A_2123 : i32 to vector<16xi32>
        %mul3A_2125 = arith.constant 2 : i32
        %mul3A_2126 = arith.muli %mul3A_2125, %shift_right_arithmetic3A_1953 : i32
        %add3A_2127 = arith.constant 1 : i32
        %add3A_2128 = arith.addi %mul3A_2126, %add3A_2127 : i32
        %broadcast_in_dim3A_2129 = vector.broadcast %add3A_2128 : i32 to vector<16xi32>
        %add3A_2130 = arith.constant 1 : i32
        %add3A_2131 = vector.broadcast %add3A_2130 : i32 to vector<16xi32>
        %add3A_2132 = arith.addi %add3A_1964, %add3A_2131 : vector<16xi32>
        %gather3A_2133 = arith.constant 0 : i32
        %gather3A_2134 = arith.constant 0 : i32
        %gather3A_2135 = arith.constant 0 : i32
        %gather3A_2136 = tpu.memref_slice %arg4[%scan3A_1109, %gather3A_2133, %gather3A_2134, %gather3A_2135] : memref<3x2x64x64xf32, #tpu.memory_space<vmem>> -> memref<1x2x64x64xf32, #tpu.memory_space<vmem>>
        %gather3A_2137 = tpu.memref_squeeze %gather3A_2136 : memref<1x2x64x64xf32, #tpu.memory_space<vmem>> -> memref<2x64x64xf32, #tpu.memory_space<vmem>>
        %gather3A_2138 = tpu.vector_load_idx %gather3A_2137[%broadcast_in_dim3A_2124, %broadcast_in_dim3A_2129, %add3A_2132] : memref<2x64x64xf32, #tpu.memory_space<vmem>>[vector<16xi32>, vector<16xi32>, vector<16xi32>], vector<16xf32>,
        %swap3A_2139 = arith.constant 0 : i32
        %swap3A_2140 = arith.constant 7 : i32
        %swap3A_2141 = arith.index_cast %swap3A_2139 : i32 to index
        %swap3A_2142 = arith.index_cast %swap3A_2140 : i32 to index
        %swap3A_2143 = arith.index_cast %shift_right_arithmetic3A_1953 : i32 to index
        %swap3A_2144 = arith.index_cast %mul3A_1957 : i32 to index
        %swap3A_2145 = tpu.vector_load %arg5[%swap3A_2141, %swap3A_2142, %swap3A_2143, %swap3A_2144] {strides = array<i32>} : memref<2x8x32x32xf32, #tpu.memory_space<vmem>>, vector<16xf32>,
        tpu.vector_store %arg5[%swap3A_2141, %swap3A_2142, %swap3A_2143, %swap3A_2144], %gather3A_2138 {strides = array<i32>} : memref<2x8x32x32xf32, #tpu.memory_space<vmem>>, vector<16xf32>,
      }
      %scan3A_1114 = arith.constant 64 : i32
      %add3A_1115 = arith.addi %mul3A_2, %add3A_1082 : i32
      %jit3A_1116 = arith.constant 1024 : i32
      %div3A_1117 = arith.divsi %add3A_1115, %jit3A_1116 : i32
      %sign3A_1118 = arith.constant 0 : i32
      %sign3A_1119 = arith.cmpi sgt, %add3A_1115, %sign3A_1118 : i32
      %sign3A_1120 = arith.extui %sign3A_1119 : i1 to i32
      %sign3A_1121 = arith.constant 0 : i32
      %sign3A_1122 = arith.cmpi slt, %add3A_1115, %sign3A_1121 : i32
      %sign3A_1123 = arith.extui %sign3A_1122 : i1 to i32
      %sign3A_1124 = arith.subi %sign3A_1120, %sign3A_1123 : i32
      %sign3A_1125 = arith.constant 0 : i32
      %sign3A_1126 = arith.cmpi sgt, %jit3A_1116, %sign3A_1125 : i32
      %sign3A_1127 = arith.extui %sign3A_1126 : i1 to i32
      %sign3A_1128 = arith.constant 0 : i32
      %sign3A_1129 = arith.cmpi slt, %jit3A_1116, %sign3A_1128 : i32
      %sign3A_1130 = arith.extui %sign3A_1129 : i1 to i32
      %sign3A_1131 = arith.subi %sign3A_1127, %sign3A_1130 : i32
      %ne3A_1132 = arith.cmpi ne, %sign3A_1124, %sign3A_1131 : i32
      %rem3A_1133 = arith.remsi %add3A_1115, %jit3A_1116 : i32
      %ne3A_1134 = arith.constant 0 : i32
      %ne3A_1135 = arith.cmpi ne, %rem3A_1133, %ne3A_1134 : i32
      %and3A_1136 = arith.andi %ne3A_1132, %ne3A_1135 : i1
      %sub3A_1137 = arith.constant 1 : i32
      %sub3A_1138 = arith.subi %div3A_1117, %sub3A_1137 : i32
      %select_n3A_1139 = arith.select %and3A_1136, %sub3A_1138, %div3A_1117 : i32
      %jit3A_1140 = arith.constant 1024 : i32
      %eq3A_1141 = arith.constant 0 : i32
      %eq3A_1142 = arith.cmpi eq, %jit3A_1140, %eq3A_1141 : i32
      %jit3A_1143 = arith.constant 1 : i32
      %select_n3A_1144 = arith.select %eq3A_1142, %jit3A_1143, %jit3A_1140 : i32
      %rem3A_1145 = arith.remsi %add3A_1115, %select_n3A_1144 : i32
      %ne3A_1146 = arith.constant 0 : i32
      %ne3A_1147 = arith.cmpi ne, %rem3A_1145, %ne3A_1146 : i32
      %lt3A_1148 = arith.constant 0 : i32
      %lt3A_1149 = arith.cmpi slt, %rem3A_1145, %lt3A_1148 : i32
      %lt3A_1150 = arith.constant 0 : i32
      %lt3A_1151 = arith.cmpi slt, %select_n3A_1144, %lt3A_1150 : i32
      %ne3A_1152 = arith.xori %lt3A_1149, %lt3A_1151 : i1
      %and3A_1153 = arith.andi %ne3A_1152, %ne3A_1147 : i1
      %add3A_1154 = arith.addi %rem3A_1145, %select_n3A_1144 : i32
      %select_n3A_1155 = arith.select %and3A_1153, %add3A_1154, %rem3A_1145 : i32
      %jit3A_1156 = arith.constant 32 : i32
      %div3A_1157 = arith.divsi %select_n3A_1155, %jit3A_1156 : i32
      %sign3A_1158 = arith.constant 0 : i32
      %sign3A_1159 = arith.cmpi sgt, %select_n3A_1155, %sign3A_1158 : i32
      %sign3A_1160 = arith.extui %sign3A_1159 : i1 to i32
      %sign3A_1161 = arith.constant 0 : i32
      %sign3A_1162 = arith.cmpi slt, %select_n3A_1155, %sign3A_1161 : i32
      %sign3A_1163 = arith.extui %sign3A_1162 : i1 to i32
      %sign3A_1164 = arith.subi %sign3A_1160, %sign3A_1163 : i32
      %sign3A_1165 = arith.constant 0 : i32
      %sign3A_1166 = arith.cmpi sgt, %jit3A_1156, %sign3A_1165 : i32
      %sign3A_1167 = arith.extui %sign3A_1166 : i1 to i32
      %sign3A_1168 = arith.constant 0 : i32
      %sign3A_1169 = arith.cmpi slt, %jit3A_1156, %sign3A_1168 : i32
      %sign3A_1170 = arith.extui %sign3A_1169 : i1 to i32
      %sign3A_1171 = arith.subi %sign3A_1167, %sign3A_1170 : i32
      %ne3A_1172 = arith.cmpi ne, %sign3A_1164, %sign3A_1171 : i32
      %rem3A_1173 = arith.remsi %select_n3A_1155, %jit3A_1156 : i32
      %ne3A_1174 = arith.constant 0 : i32
      %ne3A_1175 = arith.cmpi ne, %rem3A_1173, %ne3A_1174 : i32
      %and3A_1176 = arith.andi %ne3A_1172, %ne3A_1175 : i1
      %sub3A_1177 = arith.constant 1 : i32
      %sub3A_1178 = arith.subi %div3A_1157, %sub3A_1177 : i32
      %select_n3A_1179 = arith.select %and3A_1176, %sub3A_1178, %div3A_1157 : i32
      %jit3A_1180 = arith.constant 32 : i32
      %eq3A_1181 = arith.constant 0 : i32
      %eq3A_1182 = arith.cmpi eq, %jit3A_1180, %eq3A_1181 : i32
      %jit3A_1183 = arith.constant 1 : i32
      %select_n3A_1184 = arith.select %eq3A_1182, %jit3A_1183, %jit3A_1180 : i32
      %rem3A_1185 = arith.remsi %select_n3A_1155, %select_n3A_1184 : i32
      %ne3A_1186 = arith.constant 0 : i32
      %ne3A_1187 = arith.cmpi ne, %rem3A_1185, %ne3A_1186 : i32
      %lt3A_1188 = arith.constant 0 : i32
      %lt3A_1189 = arith.cmpi slt, %rem3A_1185, %lt3A_1188 : i32
      %lt3A_1190 = arith.constant 0 : i32
      %lt3A_1191 = arith.cmpi slt, %select_n3A_1184, %lt3A_1190 : i32
      %ne3A_1192 = arith.xori %lt3A_1189, %lt3A_1191 : i1
      %and3A_1193 = arith.andi %ne3A_1192, %ne3A_1187 : i1
      %add3A_1194 = arith.addi %rem3A_1185, %select_n3A_1184 : i32
      %select_n3A_1195 = arith.select %and3A_1193, %add3A_1194, %rem3A_1185 : i32
      %mul3A_1196 = arith.constant 8 : i32
      %mul3A_1197 = arith.muli %select_n3A_1179, %mul3A_1196 : i32
      %dma_start3A_1198 = arith.constant 0 : i32
      %dma_start3A_1199 = arith.constant 0 : i32
      %dma_start3A_1200 = arith.constant 0 : i32
      %dma_start3A_1201 = arith.constant 0 : i32
      %dma_start3A_1202 = tpu.memref_slice %arg5[%dma_start3A_1198, %dma_start3A_1199, %dma_start3A_1200, %dma_start3A_1201] : memref<2x8x32x32xf32, #tpu.memory_space<vmem>> -> memref<1x8x32x32xf32, #tpu.memory_space<vmem>>
      %dma_start3A_1203 = tpu.memref_squeeze %dma_start3A_1202 : memref<1x8x32x32xf32, #tpu.memory_space<vmem>> -> memref<8x32x32xf32, #tpu.memory_space<vmem>>
      %dma_start3A_1204 = arith.constant 0 : i32
      %dma_start3A_1205 = arith.constant 0 : i32
      %dma_start3A_1206 = tpu.memref_slice %arg3[%select_n3A_1139, %mul3A_1197, %select_n3A_1195, %dma_start3A_1204, %dma_start3A_1205] : memref<2x256x32x32x32xf32, #tpu.memory_space<hbm>> -> memref<1x8x1x32x32xf32, #tpu.memory_space<hbm>>
      %dma_start3A_1207 = tpu.memref_squeeze %dma_start3A_1206 : memref<1x8x1x32x32xf32, #tpu.memory_space<hbm>> -> memref<8x32x32xf32, #tpu.memory_space<hbm>>
      %dma_start3A_1208 = arith.constant 0 : i32
      %dma_start3A_1209 = arith.constant 0 : i32
      %dma_start3A_1210 = tpu.memref_slice %arg3[%select_n3A_1139, %mul3A_1197, %select_n3A_1195, %dma_start3A_1208, %dma_start3A_1209] : memref<2x256x32x32x32xf32, #tpu.memory_space<hbm>> -> memref<1x8x1x32x32xf32, #tpu.memory_space<hbm>>
      %dma_start3A_1211 = tpu.memref_squeeze %dma_start3A_1210 : memref<1x8x1x32x32xf32, #tpu.memory_space<hbm>> -> memref<8x32x32xf32, #tpu.memory_space<hbm>>
      %dma_start3A_1212 = arith.constant 0 : i32
      %dma_start3A_1213 = arith.constant 0 : i32
      %dma_start3A_1214 = arith.constant 0 : i32
      %dma_start3A_1215 = tpu.memref_slice %arg5[%dma_start3A_1198, %dma_start3A_1212, %dma_start3A_1213, %dma_start3A_1214] : memref<2x8x32x32xf32, #tpu.memory_space<vmem>> -> memref<1x8x32x32xf32, #tpu.memory_space<vmem>>
      %dma_start3A_1216 = tpu.memref_squeeze %dma_start3A_1215 : memref<1x8x32x32xf32, #tpu.memory_space<vmem>> -> memref<8x32x32xf32, #tpu.memory_space<vmem>>
      tpu.enqueue_dma source(%dma_start3A_1216 : memref<8x32x32xf32, #tpu.memory_space<vmem>>) target(%dma_start3A_1211 : memref<8x32x32xf32, #tpu.memory_space<hbm>>) target_semaphore(%arg9 : memref<!tpu.dma_semaphore, #tpu.memory_space<semaphore_mem>>)
      %lt3A_1217 = arith.constant 61 : i32
      %lt3A_1218 = arith.cmpi slt, %add3A_1082, %lt3A_1217 : i32
      %convert_element_type3A_1219 = arith.extui %lt3A_1218 : i1 to i32
      %cond3A_1220 = arith.constant 0 : i32
      %cond3A_1221 = arith.cmpi ne, %convert_element_type3A_1219, %cond3A_1220 : i32
      scf.if %cond3A_1221 {
        %add3A_1952 = arith.constant 3 : i32
        %add3A_1953 = arith.addi %add3A_1082, %add3A_1952 : i32
        %add3A_1954 = arith.addi %mul3A_2, %add3A_1953 : i32
        %jit3A_1955 = arith.constant 1024 : i32
        %div3A_1956 = arith.divsi %add3A_1954, %jit3A_1955 : i32
        %sign3A_1957 = arith.constant 0 : i32
        %sign3A_1958 = arith.cmpi sgt, %add3A_1954, %sign3A_1957 : i32
        %sign3A_1959 = arith.extui %sign3A_1958 : i1 to i32
        %sign3A_1960 = arith.constant 0 : i32
        %sign3A_1961 = arith.cmpi slt, %add3A_1954, %sign3A_1960 : i32
        %sign3A_1962 = arith.extui %sign3A_1961 : i1 to i32
        %sign3A_1963 = arith.subi %sign3A_1959, %sign3A_1962 : i32
        %sign3A_1964 = arith.constant 0 : i32
        %sign3A_1965 = arith.cmpi sgt, %jit3A_1955, %sign3A_1964 : i32
        %sign3A_1966 = arith.extui %sign3A_1965 : i1 to i32
        %sign3A_1967 = arith.constant 0 : i32
        %sign3A_1968 = arith.cmpi slt, %jit3A_1955, %sign3A_1967 : i32
        %sign3A_1969 = arith.extui %sign3A_1968 : i1 to i32
        %sign3A_1970 = arith.subi %sign3A_1966, %sign3A_1969 : i32
        %ne3A_1971 = arith.cmpi ne, %sign3A_1963, %sign3A_1970 : i32
        %rem3A_1972 = arith.remsi %add3A_1954, %jit3A_1955 : i32
        %ne3A_1973 = arith.constant 0 : i32
        %ne3A_1974 = arith.cmpi ne, %rem3A_1972, %ne3A_1973 : i32
        %and3A_1975 = arith.andi %ne3A_1971, %ne3A_1974 : i1
        %sub3A_1976 = arith.constant 1 : i32
        %sub3A_1977 = arith.subi %div3A_1956, %sub3A_1976 : i32
        %select_n3A_1978 = arith.select %and3A_1975, %sub3A_1977, %div3A_1956 : i32
        %jit3A_1979 = arith.constant 1024 : i32
        %eq3A_1980 = arith.constant 0 : i32
        %eq3A_1981 = arith.cmpi eq, %jit3A_1979, %eq3A_1980 : i32
        %jit3A_1982 = arith.constant 1 : i32
        %select_n3A_1983 = arith.select %eq3A_1981, %jit3A_1982, %jit3A_1979 : i32
        %rem3A_1984 = arith.remsi %add3A_1954, %select_n3A_1983 : i32
        %ne3A_1985 = arith.constant 0 : i32
        %ne3A_1986 = arith.cmpi ne, %rem3A_1984, %ne3A_1985 : i32
        %lt3A_1987 = arith.constant 0 : i32
        %lt3A_1988 = arith.cmpi slt, %rem3A_1984, %lt3A_1987 : i32
        %lt3A_1989 = arith.constant 0 : i32
        %lt3A_1990 = arith.cmpi slt, %select_n3A_1983, %lt3A_1989 : i32
        %ne3A_1991 = arith.xori %lt3A_1988, %lt3A_1990 : i1
        %and3A_1992 = arith.andi %ne3A_1991, %ne3A_1986 : i1
        %add3A_1993 = arith.addi %rem3A_1984, %select_n3A_1983 : i32
        %select_n3A_1994 = arith.select %and3A_1992, %add3A_1993, %rem3A_1984 : i32
        %jit3A_1995 = arith.constant 32 : i32
        %div3A_1996 = arith.divsi %select_n3A_1994, %jit3A_1995 : i32
        %sign3A_1997 = arith.constant 0 : i32
        %sign3A_1998 = arith.cmpi sgt, %select_n3A_1994, %sign3A_1997 : i32
        %sign3A_1999 = arith.extui %sign3A_1998 : i1 to i32
        %sign3A_2000 = arith.constant 0 : i32
        %sign3A_2001 = arith.cmpi slt, %select_n3A_1994, %sign3A_2000 : i32
        %sign3A_2002 = arith.extui %sign3A_2001 : i1 to i32
        %sign3A_2003 = arith.subi %sign3A_1999, %sign3A_2002 : i32
        %sign3A_2004 = arith.constant 0 : i32
        %sign3A_2005 = arith.cmpi sgt, %jit3A_1995, %sign3A_2004 : i32
        %sign3A_2006 = arith.extui %sign3A_2005 : i1 to i32
        %sign3A_2007 = arith.constant 0 : i32
        %sign3A_2008 = arith.cmpi slt, %jit3A_1995, %sign3A_2007 : i32
        %sign3A_2009 = arith.extui %sign3A_2008 : i1 to i32
        %sign3A_2010 = arith.subi %sign3A_2006, %sign3A_2009 : i32
        %ne3A_2011 = arith.cmpi ne, %sign3A_2003, %sign3A_2010 : i32
        %rem3A_2012 = arith.remsi %select_n3A_1994, %jit3A_1995 : i32
        %ne3A_2013 = arith.constant 0 : i32
        %ne3A_2014 = arith.cmpi ne, %rem3A_2012, %ne3A_2013 : i32
        %and3A_2015 = arith.andi %ne3A_2011, %ne3A_2014 : i1
        %sub3A_2016 = arith.constant 1 : i32
        %sub3A_2017 = arith.subi %div3A_1996, %sub3A_2016 : i32
        %select_n3A_2018 = arith.select %and3A_2015, %sub3A_2017, %div3A_1996 : i32
        %jit3A_2019 = arith.constant 32 : i32
        %eq3A_2020 = arith.constant 0 : i32
        %eq3A_2021 = arith.cmpi eq, %jit3A_2019, %eq3A_2020 : i32
        %jit3A_2022 = arith.constant 1 : i32
        %select_n3A_2023 = arith.select %eq3A_2021, %jit3A_2022, %jit3A_2019 : i32
        %rem3A_2024 = arith.remsi %select_n3A_1994, %select_n3A_2023 : i32
        %ne3A_2025 = arith.constant 0 : i32
        %ne3A_2026 = arith.cmpi ne, %rem3A_2024, %ne3A_2025 : i32
        %lt3A_2027 = arith.constant 0 : i32
        %lt3A_2028 = arith.cmpi slt, %rem3A_2024, %lt3A_2027 : i32
        %lt3A_2029 = arith.constant 0 : i32
        %lt3A_2030 = arith.cmpi slt, %select_n3A_2023, %lt3A_2029 : i32
        %ne3A_2031 = arith.xori %lt3A_2028, %lt3A_2030 : i1
        %and3A_2032 = arith.andi %ne3A_2031, %ne3A_2026 : i1
        %add3A_2033 = arith.addi %rem3A_2024, %select_n3A_2023 : i32
        %select_n3A_2034 = arith.select %and3A_2032, %add3A_2033, %rem3A_2024 : i32
        %mul3A_2035 = arith.constant 2 : i32
        %mul3A_2036 = arith.muli %mul3A_2035, %select_n3A_2034 : i32
        %dma_start3A_2037 = arith.constant 0 : i32
        %dma_start3A_2038 = arith.constant 0 : i32
        %dma_start3A_2039 = arith.constant 0 : i32
        %dma_start3A_2040 = arith.constant 0 : i32
        %dma_start3A_2041 = tpu.memref_slice %arg4[%dma_start3A_2037, %dma_start3A_2038, %dma_start3A_2039, %dma_start3A_2040] : memref<3x2x64x64xf32, #tpu.memory_space<vmem>> -> memref<1x2x64x64xf32, #tpu.memory_space<vmem>>
        %dma_start3A_2042 = tpu.memref_squeeze %dma_start3A_2041 : memref<1x2x64x64xf32, #tpu.memory_space<vmem>> -> memref<2x64x64xf32, #tpu.memory_space<vmem>>
        %dma_start3A_2043 = arith.constant 0 : i32
        %dma_start3A_2044 = arith.constant 0 : i32
        %dma_start3A_2045 = tpu.memref_slice %arg2[%select_n3A_1978, %select_n3A_2018, %mul3A_2036, %dma_start3A_2043, %dma_start3A_2044] : memref<2x32x64x64x64xf32, #tpu.memory_space<hbm>> -> memref<1x1x2x64x64xf32, #tpu.memory_space<hbm>>
        %dma_start3A_2046 = tpu.memref_squeeze %dma_start3A_2045 : memref<1x1x2x64x64xf32, #tpu.memory_space<hbm>> -> memref<2x64x64xf32, #tpu.memory_space<hbm>>
        %dma_start3A_2047 = arith.constant 0 : i32
        %dma_start3A_2048 = arith.constant 0 : i32
        %dma_start3A_2049 = arith.constant 0 : i32
        %dma_start3A_2050 = tpu.memref_slice %arg4[%dma_start3A_2037, %dma_start3A_2047, %dma_start3A_2048, %dma_start3A_2049] : memref<3x2x64x64xf32, #tpu.memory_space<vmem>> -> memref<1x2x64x64xf32, #tpu.memory_space<vmem>>
        %dma_start3A_2051 = tpu.memref_squeeze %dma_start3A_2050 : memref<1x2x64x64xf32, #tpu.memory_space<vmem>> -> memref<2x64x64xf32, #tpu.memory_space<vmem>>
        %dma_start3A_2052 = arith.constant 0 : i32
        %dma_start3A_2053 = arith.constant 0 : i32
        %dma_start3A_2054 = tpu.memref_slice %arg2[%select_n3A_1978, %select_n3A_2018, %mul3A_2036, %dma_start3A_2052, %dma_start3A_2053] : memref<2x32x64x64x64xf32, #tpu.memory_space<hbm>> -> memref<1x1x2x64x64xf32, #tpu.memory_space<hbm>>
        %dma_start3A_2055 = tpu.memref_squeeze %dma_start3A_2054 : memref<1x1x2x64x64xf32, #tpu.memory_space<hbm>> -> memref<2x64x64xf32, #tpu.memory_space<hbm>>
        tpu.enqueue_dma source(%dma_start3A_2055 : memref<2x64x64xf32, #tpu.memory_space<hbm>>) target(%dma_start3A_2051 : memref<2x64x64xf32, #tpu.memory_space<vmem>>) target_semaphore(%arg6 : memref<!tpu.dma_semaphore, #tpu.memory_space<semaphore_mem>>)
      } else {
      }
      %mul3A_1222 = arith.constant 6 : i32
      %mul3A_1223 = arith.muli %mul3A_1222, %scan3A_1078 : i32
      %add3A_1224 = arith.constant 1 : i32
      %add3A_1225 = arith.addi %mul3A_1223, %add3A_1224 : i32
      %dma_wait3A_1226 = arith.constant 0 : i32
      %dma_wait3A_1227 = arith.constant 0 : i32
      %dma_wait3A_1228 = arith.constant 1 : i32
      %dma_wait3A_1229 = arith.constant 0 : i32
      %dma_wait3A_1230 = arith.constant 0 : i32
      %dma_wait3A_1231 = arith.constant 0 : i32
      %dma_wait3A_1232 = tpu.memref_slice %arg4[%dma_wait3A_1228, %dma_wait3A_1229, %dma_wait3A_1230, %dma_wait3A_1231] : memref<3x2x64x64xf32, #tpu.memory_space<vmem>> -> memref<1x2x64x64xf32, #tpu.memory_space<vmem>>
      %dma_wait3A_1233 = tpu.memref_squeeze %dma_wait3A_1232 : memref<1x2x64x64xf32, #tpu.memory_space<vmem>> -> memref<2x64x64xf32, #tpu.memory_space<vmem>>
      %dma_wait3A_1234 = arith.constant 0 : i32
      %dma_wait3A_1235 = arith.constant 0 : i32
      %dma_wait3A_1236 = arith.constant 0 : i32
      %dma_wait3A_1237 = tpu.memref_slice %arg2[%dma_wait3A_1226, %dma_wait3A_1227, %dma_wait3A_1234, %dma_wait3A_1235, %dma_wait3A_1236] : memref<2x32x64x64x64xf32, #tpu.memory_space<hbm>> -> memref<1x1x2x64x64xf32, #tpu.memory_space<hbm>>
      %dma_wait3A_1238 = tpu.memref_squeeze %dma_wait3A_1237 : memref<1x1x2x64x64xf32, #tpu.memory_space<hbm>> -> memref<2x64x64xf32, #tpu.memory_space<hbm>>
      %dma_wait3A_1239 = arith.constant 0 : i32
      %dma_wait3A_1240 = arith.constant 0 : i32
      %dma_wait3A_1241 = arith.constant 0 : i32
      %dma_wait3A_1242 = tpu.memref_slice %arg4[%dma_wait3A_1228, %dma_wait3A_1239, %dma_wait3A_1240, %dma_wait3A_1241] : memref<3x2x64x64xf32, #tpu.memory_space<vmem>> -> memref<1x2x64x64xf32, #tpu.memory_space<vmem>>
      %dma_wait3A_1243 = tpu.memref_squeeze %dma_wait3A_1242 : memref<1x2x64x64xf32, #tpu.memory_space<vmem>> -> memref<2x64x64xf32, #tpu.memory_space<vmem>>
      %dma_wait3A_1244 = arith.constant 0 : i32
      %dma_wait3A_1245 = arith.constant 0 : i32
      %dma_wait3A_1246 = arith.constant 0 : i32
      %dma_wait3A_1247 = tpu.memref_slice %arg2[%dma_wait3A_1226, %dma_wait3A_1227, %dma_wait3A_1244, %dma_wait3A_1245, %dma_wait3A_1246] : memref<2x32x64x64x64xf32, #tpu.memory_space<hbm>> -> memref<1x1x2x64x64xf32, #tpu.memory_space<hbm>>
      %dma_wait3A_1248 = tpu.memref_squeeze %dma_wait3A_1247 : memref<1x1x2x64x64xf32, #tpu.memory_space<hbm>> -> memref<2x64x64xf32, #tpu.memory_space<hbm>>
      tpu.wait_dma2 semaphore(%arg7 : memref<!tpu.dma_semaphore, #tpu.memory_space<semaphore_mem>>) src(%dma_wait3A_1248 : memref<2x64x64xf32, #tpu.memory_space<hbm>>) dst(%dma_wait3A_1243 : memref<2x64x64xf32, #tpu.memory_space<vmem>>)
      %ge3A_1249 = arith.constant 2 : i32
      %ge3A_1250 = arith.cmpi sge, %add3A_1225, %ge3A_1249 : i32
      %convert_element_type3A_1251 = arith.extui %ge3A_1250 : i1 to i32
      %cond3A_1252 = arith.constant 0 : i32
      %cond3A_1253 = arith.cmpi ne, %convert_element_type3A_1251, %cond3A_1252 : i32
      scf.if %cond3A_1253 {
        %dma_wait3A_1952 = arith.constant 1 : i32
        %dma_wait3A_1953 = arith.constant 0 : i32
        %dma_wait3A_1954 = arith.constant 0 : i32
        %dma_wait3A_1955 = arith.constant 0 : i32
        %dma_wait3A_1956 = arith.constant 0 : i32
        %dma_wait3A_1957 = arith.constant 0 : i32
        %dma_wait3A_1958 = tpu.memref_slice %arg5[%dma_wait3A_1952, %dma_wait3A_1955, %dma_wait3A_1956, %dma_wait3A_1957] : memref<2x8x32x32xf32, #tpu.memory_space<vmem>> -> memref<1x8x32x32xf32, #tpu.memory_space<vmem>>
        %dma_wait3A_1959 = tpu.memref_squeeze %dma_wait3A_1958 : memref<1x8x32x32xf32, #tpu.memory_space<vmem>> -> memref<8x32x32xf32, #tpu.memory_space<vmem>>
        %dma_wait3A_1960 = arith.constant 0 : i32
        %dma_wait3A_1961 = arith.constant 0 : i32
        %dma_wait3A_1962 = arith.constant 0 : i32
        %dma_wait3A_1963 = tpu.memref_slice %arg3[%dma_wait3A_1953, %dma_wait3A_1960, %dma_wait3A_1954, %dma_wait3A_1961, %dma_wait3A_1962] : memref<2x256x32x32x32xf32, #tpu.memory_space<hbm>> -> memref<1x8x1x32x32xf32, #tpu.memory_space<hbm>>
        %dma_wait3A_1964 = tpu.memref_squeeze %dma_wait3A_1963 : memref<1x8x1x32x32xf32, #tpu.memory_space<hbm>> -> memref<8x32x32xf32, #tpu.memory_space<hbm>>
        %dma_wait3A_1965 = arith.constant 0 : i32
        %dma_wait3A_1966 = arith.constant 0 : i32
        %dma_wait3A_1967 = arith.constant 0 : i32
        %dma_wait3A_1968 = tpu.memref_slice %arg3[%dma_wait3A_1953, %dma_wait3A_1965, %dma_wait3A_1954, %dma_wait3A_1966, %dma_wait3A_1967] : memref<2x256x32x32x32xf32, #tpu.memory_space<hbm>> -> memref<1x8x1x32x32xf32, #tpu.memory_space<hbm>>
        %dma_wait3A_1969 = tpu.memref_squeeze %dma_wait3A_1968 : memref<1x8x1x32x32xf32, #tpu.memory_space<hbm>> -> memref<8x32x32xf32, #tpu.memory_space<hbm>>
        %dma_wait3A_1970 = arith.constant 0 : i32
        %dma_wait3A_1971 = arith.constant 0 : i32
        %dma_wait3A_1972 = arith.constant 0 : i32
        %dma_wait3A_1973 = tpu.memref_slice %arg5[%dma_wait3A_1952, %dma_wait3A_1970, %dma_wait3A_1971, %dma_wait3A_1972] : memref<2x8x32x32xf32, #tpu.memory_space<vmem>> -> memref<1x8x32x32xf32, #tpu.memory_space<vmem>>
        %dma_wait3A_1974 = tpu.memref_squeeze %dma_wait3A_1973 : memref<1x8x32x32xf32, #tpu.memory_space<vmem>> -> memref<8x32x32xf32, #tpu.memory_space<vmem>>
        tpu.wait_dma2 semaphore(%arg10 : memref<!tpu.dma_semaphore, #tpu.memory_space<semaphore_mem>>) src(%dma_wait3A_1974 : memref<8x32x32xf32, #tpu.memory_space<vmem>>) dst(%dma_wait3A_1969 : memref<8x32x32xf32, #tpu.memory_space<hbm>>)
      } else {
      }
      %scan3A_1254 = arith.constant 0 : i32
      %scan3A_1255 = arith.constant 1 : i32
      %scan3A_1256 = arith.constant 0 : i32
      %scan3A_1257 = arith.constant 64 : i32
      %scan3A_1258 = arith.addi %scan3A_1256, %scan3A_1257 : i32
      %scan3A_1259 = arith.constant 1 : i32
      scf.for %scan3A_1952 = %scan3A_1256 to %scan3A_1258 step %scan3A_1259  : i32 {
        %shift_right_arithmetic3A = arith.constant 1 : i32
        %shift_right_arithmetic3A_1953 = arith.shrsi %scan3A_1952, %shift_right_arithmetic3A : i32
        %and3A_1954 = arith.constant 1 : i32
        %and3A_1955 = arith.andi %scan3A_1952, %and3A_1954 : i32
        %mul3A_1956 = arith.constant 16 : i32
        %mul3A_1957 = arith.muli %and3A_1955, %mul3A_1956 : i32
        %mul3A_1958 = arith.constant 2 : i32
        %mul3A_1959 = arith.muli %mul3A_1958, %mul3A_1957 : i32
        %mul3A_1960 = arith.constant 2 : i32
        %mul3A_1961 = vector.broadcast %mul3A_1960 : i32 to vector<16xi32>
        %mul3A_1962 = arith.muli %iota3A, %mul3A_1961 : vector<16xi32>
        %add3A_1963 = vector.broadcast %mul3A_1959 : i32 to vector<16xi32>
        %add3A_1964 = arith.addi %add3A_1963, %mul3A_1962 : vector<16xi32>
        %broadcast_in_dim3A = arith.constant 0 : i32
        %broadcast_in_dim3A_1965 = vector.broadcast %broadcast_in_dim3A : i32 to vector<16xi32>
        %mul3A_1966 = arith.constant 2 : i32
        %mul3A_1967 = arith.muli %mul3A_1966, %shift_right_arithmetic3A_1953 : i32
        %add3A_1968 = arith.constant 0 : i32
        %add3A_1969 = arith.addi %mul3A_1967, %add3A_1968 : i32
        %broadcast_in_dim3A_1970 = vector.broadcast %add3A_1969 : i32 to vector<16xi32>
        %add3A_1971 = arith.constant 0 : i32
        %add3A_1972 = vector.broadcast %add3A_1971 : i32 to vector<16xi32>
        %add3A_1973 = arith.addi %add3A_1964, %add3A_1972 : vector<16xi32>
        %gather3A = arith.constant 0 : i32
        %gather3A_1974 = arith.constant 0 : i32
        %gather3A_1975 = arith.constant 0 : i32
        %gather3A_1976 = tpu.memref_slice %arg4[%scan3A_1255, %gather3A, %gather3A_1974, %gather3A_1975] : memref<3x2x64x64xf32, #tpu.memory_space<vmem>> -> memref<1x2x64x64xf32, #tpu.memory_space<vmem>>
        %gather3A_1977 = tpu.memref_squeeze %gather3A_1976 : memref<1x2x64x64xf32, #tpu.memory_space<vmem>> -> memref<2x64x64xf32, #tpu.memory_space<vmem>>
        %gather3A_1978 = tpu.vector_load_idx %gather3A_1977[%broadcast_in_dim3A_1965, %broadcast_in_dim3A_1970, %add3A_1973] : memref<2x64x64xf32, #tpu.memory_space<vmem>>[vector<16xi32>, vector<16xi32>, vector<16xi32>], vector<16xf32>,
        %swap3A = arith.constant 1 : i32
        %swap3A_1979 = arith.constant 0 : i32
        %swap3A_1980 = arith.index_cast %swap3A : i32 to index
        %swap3A_1981 = arith.index_cast %swap3A_1979 : i32 to index
        %swap3A_1982 = arith.index_cast %shift_right_arithmetic3A_1953 : i32 to index
        %swap3A_1983 = arith.index_cast %mul3A_1957 : i32 to index
        %swap3A_1984 = tpu.vector_load %arg5[%swap3A_1980, %swap3A_1981, %swap3A_1982, %swap3A_1983] {strides = array<i32>} : memref<2x8x32x32xf32, #tpu.memory_space<vmem>>, vector<16xf32>,
        tpu.vector_store %arg5[%swap3A_1980, %swap3A_1981, %swap3A_1982, %swap3A_1983], %gather3A_1978 {strides = array<i32>} : memref<2x8x32x32xf32, #tpu.memory_space<vmem>>, vector<16xf32>,
        %broadcast_in_dim3A_1985 = arith.constant 0 : i32
        %broadcast_in_dim3A_1986 = vector.broadcast %broadcast_in_dim3A_1985 : i32 to vector<16xi32>
        %mul3A_1987 = arith.constant 2 : i32
        %mul3A_1988 = arith.muli %mul3A_1987, %shift_right_arithmetic3A_1953 : i32
        %add3A_1989 = arith.constant 0 : i32
        %add3A_1990 = arith.addi %mul3A_1988, %add3A_1989 : i32
        %broadcast_in_dim3A_1991 = vector.broadcast %add3A_1990 : i32 to vector<16xi32>
        %add3A_1992 = arith.constant 1 : i32
        %add3A_1993 = vector.broadcast %add3A_1992 : i32 to vector<16xi32>
        %add3A_1994 = arith.addi %add3A_1964, %add3A_1993 : vector<16xi32>
        %gather3A_1995 = arith.constant 0 : i32
        %gather3A_1996 = arith.constant 0 : i32
        %gather3A_1997 = arith.constant 0 : i32
        %gather3A_1998 = tpu.memref_slice %arg4[%scan3A_1255, %gather3A_1995, %gather3A_1996, %gather3A_1997] : memref<3x2x64x64xf32, #tpu.memory_space<vmem>> -> memref<1x2x64x64xf32, #tpu.memory_space<vmem>>
        %gather3A_1999 = tpu.memref_squeeze %gather3A_1998 : memref<1x2x64x64xf32, #tpu.memory_space<vmem>> -> memref<2x64x64xf32, #tpu.memory_space<vmem>>
        %gather3A_2000 = tpu.vector_load_idx %gather3A_1999[%broadcast_in_dim3A_1986, %broadcast_in_dim3A_1991, %add3A_1994] : memref<2x64x64xf32, #tpu.memory_space<vmem>>[vector<16xi32>, vector<16xi32>, vector<16xi32>], vector<16xf32>,
        %swap3A_2001 = arith.constant 1 : i32
        %swap3A_2002 = arith.constant 1 : i32
        %swap3A_2003 = arith.index_cast %swap3A_2001 : i32 to index
        %swap3A_2004 = arith.index_cast %swap3A_2002 : i32 to index
        %swap3A_2005 = arith.index_cast %shift_right_arithmetic3A_1953 : i32 to index
        %swap3A_2006 = arith.index_cast %mul3A_1957 : i32 to index
        %swap3A_2007 = tpu.vector_load %arg5[%swap3A_2003, %swap3A_2004, %swap3A_2005, %swap3A_2006] {strides = array<i32>} : memref<2x8x32x32xf32, #tpu.memory_space<vmem>>, vector<16xf32>,
        tpu.vector_store %arg5[%swap3A_2003, %swap3A_2004, %swap3A_2005, %swap3A_2006], %gather3A_2000 {strides = array<i32>} : memref<2x8x32x32xf32, #tpu.memory_space<vmem>>, vector<16xf32>,
        %broadcast_in_dim3A_2008 = arith.constant 0 : i32
        %broadcast_in_dim3A_2009 = vector.broadcast %broadcast_in_dim3A_2008 : i32 to vector<16xi32>
        %mul3A_2010 = arith.constant 2 : i32
        %mul3A_2011 = arith.muli %mul3A_2010, %shift_right_arithmetic3A_1953 : i32
        %add3A_2012 = arith.constant 1 : i32
        %add3A_2013 = arith.addi %mul3A_2011, %add3A_2012 : i32
        %broadcast_in_dim3A_2014 = vector.broadcast %add3A_2013 : i32 to vector<16xi32>
        %add3A_2015 = arith.constant 0 : i32
        %add3A_2016 = vector.broadcast %add3A_2015 : i32 to vector<16xi32>
        %add3A_2017 = arith.addi %add3A_1964, %add3A_2016 : vector<16xi32>
        %gather3A_2018 = arith.constant 0 : i32
        %gather3A_2019 = arith.constant 0 : i32
        %gather3A_2020 = arith.constant 0 : i32
        %gather3A_2021 = tpu.memref_slice %arg4[%scan3A_1255, %gather3A_2018, %gather3A_2019, %gather3A_2020] : memref<3x2x64x64xf32, #tpu.memory_space<vmem>> -> memref<1x2x64x64xf32, #tpu.memory_space<vmem>>
        %gather3A_2022 = tpu.memref_squeeze %gather3A_2021 : memref<1x2x64x64xf32, #tpu.memory_space<vmem>> -> memref<2x64x64xf32, #tpu.memory_space<vmem>>
        %gather3A_2023 = tpu.vector_load_idx %gather3A_2022[%broadcast_in_dim3A_2009, %broadcast_in_dim3A_2014, %add3A_2017] : memref<2x64x64xf32, #tpu.memory_space<vmem>>[vector<16xi32>, vector<16xi32>, vector<16xi32>], vector<16xf32>,
        %swap3A_2024 = arith.constant 1 : i32
        %swap3A_2025 = arith.constant 2 : i32
        %swap3A_2026 = arith.index_cast %swap3A_2024 : i32 to index
        %swap3A_2027 = arith.index_cast %swap3A_2025 : i32 to index
        %swap3A_2028 = arith.index_cast %shift_right_arithmetic3A_1953 : i32 to index
        %swap3A_2029 = arith.index_cast %mul3A_1957 : i32 to index
        %swap3A_2030 = tpu.vector_load %arg5[%swap3A_2026, %swap3A_2027, %swap3A_2028, %swap3A_2029] {strides = array<i32>} : memref<2x8x32x32xf32, #tpu.memory_space<vmem>>, vector<16xf32>,
        tpu.vector_store %arg5[%swap3A_2026, %swap3A_2027, %swap3A_2028, %swap3A_2029], %gather3A_2023 {strides = array<i32>} : memref<2x8x32x32xf32, #tpu.memory_space<vmem>>, vector<16xf32>,
        %broadcast_in_dim3A_2031 = arith.constant 0 : i32
        %broadcast_in_dim3A_2032 = vector.broadcast %broadcast_in_dim3A_2031 : i32 to vector<16xi32>
        %mul3A_2033 = arith.constant 2 : i32
        %mul3A_2034 = arith.muli %mul3A_2033, %shift_right_arithmetic3A_1953 : i32
        %add3A_2035 = arith.constant 1 : i32
        %add3A_2036 = arith.addi %mul3A_2034, %add3A_2035 : i32
        %broadcast_in_dim3A_2037 = vector.broadcast %add3A_2036 : i32 to vector<16xi32>
        %add3A_2038 = arith.constant 1 : i32
        %add3A_2039 = vector.broadcast %add3A_2038 : i32 to vector<16xi32>
        %add3A_2040 = arith.addi %add3A_1964, %add3A_2039 : vector<16xi32>
        %gather3A_2041 = arith.constant 0 : i32
        %gather3A_2042 = arith.constant 0 : i32
        %gather3A_2043 = arith.constant 0 : i32
        %gather3A_2044 = tpu.memref_slice %arg4[%scan3A_1255, %gather3A_2041, %gather3A_2042, %gather3A_2043] : memref<3x2x64x64xf32, #tpu.memory_space<vmem>> -> memref<1x2x64x64xf32, #tpu.memory_space<vmem>>
        %gather3A_2045 = tpu.memref_squeeze %gather3A_2044 : memref<1x2x64x64xf32, #tpu.memory_space<vmem>> -> memref<2x64x64xf32, #tpu.memory_space<vmem>>
        %gather3A_2046 = tpu.vector_load_idx %gather3A_2045[%broadcast_in_dim3A_2032, %broadcast_in_dim3A_2037, %add3A_2040] : memref<2x64x64xf32, #tpu.memory_space<vmem>>[vector<16xi32>, vector<16xi32>, vector<16xi32>], vector<16xf32>,
        %swap3A_2047 = arith.constant 1 : i32
        %swap3A_2048 = arith.constant 3 : i32
        %swap3A_2049 = arith.index_cast %swap3A_2047 : i32 to index
        %swap3A_2050 = arith.index_cast %swap3A_2048 : i32 to index
        %swap3A_2051 = arith.index_cast %shift_right_arithmetic3A_1953 : i32 to index
        %swap3A_2052 = arith.index_cast %mul3A_1957 : i32 to index
        %swap3A_2053 = tpu.vector_load %arg5[%swap3A_2049, %swap3A_2050, %swap3A_2051, %swap3A_2052] {strides = array<i32>} : memref<2x8x32x32xf32, #tpu.memory_space<vmem>>, vector<16xf32>,
        tpu.vector_store %arg5[%swap3A_2049, %swap3A_2050, %swap3A_2051, %swap3A_2052], %gather3A_2046 {strides = array<i32>} : memref<2x8x32x32xf32, #tpu.memory_space<vmem>>, vector<16xf32>,
        %broadcast_in_dim3A_2054 = arith.constant 1 : i32
        %broadcast_in_dim3A_2055 = vector.broadcast %broadcast_in_dim3A_2054 : i32 to vector<16xi32>
        %mul3A_2056 = arith.constant 2 : i32
        %mul3A_2057 = arith.muli %mul3A_2056, %shift_right_arithmetic3A_1953 : i32
        %add3A_2058 = arith.constant 0 : i32
        %add3A_2059 = arith.addi %mul3A_2057, %add3A_2058 : i32
        %broadcast_in_dim3A_2060 = vector.broadcast %add3A_2059 : i32 to vector<16xi32>
        %add3A_2061 = arith.constant 0 : i32
        %add3A_2062 = vector.broadcast %add3A_2061 : i32 to vector<16xi32>
        %add3A_2063 = arith.addi %add3A_1964, %add3A_2062 : vector<16xi32>
        %gather3A_2064 = arith.constant 0 : i32
        %gather3A_2065 = arith.constant 0 : i32
        %gather3A_2066 = arith.constant 0 : i32
        %gather3A_2067 = tpu.memref_slice %arg4[%scan3A_1255, %gather3A_2064, %gather3A_2065, %gather3A_2066] : memref<3x2x64x64xf32, #tpu.memory_space<vmem>> -> memref<1x2x64x64xf32, #tpu.memory_space<vmem>>
        %gather3A_2068 = tpu.memref_squeeze %gather3A_2067 : memref<1x2x64x64xf32, #tpu.memory_space<vmem>> -> memref<2x64x64xf32, #tpu.memory_space<vmem>>
        %gather3A_2069 = tpu.vector_load_idx %gather3A_2068[%broadcast_in_dim3A_2055, %broadcast_in_dim3A_2060, %add3A_2063] : memref<2x64x64xf32, #tpu.memory_space<vmem>>[vector<16xi32>, vector<16xi32>, vector<16xi32>], vector<16xf32>,
        %swap3A_2070 = arith.constant 1 : i32
        %swap3A_2071 = arith.constant 4 : i32
        %swap3A_2072 = arith.index_cast %swap3A_2070 : i32 to index
        %swap3A_2073 = arith.index_cast %swap3A_2071 : i32 to index
        %swap3A_2074 = arith.index_cast %shift_right_arithmetic3A_1953 : i32 to index
        %swap3A_2075 = arith.index_cast %mul3A_1957 : i32 to index
        %swap3A_2076 = tpu.vector_load %arg5[%swap3A_2072, %swap3A_2073, %swap3A_2074, %swap3A_2075] {strides = array<i32>} : memref<2x8x32x32xf32, #tpu.memory_space<vmem>>, vector<16xf32>,
        tpu.vector_store %arg5[%swap3A_2072, %swap3A_2073, %swap3A_2074, %swap3A_2075], %gather3A_2069 {strides = array<i32>} : memref<2x8x32x32xf32, #tpu.memory_space<vmem>>, vector<16xf32>,
        %broadcast_in_dim3A_2077 = arith.constant 1 : i32
        %broadcast_in_dim3A_2078 = vector.broadcast %broadcast_in_dim3A_2077 : i32 to vector<16xi32>
        %mul3A_2079 = arith.constant 2 : i32
        %mul3A_2080 = arith.muli %mul3A_2079, %shift_right_arithmetic3A_1953 : i32
        %add3A_2081 = arith.constant 0 : i32
        %add3A_2082 = arith.addi %mul3A_2080, %add3A_2081 : i32
        %broadcast_in_dim3A_2083 = vector.broadcast %add3A_2082 : i32 to vector<16xi32>
        %add3A_2084 = arith.constant 1 : i32
        %add3A_2085 = vector.broadcast %add3A_2084 : i32 to vector<16xi32>
        %add3A_2086 = arith.addi %add3A_1964, %add3A_2085 : vector<16xi32>
        %gather3A_2087 = arith.constant 0 : i32
        %gather3A_2088 = arith.constant 0 : i32
        %gather3A_2089 = arith.constant 0 : i32
        %gather3A_2090 = tpu.memref_slice %arg4[%scan3A_1255, %gather3A_2087, %gather3A_2088, %gather3A_2089] : memref<3x2x64x64xf32, #tpu.memory_space<vmem>> -> memref<1x2x64x64xf32, #tpu.memory_space<vmem>>
        %gather3A_2091 = tpu.memref_squeeze %gather3A_2090 : memref<1x2x64x64xf32, #tpu.memory_space<vmem>> -> memref<2x64x64xf32, #tpu.memory_space<vmem>>
        %gather3A_2092 = tpu.vector_load_idx %gather3A_2091[%broadcast_in_dim3A_2078, %broadcast_in_dim3A_2083, %add3A_2086] : memref<2x64x64xf32, #tpu.memory_space<vmem>>[vector<16xi32>, vector<16xi32>, vector<16xi32>], vector<16xf32>,
        %swap3A_2093 = arith.constant 1 : i32
        %swap3A_2094 = arith.constant 5 : i32
        %swap3A_2095 = arith.index_cast %swap3A_2093 : i32 to index
        %swap3A_2096 = arith.index_cast %swap3A_2094 : i32 to index
        %swap3A_2097 = arith.index_cast %shift_right_arithmetic3A_1953 : i32 to index
        %swap3A_2098 = arith.index_cast %mul3A_1957 : i32 to index
        %swap3A_2099 = tpu.vector_load %arg5[%swap3A_2095, %swap3A_2096, %swap3A_2097, %swap3A_2098] {strides = array<i32>} : memref<2x8x32x32xf32, #tpu.memory_space<vmem>>, vector<16xf32>,
        tpu.vector_store %arg5[%swap3A_2095, %swap3A_2096, %swap3A_2097, %swap3A_2098], %gather3A_2092 {strides = array<i32>} : memref<2x8x32x32xf32, #tpu.memory_space<vmem>>, vector<16xf32>,
        %broadcast_in_dim3A_2100 = arith.constant 1 : i32
        %broadcast_in_dim3A_2101 = vector.broadcast %broadcast_in_dim3A_2100 : i32 to vector<16xi32>
        %mul3A_2102 = arith.constant 2 : i32
        %mul3A_2103 = arith.muli %mul3A_2102, %shift_right_arithmetic3A_1953 : i32
        %add3A_2104 = arith.constant 1 : i32
        %add3A_2105 = arith.addi %mul3A_2103, %add3A_2104 : i32
        %broadcast_in_dim3A_2106 = vector.broadcast %add3A_2105 : i32 to vector<16xi32>
        %add3A_2107 = arith.constant 0 : i32
        %add3A_2108 = vector.broadcast %add3A_2107 : i32 to vector<16xi32>
        %add3A_2109 = arith.addi %add3A_1964, %add3A_2108 : vector<16xi32>
        %gather3A_2110 = arith.constant 0 : i32
        %gather3A_2111 = arith.constant 0 : i32
        %gather3A_2112 = arith.constant 0 : i32
        %gather3A_2113 = tpu.memref_slice %arg4[%scan3A_1255, %gather3A_2110, %gather3A_2111, %gather3A_2112] : memref<3x2x64x64xf32, #tpu.memory_space<vmem>> -> memref<1x2x64x64xf32, #tpu.memory_space<vmem>>
        %gather3A_2114 = tpu.memref_squeeze %gather3A_2113 : memref<1x2x64x64xf32, #tpu.memory_space<vmem>> -> memref<2x64x64xf32, #tpu.memory_space<vmem>>
        %gather3A_2115 = tpu.vector_load_idx %gather3A_2114[%broadcast_in_dim3A_2101, %broadcast_in_dim3A_2106, %add3A_2109] : memref<2x64x64xf32, #tpu.memory_space<vmem>>[vector<16xi32>, vector<16xi32>, vector<16xi32>], vector<16xf32>,
        %swap3A_2116 = arith.constant 1 : i32
        %swap3A_2117 = arith.constant 6 : i32
        %swap3A_2118 = arith.index_cast %swap3A_2116 : i32 to index
        %swap3A_2119 = arith.index_cast %swap3A_2117 : i32 to index
        %swap3A_2120 = arith.index_cast %shift_right_arithmetic3A_1953 : i32 to index
        %swap3A_2121 = arith.index_cast %mul3A_1957 : i32 to index
        %swap3A_2122 = tpu.vector_load %arg5[%swap3A_2118, %swap3A_2119, %swap3A_2120, %swap3A_2121] {strides = array<i32>} : memref<2x8x32x32xf32, #tpu.memory_space<vmem>>, vector<16xf32>,
        tpu.vector_store %arg5[%swap3A_2118, %swap3A_2119, %swap3A_2120, %swap3A_2121], %gather3A_2115 {strides = array<i32>} : memref<2x8x32x32xf32, #tpu.memory_space<vmem>>, vector<16xf32>,
        %broadcast_in_dim3A_2123 = arith.constant 1 : i32
        %broadcast_in_dim3A_2124 = vector.broadcast %broadcast_in_dim3A_2123 : i32 to vector<16xi32>
        %mul3A_2125 = arith.constant 2 : i32
        %mul3A_2126 = arith.muli %mul3A_2125, %shift_right_arithmetic3A_1953 : i32
        %add3A_2127 = arith.constant 1 : i32
        %add3A_2128 = arith.addi %mul3A_2126, %add3A_2127 : i32
        %broadcast_in_dim3A_2129 = vector.broadcast %add3A_2128 : i32 to vector<16xi32>
        %add3A_2130 = arith.constant 1 : i32
        %add3A_2131 = vector.broadcast %add3A_2130 : i32 to vector<16xi32>
        %add3A_2132 = arith.addi %add3A_1964, %add3A_2131 : vector<16xi32>
        %gather3A_2133 = arith.constant 0 : i32
        %gather3A_2134 = arith.constant 0 : i32
        %gather3A_2135 = arith.constant 0 : i32
        %gather3A_2136 = tpu.memref_slice %arg4[%scan3A_1255, %gather3A_2133, %gather3A_2134, %gather3A_2135] : memref<3x2x64x64xf32, #tpu.memory_space<vmem>> -> memref<1x2x64x64xf32, #tpu.memory_space<vmem>>
        %gather3A_2137 = tpu.memref_squeeze %gather3A_2136 : memref<1x2x64x64xf32, #tpu.memory_space<vmem>> -> memref<2x64x64xf32, #tpu.memory_space<vmem>>
        %gather3A_2138 = tpu.vector_load_idx %gather3A_2137[%broadcast_in_dim3A_2124, %broadcast_in_dim3A_2129, %add3A_2132] : memref<2x64x64xf32, #tpu.memory_space<vmem>>[vector<16xi32>, vector<16xi32>, vector<16xi32>], vector<16xf32>,
        %swap3A_2139 = arith.constant 1 : i32
        %swap3A_2140 = arith.constant 7 : i32
        %swap3A_2141 = arith.index_cast %swap3A_2139 : i32 to index
        %swap3A_2142 = arith.index_cast %swap3A_2140 : i32 to index
        %swap3A_2143 = arith.index_cast %shift_right_arithmetic3A_1953 : i32 to index
        %swap3A_2144 = arith.index_cast %mul3A_1957 : i32 to index
        %swap3A_2145 = tpu.vector_load %arg5[%swap3A_2141, %swap3A_2142, %swap3A_2143, %swap3A_2144] {strides = array<i32>} : memref<2x8x32x32xf32, #tpu.memory_space<vmem>>, vector<16xf32>,
        tpu.vector_store %arg5[%swap3A_2141, %swap3A_2142, %swap3A_2143, %swap3A_2144], %gather3A_2138 {strides = array<i32>} : memref<2x8x32x32xf32, #tpu.memory_space<vmem>>, vector<16xf32>,
      }
      %scan3A_1260 = arith.constant 64 : i32
      %add3A_1261 = arith.addi %mul3A_2, %add3A_1225 : i32
      %jit3A_1262 = arith.constant 1024 : i32
      %div3A_1263 = arith.divsi %add3A_1261, %jit3A_1262 : i32
      %sign3A_1264 = arith.constant 0 : i32
      %sign3A_1265 = arith.cmpi sgt, %add3A_1261, %sign3A_1264 : i32
      %sign3A_1266 = arith.extui %sign3A_1265 : i1 to i32
      %sign3A_1267 = arith.constant 0 : i32
      %sign3A_1268 = arith.cmpi slt, %add3A_1261, %sign3A_1267 : i32
      %sign3A_1269 = arith.extui %sign3A_1268 : i1 to i32
      %sign3A_1270 = arith.subi %sign3A_1266, %sign3A_1269 : i32
      %sign3A_1271 = arith.constant 0 : i32
      %sign3A_1272 = arith.cmpi sgt, %jit3A_1262, %sign3A_1271 : i32
      %sign3A_1273 = arith.extui %sign3A_1272 : i1 to i32
      %sign3A_1274 = arith.constant 0 : i32
      %sign3A_1275 = arith.cmpi slt, %jit3A_1262, %sign3A_1274 : i32
      %sign3A_1276 = arith.extui %sign3A_1275 : i1 to i32
      %sign3A_1277 = arith.subi %sign3A_1273, %sign3A_1276 : i32
      %ne3A_1278 = arith.cmpi ne, %sign3A_1270, %sign3A_1277 : i32
      %rem3A_1279 = arith.remsi %add3A_1261, %jit3A_1262 : i32
      %ne3A_1280 = arith.constant 0 : i32
      %ne3A_1281 = arith.cmpi ne, %rem3A_1279, %ne3A_1280 : i32
      %and3A_1282 = arith.andi %ne3A_1278, %ne3A_1281 : i1
      %sub3A_1283 = arith.constant 1 : i32
      %sub3A_1284 = arith.subi %div3A_1263, %sub3A_1283 : i32
      %select_n3A_1285 = arith.select %and3A_1282, %sub3A_1284, %div3A_1263 : i32
      %jit3A_1286 = arith.constant 1024 : i32
      %eq3A_1287 = arith.constant 0 : i32
      %eq3A_1288 = arith.cmpi eq, %jit3A_1286, %eq3A_1287 : i32
      %jit3A_1289 = arith.constant 1 : i32
      %select_n3A_1290 = arith.select %eq3A_1288, %jit3A_1289, %jit3A_1286 : i32
      %rem3A_1291 = arith.remsi %add3A_1261, %select_n3A_1290 : i32
      %ne3A_1292 = arith.constant 0 : i32
      %ne3A_1293 = arith.cmpi ne, %rem3A_1291, %ne3A_1292 : i32
      %lt3A_1294 = arith.constant 0 : i32
      %lt3A_1295 = arith.cmpi slt, %rem3A_1291, %lt3A_1294 : i32
      %lt3A_1296 = arith.constant 0 : i32
      %lt3A_1297 = arith.cmpi slt, %select_n3A_1290, %lt3A_1296 : i32
      %ne3A_1298 = arith.xori %lt3A_1295, %lt3A_1297 : i1
      %and3A_1299 = arith.andi %ne3A_1298, %ne3A_1293 : i1
      %add3A_1300 = arith.addi %rem3A_1291, %select_n3A_1290 : i32
      %select_n3A_1301 = arith.select %and3A_1299, %add3A_1300, %rem3A_1291 : i32
      %jit3A_1302 = arith.constant 32 : i32
      %div3A_1303 = arith.divsi %select_n3A_1301, %jit3A_1302 : i32
      %sign3A_1304 = arith.constant 0 : i32
      %sign3A_1305 = arith.cmpi sgt, %select_n3A_1301, %sign3A_1304 : i32
      %sign3A_1306 = arith.extui %sign3A_1305 : i1 to i32
      %sign3A_1307 = arith.constant 0 : i32
      %sign3A_1308 = arith.cmpi slt, %select_n3A_1301, %sign3A_1307 : i32
      %sign3A_1309 = arith.extui %sign3A_1308 : i1 to i32
      %sign3A_1310 = arith.subi %sign3A_1306, %sign3A_1309 : i32
      %sign3A_1311 = arith.constant 0 : i32
      %sign3A_1312 = arith.cmpi sgt, %jit3A_1302, %sign3A_1311 : i32
      %sign3A_1313 = arith.extui %sign3A_1312 : i1 to i32
      %sign3A_1314 = arith.constant 0 : i32
      %sign3A_1315 = arith.cmpi slt, %jit3A_1302, %sign3A_1314 : i32
      %sign3A_1316 = arith.extui %sign3A_1315 : i1 to i32
      %sign3A_1317 = arith.subi %sign3A_1313, %sign3A_1316 : i32
      %ne3A_1318 = arith.cmpi ne, %sign3A_1310, %sign3A_1317 : i32
      %rem3A_1319 = arith.remsi %select_n3A_1301, %jit3A_1302 : i32
      %ne3A_1320 = arith.constant 0 : i32
      %ne3A_1321 = arith.cmpi ne, %rem3A_1319, %ne3A_1320 : i32
      %and3A_1322 = arith.andi %ne3A_1318, %ne3A_1321 : i1
      %sub3A_1323 = arith.constant 1 : i32
      %sub3A_1324 = arith.subi %div3A_1303, %sub3A_1323 : i32
      %select_n3A_1325 = arith.select %and3A_1322, %sub3A_1324, %div3A_1303 : i32
      %jit3A_1326 = arith.constant 32 : i32
      %eq3A_1327 = arith.constant 0 : i32
      %eq3A_1328 = arith.cmpi eq, %jit3A_1326, %eq3A_1327 : i32
      %jit3A_1329 = arith.constant 1 : i32
      %select_n3A_1330 = arith.select %eq3A_1328, %jit3A_1329, %jit3A_1326 : i32
      %rem3A_1331 = arith.remsi %select_n3A_1301, %select_n3A_1330 : i32
      %ne3A_1332 = arith.constant 0 : i32
      %ne3A_1333 = arith.cmpi ne, %rem3A_1331, %ne3A_1332 : i32
      %lt3A_1334 = arith.constant 0 : i32
      %lt3A_1335 = arith.cmpi slt, %rem3A_1331, %lt3A_1334 : i32
      %lt3A_1336 = arith.constant 0 : i32
      %lt3A_1337 = arith.cmpi slt, %select_n3A_1330, %lt3A_1336 : i32
      %ne3A_1338 = arith.xori %lt3A_1335, %lt3A_1337 : i1
      %and3A_1339 = arith.andi %ne3A_1338, %ne3A_1333 : i1
      %add3A_1340 = arith.addi %rem3A_1331, %select_n3A_1330 : i32
      %select_n3A_1341 = arith.select %and3A_1339, %add3A_1340, %rem3A_1331 : i32
      %mul3A_1342 = arith.constant 8 : i32
      %mul3A_1343 = arith.muli %select_n3A_1325, %mul3A_1342 : i32
      %dma_start3A_1344 = arith.constant 1 : i32
      %dma_start3A_1345 = arith.constant 0 : i32
      %dma_start3A_1346 = arith.constant 0 : i32
      %dma_start3A_1347 = arith.constant 0 : i32
      %dma_start3A_1348 = tpu.memref_slice %arg5[%dma_start3A_1344, %dma_start3A_1345, %dma_start3A_1346, %dma_start3A_1347] : memref<2x8x32x32xf32, #tpu.memory_space<vmem>> -> memref<1x8x32x32xf32, #tpu.memory_space<vmem>>
      %dma_start3A_1349 = tpu.memref_squeeze %dma_start3A_1348 : memref<1x8x32x32xf32, #tpu.memory_space<vmem>> -> memref<8x32x32xf32, #tpu.memory_space<vmem>>
      %dma_start3A_1350 = arith.constant 0 : i32
      %dma_start3A_1351 = arith.constant 0 : i32
      %dma_start3A_1352 = tpu.memref_slice %arg3[%select_n3A_1285, %mul3A_1343, %select_n3A_1341, %dma_start3A_1350, %dma_start3A_1351] : memref<2x256x32x32x32xf32, #tpu.memory_space<hbm>> -> memref<1x8x1x32x32xf32, #tpu.memory_space<hbm>>
      %dma_start3A_1353 = tpu.memref_squeeze %dma_start3A_1352 : memref<1x8x1x32x32xf32, #tpu.memory_space<hbm>> -> memref<8x32x32xf32, #tpu.memory_space<hbm>>
      %dma_start3A_1354 = arith.constant 0 : i32
      %dma_start3A_1355 = arith.constant 0 : i32
      %dma_start3A_1356 = tpu.memref_slice %arg3[%select_n3A_1285, %mul3A_1343, %select_n3A_1341, %dma_start3A_1354, %dma_start3A_1355] : memref<2x256x32x32x32xf32, #tpu.memory_space<hbm>> -> memref<1x8x1x32x32xf32, #tpu.memory_space<hbm>>
      %dma_start3A_1357 = tpu.memref_squeeze %dma_start3A_1356 : memref<1x8x1x32x32xf32, #tpu.memory_space<hbm>> -> memref<8x32x32xf32, #tpu.memory_space<hbm>>
      %dma_start3A_1358 = arith.constant 0 : i32
      %dma_start3A_1359 = arith.constant 0 : i32
      %dma_start3A_1360 = arith.constant 0 : i32
      %dma_start3A_1361 = tpu.memref_slice %arg5[%dma_start3A_1344, %dma_start3A_1358, %dma_start3A_1359, %dma_start3A_1360] : memref<2x8x32x32xf32, #tpu.memory_space<vmem>> -> memref<1x8x32x32xf32, #tpu.memory_space<vmem>>
      %dma_start3A_1362 = tpu.memref_squeeze %dma_start3A_1361 : memref<1x8x32x32xf32, #tpu.memory_space<vmem>> -> memref<8x32x32xf32, #tpu.memory_space<vmem>>
      tpu.enqueue_dma source(%dma_start3A_1362 : memref<8x32x32xf32, #tpu.memory_space<vmem>>) target(%dma_start3A_1357 : memref<8x32x32xf32, #tpu.memory_space<hbm>>) target_semaphore(%arg10 : memref<!tpu.dma_semaphore, #tpu.memory_space<semaphore_mem>>)
      %lt3A_1363 = arith.constant 61 : i32
      %lt3A_1364 = arith.cmpi slt, %add3A_1225, %lt3A_1363 : i32
      %convert_element_type3A_1365 = arith.extui %lt3A_1364 : i1 to i32
      %cond3A_1366 = arith.constant 0 : i32
      %cond3A_1367 = arith.cmpi ne, %convert_element_type3A_1365, %cond3A_1366 : i32
      scf.if %cond3A_1367 {
        %add3A_1952 = arith.constant 3 : i32
        %add3A_1953 = arith.addi %add3A_1225, %add3A_1952 : i32
        %add3A_1954 = arith.addi %mul3A_2, %add3A_1953 : i32
        %jit3A_1955 = arith.constant 1024 : i32
        %div3A_1956 = arith.divsi %add3A_1954, %jit3A_1955 : i32
        %sign3A_1957 = arith.constant 0 : i32
        %sign3A_1958 = arith.cmpi sgt, %add3A_1954, %sign3A_1957 : i32
        %sign3A_1959 = arith.extui %sign3A_1958 : i1 to i32
        %sign3A_1960 = arith.constant 0 : i32
        %sign3A_1961 = arith.cmpi slt, %add3A_1954, %sign3A_1960 : i32
        %sign3A_1962 = arith.extui %sign3A_1961 : i1 to i32
        %sign3A_1963 = arith.subi %sign3A_1959, %sign3A_1962 : i32
        %sign3A_1964 = arith.constant 0 : i32
        %sign3A_1965 = arith.cmpi sgt, %jit3A_1955, %sign3A_1964 : i32
        %sign3A_1966 = arith.extui %sign3A_1965 : i1 to i32
        %sign3A_1967 = arith.constant 0 : i32
        %sign3A_1968 = arith.cmpi slt, %jit3A_1955, %sign3A_1967 : i32
        %sign3A_1969 = arith.extui %sign3A_1968 : i1 to i32
        %sign3A_1970 = arith.subi %sign3A_1966, %sign3A_1969 : i32
        %ne3A_1971 = arith.cmpi ne, %sign3A_1963, %sign3A_1970 : i32
        %rem3A_1972 = arith.remsi %add3A_1954, %jit3A_1955 : i32
        %ne3A_1973 = arith.constant 0 : i32
        %ne3A_1974 = arith.cmpi ne, %rem3A_1972, %ne3A_1973 : i32
        %and3A_1975 = arith.andi %ne3A_1971, %ne3A_1974 : i1
        %sub3A_1976 = arith.constant 1 : i32
        %sub3A_1977 = arith.subi %div3A_1956, %sub3A_1976 : i32
        %select_n3A_1978 = arith.select %and3A_1975, %sub3A_1977, %div3A_1956 : i32
        %jit3A_1979 = arith.constant 1024 : i32
        %eq3A_1980 = arith.constant 0 : i32
        %eq3A_1981 = arith.cmpi eq, %jit3A_1979, %eq3A_1980 : i32
        %jit3A_1982 = arith.constant 1 : i32
        %select_n3A_1983 = arith.select %eq3A_1981, %jit3A_1982, %jit3A_1979 : i32
        %rem3A_1984 = arith.remsi %add3A_1954, %select_n3A_1983 : i32
        %ne3A_1985 = arith.constant 0 : i32
        %ne3A_1986 = arith.cmpi ne, %rem3A_1984, %ne3A_1985 : i32
        %lt3A_1987 = arith.constant 0 : i32
        %lt3A_1988 = arith.cmpi slt, %rem3A_1984, %lt3A_1987 : i32
        %lt3A_1989 = arith.constant 0 : i32
        %lt3A_1990 = arith.cmpi slt, %select_n3A_1983, %lt3A_1989 : i32
        %ne3A_1991 = arith.xori %lt3A_1988, %lt3A_1990 : i1
        %and3A_1992 = arith.andi %ne3A_1991, %ne3A_1986 : i1
        %add3A_1993 = arith.addi %rem3A_1984, %select_n3A_1983 : i32
        %select_n3A_1994 = arith.select %and3A_1992, %add3A_1993, %rem3A_1984 : i32
        %jit3A_1995 = arith.constant 32 : i32
        %div3A_1996 = arith.divsi %select_n3A_1994, %jit3A_1995 : i32
        %sign3A_1997 = arith.constant 0 : i32
        %sign3A_1998 = arith.cmpi sgt, %select_n3A_1994, %sign3A_1997 : i32
        %sign3A_1999 = arith.extui %sign3A_1998 : i1 to i32
        %sign3A_2000 = arith.constant 0 : i32
        %sign3A_2001 = arith.cmpi slt, %select_n3A_1994, %sign3A_2000 : i32
        %sign3A_2002 = arith.extui %sign3A_2001 : i1 to i32
        %sign3A_2003 = arith.subi %sign3A_1999, %sign3A_2002 : i32
        %sign3A_2004 = arith.constant 0 : i32
        %sign3A_2005 = arith.cmpi sgt, %jit3A_1995, %sign3A_2004 : i32
        %sign3A_2006 = arith.extui %sign3A_2005 : i1 to i32
        %sign3A_2007 = arith.constant 0 : i32
        %sign3A_2008 = arith.cmpi slt, %jit3A_1995, %sign3A_2007 : i32
        %sign3A_2009 = arith.extui %sign3A_2008 : i1 to i32
        %sign3A_2010 = arith.subi %sign3A_2006, %sign3A_2009 : i32
        %ne3A_2011 = arith.cmpi ne, %sign3A_2003, %sign3A_2010 : i32
        %rem3A_2012 = arith.remsi %select_n3A_1994, %jit3A_1995 : i32
        %ne3A_2013 = arith.constant 0 : i32
        %ne3A_2014 = arith.cmpi ne, %rem3A_2012, %ne3A_2013 : i32
        %and3A_2015 = arith.andi %ne3A_2011, %ne3A_2014 : i1
        %sub3A_2016 = arith.constant 1 : i32
        %sub3A_2017 = arith.subi %div3A_1996, %sub3A_2016 : i32
        %select_n3A_2018 = arith.select %and3A_2015, %sub3A_2017, %div3A_1996 : i32
        %jit3A_2019 = arith.constant 32 : i32
        %eq3A_2020 = arith.constant 0 : i32
        %eq3A_2021 = arith.cmpi eq, %jit3A_2019, %eq3A_2020 : i32
        %jit3A_2022 = arith.constant 1 : i32
        %select_n3A_2023 = arith.select %eq3A_2021, %jit3A_2022, %jit3A_2019 : i32
        %rem3A_2024 = arith.remsi %select_n3A_1994, %select_n3A_2023 : i32
        %ne3A_2025 = arith.constant 0 : i32
        %ne3A_2026 = arith.cmpi ne, %rem3A_2024, %ne3A_2025 : i32
        %lt3A_2027 = arith.constant 0 : i32
        %lt3A_2028 = arith.cmpi slt, %rem3A_2024, %lt3A_2027 : i32
        %lt3A_2029 = arith.constant 0 : i32
        %lt3A_2030 = arith.cmpi slt, %select_n3A_2023, %lt3A_2029 : i32
        %ne3A_2031 = arith.xori %lt3A_2028, %lt3A_2030 : i1
        %and3A_2032 = arith.andi %ne3A_2031, %ne3A_2026 : i1
        %add3A_2033 = arith.addi %rem3A_2024, %select_n3A_2023 : i32
        %select_n3A_2034 = arith.select %and3A_2032, %add3A_2033, %rem3A_2024 : i32
        %mul3A_2035 = arith.constant 2 : i32
        %mul3A_2036 = arith.muli %mul3A_2035, %select_n3A_2034 : i32
        %dma_start3A_2037 = arith.constant 1 : i32
        %dma_start3A_2038 = arith.constant 0 : i32
        %dma_start3A_2039 = arith.constant 0 : i32
        %dma_start3A_2040 = arith.constant 0 : i32
        %dma_start3A_2041 = tpu.memref_slice %arg4[%dma_start3A_2037, %dma_start3A_2038, %dma_start3A_2039, %dma_start3A_2040] : memref<3x2x64x64xf32, #tpu.memory_space<vmem>> -> memref<1x2x64x64xf32, #tpu.memory_space<vmem>>
        %dma_start3A_2042 = tpu.memref_squeeze %dma_start3A_2041 : memref<1x2x64x64xf32, #tpu.memory_space<vmem>> -> memref<2x64x64xf32, #tpu.memory_space<vmem>>
        %dma_start3A_2043 = arith.constant 0 : i32
        %dma_start3A_2044 = arith.constant 0 : i32
        %dma_start3A_2045 = tpu.memref_slice %arg2[%select_n3A_1978, %select_n3A_2018, %mul3A_2036, %dma_start3A_2043, %dma_start3A_2044] : memref<2x32x64x64x64xf32, #tpu.memory_space<hbm>> -> memref<1x1x2x64x64xf32, #tpu.memory_space<hbm>>
        %dma_start3A_2046 = tpu.memref_squeeze %dma_start3A_2045 : memref<1x1x2x64x64xf32, #tpu.memory_space<hbm>> -> memref<2x64x64xf32, #tpu.memory_space<hbm>>
        %dma_start3A_2047 = arith.constant 0 : i32
        %dma_start3A_2048 = arith.constant 0 : i32
        %dma_start3A_2049 = arith.constant 0 : i32
        %dma_start3A_2050 = tpu.memref_slice %arg4[%dma_start3A_2037, %dma_start3A_2047, %dma_start3A_2048, %dma_start3A_2049] : memref<3x2x64x64xf32, #tpu.memory_space<vmem>> -> memref<1x2x64x64xf32, #tpu.memory_space<vmem>>
        %dma_start3A_2051 = tpu.memref_squeeze %dma_start3A_2050 : memref<1x2x64x64xf32, #tpu.memory_space<vmem>> -> memref<2x64x64xf32, #tpu.memory_space<vmem>>
        %dma_start3A_2052 = arith.constant 0 : i32
        %dma_start3A_2053 = arith.constant 0 : i32
        %dma_start3A_2054 = tpu.memref_slice %arg2[%select_n3A_1978, %select_n3A_2018, %mul3A_2036, %dma_start3A_2052, %dma_start3A_2053] : memref<2x32x64x64x64xf32, #tpu.memory_space<hbm>> -> memref<1x1x2x64x64xf32, #tpu.memory_space<hbm>>
        %dma_start3A_2055 = tpu.memref_squeeze %dma_start3A_2054 : memref<1x1x2x64x64xf32, #tpu.memory_space<hbm>> -> memref<2x64x64xf32, #tpu.memory_space<hbm>>
        tpu.enqueue_dma source(%dma_start3A_2055 : memref<2x64x64xf32, #tpu.memory_space<hbm>>) target(%dma_start3A_2051 : memref<2x64x64xf32, #tpu.memory_space<vmem>>) target_semaphore(%arg7 : memref<!tpu.dma_semaphore, #tpu.memory_space<semaphore_mem>>)
      } else {
      }
      %mul3A_1368 = arith.constant 6 : i32
      %mul3A_1369 = arith.muli %mul3A_1368, %scan3A_1078 : i32
      %add3A_1370 = arith.constant 2 : i32
      %add3A_1371 = arith.addi %mul3A_1369, %add3A_1370 : i32
      %dma_wait3A_1372 = arith.constant 0 : i32
      %dma_wait3A_1373 = arith.constant 0 : i32
      %dma_wait3A_1374 = arith.constant 2 : i32
      %dma_wait3A_1375 = arith.constant 0 : i32
      %dma_wait3A_1376 = arith.constant 0 : i32
      %dma_wait3A_1377 = arith.constant 0 : i32
      %dma_wait3A_1378 = tpu.memref_slice %arg4[%dma_wait3A_1374, %dma_wait3A_1375, %dma_wait3A_1376, %dma_wait3A_1377] : memref<3x2x64x64xf32, #tpu.memory_space<vmem>> -> memref<1x2x64x64xf32, #tpu.memory_space<vmem>>
      %dma_wait3A_1379 = tpu.memref_squeeze %dma_wait3A_1378 : memref<1x2x64x64xf32, #tpu.memory_space<vmem>> -> memref<2x64x64xf32, #tpu.memory_space<vmem>>
      %dma_wait3A_1380 = arith.constant 0 : i32
      %dma_wait3A_1381 = arith.constant 0 : i32
      %dma_wait3A_1382 = arith.constant 0 : i32
      %dma_wait3A_1383 = tpu.memref_slice %arg2[%dma_wait3A_1372, %dma_wait3A_1373, %dma_wait3A_1380, %dma_wait3A_1381, %dma_wait3A_1382] : memref<2x32x64x64x64xf32, #tpu.memory_space<hbm>> -> memref<1x1x2x64x64xf32, #tpu.memory_space<hbm>>
      %dma_wait3A_1384 = tpu.memref_squeeze %dma_wait3A_1383 : memref<1x1x2x64x64xf32, #tpu.memory_space<hbm>> -> memref<2x64x64xf32, #tpu.memory_space<hbm>>
      %dma_wait3A_1385 = arith.constant 0 : i32
      %dma_wait3A_1386 = arith.constant 0 : i32
      %dma_wait3A_1387 = arith.constant 0 : i32
      %dma_wait3A_1388 = tpu.memref_slice %arg4[%dma_wait3A_1374, %dma_wait3A_1385, %dma_wait3A_1386, %dma_wait3A_1387] : memref<3x2x64x64xf32, #tpu.memory_space<vmem>> -> memref<1x2x64x64xf32, #tpu.memory_space<vmem>>
      %dma_wait3A_1389 = tpu.memref_squeeze %dma_wait3A_1388 : memref<1x2x64x64xf32, #tpu.memory_space<vmem>> -> memref<2x64x64xf32, #tpu.memory_space<vmem>>
      %dma_wait3A_1390 = arith.constant 0 : i32
      %dma_wait3A_1391 = arith.constant 0 : i32
      %dma_wait3A_1392 = arith.constant 0 : i32
      %dma_wait3A_1393 = tpu.memref_slice %arg2[%dma_wait3A_1372, %dma_wait3A_1373, %dma_wait3A_1390, %dma_wait3A_1391, %dma_wait3A_1392] : memref<2x32x64x64x64xf32, #tpu.memory_space<hbm>> -> memref<1x1x2x64x64xf32, #tpu.memory_space<hbm>>
      %dma_wait3A_1394 = tpu.memref_squeeze %dma_wait3A_1393 : memref<1x1x2x64x64xf32, #tpu.memory_space<hbm>> -> memref<2x64x64xf32, #tpu.memory_space<hbm>>
      tpu.wait_dma2 semaphore(%arg8 : memref<!tpu.dma_semaphore, #tpu.memory_space<semaphore_mem>>) src(%dma_wait3A_1394 : memref<2x64x64xf32, #tpu.memory_space<hbm>>) dst(%dma_wait3A_1389 : memref<2x64x64xf32, #tpu.memory_space<vmem>>)
      %ge3A_1395 = arith.constant 2 : i32
      %ge3A_1396 = arith.cmpi sge, %add3A_1371, %ge3A_1395 : i32
      %convert_element_type3A_1397 = arith.extui %ge3A_1396 : i1 to i32
      %cond3A_1398 = arith.constant 0 : i32
      %cond3A_1399 = arith.cmpi ne, %convert_element_type3A_1397, %cond3A_1398 : i32
      scf.if %cond3A_1399 {
        %dma_wait3A_1952 = arith.constant 0 : i32
        %dma_wait3A_1953 = arith.constant 0 : i32
        %dma_wait3A_1954 = arith.constant 0 : i32
        %dma_wait3A_1955 = arith.constant 0 : i32
        %dma_wait3A_1956 = arith.constant 0 : i32
        %dma_wait3A_1957 = arith.constant 0 : i32
        %dma_wait3A_1958 = tpu.memref_slice %arg5[%dma_wait3A_1952, %dma_wait3A_1955, %dma_wait3A_1956, %dma_wait3A_1957] : memref<2x8x32x32xf32, #tpu.memory_space<vmem>> -> memref<1x8x32x32xf32, #tpu.memory_space<vmem>>
        %dma_wait3A_1959 = tpu.memref_squeeze %dma_wait3A_1958 : memref<1x8x32x32xf32, #tpu.memory_space<vmem>> -> memref<8x32x32xf32, #tpu.memory_space<vmem>>
        %dma_wait3A_1960 = arith.constant 0 : i32
        %dma_wait3A_1961 = arith.constant 0 : i32
        %dma_wait3A_1962 = arith.constant 0 : i32
        %dma_wait3A_1963 = tpu.memref_slice %arg3[%dma_wait3A_1953, %dma_wait3A_1960, %dma_wait3A_1954, %dma_wait3A_1961, %dma_wait3A_1962] : memref<2x256x32x32x32xf32, #tpu.memory_space<hbm>> -> memref<1x8x1x32x32xf32, #tpu.memory_space<hbm>>
        %dma_wait3A_1964 = tpu.memref_squeeze %dma_wait3A_1963 : memref<1x8x1x32x32xf32, #tpu.memory_space<hbm>> -> memref<8x32x32xf32, #tpu.memory_space<hbm>>
        %dma_wait3A_1965 = arith.constant 0 : i32
        %dma_wait3A_1966 = arith.constant 0 : i32
        %dma_wait3A_1967 = arith.constant 0 : i32
        %dma_wait3A_1968 = tpu.memref_slice %arg3[%dma_wait3A_1953, %dma_wait3A_1965, %dma_wait3A_1954, %dma_wait3A_1966, %dma_wait3A_1967] : memref<2x256x32x32x32xf32, #tpu.memory_space<hbm>> -> memref<1x8x1x32x32xf32, #tpu.memory_space<hbm>>
        %dma_wait3A_1969 = tpu.memref_squeeze %dma_wait3A_1968 : memref<1x8x1x32x32xf32, #tpu.memory_space<hbm>> -> memref<8x32x32xf32, #tpu.memory_space<hbm>>
        %dma_wait3A_1970 = arith.constant 0 : i32
        %dma_wait3A_1971 = arith.constant 0 : i32
        %dma_wait3A_1972 = arith.constant 0 : i32
        %dma_wait3A_1973 = tpu.memref_slice %arg5[%dma_wait3A_1952, %dma_wait3A_1970, %dma_wait3A_1971, %dma_wait3A_1972] : memref<2x8x32x32xf32, #tpu.memory_space<vmem>> -> memref<1x8x32x32xf32, #tpu.memory_space<vmem>>
        %dma_wait3A_1974 = tpu.memref_squeeze %dma_wait3A_1973 : memref<1x8x32x32xf32, #tpu.memory_space<vmem>> -> memref<8x32x32xf32, #tpu.memory_space<vmem>>
        tpu.wait_dma2 semaphore(%arg9 : memref<!tpu.dma_semaphore, #tpu.memory_space<semaphore_mem>>) src(%dma_wait3A_1974 : memref<8x32x32xf32, #tpu.memory_space<vmem>>) dst(%dma_wait3A_1969 : memref<8x32x32xf32, #tpu.memory_space<hbm>>)
      } else {
      }
      %scan3A_1400 = arith.constant 0 : i32
      %scan3A_1401 = arith.constant 2 : i32
      %scan3A_1402 = arith.constant 0 : i32
      %scan3A_1403 = arith.constant 64 : i32
      %scan3A_1404 = arith.addi %scan3A_1402, %scan3A_1403 : i32
      %scan3A_1405 = arith.constant 1 : i32
      scf.for %scan3A_1952 = %scan3A_1402 to %scan3A_1404 step %scan3A_1405  : i32 {
        %shift_right_arithmetic3A = arith.constant 1 : i32
        %shift_right_arithmetic3A_1953 = arith.shrsi %scan3A_1952, %shift_right_arithmetic3A : i32
        %and3A_1954 = arith.constant 1 : i32
        %and3A_1955 = arith.andi %scan3A_1952, %and3A_1954 : i32
        %mul3A_1956 = arith.constant 16 : i32
        %mul3A_1957 = arith.muli %and3A_1955, %mul3A_1956 : i32
        %mul3A_1958 = arith.constant 2 : i32
        %mul3A_1959 = arith.muli %mul3A_1958, %mul3A_1957 : i32
        %mul3A_1960 = arith.constant 2 : i32
        %mul3A_1961 = vector.broadcast %mul3A_1960 : i32 to vector<16xi32>
        %mul3A_1962 = arith.muli %iota3A, %mul3A_1961 : vector<16xi32>
        %add3A_1963 = vector.broadcast %mul3A_1959 : i32 to vector<16xi32>
        %add3A_1964 = arith.addi %add3A_1963, %mul3A_1962 : vector<16xi32>
        %broadcast_in_dim3A = arith.constant 0 : i32
        %broadcast_in_dim3A_1965 = vector.broadcast %broadcast_in_dim3A : i32 to vector<16xi32>
        %mul3A_1966 = arith.constant 2 : i32
        %mul3A_1967 = arith.muli %mul3A_1966, %shift_right_arithmetic3A_1953 : i32
        %add3A_1968 = arith.constant 0 : i32
        %add3A_1969 = arith.addi %mul3A_1967, %add3A_1968 : i32
        %broadcast_in_dim3A_1970 = vector.broadcast %add3A_1969 : i32 to vector<16xi32>
        %add3A_1971 = arith.constant 0 : i32
        %add3A_1972 = vector.broadcast %add3A_1971 : i32 to vector<16xi32>
        %add3A_1973 = arith.addi %add3A_1964, %add3A_1972 : vector<16xi32>
        %gather3A = arith.constant 0 : i32
        %gather3A_1974 = arith.constant 0 : i32
        %gather3A_1975 = arith.constant 0 : i32
        %gather3A_1976 = tpu.memref_slice %arg4[%scan3A_1401, %gather3A, %gather3A_1974, %gather3A_1975] : memref<3x2x64x64xf32, #tpu.memory_space<vmem>> -> memref<1x2x64x64xf32, #tpu.memory_space<vmem>>
        %gather3A_1977 = tpu.memref_squeeze %gather3A_1976 : memref<1x2x64x64xf32, #tpu.memory_space<vmem>> -> memref<2x64x64xf32, #tpu.memory_space<vmem>>
        %gather3A_1978 = tpu.vector_load_idx %gather3A_1977[%broadcast_in_dim3A_1965, %broadcast_in_dim3A_1970, %add3A_1973] : memref<2x64x64xf32, #tpu.memory_space<vmem>>[vector<16xi32>, vector<16xi32>, vector<16xi32>], vector<16xf32>,
        %swap3A = arith.constant 0 : i32
        %swap3A_1979 = arith.constant 0 : i32
        %swap3A_1980 = arith.index_cast %swap3A : i32 to index
        %swap3A_1981 = arith.index_cast %swap3A_1979 : i32 to index
        %swap3A_1982 = arith.index_cast %shift_right_arithmetic3A_1953 : i32 to index
        %swap3A_1983 = arith.index_cast %mul3A_1957 : i32 to index
        %swap3A_1984 = tpu.vector_load %arg5[%swap3A_1980, %swap3A_1981, %swap3A_1982, %swap3A_1983] {strides = array<i32>} : memref<2x8x32x32xf32, #tpu.memory_space<vmem>>, vector<16xf32>,
        tpu.vector_store %arg5[%swap3A_1980, %swap3A_1981, %swap3A_1982, %swap3A_1983], %gather3A_1978 {strides = array<i32>} : memref<2x8x32x32xf32, #tpu.memory_space<vmem>>, vector<16xf32>,
        %broadcast_in_dim3A_1985 = arith.constant 0 : i32
        %broadcast_in_dim3A_1986 = vector.broadcast %broadcast_in_dim3A_1985 : i32 to vector<16xi32>
        %mul3A_1987 = arith.constant 2 : i32
        %mul3A_1988 = arith.muli %mul3A_1987, %shift_right_arithmetic3A_1953 : i32
        %add3A_1989 = arith.constant 0 : i32
        %add3A_1990 = arith.addi %mul3A_1988, %add3A_1989 : i32
        %broadcast_in_dim3A_1991 = vector.broadcast %add3A_1990 : i32 to vector<16xi32>
        %add3A_1992 = arith.constant 1 : i32
        %add3A_1993 = vector.broadcast %add3A_1992 : i32 to vector<16xi32>
        %add3A_1994 = arith.addi %add3A_1964, %add3A_1993 : vector<16xi32>
        %gather3A_1995 = arith.constant 0 : i32
        %gather3A_1996 = arith.constant 0 : i32
        %gather3A_1997 = arith.constant 0 : i32
        %gather3A_1998 = tpu.memref_slice %arg4[%scan3A_1401, %gather3A_1995, %gather3A_1996, %gather3A_1997] : memref<3x2x64x64xf32, #tpu.memory_space<vmem>> -> memref<1x2x64x64xf32, #tpu.memory_space<vmem>>
        %gather3A_1999 = tpu.memref_squeeze %gather3A_1998 : memref<1x2x64x64xf32, #tpu.memory_space<vmem>> -> memref<2x64x64xf32, #tpu.memory_space<vmem>>
        %gather3A_2000 = tpu.vector_load_idx %gather3A_1999[%broadcast_in_dim3A_1986, %broadcast_in_dim3A_1991, %add3A_1994] : memref<2x64x64xf32, #tpu.memory_space<vmem>>[vector<16xi32>, vector<16xi32>, vector<16xi32>], vector<16xf32>,
        %swap3A_2001 = arith.constant 0 : i32
        %swap3A_2002 = arith.constant 1 : i32
        %swap3A_2003 = arith.index_cast %swap3A_2001 : i32 to index
        %swap3A_2004 = arith.index_cast %swap3A_2002 : i32 to index
        %swap3A_2005 = arith.index_cast %shift_right_arithmetic3A_1953 : i32 to index
        %swap3A_2006 = arith.index_cast %mul3A_1957 : i32 to index
        %swap3A_2007 = tpu.vector_load %arg5[%swap3A_2003, %swap3A_2004, %swap3A_2005, %swap3A_2006] {strides = array<i32>} : memref<2x8x32x32xf32, #tpu.memory_space<vmem>>, vector<16xf32>,
        tpu.vector_store %arg5[%swap3A_2003, %swap3A_2004, %swap3A_2005, %swap3A_2006], %gather3A_2000 {strides = array<i32>} : memref<2x8x32x32xf32, #tpu.memory_space<vmem>>, vector<16xf32>,
        %broadcast_in_dim3A_2008 = arith.constant 0 : i32
        %broadcast_in_dim3A_2009 = vector.broadcast %broadcast_in_dim3A_2008 : i32 to vector<16xi32>
        %mul3A_2010 = arith.constant 2 : i32
        %mul3A_2011 = arith.muli %mul3A_2010, %shift_right_arithmetic3A_1953 : i32
        %add3A_2012 = arith.constant 1 : i32
        %add3A_2013 = arith.addi %mul3A_2011, %add3A_2012 : i32
        %broadcast_in_dim3A_2014 = vector.broadcast %add3A_2013 : i32 to vector<16xi32>
        %add3A_2015 = arith.constant 0 : i32
        %add3A_2016 = vector.broadcast %add3A_2015 : i32 to vector<16xi32>
        %add3A_2017 = arith.addi %add3A_1964, %add3A_2016 : vector<16xi32>
        %gather3A_2018 = arith.constant 0 : i32
        %gather3A_2019 = arith.constant 0 : i32
        %gather3A_2020 = arith.constant 0 : i32
        %gather3A_2021 = tpu.memref_slice %arg4[%scan3A_1401, %gather3A_2018, %gather3A_2019, %gather3A_2020] : memref<3x2x64x64xf32, #tpu.memory_space<vmem>> -> memref<1x2x64x64xf32, #tpu.memory_space<vmem>>
        %gather3A_2022 = tpu.memref_squeeze %gather3A_2021 : memref<1x2x64x64xf32, #tpu.memory_space<vmem>> -> memref<2x64x64xf32, #tpu.memory_space<vmem>>
        %gather3A_2023 = tpu.vector_load_idx %gather3A_2022[%broadcast_in_dim3A_2009, %broadcast_in_dim3A_2014, %add3A_2017] : memref<2x64x64xf32, #tpu.memory_space<vmem>>[vector<16xi32>, vector<16xi32>, vector<16xi32>], vector<16xf32>,
        %swap3A_2024 = arith.constant 0 : i32
        %swap3A_2025 = arith.constant 2 : i32
        %swap3A_2026 = arith.index_cast %swap3A_2024 : i32 to index
        %swap3A_2027 = arith.index_cast %swap3A_2025 : i32 to index
        %swap3A_2028 = arith.index_cast %shift_right_arithmetic3A_1953 : i32 to index
        %swap3A_2029 = arith.index_cast %mul3A_1957 : i32 to index
        %swap3A_2030 = tpu.vector_load %arg5[%swap3A_2026, %swap3A_2027, %swap3A_2028, %swap3A_2029] {strides = array<i32>} : memref<2x8x32x32xf32, #tpu.memory_space<vmem>>, vector<16xf32>,
        tpu.vector_store %arg5[%swap3A_2026, %swap3A_2027, %swap3A_2028, %swap3A_2029], %gather3A_2023 {strides = array<i32>} : memref<2x8x32x32xf32, #tpu.memory_space<vmem>>, vector<16xf32>,
        %broadcast_in_dim3A_2031 = arith.constant 0 : i32
        %broadcast_in_dim3A_2032 = vector.broadcast %broadcast_in_dim3A_2031 : i32 to vector<16xi32>
        %mul3A_2033 = arith.constant 2 : i32
        %mul3A_2034 = arith.muli %mul3A_2033, %shift_right_arithmetic3A_1953 : i32
        %add3A_2035 = arith.constant 1 : i32
        %add3A_2036 = arith.addi %mul3A_2034, %add3A_2035 : i32
        %broadcast_in_dim3A_2037 = vector.broadcast %add3A_2036 : i32 to vector<16xi32>
        %add3A_2038 = arith.constant 1 : i32
        %add3A_2039 = vector.broadcast %add3A_2038 : i32 to vector<16xi32>
        %add3A_2040 = arith.addi %add3A_1964, %add3A_2039 : vector<16xi32>
        %gather3A_2041 = arith.constant 0 : i32
        %gather3A_2042 = arith.constant 0 : i32
        %gather3A_2043 = arith.constant 0 : i32
        %gather3A_2044 = tpu.memref_slice %arg4[%scan3A_1401, %gather3A_2041, %gather3A_2042, %gather3A_2043] : memref<3x2x64x64xf32, #tpu.memory_space<vmem>> -> memref<1x2x64x64xf32, #tpu.memory_space<vmem>>
        %gather3A_2045 = tpu.memref_squeeze %gather3A_2044 : memref<1x2x64x64xf32, #tpu.memory_space<vmem>> -> memref<2x64x64xf32, #tpu.memory_space<vmem>>
        %gather3A_2046 = tpu.vector_load_idx %gather3A_2045[%broadcast_in_dim3A_2032, %broadcast_in_dim3A_2037, %add3A_2040] : memref<2x64x64xf32, #tpu.memory_space<vmem>>[vector<16xi32>, vector<16xi32>, vector<16xi32>], vector<16xf32>,
        %swap3A_2047 = arith.constant 0 : i32
        %swap3A_2048 = arith.constant 3 : i32
        %swap3A_2049 = arith.index_cast %swap3A_2047 : i32 to index
        %swap3A_2050 = arith.index_cast %swap3A_2048 : i32 to index
        %swap3A_2051 = arith.index_cast %shift_right_arithmetic3A_1953 : i32 to index
        %swap3A_2052 = arith.index_cast %mul3A_1957 : i32 to index
        %swap3A_2053 = tpu.vector_load %arg5[%swap3A_2049, %swap3A_2050, %swap3A_2051, %swap3A_2052] {strides = array<i32>} : memref<2x8x32x32xf32, #tpu.memory_space<vmem>>, vector<16xf32>,
        tpu.vector_store %arg5[%swap3A_2049, %swap3A_2050, %swap3A_2051, %swap3A_2052], %gather3A_2046 {strides = array<i32>} : memref<2x8x32x32xf32, #tpu.memory_space<vmem>>, vector<16xf32>,
        %broadcast_in_dim3A_2054 = arith.constant 1 : i32
        %broadcast_in_dim3A_2055 = vector.broadcast %broadcast_in_dim3A_2054 : i32 to vector<16xi32>
        %mul3A_2056 = arith.constant 2 : i32
        %mul3A_2057 = arith.muli %mul3A_2056, %shift_right_arithmetic3A_1953 : i32
        %add3A_2058 = arith.constant 0 : i32
        %add3A_2059 = arith.addi %mul3A_2057, %add3A_2058 : i32
        %broadcast_in_dim3A_2060 = vector.broadcast %add3A_2059 : i32 to vector<16xi32>
        %add3A_2061 = arith.constant 0 : i32
        %add3A_2062 = vector.broadcast %add3A_2061 : i32 to vector<16xi32>
        %add3A_2063 = arith.addi %add3A_1964, %add3A_2062 : vector<16xi32>
        %gather3A_2064 = arith.constant 0 : i32
        %gather3A_2065 = arith.constant 0 : i32
        %gather3A_2066 = arith.constant 0 : i32
        %gather3A_2067 = tpu.memref_slice %arg4[%scan3A_1401, %gather3A_2064, %gather3A_2065, %gather3A_2066] : memref<3x2x64x64xf32, #tpu.memory_space<vmem>> -> memref<1x2x64x64xf32, #tpu.memory_space<vmem>>
        %gather3A_2068 = tpu.memref_squeeze %gather3A_2067 : memref<1x2x64x64xf32, #tpu.memory_space<vmem>> -> memref<2x64x64xf32, #tpu.memory_space<vmem>>
        %gather3A_2069 = tpu.vector_load_idx %gather3A_2068[%broadcast_in_dim3A_2055, %broadcast_in_dim3A_2060, %add3A_2063] : memref<2x64x64xf32, #tpu.memory_space<vmem>>[vector<16xi32>, vector<16xi32>, vector<16xi32>], vector<16xf32>,
        %swap3A_2070 = arith.constant 0 : i32
        %swap3A_2071 = arith.constant 4 : i32
        %swap3A_2072 = arith.index_cast %swap3A_2070 : i32 to index
        %swap3A_2073 = arith.index_cast %swap3A_2071 : i32 to index
        %swap3A_2074 = arith.index_cast %shift_right_arithmetic3A_1953 : i32 to index
        %swap3A_2075 = arith.index_cast %mul3A_1957 : i32 to index
        %swap3A_2076 = tpu.vector_load %arg5[%swap3A_2072, %swap3A_2073, %swap3A_2074, %swap3A_2075] {strides = array<i32>} : memref<2x8x32x32xf32, #tpu.memory_space<vmem>>, vector<16xf32>,
        tpu.vector_store %arg5[%swap3A_2072, %swap3A_2073, %swap3A_2074, %swap3A_2075], %gather3A_2069 {strides = array<i32>} : memref<2x8x32x32xf32, #tpu.memory_space<vmem>>, vector<16xf32>,
        %broadcast_in_dim3A_2077 = arith.constant 1 : i32
        %broadcast_in_dim3A_2078 = vector.broadcast %broadcast_in_dim3A_2077 : i32 to vector<16xi32>
        %mul3A_2079 = arith.constant 2 : i32
        %mul3A_2080 = arith.muli %mul3A_2079, %shift_right_arithmetic3A_1953 : i32
        %add3A_2081 = arith.constant 0 : i32
        %add3A_2082 = arith.addi %mul3A_2080, %add3A_2081 : i32
        %broadcast_in_dim3A_2083 = vector.broadcast %add3A_2082 : i32 to vector<16xi32>
        %add3A_2084 = arith.constant 1 : i32
        %add3A_2085 = vector.broadcast %add3A_2084 : i32 to vector<16xi32>
        %add3A_2086 = arith.addi %add3A_1964, %add3A_2085 : vector<16xi32>
        %gather3A_2087 = arith.constant 0 : i32
        %gather3A_2088 = arith.constant 0 : i32
        %gather3A_2089 = arith.constant 0 : i32
        %gather3A_2090 = tpu.memref_slice %arg4[%scan3A_1401, %gather3A_2087, %gather3A_2088, %gather3A_2089] : memref<3x2x64x64xf32, #tpu.memory_space<vmem>> -> memref<1x2x64x64xf32, #tpu.memory_space<vmem>>
        %gather3A_2091 = tpu.memref_squeeze %gather3A_2090 : memref<1x2x64x64xf32, #tpu.memory_space<vmem>> -> memref<2x64x64xf32, #tpu.memory_space<vmem>>
        %gather3A_2092 = tpu.vector_load_idx %gather3A_2091[%broadcast_in_dim3A_2078, %broadcast_in_dim3A_2083, %add3A_2086] : memref<2x64x64xf32, #tpu.memory_space<vmem>>[vector<16xi32>, vector<16xi32>, vector<16xi32>], vector<16xf32>,
        %swap3A_2093 = arith.constant 0 : i32
        %swap3A_2094 = arith.constant 5 : i32
        %swap3A_2095 = arith.index_cast %swap3A_2093 : i32 to index
        %swap3A_2096 = arith.index_cast %swap3A_2094 : i32 to index
        %swap3A_2097 = arith.index_cast %shift_right_arithmetic3A_1953 : i32 to index
        %swap3A_2098 = arith.index_cast %mul3A_1957 : i32 to index
        %swap3A_2099 = tpu.vector_load %arg5[%swap3A_2095, %swap3A_2096, %swap3A_2097, %swap3A_2098] {strides = array<i32>} : memref<2x8x32x32xf32, #tpu.memory_space<vmem>>, vector<16xf32>,
        tpu.vector_store %arg5[%swap3A_2095, %swap3A_2096, %swap3A_2097, %swap3A_2098], %gather3A_2092 {strides = array<i32>} : memref<2x8x32x32xf32, #tpu.memory_space<vmem>>, vector<16xf32>,
        %broadcast_in_dim3A_2100 = arith.constant 1 : i32
        %broadcast_in_dim3A_2101 = vector.broadcast %broadcast_in_dim3A_2100 : i32 to vector<16xi32>
        %mul3A_2102 = arith.constant 2 : i32
        %mul3A_2103 = arith.muli %mul3A_2102, %shift_right_arithmetic3A_1953 : i32
        %add3A_2104 = arith.constant 1 : i32
        %add3A_2105 = arith.addi %mul3A_2103, %add3A_2104 : i32
        %broadcast_in_dim3A_2106 = vector.broadcast %add3A_2105 : i32 to vector<16xi32>
        %add3A_2107 = arith.constant 0 : i32
        %add3A_2108 = vector.broadcast %add3A_2107 : i32 to vector<16xi32>
        %add3A_2109 = arith.addi %add3A_1964, %add3A_2108 : vector<16xi32>
        %gather3A_2110 = arith.constant 0 : i32
        %gather3A_2111 = arith.constant 0 : i32
        %gather3A_2112 = arith.constant 0 : i32
        %gather3A_2113 = tpu.memref_slice %arg4[%scan3A_1401, %gather3A_2110, %gather3A_2111, %gather3A_2112] : memref<3x2x64x64xf32, #tpu.memory_space<vmem>> -> memref<1x2x64x64xf32, #tpu.memory_space<vmem>>
        %gather3A_2114 = tpu.memref_squeeze %gather3A_2113 : memref<1x2x64x64xf32, #tpu.memory_space<vmem>> -> memref<2x64x64xf32, #tpu.memory_space<vmem>>
        %gather3A_2115 = tpu.vector_load_idx %gather3A_2114[%broadcast_in_dim3A_2101, %broadcast_in_dim3A_2106, %add3A_2109] : memref<2x64x64xf32, #tpu.memory_space<vmem>>[vector<16xi32>, vector<16xi32>, vector<16xi32>], vector<16xf32>,
        %swap3A_2116 = arith.constant 0 : i32
        %swap3A_2117 = arith.constant 6 : i32
        %swap3A_2118 = arith.index_cast %swap3A_2116 : i32 to index
        %swap3A_2119 = arith.index_cast %swap3A_2117 : i32 to index
        %swap3A_2120 = arith.index_cast %shift_right_arithmetic3A_1953 : i32 to index
        %swap3A_2121 = arith.index_cast %mul3A_1957 : i32 to index
        %swap3A_2122 = tpu.vector_load %arg5[%swap3A_2118, %swap3A_2119, %swap3A_2120, %swap3A_2121] {strides = array<i32>} : memref<2x8x32x32xf32, #tpu.memory_space<vmem>>, vector<16xf32>,
        tpu.vector_store %arg5[%swap3A_2118, %swap3A_2119, %swap3A_2120, %swap3A_2121], %gather3A_2115 {strides = array<i32>} : memref<2x8x32x32xf32, #tpu.memory_space<vmem>>, vector<16xf32>,
        %broadcast_in_dim3A_2123 = arith.constant 1 : i32
        %broadcast_in_dim3A_2124 = vector.broadcast %broadcast_in_dim3A_2123 : i32 to vector<16xi32>
        %mul3A_2125 = arith.constant 2 : i32
        %mul3A_2126 = arith.muli %mul3A_2125, %shift_right_arithmetic3A_1953 : i32
        %add3A_2127 = arith.constant 1 : i32
        %add3A_2128 = arith.addi %mul3A_2126, %add3A_2127 : i32
        %broadcast_in_dim3A_2129 = vector.broadcast %add3A_2128 : i32 to vector<16xi32>
        %add3A_2130 = arith.constant 1 : i32
        %add3A_2131 = vector.broadcast %add3A_2130 : i32 to vector<16xi32>
        %add3A_2132 = arith.addi %add3A_1964, %add3A_2131 : vector<16xi32>
        %gather3A_2133 = arith.constant 0 : i32
        %gather3A_2134 = arith.constant 0 : i32
        %gather3A_2135 = arith.constant 0 : i32
        %gather3A_2136 = tpu.memref_slice %arg4[%scan3A_1401, %gather3A_2133, %gather3A_2134, %gather3A_2135] : memref<3x2x64x64xf32, #tpu.memory_space<vmem>> -> memref<1x2x64x64xf32, #tpu.memory_space<vmem>>
        %gather3A_2137 = tpu.memref_squeeze %gather3A_2136 : memref<1x2x64x64xf32, #tpu.memory_space<vmem>> -> memref<2x64x64xf32, #tpu.memory_space<vmem>>
        %gather3A_2138 = tpu.vector_load_idx %gather3A_2137[%broadcast_in_dim3A_2124, %broadcast_in_dim3A_2129, %add3A_2132] : memref<2x64x64xf32, #tpu.memory_space<vmem>>[vector<16xi32>, vector<16xi32>, vector<16xi32>], vector<16xf32>,
        %swap3A_2139 = arith.constant 0 : i32
        %swap3A_2140 = arith.constant 7 : i32
        %swap3A_2141 = arith.index_cast %swap3A_2139 : i32 to index
        %swap3A_2142 = arith.index_cast %swap3A_2140 : i32 to index
        %swap3A_2143 = arith.index_cast %shift_right_arithmetic3A_1953 : i32 to index
        %swap3A_2144 = arith.index_cast %mul3A_1957 : i32 to index
        %swap3A_2145 = tpu.vector_load %arg5[%swap3A_2141, %swap3A_2142, %swap3A_2143, %swap3A_2144] {strides = array<i32>} : memref<2x8x32x32xf32, #tpu.memory_space<vmem>>, vector<16xf32>,
        tpu.vector_store %arg5[%swap3A_2141, %swap3A_2142, %swap3A_2143, %swap3A_2144], %gather3A_2138 {strides = array<i32>} : memref<2x8x32x32xf32, #tpu.memory_space<vmem>>, vector<16xf32>,
      }
      %scan3A_1406 = arith.constant 64 : i32
      %add3A_1407 = arith.addi %mul3A_2, %add3A_1371 : i32
      %jit3A_1408 = arith.constant 1024 : i32
      %div3A_1409 = arith.divsi %add3A_1407, %jit3A_1408 : i32
      %sign3A_1410 = arith.constant 0 : i32
      %sign3A_1411 = arith.cmpi sgt, %add3A_1407, %sign3A_1410 : i32
      %sign3A_1412 = arith.extui %sign3A_1411 : i1 to i32
      %sign3A_1413 = arith.constant 0 : i32
      %sign3A_1414 = arith.cmpi slt, %add3A_1407, %sign3A_1413 : i32
      %sign3A_1415 = arith.extui %sign3A_1414 : i1 to i32
      %sign3A_1416 = arith.subi %sign3A_1412, %sign3A_1415 : i32
      %sign3A_1417 = arith.constant 0 : i32
      %sign3A_1418 = arith.cmpi sgt, %jit3A_1408, %sign3A_1417 : i32
      %sign3A_1419 = arith.extui %sign3A_1418 : i1 to i32
      %sign3A_1420 = arith.constant 0 : i32
      %sign3A_1421 = arith.cmpi slt, %jit3A_1408, %sign3A_1420 : i32
      %sign3A_1422 = arith.extui %sign3A_1421 : i1 to i32
      %sign3A_1423 = arith.subi %sign3A_1419, %sign3A_1422 : i32
      %ne3A_1424 = arith.cmpi ne, %sign3A_1416, %sign3A_1423 : i32
      %rem3A_1425 = arith.remsi %add3A_1407, %jit3A_1408 : i32
      %ne3A_1426 = arith.constant 0 : i32
      %ne3A_1427 = arith.cmpi ne, %rem3A_1425, %ne3A_1426 : i32
      %and3A_1428 = arith.andi %ne3A_1424, %ne3A_1427 : i1
      %sub3A_1429 = arith.constant 1 : i32
      %sub3A_1430 = arith.subi %div3A_1409, %sub3A_1429 : i32
      %select_n3A_1431 = arith.select %and3A_1428, %sub3A_1430, %div3A_1409 : i32
      %jit3A_1432 = arith.constant 1024 : i32
      %eq3A_1433 = arith.constant 0 : i32
      %eq3A_1434 = arith.cmpi eq, %jit3A_1432, %eq3A_1433 : i32
      %jit3A_1435 = arith.constant 1 : i32
      %select_n3A_1436 = arith.select %eq3A_1434, %jit3A_1435, %jit3A_1432 : i32
      %rem3A_1437 = arith.remsi %add3A_1407, %select_n3A_1436 : i32
      %ne3A_1438 = arith.constant 0 : i32
      %ne3A_1439 = arith.cmpi ne, %rem3A_1437, %ne3A_1438 : i32
      %lt3A_1440 = arith.constant 0 : i32
      %lt3A_1441 = arith.cmpi slt, %rem3A_1437, %lt3A_1440 : i32
      %lt3A_1442 = arith.constant 0 : i32
      %lt3A_1443 = arith.cmpi slt, %select_n3A_1436, %lt3A_1442 : i32
      %ne3A_1444 = arith.xori %lt3A_1441, %lt3A_1443 : i1
      %and3A_1445 = arith.andi %ne3A_1444, %ne3A_1439 : i1
      %add3A_1446 = arith.addi %rem3A_1437, %select_n3A_1436 : i32
      %select_n3A_1447 = arith.select %and3A_1445, %add3A_1446, %rem3A_1437 : i32
      %jit3A_1448 = arith.constant 32 : i32
      %div3A_1449 = arith.divsi %select_n3A_1447, %jit3A_1448 : i32
      %sign3A_1450 = arith.constant 0 : i32
      %sign3A_1451 = arith.cmpi sgt, %select_n3A_1447, %sign3A_1450 : i32
      %sign3A_1452 = arith.extui %sign3A_1451 : i1 to i32
      %sign3A_1453 = arith.constant 0 : i32
      %sign3A_1454 = arith.cmpi slt, %select_n3A_1447, %sign3A_1453 : i32
      %sign3A_1455 = arith.extui %sign3A_1454 : i1 to i32
      %sign3A_1456 = arith.subi %sign3A_1452, %sign3A_1455 : i32
      %sign3A_1457 = arith.constant 0 : i32
      %sign3A_1458 = arith.cmpi sgt, %jit3A_1448, %sign3A_1457 : i32
      %sign3A_1459 = arith.extui %sign3A_1458 : i1 to i32
      %sign3A_1460 = arith.constant 0 : i32
      %sign3A_1461 = arith.cmpi slt, %jit3A_1448, %sign3A_1460 : i32
      %sign3A_1462 = arith.extui %sign3A_1461 : i1 to i32
      %sign3A_1463 = arith.subi %sign3A_1459, %sign3A_1462 : i32
      %ne3A_1464 = arith.cmpi ne, %sign3A_1456, %sign3A_1463 : i32
      %rem3A_1465 = arith.remsi %select_n3A_1447, %jit3A_1448 : i32
      %ne3A_1466 = arith.constant 0 : i32
      %ne3A_1467 = arith.cmpi ne, %rem3A_1465, %ne3A_1466 : i32
      %and3A_1468 = arith.andi %ne3A_1464, %ne3A_1467 : i1
      %sub3A_1469 = arith.constant 1 : i32
      %sub3A_1470 = arith.subi %div3A_1449, %sub3A_1469 : i32
      %select_n3A_1471 = arith.select %and3A_1468, %sub3A_1470, %div3A_1449 : i32
      %jit3A_1472 = arith.constant 32 : i32
      %eq3A_1473 = arith.constant 0 : i32
      %eq3A_1474 = arith.cmpi eq, %jit3A_1472, %eq3A_1473 : i32
      %jit3A_1475 = arith.constant 1 : i32
      %select_n3A_1476 = arith.select %eq3A_1474, %jit3A_1475, %jit3A_1472 : i32
      %rem3A_1477 = arith.remsi %select_n3A_1447, %select_n3A_1476 : i32
      %ne3A_1478 = arith.constant 0 : i32
      %ne3A_1479 = arith.cmpi ne, %rem3A_1477, %ne3A_1478 : i32
      %lt3A_1480 = arith.constant 0 : i32
      %lt3A_1481 = arith.cmpi slt, %rem3A_1477, %lt3A_1480 : i32
      %lt3A_1482 = arith.constant 0 : i32
      %lt3A_1483 = arith.cmpi slt, %select_n3A_1476, %lt3A_1482 : i32
      %ne3A_1484 = arith.xori %lt3A_1481, %lt3A_1483 : i1
      %and3A_1485 = arith.andi %ne3A_1484, %ne3A_1479 : i1
      %add3A_1486 = arith.addi %rem3A_1477, %select_n3A_1476 : i32
      %select_n3A_1487 = arith.select %and3A_1485, %add3A_1486, %rem3A_1477 : i32
      %mul3A_1488 = arith.constant 8 : i32
      %mul3A_1489 = arith.muli %select_n3A_1471, %mul3A_1488 : i32
      %dma_start3A_1490 = arith.constant 0 : i32
      %dma_start3A_1491 = arith.constant 0 : i32
      %dma_start3A_1492 = arith.constant 0 : i32
      %dma_start3A_1493 = arith.constant 0 : i32
      %dma_start3A_1494 = tpu.memref_slice %arg5[%dma_start3A_1490, %dma_start3A_1491, %dma_start3A_1492, %dma_start3A_1493] : memref<2x8x32x32xf32, #tpu.memory_space<vmem>> -> memref<1x8x32x32xf32, #tpu.memory_space<vmem>>
      %dma_start3A_1495 = tpu.memref_squeeze %dma_start3A_1494 : memref<1x8x32x32xf32, #tpu.memory_space<vmem>> -> memref<8x32x32xf32, #tpu.memory_space<vmem>>
      %dma_start3A_1496 = arith.constant 0 : i32
      %dma_start3A_1497 = arith.constant 0 : i32
      %dma_start3A_1498 = tpu.memref_slice %arg3[%select_n3A_1431, %mul3A_1489, %select_n3A_1487, %dma_start3A_1496, %dma_start3A_1497] : memref<2x256x32x32x32xf32, #tpu.memory_space<hbm>> -> memref<1x8x1x32x32xf32, #tpu.memory_space<hbm>>
      %dma_start3A_1499 = tpu.memref_squeeze %dma_start3A_1498 : memref<1x8x1x32x32xf32, #tpu.memory_space<hbm>> -> memref<8x32x32xf32, #tpu.memory_space<hbm>>
      %dma_start3A_1500 = arith.constant 0 : i32
      %dma_start3A_1501 = arith.constant 0 : i32
      %dma_start3A_1502 = tpu.memref_slice %arg3[%select_n3A_1431, %mul3A_1489, %select_n3A_1487, %dma_start3A_1500, %dma_start3A_1501] : memref<2x256x32x32x32xf32, #tpu.memory_space<hbm>> -> memref<1x8x1x32x32xf32, #tpu.memory_space<hbm>>
      %dma_start3A_1503 = tpu.memref_squeeze %dma_start3A_1502 : memref<1x8x1x32x32xf32, #tpu.memory_space<hbm>> -> memref<8x32x32xf32, #tpu.memory_space<hbm>>
      %dma_start3A_1504 = arith.constant 0 : i32
      %dma_start3A_1505 = arith.constant 0 : i32
      %dma_start3A_1506 = arith.constant 0 : i32
      %dma_start3A_1507 = tpu.memref_slice %arg5[%dma_start3A_1490, %dma_start3A_1504, %dma_start3A_1505, %dma_start3A_1506] : memref<2x8x32x32xf32, #tpu.memory_space<vmem>> -> memref<1x8x32x32xf32, #tpu.memory_space<vmem>>
      %dma_start3A_1508 = tpu.memref_squeeze %dma_start3A_1507 : memref<1x8x32x32xf32, #tpu.memory_space<vmem>> -> memref<8x32x32xf32, #tpu.memory_space<vmem>>
      tpu.enqueue_dma source(%dma_start3A_1508 : memref<8x32x32xf32, #tpu.memory_space<vmem>>) target(%dma_start3A_1503 : memref<8x32x32xf32, #tpu.memory_space<hbm>>) target_semaphore(%arg9 : memref<!tpu.dma_semaphore, #tpu.memory_space<semaphore_mem>>)
      %lt3A_1509 = arith.constant 61 : i32
      %lt3A_1510 = arith.cmpi slt, %add3A_1371, %lt3A_1509 : i32
      %convert_element_type3A_1511 = arith.extui %lt3A_1510 : i1 to i32
      %cond3A_1512 = arith.constant 0 : i32
      %cond3A_1513 = arith.cmpi ne, %convert_element_type3A_1511, %cond3A_1512 : i32
      scf.if %cond3A_1513 {
        %add3A_1952 = arith.constant 3 : i32
        %add3A_1953 = arith.addi %add3A_1371, %add3A_1952 : i32
        %add3A_1954 = arith.addi %mul3A_2, %add3A_1953 : i32
        %jit3A_1955 = arith.constant 1024 : i32
        %div3A_1956 = arith.divsi %add3A_1954, %jit3A_1955 : i32
        %sign3A_1957 = arith.constant 0 : i32
        %sign3A_1958 = arith.cmpi sgt, %add3A_1954, %sign3A_1957 : i32
        %sign3A_1959 = arith.extui %sign3A_1958 : i1 to i32
        %sign3A_1960 = arith.constant 0 : i32
        %sign3A_1961 = arith.cmpi slt, %add3A_1954, %sign3A_1960 : i32
        %sign3A_1962 = arith.extui %sign3A_1961 : i1 to i32
        %sign3A_1963 = arith.subi %sign3A_1959, %sign3A_1962 : i32
        %sign3A_1964 = arith.constant 0 : i32
        %sign3A_1965 = arith.cmpi sgt, %jit3A_1955, %sign3A_1964 : i32
        %sign3A_1966 = arith.extui %sign3A_1965 : i1 to i32
        %sign3A_1967 = arith.constant 0 : i32
        %sign3A_1968 = arith.cmpi slt, %jit3A_1955, %sign3A_1967 : i32
        %sign3A_1969 = arith.extui %sign3A_1968 : i1 to i32
        %sign3A_1970 = arith.subi %sign3A_1966, %sign3A_1969 : i32
        %ne3A_1971 = arith.cmpi ne, %sign3A_1963, %sign3A_1970 : i32
        %rem3A_1972 = arith.remsi %add3A_1954, %jit3A_1955 : i32
        %ne3A_1973 = arith.constant 0 : i32
        %ne3A_1974 = arith.cmpi ne, %rem3A_1972, %ne3A_1973 : i32
        %and3A_1975 = arith.andi %ne3A_1971, %ne3A_1974 : i1
        %sub3A_1976 = arith.constant 1 : i32
        %sub3A_1977 = arith.subi %div3A_1956, %sub3A_1976 : i32
        %select_n3A_1978 = arith.select %and3A_1975, %sub3A_1977, %div3A_1956 : i32
        %jit3A_1979 = arith.constant 1024 : i32
        %eq3A_1980 = arith.constant 0 : i32
        %eq3A_1981 = arith.cmpi eq, %jit3A_1979, %eq3A_1980 : i32
        %jit3A_1982 = arith.constant 1 : i32
        %select_n3A_1983 = arith.select %eq3A_1981, %jit3A_1982, %jit3A_1979 : i32
        %rem3A_1984 = arith.remsi %add3A_1954, %select_n3A_1983 : i32
        %ne3A_1985 = arith.constant 0 : i32
        %ne3A_1986 = arith.cmpi ne, %rem3A_1984, %ne3A_1985 : i32
        %lt3A_1987 = arith.constant 0 : i32
        %lt3A_1988 = arith.cmpi slt, %rem3A_1984, %lt3A_1987 : i32
        %lt3A_1989 = arith.constant 0 : i32
        %lt3A_1990 = arith.cmpi slt, %select_n3A_1983, %lt3A_1989 : i32
        %ne3A_1991 = arith.xori %lt3A_1988, %lt3A_1990 : i1
        %and3A_1992 = arith.andi %ne3A_1991, %ne3A_1986 : i1
        %add3A_1993 = arith.addi %rem3A_1984, %select_n3A_1983 : i32
        %select_n3A_1994 = arith.select %and3A_1992, %add3A_1993, %rem3A_1984 : i32
        %jit3A_1995 = arith.constant 32 : i32
        %div3A_1996 = arith.divsi %select_n3A_1994, %jit3A_1995 : i32
        %sign3A_1997 = arith.constant 0 : i32
        %sign3A_1998 = arith.cmpi sgt, %select_n3A_1994, %sign3A_1997 : i32
        %sign3A_1999 = arith.extui %sign3A_1998 : i1 to i32
        %sign3A_2000 = arith.constant 0 : i32
        %sign3A_2001 = arith.cmpi slt, %select_n3A_1994, %sign3A_2000 : i32
        %sign3A_2002 = arith.extui %sign3A_2001 : i1 to i32
        %sign3A_2003 = arith.subi %sign3A_1999, %sign3A_2002 : i32
        %sign3A_2004 = arith.constant 0 : i32
        %sign3A_2005 = arith.cmpi sgt, %jit3A_1995, %sign3A_2004 : i32
        %sign3A_2006 = arith.extui %sign3A_2005 : i1 to i32
        %sign3A_2007 = arith.constant 0 : i32
        %sign3A_2008 = arith.cmpi slt, %jit3A_1995, %sign3A_2007 : i32
        %sign3A_2009 = arith.extui %sign3A_2008 : i1 to i32
        %sign3A_2010 = arith.subi %sign3A_2006, %sign3A_2009 : i32
        %ne3A_2011 = arith.cmpi ne, %sign3A_2003, %sign3A_2010 : i32
        %rem3A_2012 = arith.remsi %select_n3A_1994, %jit3A_1995 : i32
        %ne3A_2013 = arith.constant 0 : i32
        %ne3A_2014 = arith.cmpi ne, %rem3A_2012, %ne3A_2013 : i32
        %and3A_2015 = arith.andi %ne3A_2011, %ne3A_2014 : i1
        %sub3A_2016 = arith.constant 1 : i32
        %sub3A_2017 = arith.subi %div3A_1996, %sub3A_2016 : i32
        %select_n3A_2018 = arith.select %and3A_2015, %sub3A_2017, %div3A_1996 : i32
        %jit3A_2019 = arith.constant 32 : i32
        %eq3A_2020 = arith.constant 0 : i32
        %eq3A_2021 = arith.cmpi eq, %jit3A_2019, %eq3A_2020 : i32
        %jit3A_2022 = arith.constant 1 : i32
        %select_n3A_2023 = arith.select %eq3A_2021, %jit3A_2022, %jit3A_2019 : i32
        %rem3A_2024 = arith.remsi %select_n3A_1994, %select_n3A_2023 : i32
        %ne3A_2025 = arith.constant 0 : i32
        %ne3A_2026 = arith.cmpi ne, %rem3A_2024, %ne3A_2025 : i32
        %lt3A_2027 = arith.constant 0 : i32
        %lt3A_2028 = arith.cmpi slt, %rem3A_2024, %lt3A_2027 : i32
        %lt3A_2029 = arith.constant 0 : i32
        %lt3A_2030 = arith.cmpi slt, %select_n3A_2023, %lt3A_2029 : i32
        %ne3A_2031 = arith.xori %lt3A_2028, %lt3A_2030 : i1
        %and3A_2032 = arith.andi %ne3A_2031, %ne3A_2026 : i1
        %add3A_2033 = arith.addi %rem3A_2024, %select_n3A_2023 : i32
        %select_n3A_2034 = arith.select %and3A_2032, %add3A_2033, %rem3A_2024 : i32
        %mul3A_2035 = arith.constant 2 : i32
        %mul3A_2036 = arith.muli %mul3A_2035, %select_n3A_2034 : i32
        %dma_start3A_2037 = arith.constant 2 : i32
        %dma_start3A_2038 = arith.constant 0 : i32
        %dma_start3A_2039 = arith.constant 0 : i32
        %dma_start3A_2040 = arith.constant 0 : i32
        %dma_start3A_2041 = tpu.memref_slice %arg4[%dma_start3A_2037, %dma_start3A_2038, %dma_start3A_2039, %dma_start3A_2040] : memref<3x2x64x64xf32, #tpu.memory_space<vmem>> -> memref<1x2x64x64xf32, #tpu.memory_space<vmem>>
        %dma_start3A_2042 = tpu.memref_squeeze %dma_start3A_2041 : memref<1x2x64x64xf32, #tpu.memory_space<vmem>> -> memref<2x64x64xf32, #tpu.memory_space<vmem>>
        %dma_start3A_2043 = arith.constant 0 : i32
        %dma_start3A_2044 = arith.constant 0 : i32
        %dma_start3A_2045 = tpu.memref_slice %arg2[%select_n3A_1978, %select_n3A_2018, %mul3A_2036, %dma_start3A_2043, %dma_start3A_2044] : memref<2x32x64x64x64xf32, #tpu.memory_space<hbm>> -> memref<1x1x2x64x64xf32, #tpu.memory_space<hbm>>
        %dma_start3A_2046 = tpu.memref_squeeze %dma_start3A_2045 : memref<1x1x2x64x64xf32, #tpu.memory_space<hbm>> -> memref<2x64x64xf32, #tpu.memory_space<hbm>>
        %dma_start3A_2047 = arith.constant 0 : i32
        %dma_start3A_2048 = arith.constant 0 : i32
        %dma_start3A_2049 = arith.constant 0 : i32
        %dma_start3A_2050 = tpu.memref_slice %arg4[%dma_start3A_2037, %dma_start3A_2047, %dma_start3A_2048, %dma_start3A_2049] : memref<3x2x64x64xf32, #tpu.memory_space<vmem>> -> memref<1x2x64x64xf32, #tpu.memory_space<vmem>>
        %dma_start3A_2051 = tpu.memref_squeeze %dma_start3A_2050 : memref<1x2x64x64xf32, #tpu.memory_space<vmem>> -> memref<2x64x64xf32, #tpu.memory_space<vmem>>
        %dma_start3A_2052 = arith.constant 0 : i32
        %dma_start3A_2053 = arith.constant 0 : i32
        %dma_start3A_2054 = tpu.memref_slice %arg2[%select_n3A_1978, %select_n3A_2018, %mul3A_2036, %dma_start3A_2052, %dma_start3A_2053] : memref<2x32x64x64x64xf32, #tpu.memory_space<hbm>> -> memref<1x1x2x64x64xf32, #tpu.memory_space<hbm>>
        %dma_start3A_2055 = tpu.memref_squeeze %dma_start3A_2054 : memref<1x1x2x64x64xf32, #tpu.memory_space<hbm>> -> memref<2x64x64xf32, #tpu.memory_space<hbm>>
        tpu.enqueue_dma source(%dma_start3A_2055 : memref<2x64x64xf32, #tpu.memory_space<hbm>>) target(%dma_start3A_2051 : memref<2x64x64xf32, #tpu.memory_space<vmem>>) target_semaphore(%arg8 : memref<!tpu.dma_semaphore, #tpu.memory_space<semaphore_mem>>)
      } else {
      }
      %mul3A_1514 = arith.constant 6 : i32
      %mul3A_1515 = arith.muli %mul3A_1514, %scan3A_1078 : i32
      %add3A_1516 = arith.constant 3 : i32
      %add3A_1517 = arith.addi %mul3A_1515, %add3A_1516 : i32
      %dma_wait3A_1518 = arith.constant 0 : i32
      %dma_wait3A_1519 = arith.constant 0 : i32
      %dma_wait3A_1520 = arith.constant 0 : i32
      %dma_wait3A_1521 = arith.constant 0 : i32
      %dma_wait3A_1522 = arith.constant 0 : i32
      %dma_wait3A_1523 = arith.constant 0 : i32
      %dma_wait3A_1524 = tpu.memref_slice %arg4[%dma_wait3A_1520, %dma_wait3A_1521, %dma_wait3A_1522, %dma_wait3A_1523] : memref<3x2x64x64xf32, #tpu.memory_space<vmem>> -> memref<1x2x64x64xf32, #tpu.memory_space<vmem>>
      %dma_wait3A_1525 = tpu.memref_squeeze %dma_wait3A_1524 : memref<1x2x64x64xf32, #tpu.memory_space<vmem>> -> memref<2x64x64xf32, #tpu.memory_space<vmem>>
      %dma_wait3A_1526 = arith.constant 0 : i32
      %dma_wait3A_1527 = arith.constant 0 : i32
      %dma_wait3A_1528 = arith.constant 0 : i32
      %dma_wait3A_1529 = tpu.memref_slice %arg2[%dma_wait3A_1518, %dma_wait3A_1519, %dma_wait3A_1526, %dma_wait3A_1527, %dma_wait3A_1528] : memref<2x32x64x64x64xf32, #tpu.memory_space<hbm>> -> memref<1x1x2x64x64xf32, #tpu.memory_space<hbm>>
      %dma_wait3A_1530 = tpu.memref_squeeze %dma_wait3A_1529 : memref<1x1x2x64x64xf32, #tpu.memory_space<hbm>> -> memref<2x64x64xf32, #tpu.memory_space<hbm>>
      %dma_wait3A_1531 = arith.constant 0 : i32
      %dma_wait3A_1532 = arith.constant 0 : i32
      %dma_wait3A_1533 = arith.constant 0 : i32
      %dma_wait3A_1534 = tpu.memref_slice %arg4[%dma_wait3A_1520, %dma_wait3A_1531, %dma_wait3A_1532, %dma_wait3A_1533] : memref<3x2x64x64xf32, #tpu.memory_space<vmem>> -> memref<1x2x64x64xf32, #tpu.memory_space<vmem>>
      %dma_wait3A_1535 = tpu.memref_squeeze %dma_wait3A_1534 : memref<1x2x64x64xf32, #tpu.memory_space<vmem>> -> memref<2x64x64xf32, #tpu.memory_space<vmem>>
      %dma_wait3A_1536 = arith.constant 0 : i32
      %dma_wait3A_1537 = arith.constant 0 : i32
      %dma_wait3A_1538 = arith.constant 0 : i32
      %dma_wait3A_1539 = tpu.memref_slice %arg2[%dma_wait3A_1518, %dma_wait3A_1519, %dma_wait3A_1536, %dma_wait3A_1537, %dma_wait3A_1538] : memref<2x32x64x64x64xf32, #tpu.memory_space<hbm>> -> memref<1x1x2x64x64xf32, #tpu.memory_space<hbm>>
      %dma_wait3A_1540 = tpu.memref_squeeze %dma_wait3A_1539 : memref<1x1x2x64x64xf32, #tpu.memory_space<hbm>> -> memref<2x64x64xf32, #tpu.memory_space<hbm>>
      tpu.wait_dma2 semaphore(%arg6 : memref<!tpu.dma_semaphore, #tpu.memory_space<semaphore_mem>>) src(%dma_wait3A_1540 : memref<2x64x64xf32, #tpu.memory_space<hbm>>) dst(%dma_wait3A_1535 : memref<2x64x64xf32, #tpu.memory_space<vmem>>)
      %ge3A_1541 = arith.constant 2 : i32
      %ge3A_1542 = arith.cmpi sge, %add3A_1517, %ge3A_1541 : i32
      %convert_element_type3A_1543 = arith.extui %ge3A_1542 : i1 to i32
      %cond3A_1544 = arith.constant 0 : i32
      %cond3A_1545 = arith.cmpi ne, %convert_element_type3A_1543, %cond3A_1544 : i32
      scf.if %cond3A_1545 {
        %dma_wait3A_1952 = arith.constant 1 : i32
        %dma_wait3A_1953 = arith.constant 0 : i32
        %dma_wait3A_1954 = arith.constant 0 : i32
        %dma_wait3A_1955 = arith.constant 0 : i32
        %dma_wait3A_1956 = arith.constant 0 : i32
        %dma_wait3A_1957 = arith.constant 0 : i32
        %dma_wait3A_1958 = tpu.memref_slice %arg5[%dma_wait3A_1952, %dma_wait3A_1955, %dma_wait3A_1956, %dma_wait3A_1957] : memref<2x8x32x32xf32, #tpu.memory_space<vmem>> -> memref<1x8x32x32xf32, #tpu.memory_space<vmem>>
        %dma_wait3A_1959 = tpu.memref_squeeze %dma_wait3A_1958 : memref<1x8x32x32xf32, #tpu.memory_space<vmem>> -> memref<8x32x32xf32, #tpu.memory_space<vmem>>
        %dma_wait3A_1960 = arith.constant 0 : i32
        %dma_wait3A_1961 = arith.constant 0 : i32
        %dma_wait3A_1962 = arith.constant 0 : i32
        %dma_wait3A_1963 = tpu.memref_slice %arg3[%dma_wait3A_1953, %dma_wait3A_1960, %dma_wait3A_1954, %dma_wait3A_1961, %dma_wait3A_1962] : memref<2x256x32x32x32xf32, #tpu.memory_space<hbm>> -> memref<1x8x1x32x32xf32, #tpu.memory_space<hbm>>
        %dma_wait3A_1964 = tpu.memref_squeeze %dma_wait3A_1963 : memref<1x8x1x32x32xf32, #tpu.memory_space<hbm>> -> memref<8x32x32xf32, #tpu.memory_space<hbm>>
        %dma_wait3A_1965 = arith.constant 0 : i32
        %dma_wait3A_1966 = arith.constant 0 : i32
        %dma_wait3A_1967 = arith.constant 0 : i32
        %dma_wait3A_1968 = tpu.memref_slice %arg3[%dma_wait3A_1953, %dma_wait3A_1965, %dma_wait3A_1954, %dma_wait3A_1966, %dma_wait3A_1967] : memref<2x256x32x32x32xf32, #tpu.memory_space<hbm>> -> memref<1x8x1x32x32xf32, #tpu.memory_space<hbm>>
        %dma_wait3A_1969 = tpu.memref_squeeze %dma_wait3A_1968 : memref<1x8x1x32x32xf32, #tpu.memory_space<hbm>> -> memref<8x32x32xf32, #tpu.memory_space<hbm>>
        %dma_wait3A_1970 = arith.constant 0 : i32
        %dma_wait3A_1971 = arith.constant 0 : i32
        %dma_wait3A_1972 = arith.constant 0 : i32
        %dma_wait3A_1973 = tpu.memref_slice %arg5[%dma_wait3A_1952, %dma_wait3A_1970, %dma_wait3A_1971, %dma_wait3A_1972] : memref<2x8x32x32xf32, #tpu.memory_space<vmem>> -> memref<1x8x32x32xf32, #tpu.memory_space<vmem>>
        %dma_wait3A_1974 = tpu.memref_squeeze %dma_wait3A_1973 : memref<1x8x32x32xf32, #tpu.memory_space<vmem>> -> memref<8x32x32xf32, #tpu.memory_space<vmem>>
        tpu.wait_dma2 semaphore(%arg10 : memref<!tpu.dma_semaphore, #tpu.memory_space<semaphore_mem>>) src(%dma_wait3A_1974 : memref<8x32x32xf32, #tpu.memory_space<vmem>>) dst(%dma_wait3A_1969 : memref<8x32x32xf32, #tpu.memory_space<hbm>>)
      } else {
      }
      %scan3A_1546 = arith.constant 0 : i32
      %scan3A_1547 = arith.constant 0 : i32
      %scan3A_1548 = arith.constant 0 : i32
      %scan3A_1549 = arith.constant 64 : i32
      %scan3A_1550 = arith.addi %scan3A_1548, %scan3A_1549 : i32
      %scan3A_1551 = arith.constant 1 : i32
      scf.for %scan3A_1952 = %scan3A_1548 to %scan3A_1550 step %scan3A_1551  : i32 {
        %shift_right_arithmetic3A = arith.constant 1 : i32
        %shift_right_arithmetic3A_1953 = arith.shrsi %scan3A_1952, %shift_right_arithmetic3A : i32
        %and3A_1954 = arith.constant 1 : i32
        %and3A_1955 = arith.andi %scan3A_1952, %and3A_1954 : i32
        %mul3A_1956 = arith.constant 16 : i32
        %mul3A_1957 = arith.muli %and3A_1955, %mul3A_1956 : i32
        %mul3A_1958 = arith.constant 2 : i32
        %mul3A_1959 = arith.muli %mul3A_1958, %mul3A_1957 : i32
        %mul3A_1960 = arith.constant 2 : i32
        %mul3A_1961 = vector.broadcast %mul3A_1960 : i32 to vector<16xi32>
        %mul3A_1962 = arith.muli %iota3A, %mul3A_1961 : vector<16xi32>
        %add3A_1963 = vector.broadcast %mul3A_1959 : i32 to vector<16xi32>
        %add3A_1964 = arith.addi %add3A_1963, %mul3A_1962 : vector<16xi32>
        %broadcast_in_dim3A = arith.constant 0 : i32
        %broadcast_in_dim3A_1965 = vector.broadcast %broadcast_in_dim3A : i32 to vector<16xi32>
        %mul3A_1966 = arith.constant 2 : i32
        %mul3A_1967 = arith.muli %mul3A_1966, %shift_right_arithmetic3A_1953 : i32
        %add3A_1968 = arith.constant 0 : i32
        %add3A_1969 = arith.addi %mul3A_1967, %add3A_1968 : i32
        %broadcast_in_dim3A_1970 = vector.broadcast %add3A_1969 : i32 to vector<16xi32>
        %add3A_1971 = arith.constant 0 : i32
        %add3A_1972 = vector.broadcast %add3A_1971 : i32 to vector<16xi32>
        %add3A_1973 = arith.addi %add3A_1964, %add3A_1972 : vector<16xi32>
        %gather3A = arith.constant 0 : i32
        %gather3A_1974 = arith.constant 0 : i32
        %gather3A_1975 = arith.constant 0 : i32
        %gather3A_1976 = tpu.memref_slice %arg4[%scan3A_1547, %gather3A, %gather3A_1974, %gather3A_1975] : memref<3x2x64x64xf32, #tpu.memory_space<vmem>> -> memref<1x2x64x64xf32, #tpu.memory_space<vmem>>
        %gather3A_1977 = tpu.memref_squeeze %gather3A_1976 : memref<1x2x64x64xf32, #tpu.memory_space<vmem>> -> memref<2x64x64xf32, #tpu.memory_space<vmem>>
        %gather3A_1978 = tpu.vector_load_idx %gather3A_1977[%broadcast_in_dim3A_1965, %broadcast_in_dim3A_1970, %add3A_1973] : memref<2x64x64xf32, #tpu.memory_space<vmem>>[vector<16xi32>, vector<16xi32>, vector<16xi32>], vector<16xf32>,
        %swap3A = arith.constant 1 : i32
        %swap3A_1979 = arith.constant 0 : i32
        %swap3A_1980 = arith.index_cast %swap3A : i32 to index
        %swap3A_1981 = arith.index_cast %swap3A_1979 : i32 to index
        %swap3A_1982 = arith.index_cast %shift_right_arithmetic3A_1953 : i32 to index
        %swap3A_1983 = arith.index_cast %mul3A_1957 : i32 to index
        %swap3A_1984 = tpu.vector_load %arg5[%swap3A_1980, %swap3A_1981, %swap3A_1982, %swap3A_1983] {strides = array<i32>} : memref<2x8x32x32xf32, #tpu.memory_space<vmem>>, vector<16xf32>,
        tpu.vector_store %arg5[%swap3A_1980, %swap3A_1981, %swap3A_1982, %swap3A_1983], %gather3A_1978 {strides = array<i32>} : memref<2x8x32x32xf32, #tpu.memory_space<vmem>>, vector<16xf32>,
        %broadcast_in_dim3A_1985 = arith.constant 0 : i32
        %broadcast_in_dim3A_1986 = vector.broadcast %broadcast_in_dim3A_1985 : i32 to vector<16xi32>
        %mul3A_1987 = arith.constant 2 : i32
        %mul3A_1988 = arith.muli %mul3A_1987, %shift_right_arithmetic3A_1953 : i32
        %add3A_1989 = arith.constant 0 : i32
        %add3A_1990 = arith.addi %mul3A_1988, %add3A_1989 : i32
        %broadcast_in_dim3A_1991 = vector.broadcast %add3A_1990 : i32 to vector<16xi32>
        %add3A_1992 = arith.constant 1 : i32
        %add3A_1993 = vector.broadcast %add3A_1992 : i32 to vector<16xi32>
        %add3A_1994 = arith.addi %add3A_1964, %add3A_1993 : vector<16xi32>
        %gather3A_1995 = arith.constant 0 : i32
        %gather3A_1996 = arith.constant 0 : i32
        %gather3A_1997 = arith.constant 0 : i32
        %gather3A_1998 = tpu.memref_slice %arg4[%scan3A_1547, %gather3A_1995, %gather3A_1996, %gather3A_1997] : memref<3x2x64x64xf32, #tpu.memory_space<vmem>> -> memref<1x2x64x64xf32, #tpu.memory_space<vmem>>
        %gather3A_1999 = tpu.memref_squeeze %gather3A_1998 : memref<1x2x64x64xf32, #tpu.memory_space<vmem>> -> memref<2x64x64xf32, #tpu.memory_space<vmem>>
        %gather3A_2000 = tpu.vector_load_idx %gather3A_1999[%broadcast_in_dim3A_1986, %broadcast_in_dim3A_1991, %add3A_1994] : memref<2x64x64xf32, #tpu.memory_space<vmem>>[vector<16xi32>, vector<16xi32>, vector<16xi32>], vector<16xf32>,
        %swap3A_2001 = arith.constant 1 : i32
        %swap3A_2002 = arith.constant 1 : i32
        %swap3A_2003 = arith.index_cast %swap3A_2001 : i32 to index
        %swap3A_2004 = arith.index_cast %swap3A_2002 : i32 to index
        %swap3A_2005 = arith.index_cast %shift_right_arithmetic3A_1953 : i32 to index
        %swap3A_2006 = arith.index_cast %mul3A_1957 : i32 to index
        %swap3A_2007 = tpu.vector_load %arg5[%swap3A_2003, %swap3A_2004, %swap3A_2005, %swap3A_2006] {strides = array<i32>} : memref<2x8x32x32xf32, #tpu.memory_space<vmem>>, vector<16xf32>,
        tpu.vector_store %arg5[%swap3A_2003, %swap3A_2004, %swap3A_2005, %swap3A_2006], %gather3A_2000 {strides = array<i32>} : memref<2x8x32x32xf32, #tpu.memory_space<vmem>>, vector<16xf32>,
        %broadcast_in_dim3A_2008 = arith.constant 0 : i32
        %broadcast_in_dim3A_2009 = vector.broadcast %broadcast_in_dim3A_2008 : i32 to vector<16xi32>
        %mul3A_2010 = arith.constant 2 : i32
        %mul3A_2011 = arith.muli %mul3A_2010, %shift_right_arithmetic3A_1953 : i32
        %add3A_2012 = arith.constant 1 : i32
        %add3A_2013 = arith.addi %mul3A_2011, %add3A_2012 : i32
        %broadcast_in_dim3A_2014 = vector.broadcast %add3A_2013 : i32 to vector<16xi32>
        %add3A_2015 = arith.constant 0 : i32
        %add3A_2016 = vector.broadcast %add3A_2015 : i32 to vector<16xi32>
        %add3A_2017 = arith.addi %add3A_1964, %add3A_2016 : vector<16xi32>
        %gather3A_2018 = arith.constant 0 : i32
        %gather3A_2019 = arith.constant 0 : i32
        %gather3A_2020 = arith.constant 0 : i32
        %gather3A_2021 = tpu.memref_slice %arg4[%scan3A_1547, %gather3A_2018, %gather3A_2019, %gather3A_2020] : memref<3x2x64x64xf32, #tpu.memory_space<vmem>> -> memref<1x2x64x64xf32, #tpu.memory_space<vmem>>
        %gather3A_2022 = tpu.memref_squeeze %gather3A_2021 : memref<1x2x64x64xf32, #tpu.memory_space<vmem>> -> memref<2x64x64xf32, #tpu.memory_space<vmem>>
        %gather3A_2023 = tpu.vector_load_idx %gather3A_2022[%broadcast_in_dim3A_2009, %broadcast_in_dim3A_2014, %add3A_2017] : memref<2x64x64xf32, #tpu.memory_space<vmem>>[vector<16xi32>, vector<16xi32>, vector<16xi32>], vector<16xf32>,
        %swap3A_2024 = arith.constant 1 : i32
        %swap3A_2025 = arith.constant 2 : i32
        %swap3A_2026 = arith.index_cast %swap3A_2024 : i32 to index
        %swap3A_2027 = arith.index_cast %swap3A_2025 : i32 to index
        %swap3A_2028 = arith.index_cast %shift_right_arithmetic3A_1953 : i32 to index
        %swap3A_2029 = arith.index_cast %mul3A_1957 : i32 to index
        %swap3A_2030 = tpu.vector_load %arg5[%swap3A_2026, %swap3A_2027, %swap3A_2028, %swap3A_2029] {strides = array<i32>} : memref<2x8x32x32xf32, #tpu.memory_space<vmem>>, vector<16xf32>,
        tpu.vector_store %arg5[%swap3A_2026, %swap3A_2027, %swap3A_2028, %swap3A_2029], %gather3A_2023 {strides = array<i32>} : memref<2x8x32x32xf32, #tpu.memory_space<vmem>>, vector<16xf32>,
        %broadcast_in_dim3A_2031 = arith.constant 0 : i32
        %broadcast_in_dim3A_2032 = vector.broadcast %broadcast_in_dim3A_2031 : i32 to vector<16xi32>
        %mul3A_2033 = arith.constant 2 : i32
        %mul3A_2034 = arith.muli %mul3A_2033, %shift_right_arithmetic3A_1953 : i32
        %add3A_2035 = arith.constant 1 : i32
        %add3A_2036 = arith.addi %mul3A_2034, %add3A_2035 : i32
        %broadcast_in_dim3A_2037 = vector.broadcast %add3A_2036 : i32 to vector<16xi32>
        %add3A_2038 = arith.constant 1 : i32
        %add3A_2039 = vector.broadcast %add3A_2038 : i32 to vector<16xi32>
        %add3A_2040 = arith.addi %add3A_1964, %add3A_2039 : vector<16xi32>
        %gather3A_2041 = arith.constant 0 : i32
        %gather3A_2042 = arith.constant 0 : i32
        %gather3A_2043 = arith.constant 0 : i32
        %gather3A_2044 = tpu.memref_slice %arg4[%scan3A_1547, %gather3A_2041, %gather3A_2042, %gather3A_2043] : memref<3x2x64x64xf32, #tpu.memory_space<vmem>> -> memref<1x2x64x64xf32, #tpu.memory_space<vmem>>
        %gather3A_2045 = tpu.memref_squeeze %gather3A_2044 : memref<1x2x64x64xf32, #tpu.memory_space<vmem>> -> memref<2x64x64xf32, #tpu.memory_space<vmem>>
        %gather3A_2046 = tpu.vector_load_idx %gather3A_2045[%broadcast_in_dim3A_2032, %broadcast_in_dim3A_2037, %add3A_2040] : memref<2x64x64xf32, #tpu.memory_space<vmem>>[vector<16xi32>, vector<16xi32>, vector<16xi32>], vector<16xf32>,
        %swap3A_2047 = arith.constant 1 : i32
        %swap3A_2048 = arith.constant 3 : i32
        %swap3A_2049 = arith.index_cast %swap3A_2047 : i32 to index
        %swap3A_2050 = arith.index_cast %swap3A_2048 : i32 to index
        %swap3A_2051 = arith.index_cast %shift_right_arithmetic3A_1953 : i32 to index
        %swap3A_2052 = arith.index_cast %mul3A_1957 : i32 to index
        %swap3A_2053 = tpu.vector_load %arg5[%swap3A_2049, %swap3A_2050, %swap3A_2051, %swap3A_2052] {strides = array<i32>} : memref<2x8x32x32xf32, #tpu.memory_space<vmem>>, vector<16xf32>,
        tpu.vector_store %arg5[%swap3A_2049, %swap3A_2050, %swap3A_2051, %swap3A_2052], %gather3A_2046 {strides = array<i32>} : memref<2x8x32x32xf32, #tpu.memory_space<vmem>>, vector<16xf32>,
        %broadcast_in_dim3A_2054 = arith.constant 1 : i32
        %broadcast_in_dim3A_2055 = vector.broadcast %broadcast_in_dim3A_2054 : i32 to vector<16xi32>
        %mul3A_2056 = arith.constant 2 : i32
        %mul3A_2057 = arith.muli %mul3A_2056, %shift_right_arithmetic3A_1953 : i32
        %add3A_2058 = arith.constant 0 : i32
        %add3A_2059 = arith.addi %mul3A_2057, %add3A_2058 : i32
        %broadcast_in_dim3A_2060 = vector.broadcast %add3A_2059 : i32 to vector<16xi32>
        %add3A_2061 = arith.constant 0 : i32
        %add3A_2062 = vector.broadcast %add3A_2061 : i32 to vector<16xi32>
        %add3A_2063 = arith.addi %add3A_1964, %add3A_2062 : vector<16xi32>
        %gather3A_2064 = arith.constant 0 : i32
        %gather3A_2065 = arith.constant 0 : i32
        %gather3A_2066 = arith.constant 0 : i32
        %gather3A_2067 = tpu.memref_slice %arg4[%scan3A_1547, %gather3A_2064, %gather3A_2065, %gather3A_2066] : memref<3x2x64x64xf32, #tpu.memory_space<vmem>> -> memref<1x2x64x64xf32, #tpu.memory_space<vmem>>
        %gather3A_2068 = tpu.memref_squeeze %gather3A_2067 : memref<1x2x64x64xf32, #tpu.memory_space<vmem>> -> memref<2x64x64xf32, #tpu.memory_space<vmem>>
        %gather3A_2069 = tpu.vector_load_idx %gather3A_2068[%broadcast_in_dim3A_2055, %broadcast_in_dim3A_2060, %add3A_2063] : memref<2x64x64xf32, #tpu.memory_space<vmem>>[vector<16xi32>, vector<16xi32>, vector<16xi32>], vector<16xf32>,
        %swap3A_2070 = arith.constant 1 : i32
        %swap3A_2071 = arith.constant 4 : i32
        %swap3A_2072 = arith.index_cast %swap3A_2070 : i32 to index
        %swap3A_2073 = arith.index_cast %swap3A_2071 : i32 to index
        %swap3A_2074 = arith.index_cast %shift_right_arithmetic3A_1953 : i32 to index
        %swap3A_2075 = arith.index_cast %mul3A_1957 : i32 to index
        %swap3A_2076 = tpu.vector_load %arg5[%swap3A_2072, %swap3A_2073, %swap3A_2074, %swap3A_2075] {strides = array<i32>} : memref<2x8x32x32xf32, #tpu.memory_space<vmem>>, vector<16xf32>,
        tpu.vector_store %arg5[%swap3A_2072, %swap3A_2073, %swap3A_2074, %swap3A_2075], %gather3A_2069 {strides = array<i32>} : memref<2x8x32x32xf32, #tpu.memory_space<vmem>>, vector<16xf32>,
        %broadcast_in_dim3A_2077 = arith.constant 1 : i32
        %broadcast_in_dim3A_2078 = vector.broadcast %broadcast_in_dim3A_2077 : i32 to vector<16xi32>
        %mul3A_2079 = arith.constant 2 : i32
        %mul3A_2080 = arith.muli %mul3A_2079, %shift_right_arithmetic3A_1953 : i32
        %add3A_2081 = arith.constant 0 : i32
        %add3A_2082 = arith.addi %mul3A_2080, %add3A_2081 : i32
        %broadcast_in_dim3A_2083 = vector.broadcast %add3A_2082 : i32 to vector<16xi32>
        %add3A_2084 = arith.constant 1 : i32
        %add3A_2085 = vector.broadcast %add3A_2084 : i32 to vector<16xi32>
        %add3A_2086 = arith.addi %add3A_1964, %add3A_2085 : vector<16xi32>
        %gather3A_2087 = arith.constant 0 : i32
        %gather3A_2088 = arith.constant 0 : i32
        %gather3A_2089 = arith.constant 0 : i32
        %gather3A_2090 = tpu.memref_slice %arg4[%scan3A_1547, %gather3A_2087, %gather3A_2088, %gather3A_2089] : memref<3x2x64x64xf32, #tpu.memory_space<vmem>> -> memref<1x2x64x64xf32, #tpu.memory_space<vmem>>
        %gather3A_2091 = tpu.memref_squeeze %gather3A_2090 : memref<1x2x64x64xf32, #tpu.memory_space<vmem>> -> memref<2x64x64xf32, #tpu.memory_space<vmem>>
        %gather3A_2092 = tpu.vector_load_idx %gather3A_2091[%broadcast_in_dim3A_2078, %broadcast_in_dim3A_2083, %add3A_2086] : memref<2x64x64xf32, #tpu.memory_space<vmem>>[vector<16xi32>, vector<16xi32>, vector<16xi32>], vector<16xf32>,
        %swap3A_2093 = arith.constant 1 : i32
        %swap3A_2094 = arith.constant 5 : i32
        %swap3A_2095 = arith.index_cast %swap3A_2093 : i32 to index
        %swap3A_2096 = arith.index_cast %swap3A_2094 : i32 to index
        %swap3A_2097 = arith.index_cast %shift_right_arithmetic3A_1953 : i32 to index
        %swap3A_2098 = arith.index_cast %mul3A_1957 : i32 to index
        %swap3A_2099 = tpu.vector_load %arg5[%swap3A_2095, %swap3A_2096, %swap3A_2097, %swap3A_2098] {strides = array<i32>} : memref<2x8x32x32xf32, #tpu.memory_space<vmem>>, vector<16xf32>,
        tpu.vector_store %arg5[%swap3A_2095, %swap3A_2096, %swap3A_2097, %swap3A_2098], %gather3A_2092 {strides = array<i32>} : memref<2x8x32x32xf32, #tpu.memory_space<vmem>>, vector<16xf32>,
        %broadcast_in_dim3A_2100 = arith.constant 1 : i32
        %broadcast_in_dim3A_2101 = vector.broadcast %broadcast_in_dim3A_2100 : i32 to vector<16xi32>
        %mul3A_2102 = arith.constant 2 : i32
        %mul3A_2103 = arith.muli %mul3A_2102, %shift_right_arithmetic3A_1953 : i32
        %add3A_2104 = arith.constant 1 : i32
        %add3A_2105 = arith.addi %mul3A_2103, %add3A_2104 : i32
        %broadcast_in_dim3A_2106 = vector.broadcast %add3A_2105 : i32 to vector<16xi32>
        %add3A_2107 = arith.constant 0 : i32
        %add3A_2108 = vector.broadcast %add3A_2107 : i32 to vector<16xi32>
        %add3A_2109 = arith.addi %add3A_1964, %add3A_2108 : vector<16xi32>
        %gather3A_2110 = arith.constant 0 : i32
        %gather3A_2111 = arith.constant 0 : i32
        %gather3A_2112 = arith.constant 0 : i32
        %gather3A_2113 = tpu.memref_slice %arg4[%scan3A_1547, %gather3A_2110, %gather3A_2111, %gather3A_2112] : memref<3x2x64x64xf32, #tpu.memory_space<vmem>> -> memref<1x2x64x64xf32, #tpu.memory_space<vmem>>
        %gather3A_2114 = tpu.memref_squeeze %gather3A_2113 : memref<1x2x64x64xf32, #tpu.memory_space<vmem>> -> memref<2x64x64xf32, #tpu.memory_space<vmem>>
        %gather3A_2115 = tpu.vector_load_idx %gather3A_2114[%broadcast_in_dim3A_2101, %broadcast_in_dim3A_2106, %add3A_2109] : memref<2x64x64xf32, #tpu.memory_space<vmem>>[vector<16xi32>, vector<16xi32>, vector<16xi32>], vector<16xf32>,
        %swap3A_2116 = arith.constant 1 : i32
        %swap3A_2117 = arith.constant 6 : i32
        %swap3A_2118 = arith.index_cast %swap3A_2116 : i32 to index
        %swap3A_2119 = arith.index_cast %swap3A_2117 : i32 to index
        %swap3A_2120 = arith.index_cast %shift_right_arithmetic3A_1953 : i32 to index
        %swap3A_2121 = arith.index_cast %mul3A_1957 : i32 to index
        %swap3A_2122 = tpu.vector_load %arg5[%swap3A_2118, %swap3A_2119, %swap3A_2120, %swap3A_2121] {strides = array<i32>} : memref<2x8x32x32xf32, #tpu.memory_space<vmem>>, vector<16xf32>,
        tpu.vector_store %arg5[%swap3A_2118, %swap3A_2119, %swap3A_2120, %swap3A_2121], %gather3A_2115 {strides = array<i32>} : memref<2x8x32x32xf32, #tpu.memory_space<vmem>>, vector<16xf32>,
        %broadcast_in_dim3A_2123 = arith.constant 1 : i32
        %broadcast_in_dim3A_2124 = vector.broadcast %broadcast_in_dim3A_2123 : i32 to vector<16xi32>
        %mul3A_2125 = arith.constant 2 : i32
        %mul3A_2126 = arith.muli %mul3A_2125, %shift_right_arithmetic3A_1953 : i32
        %add3A_2127 = arith.constant 1 : i32
        %add3A_2128 = arith.addi %mul3A_2126, %add3A_2127 : i32
        %broadcast_in_dim3A_2129 = vector.broadcast %add3A_2128 : i32 to vector<16xi32>
        %add3A_2130 = arith.constant 1 : i32
        %add3A_2131 = vector.broadcast %add3A_2130 : i32 to vector<16xi32>
        %add3A_2132 = arith.addi %add3A_1964, %add3A_2131 : vector<16xi32>
        %gather3A_2133 = arith.constant 0 : i32
        %gather3A_2134 = arith.constant 0 : i32
        %gather3A_2135 = arith.constant 0 : i32
        %gather3A_2136 = tpu.memref_slice %arg4[%scan3A_1547, %gather3A_2133, %gather3A_2134, %gather3A_2135] : memref<3x2x64x64xf32, #tpu.memory_space<vmem>> -> memref<1x2x64x64xf32, #tpu.memory_space<vmem>>
        %gather3A_2137 = tpu.memref_squeeze %gather3A_2136 : memref<1x2x64x64xf32, #tpu.memory_space<vmem>> -> memref<2x64x64xf32, #tpu.memory_space<vmem>>
        %gather3A_2138 = tpu.vector_load_idx %gather3A_2137[%broadcast_in_dim3A_2124, %broadcast_in_dim3A_2129, %add3A_2132] : memref<2x64x64xf32, #tpu.memory_space<vmem>>[vector<16xi32>, vector<16xi32>, vector<16xi32>], vector<16xf32>,
        %swap3A_2139 = arith.constant 1 : i32
        %swap3A_2140 = arith.constant 7 : i32
        %swap3A_2141 = arith.index_cast %swap3A_2139 : i32 to index
        %swap3A_2142 = arith.index_cast %swap3A_2140 : i32 to index
        %swap3A_2143 = arith.index_cast %shift_right_arithmetic3A_1953 : i32 to index
        %swap3A_2144 = arith.index_cast %mul3A_1957 : i32 to index
        %swap3A_2145 = tpu.vector_load %arg5[%swap3A_2141, %swap3A_2142, %swap3A_2143, %swap3A_2144] {strides = array<i32>} : memref<2x8x32x32xf32, #tpu.memory_space<vmem>>, vector<16xf32>,
        tpu.vector_store %arg5[%swap3A_2141, %swap3A_2142, %swap3A_2143, %swap3A_2144], %gather3A_2138 {strides = array<i32>} : memref<2x8x32x32xf32, #tpu.memory_space<vmem>>, vector<16xf32>,
      }
      %scan3A_1552 = arith.constant 64 : i32
      %add3A_1553 = arith.addi %mul3A_2, %add3A_1517 : i32
      %jit3A_1554 = arith.constant 1024 : i32
      %div3A_1555 = arith.divsi %add3A_1553, %jit3A_1554 : i32
      %sign3A_1556 = arith.constant 0 : i32
      %sign3A_1557 = arith.cmpi sgt, %add3A_1553, %sign3A_1556 : i32
      %sign3A_1558 = arith.extui %sign3A_1557 : i1 to i32
      %sign3A_1559 = arith.constant 0 : i32
      %sign3A_1560 = arith.cmpi slt, %add3A_1553, %sign3A_1559 : i32
      %sign3A_1561 = arith.extui %sign3A_1560 : i1 to i32
      %sign3A_1562 = arith.subi %sign3A_1558, %sign3A_1561 : i32
      %sign3A_1563 = arith.constant 0 : i32
      %sign3A_1564 = arith.cmpi sgt, %jit3A_1554, %sign3A_1563 : i32
      %sign3A_1565 = arith.extui %sign3A_1564 : i1 to i32
      %sign3A_1566 = arith.constant 0 : i32
      %sign3A_1567 = arith.cmpi slt, %jit3A_1554, %sign3A_1566 : i32
      %sign3A_1568 = arith.extui %sign3A_1567 : i1 to i32
      %sign3A_1569 = arith.subi %sign3A_1565, %sign3A_1568 : i32
      %ne3A_1570 = arith.cmpi ne, %sign3A_1562, %sign3A_1569 : i32
      %rem3A_1571 = arith.remsi %add3A_1553, %jit3A_1554 : i32
      %ne3A_1572 = arith.constant 0 : i32
      %ne3A_1573 = arith.cmpi ne, %rem3A_1571, %ne3A_1572 : i32
      %and3A_1574 = arith.andi %ne3A_1570, %ne3A_1573 : i1
      %sub3A_1575 = arith.constant 1 : i32
      %sub3A_1576 = arith.subi %div3A_1555, %sub3A_1575 : i32
      %select_n3A_1577 = arith.select %and3A_1574, %sub3A_1576, %div3A_1555 : i32
      %jit3A_1578 = arith.constant 1024 : i32
      %eq3A_1579 = arith.constant 0 : i32
      %eq3A_1580 = arith.cmpi eq, %jit3A_1578, %eq3A_1579 : i32
      %jit3A_1581 = arith.constant 1 : i32
      %select_n3A_1582 = arith.select %eq3A_1580, %jit3A_1581, %jit3A_1578 : i32
      %rem3A_1583 = arith.remsi %add3A_1553, %select_n3A_1582 : i32
      %ne3A_1584 = arith.constant 0 : i32
      %ne3A_1585 = arith.cmpi ne, %rem3A_1583, %ne3A_1584 : i32
      %lt3A_1586 = arith.constant 0 : i32
      %lt3A_1587 = arith.cmpi slt, %rem3A_1583, %lt3A_1586 : i32
      %lt3A_1588 = arith.constant 0 : i32
      %lt3A_1589 = arith.cmpi slt, %select_n3A_1582, %lt3A_1588 : i32
      %ne3A_1590 = arith.xori %lt3A_1587, %lt3A_1589 : i1
      %and3A_1591 = arith.andi %ne3A_1590, %ne3A_1585 : i1
      %add3A_1592 = arith.addi %rem3A_1583, %select_n3A_1582 : i32
      %select_n3A_1593 = arith.select %and3A_1591, %add3A_1592, %rem3A_1583 : i32
      %jit3A_1594 = arith.constant 32 : i32
      %div3A_1595 = arith.divsi %select_n3A_1593, %jit3A_1594 : i32
      %sign3A_1596 = arith.constant 0 : i32
      %sign3A_1597 = arith.cmpi sgt, %select_n3A_1593, %sign3A_1596 : i32
      %sign3A_1598 = arith.extui %sign3A_1597 : i1 to i32
      %sign3A_1599 = arith.constant 0 : i32
      %sign3A_1600 = arith.cmpi slt, %select_n3A_1593, %sign3A_1599 : i32
      %sign3A_1601 = arith.extui %sign3A_1600 : i1 to i32
      %sign3A_1602 = arith.subi %sign3A_1598, %sign3A_1601 : i32
      %sign3A_1603 = arith.constant 0 : i32
      %sign3A_1604 = arith.cmpi sgt, %jit3A_1594, %sign3A_1603 : i32
      %sign3A_1605 = arith.extui %sign3A_1604 : i1 to i32
      %sign3A_1606 = arith.constant 0 : i32
      %sign3A_1607 = arith.cmpi slt, %jit3A_1594, %sign3A_1606 : i32
      %sign3A_1608 = arith.extui %sign3A_1607 : i1 to i32
      %sign3A_1609 = arith.subi %sign3A_1605, %sign3A_1608 : i32
      %ne3A_1610 = arith.cmpi ne, %sign3A_1602, %sign3A_1609 : i32
      %rem3A_1611 = arith.remsi %select_n3A_1593, %jit3A_1594 : i32
      %ne3A_1612 = arith.constant 0 : i32
      %ne3A_1613 = arith.cmpi ne, %rem3A_1611, %ne3A_1612 : i32
      %and3A_1614 = arith.andi %ne3A_1610, %ne3A_1613 : i1
      %sub3A_1615 = arith.constant 1 : i32
      %sub3A_1616 = arith.subi %div3A_1595, %sub3A_1615 : i32
      %select_n3A_1617 = arith.select %and3A_1614, %sub3A_1616, %div3A_1595 : i32
      %jit3A_1618 = arith.constant 32 : i32
      %eq3A_1619 = arith.constant 0 : i32
      %eq3A_1620 = arith.cmpi eq, %jit3A_1618, %eq3A_1619 : i32
      %jit3A_1621 = arith.constant 1 : i32
      %select_n3A_1622 = arith.select %eq3A_1620, %jit3A_1621, %jit3A_1618 : i32
      %rem3A_1623 = arith.remsi %select_n3A_1593, %select_n3A_1622 : i32
      %ne3A_1624 = arith.constant 0 : i32
      %ne3A_1625 = arith.cmpi ne, %rem3A_1623, %ne3A_1624 : i32
      %lt3A_1626 = arith.constant 0 : i32
      %lt3A_1627 = arith.cmpi slt, %rem3A_1623, %lt3A_1626 : i32
      %lt3A_1628 = arith.constant 0 : i32
      %lt3A_1629 = arith.cmpi slt, %select_n3A_1622, %lt3A_1628 : i32
      %ne3A_1630 = arith.xori %lt3A_1627, %lt3A_1629 : i1
      %and3A_1631 = arith.andi %ne3A_1630, %ne3A_1625 : i1
      %add3A_1632 = arith.addi %rem3A_1623, %select_n3A_1622 : i32
      %select_n3A_1633 = arith.select %and3A_1631, %add3A_1632, %rem3A_1623 : i32
      %mul3A_1634 = arith.constant 8 : i32
      %mul3A_1635 = arith.muli %select_n3A_1617, %mul3A_1634 : i32
      %dma_start3A_1636 = arith.constant 1 : i32
      %dma_start3A_1637 = arith.constant 0 : i32
      %dma_start3A_1638 = arith.constant 0 : i32
      %dma_start3A_1639 = arith.constant 0 : i32
      %dma_start3A_1640 = tpu.memref_slice %arg5[%dma_start3A_1636, %dma_start3A_1637, %dma_start3A_1638, %dma_start3A_1639] : memref<2x8x32x32xf32, #tpu.memory_space<vmem>> -> memref<1x8x32x32xf32, #tpu.memory_space<vmem>>
      %dma_start3A_1641 = tpu.memref_squeeze %dma_start3A_1640 : memref<1x8x32x32xf32, #tpu.memory_space<vmem>> -> memref<8x32x32xf32, #tpu.memory_space<vmem>>
      %dma_start3A_1642 = arith.constant 0 : i32
      %dma_start3A_1643 = arith.constant 0 : i32
      %dma_start3A_1644 = tpu.memref_slice %arg3[%select_n3A_1577, %mul3A_1635, %select_n3A_1633, %dma_start3A_1642, %dma_start3A_1643] : memref<2x256x32x32x32xf32, #tpu.memory_space<hbm>> -> memref<1x8x1x32x32xf32, #tpu.memory_space<hbm>>
      %dma_start3A_1645 = tpu.memref_squeeze %dma_start3A_1644 : memref<1x8x1x32x32xf32, #tpu.memory_space<hbm>> -> memref<8x32x32xf32, #tpu.memory_space<hbm>>
      %dma_start3A_1646 = arith.constant 0 : i32
      %dma_start3A_1647 = arith.constant 0 : i32
      %dma_start3A_1648 = tpu.memref_slice %arg3[%select_n3A_1577, %mul3A_1635, %select_n3A_1633, %dma_start3A_1646, %dma_start3A_1647] : memref<2x256x32x32x32xf32, #tpu.memory_space<hbm>> -> memref<1x8x1x32x32xf32, #tpu.memory_space<hbm>>
      %dma_start3A_1649 = tpu.memref_squeeze %dma_start3A_1648 : memref<1x8x1x32x32xf32, #tpu.memory_space<hbm>> -> memref<8x32x32xf32, #tpu.memory_space<hbm>>
      %dma_start3A_1650 = arith.constant 0 : i32
      %dma_start3A_1651 = arith.constant 0 : i32
      %dma_start3A_1652 = arith.constant 0 : i32
      %dma_start3A_1653 = tpu.memref_slice %arg5[%dma_start3A_1636, %dma_start3A_1650, %dma_start3A_1651, %dma_start3A_1652] : memref<2x8x32x32xf32, #tpu.memory_space<vmem>> -> memref<1x8x32x32xf32, #tpu.memory_space<vmem>>
      %dma_start3A_1654 = tpu.memref_squeeze %dma_start3A_1653 : memref<1x8x32x32xf32, #tpu.memory_space<vmem>> -> memref<8x32x32xf32, #tpu.memory_space<vmem>>
      tpu.enqueue_dma source(%dma_start3A_1654 : memref<8x32x32xf32, #tpu.memory_space<vmem>>) target(%dma_start3A_1649 : memref<8x32x32xf32, #tpu.memory_space<hbm>>) target_semaphore(%arg10 : memref<!tpu.dma_semaphore, #tpu.memory_space<semaphore_mem>>)
      %lt3A_1655 = arith.constant 61 : i32
      %lt3A_1656 = arith.cmpi slt, %add3A_1517, %lt3A_1655 : i32
      %convert_element_type3A_1657 = arith.extui %lt3A_1656 : i1 to i32
      %cond3A_1658 = arith.constant 0 : i32
      %cond3A_1659 = arith.cmpi ne, %convert_element_type3A_1657, %cond3A_1658 : i32
      scf.if %cond3A_1659 {
        %add3A_1952 = arith.constant 3 : i32
        %add3A_1953 = arith.addi %add3A_1517, %add3A_1952 : i32
        %add3A_1954 = arith.addi %mul3A_2, %add3A_1953 : i32
        %jit3A_1955 = arith.constant 1024 : i32
        %div3A_1956 = arith.divsi %add3A_1954, %jit3A_1955 : i32
        %sign3A_1957 = arith.constant 0 : i32
        %sign3A_1958 = arith.cmpi sgt, %add3A_1954, %sign3A_1957 : i32
        %sign3A_1959 = arith.extui %sign3A_1958 : i1 to i32
        %sign3A_1960 = arith.constant 0 : i32
        %sign3A_1961 = arith.cmpi slt, %add3A_1954, %sign3A_1960 : i32
        %sign3A_1962 = arith.extui %sign3A_1961 : i1 to i32
        %sign3A_1963 = arith.subi %sign3A_1959, %sign3A_1962 : i32
        %sign3A_1964 = arith.constant 0 : i32
        %sign3A_1965 = arith.cmpi sgt, %jit3A_1955, %sign3A_1964 : i32
        %sign3A_1966 = arith.extui %sign3A_1965 : i1 to i32
        %sign3A_1967 = arith.constant 0 : i32
        %sign3A_1968 = arith.cmpi slt, %jit3A_1955, %sign3A_1967 : i32
        %sign3A_1969 = arith.extui %sign3A_1968 : i1 to i32
        %sign3A_1970 = arith.subi %sign3A_1966, %sign3A_1969 : i32
        %ne3A_1971 = arith.cmpi ne, %sign3A_1963, %sign3A_1970 : i32
        %rem3A_1972 = arith.remsi %add3A_1954, %jit3A_1955 : i32
        %ne3A_1973 = arith.constant 0 : i32
        %ne3A_1974 = arith.cmpi ne, %rem3A_1972, %ne3A_1973 : i32
        %and3A_1975 = arith.andi %ne3A_1971, %ne3A_1974 : i1
        %sub3A_1976 = arith.constant 1 : i32
        %sub3A_1977 = arith.subi %div3A_1956, %sub3A_1976 : i32
        %select_n3A_1978 = arith.select %and3A_1975, %sub3A_1977, %div3A_1956 : i32
        %jit3A_1979 = arith.constant 1024 : i32
        %eq3A_1980 = arith.constant 0 : i32
        %eq3A_1981 = arith.cmpi eq, %jit3A_1979, %eq3A_1980 : i32
        %jit3A_1982 = arith.constant 1 : i32
        %select_n3A_1983 = arith.select %eq3A_1981, %jit3A_1982, %jit3A_1979 : i32
        %rem3A_1984 = arith.remsi %add3A_1954, %select_n3A_1983 : i32
        %ne3A_1985 = arith.constant 0 : i32
        %ne3A_1986 = arith.cmpi ne, %rem3A_1984, %ne3A_1985 : i32
        %lt3A_1987 = arith.constant 0 : i32
        %lt3A_1988 = arith.cmpi slt, %rem3A_1984, %lt3A_1987 : i32
        %lt3A_1989 = arith.constant 0 : i32
        %lt3A_1990 = arith.cmpi slt, %select_n3A_1983, %lt3A_1989 : i32
        %ne3A_1991 = arith.xori %lt3A_1988, %lt3A_1990 : i1
        %and3A_1992 = arith.andi %ne3A_1991, %ne3A_1986 : i1
        %add3A_1993 = arith.addi %rem3A_1984, %select_n3A_1983 : i32
        %select_n3A_1994 = arith.select %and3A_1992, %add3A_1993, %rem3A_1984 : i32
        %jit3A_1995 = arith.constant 32 : i32
        %div3A_1996 = arith.divsi %select_n3A_1994, %jit3A_1995 : i32
        %sign3A_1997 = arith.constant 0 : i32
        %sign3A_1998 = arith.cmpi sgt, %select_n3A_1994, %sign3A_1997 : i32
        %sign3A_1999 = arith.extui %sign3A_1998 : i1 to i32
        %sign3A_2000 = arith.constant 0 : i32
        %sign3A_2001 = arith.cmpi slt, %select_n3A_1994, %sign3A_2000 : i32
        %sign3A_2002 = arith.extui %sign3A_2001 : i1 to i32
        %sign3A_2003 = arith.subi %sign3A_1999, %sign3A_2002 : i32
        %sign3A_2004 = arith.constant 0 : i32
        %sign3A_2005 = arith.cmpi sgt, %jit3A_1995, %sign3A_2004 : i32
        %sign3A_2006 = arith.extui %sign3A_2005 : i1 to i32
        %sign3A_2007 = arith.constant 0 : i32
        %sign3A_2008 = arith.cmpi slt, %jit3A_1995, %sign3A_2007 : i32
        %sign3A_2009 = arith.extui %sign3A_2008 : i1 to i32
        %sign3A_2010 = arith.subi %sign3A_2006, %sign3A_2009 : i32
        %ne3A_2011 = arith.cmpi ne, %sign3A_2003, %sign3A_2010 : i32
        %rem3A_2012 = arith.remsi %select_n3A_1994, %jit3A_1995 : i32
        %ne3A_2013 = arith.constant 0 : i32
        %ne3A_2014 = arith.cmpi ne, %rem3A_2012, %ne3A_2013 : i32
        %and3A_2015 = arith.andi %ne3A_2011, %ne3A_2014 : i1
        %sub3A_2016 = arith.constant 1 : i32
        %sub3A_2017 = arith.subi %div3A_1996, %sub3A_2016 : i32
        %select_n3A_2018 = arith.select %and3A_2015, %sub3A_2017, %div3A_1996 : i32
        %jit3A_2019 = arith.constant 32 : i32
        %eq3A_2020 = arith.constant 0 : i32
        %eq3A_2021 = arith.cmpi eq, %jit3A_2019, %eq3A_2020 : i32
        %jit3A_2022 = arith.constant 1 : i32
        %select_n3A_2023 = arith.select %eq3A_2021, %jit3A_2022, %jit3A_2019 : i32
        %rem3A_2024 = arith.remsi %select_n3A_1994, %select_n3A_2023 : i32
        %ne3A_2025 = arith.constant 0 : i32
        %ne3A_2026 = arith.cmpi ne, %rem3A_2024, %ne3A_2025 : i32
        %lt3A_2027 = arith.constant 0 : i32
        %lt3A_2028 = arith.cmpi slt, %rem3A_2024, %lt3A_2027 : i32
        %lt3A_2029 = arith.constant 0 : i32
        %lt3A_2030 = arith.cmpi slt, %select_n3A_2023, %lt3A_2029 : i32
        %ne3A_2031 = arith.xori %lt3A_2028, %lt3A_2030 : i1
        %and3A_2032 = arith.andi %ne3A_2031, %ne3A_2026 : i1
        %add3A_2033 = arith.addi %rem3A_2024, %select_n3A_2023 : i32
        %select_n3A_2034 = arith.select %and3A_2032, %add3A_2033, %rem3A_2024 : i32
        %mul3A_2035 = arith.constant 2 : i32
        %mul3A_2036 = arith.muli %mul3A_2035, %select_n3A_2034 : i32
        %dma_start3A_2037 = arith.constant 0 : i32
        %dma_start3A_2038 = arith.constant 0 : i32
        %dma_start3A_2039 = arith.constant 0 : i32
        %dma_start3A_2040 = arith.constant 0 : i32
        %dma_start3A_2041 = tpu.memref_slice %arg4[%dma_start3A_2037, %dma_start3A_2038, %dma_start3A_2039, %dma_start3A_2040] : memref<3x2x64x64xf32, #tpu.memory_space<vmem>> -> memref<1x2x64x64xf32, #tpu.memory_space<vmem>>
        %dma_start3A_2042 = tpu.memref_squeeze %dma_start3A_2041 : memref<1x2x64x64xf32, #tpu.memory_space<vmem>> -> memref<2x64x64xf32, #tpu.memory_space<vmem>>
        %dma_start3A_2043 = arith.constant 0 : i32
        %dma_start3A_2044 = arith.constant 0 : i32
        %dma_start3A_2045 = tpu.memref_slice %arg2[%select_n3A_1978, %select_n3A_2018, %mul3A_2036, %dma_start3A_2043, %dma_start3A_2044] : memref<2x32x64x64x64xf32, #tpu.memory_space<hbm>> -> memref<1x1x2x64x64xf32, #tpu.memory_space<hbm>>
        %dma_start3A_2046 = tpu.memref_squeeze %dma_start3A_2045 : memref<1x1x2x64x64xf32, #tpu.memory_space<hbm>> -> memref<2x64x64xf32, #tpu.memory_space<hbm>>
        %dma_start3A_2047 = arith.constant 0 : i32
        %dma_start3A_2048 = arith.constant 0 : i32
        %dma_start3A_2049 = arith.constant 0 : i32
        %dma_start3A_2050 = tpu.memref_slice %arg4[%dma_start3A_2037, %dma_start3A_2047, %dma_start3A_2048, %dma_start3A_2049] : memref<3x2x64x64xf32, #tpu.memory_space<vmem>> -> memref<1x2x64x64xf32, #tpu.memory_space<vmem>>
        %dma_start3A_2051 = tpu.memref_squeeze %dma_start3A_2050 : memref<1x2x64x64xf32, #tpu.memory_space<vmem>> -> memref<2x64x64xf32, #tpu.memory_space<vmem>>
        %dma_start3A_2052 = arith.constant 0 : i32
        %dma_start3A_2053 = arith.constant 0 : i32
        %dma_start3A_2054 = tpu.memref_slice %arg2[%select_n3A_1978, %select_n3A_2018, %mul3A_2036, %dma_start3A_2052, %dma_start3A_2053] : memref<2x32x64x64x64xf32, #tpu.memory_space<hbm>> -> memref<1x1x2x64x64xf32, #tpu.memory_space<hbm>>
        %dma_start3A_2055 = tpu.memref_squeeze %dma_start3A_2054 : memref<1x1x2x64x64xf32, #tpu.memory_space<hbm>> -> memref<2x64x64xf32, #tpu.memory_space<hbm>>
        tpu.enqueue_dma source(%dma_start3A_2055 : memref<2x64x64xf32, #tpu.memory_space<hbm>>) target(%dma_start3A_2051 : memref<2x64x64xf32, #tpu.memory_space<vmem>>) target_semaphore(%arg6 : memref<!tpu.dma_semaphore, #tpu.memory_space<semaphore_mem>>)
      } else {
      }
      %mul3A_1660 = arith.constant 6 : i32
      %mul3A_1661 = arith.muli %mul3A_1660, %scan3A_1078 : i32
      %add3A_1662 = arith.constant 4 : i32
      %add3A_1663 = arith.addi %mul3A_1661, %add3A_1662 : i32
      %dma_wait3A_1664 = arith.constant 0 : i32
      %dma_wait3A_1665 = arith.constant 0 : i32
      %dma_wait3A_1666 = arith.constant 1 : i32
      %dma_wait3A_1667 = arith.constant 0 : i32
      %dma_wait3A_1668 = arith.constant 0 : i32
      %dma_wait3A_1669 = arith.constant 0 : i32
      %dma_wait3A_1670 = tpu.memref_slice %arg4[%dma_wait3A_1666, %dma_wait3A_1667, %dma_wait3A_1668, %dma_wait3A_1669] : memref<3x2x64x64xf32, #tpu.memory_space<vmem>> -> memref<1x2x64x64xf32, #tpu.memory_space<vmem>>
      %dma_wait3A_1671 = tpu.memref_squeeze %dma_wait3A_1670 : memref<1x2x64x64xf32, #tpu.memory_space<vmem>> -> memref<2x64x64xf32, #tpu.memory_space<vmem>>
      %dma_wait3A_1672 = arith.constant 0 : i32
      %dma_wait3A_1673 = arith.constant 0 : i32
      %dma_wait3A_1674 = arith.constant 0 : i32
      %dma_wait3A_1675 = tpu.memref_slice %arg2[%dma_wait3A_1664, %dma_wait3A_1665, %dma_wait3A_1672, %dma_wait3A_1673, %dma_wait3A_1674] : memref<2x32x64x64x64xf32, #tpu.memory_space<hbm>> -> memref<1x1x2x64x64xf32, #tpu.memory_space<hbm>>
      %dma_wait3A_1676 = tpu.memref_squeeze %dma_wait3A_1675 : memref<1x1x2x64x64xf32, #tpu.memory_space<hbm>> -> memref<2x64x64xf32, #tpu.memory_space<hbm>>
      %dma_wait3A_1677 = arith.constant 0 : i32
      %dma_wait3A_1678 = arith.constant 0 : i32
      %dma_wait3A_1679 = arith.constant 0 : i32
      %dma_wait3A_1680 = tpu.memref_slice %arg4[%dma_wait3A_1666, %dma_wait3A_1677, %dma_wait3A_1678, %dma_wait3A_1679] : memref<3x2x64x64xf32, #tpu.memory_space<vmem>> -> memref<1x2x64x64xf32, #tpu.memory_space<vmem>>
      %dma_wait3A_1681 = tpu.memref_squeeze %dma_wait3A_1680 : memref<1x2x64x64xf32, #tpu.memory_space<vmem>> -> memref<2x64x64xf32, #tpu.memory_space<vmem>>
      %dma_wait3A_1682 = arith.constant 0 : i32
      %dma_wait3A_1683 = arith.constant 0 : i32
      %dma_wait3A_1684 = arith.constant 0 : i32
      %dma_wait3A_1685 = tpu.memref_slice %arg2[%dma_wait3A_1664, %dma_wait3A_1665, %dma_wait3A_1682, %dma_wait3A_1683, %dma_wait3A_1684] : memref<2x32x64x64x64xf32, #tpu.memory_space<hbm>> -> memref<1x1x2x64x64xf32, #tpu.memory_space<hbm>>
      %dma_wait3A_1686 = tpu.memref_squeeze %dma_wait3A_1685 : memref<1x1x2x64x64xf32, #tpu.memory_space<hbm>> -> memref<2x64x64xf32, #tpu.memory_space<hbm>>
      tpu.wait_dma2 semaphore(%arg7 : memref<!tpu.dma_semaphore, #tpu.memory_space<semaphore_mem>>) src(%dma_wait3A_1686 : memref<2x64x64xf32, #tpu.memory_space<hbm>>) dst(%dma_wait3A_1681 : memref<2x64x64xf32, #tpu.memory_space<vmem>>)
      %ge3A_1687 = arith.constant 2 : i32
      %ge3A_1688 = arith.cmpi sge, %add3A_1663, %ge3A_1687 : i32
      %convert_element_type3A_1689 = arith.extui %ge3A_1688 : i1 to i32
      %cond3A_1690 = arith.constant 0 : i32
      %cond3A_1691 = arith.cmpi ne, %convert_element_type3A_1689, %cond3A_1690 : i32
      scf.if %cond3A_1691 {
        %dma_wait3A_1952 = arith.constant 0 : i32
        %dma_wait3A_1953 = arith.constant 0 : i32
        %dma_wait3A_1954 = arith.constant 0 : i32
        %dma_wait3A_1955 = arith.constant 0 : i32
        %dma_wait3A_1956 = arith.constant 0 : i32
        %dma_wait3A_1957 = arith.constant 0 : i32
        %dma_wait3A_1958 = tpu.memref_slice %arg5[%dma_wait3A_1952, %dma_wait3A_1955, %dma_wait3A_1956, %dma_wait3A_1957] : memref<2x8x32x32xf32, #tpu.memory_space<vmem>> -> memref<1x8x32x32xf32, #tpu.memory_space<vmem>>
        %dma_wait3A_1959 = tpu.memref_squeeze %dma_wait3A_1958 : memref<1x8x32x32xf32, #tpu.memory_space<vmem>> -> memref<8x32x32xf32, #tpu.memory_space<vmem>>
        %dma_wait3A_1960 = arith.constant 0 : i32
        %dma_wait3A_1961 = arith.constant 0 : i32
        %dma_wait3A_1962 = arith.constant 0 : i32
        %dma_wait3A_1963 = tpu.memref_slice %arg3[%dma_wait3A_1953, %dma_wait3A_1960, %dma_wait3A_1954, %dma_wait3A_1961, %dma_wait3A_1962] : memref<2x256x32x32x32xf32, #tpu.memory_space<hbm>> -> memref<1x8x1x32x32xf32, #tpu.memory_space<hbm>>
        %dma_wait3A_1964 = tpu.memref_squeeze %dma_wait3A_1963 : memref<1x8x1x32x32xf32, #tpu.memory_space<hbm>> -> memref<8x32x32xf32, #tpu.memory_space<hbm>>
        %dma_wait3A_1965 = arith.constant 0 : i32
        %dma_wait3A_1966 = arith.constant 0 : i32
        %dma_wait3A_1967 = arith.constant 0 : i32
        %dma_wait3A_1968 = tpu.memref_slice %arg3[%dma_wait3A_1953, %dma_wait3A_1965, %dma_wait3A_1954, %dma_wait3A_1966, %dma_wait3A_1967] : memref<2x256x32x32x32xf32, #tpu.memory_space<hbm>> -> memref<1x8x1x32x32xf32, #tpu.memory_space<hbm>>
        %dma_wait3A_1969 = tpu.memref_squeeze %dma_wait3A_1968 : memref<1x8x1x32x32xf32, #tpu.memory_space<hbm>> -> memref<8x32x32xf32, #tpu.memory_space<hbm>>
        %dma_wait3A_1970 = arith.constant 0 : i32
        %dma_wait3A_1971 = arith.constant 0 : i32
        %dma_wait3A_1972 = arith.constant 0 : i32
        %dma_wait3A_1973 = tpu.memref_slice %arg5[%dma_wait3A_1952, %dma_wait3A_1970, %dma_wait3A_1971, %dma_wait3A_1972] : memref<2x8x32x32xf32, #tpu.memory_space<vmem>> -> memref<1x8x32x32xf32, #tpu.memory_space<vmem>>
        %dma_wait3A_1974 = tpu.memref_squeeze %dma_wait3A_1973 : memref<1x8x32x32xf32, #tpu.memory_space<vmem>> -> memref<8x32x32xf32, #tpu.memory_space<vmem>>
        tpu.wait_dma2 semaphore(%arg9 : memref<!tpu.dma_semaphore, #tpu.memory_space<semaphore_mem>>) src(%dma_wait3A_1974 : memref<8x32x32xf32, #tpu.memory_space<vmem>>) dst(%dma_wait3A_1969 : memref<8x32x32xf32, #tpu.memory_space<hbm>>)
      } else {
      }
      %scan3A_1692 = arith.constant 0 : i32
      %scan3A_1693 = arith.constant 1 : i32
      %scan3A_1694 = arith.constant 0 : i32
      %scan3A_1695 = arith.constant 64 : i32
      %scan3A_1696 = arith.addi %scan3A_1694, %scan3A_1695 : i32
      %scan3A_1697 = arith.constant 1 : i32
      scf.for %scan3A_1952 = %scan3A_1694 to %scan3A_1696 step %scan3A_1697  : i32 {
        %shift_right_arithmetic3A = arith.constant 1 : i32
        %shift_right_arithmetic3A_1953 = arith.shrsi %scan3A_1952, %shift_right_arithmetic3A : i32
        %and3A_1954 = arith.constant 1 : i32
        %and3A_1955 = arith.andi %scan3A_1952, %and3A_1954 : i32
        %mul3A_1956 = arith.constant 16 : i32
        %mul3A_1957 = arith.muli %and3A_1955, %mul3A_1956 : i32
        %mul3A_1958 = arith.constant 2 : i32
        %mul3A_1959 = arith.muli %mul3A_1958, %mul3A_1957 : i32
        %mul3A_1960 = arith.constant 2 : i32
        %mul3A_1961 = vector.broadcast %mul3A_1960 : i32 to vector<16xi32>
        %mul3A_1962 = arith.muli %iota3A, %mul3A_1961 : vector<16xi32>
        %add3A_1963 = vector.broadcast %mul3A_1959 : i32 to vector<16xi32>
        %add3A_1964 = arith.addi %add3A_1963, %mul3A_1962 : vector<16xi32>
        %broadcast_in_dim3A = arith.constant 0 : i32
        %broadcast_in_dim3A_1965 = vector.broadcast %broadcast_in_dim3A : i32 to vector<16xi32>
        %mul3A_1966 = arith.constant 2 : i32
        %mul3A_1967 = arith.muli %mul3A_1966, %shift_right_arithmetic3A_1953 : i32
        %add3A_1968 = arith.constant 0 : i32
        %add3A_1969 = arith.addi %mul3A_1967, %add3A_1968 : i32
        %broadcast_in_dim3A_1970 = vector.broadcast %add3A_1969 : i32 to vector<16xi32>
        %add3A_1971 = arith.constant 0 : i32
        %add3A_1972 = vector.broadcast %add3A_1971 : i32 to vector<16xi32>
        %add3A_1973 = arith.addi %add3A_1964, %add3A_1972 : vector<16xi32>
        %gather3A = arith.constant 0 : i32
        %gather3A_1974 = arith.constant 0 : i32
        %gather3A_1975 = arith.constant 0 : i32
        %gather3A_1976 = tpu.memref_slice %arg4[%scan3A_1693, %gather3A, %gather3A_1974, %gather3A_1975] : memref<3x2x64x64xf32, #tpu.memory_space<vmem>> -> memref<1x2x64x64xf32, #tpu.memory_space<vmem>>
        %gather3A_1977 = tpu.memref_squeeze %gather3A_1976 : memref<1x2x64x64xf32, #tpu.memory_space<vmem>> -> memref<2x64x64xf32, #tpu.memory_space<vmem>>
        %gather3A_1978 = tpu.vector_load_idx %gather3A_1977[%broadcast_in_dim3A_1965, %broadcast_in_dim3A_1970, %add3A_1973] : memref<2x64x64xf32, #tpu.memory_space<vmem>>[vector<16xi32>, vector<16xi32>, vector<16xi32>], vector<16xf32>,
        %swap3A = arith.constant 0 : i32
        %swap3A_1979 = arith.constant 0 : i32
        %swap3A_1980 = arith.index_cast %swap3A : i32 to index
        %swap3A_1981 = arith.index_cast %swap3A_1979 : i32 to index
        %swap3A_1982 = arith.index_cast %shift_right_arithmetic3A_1953 : i32 to index
        %swap3A_1983 = arith.index_cast %mul3A_1957 : i32 to index
        %swap3A_1984 = tpu.vector_load %arg5[%swap3A_1980, %swap3A_1981, %swap3A_1982, %swap3A_1983] {strides = array<i32>} : memref<2x8x32x32xf32, #tpu.memory_space<vmem>>, vector<16xf32>,
        tpu.vector_store %arg5[%swap3A_1980, %swap3A_1981, %swap3A_1982, %swap3A_1983], %gather3A_1978 {strides = array<i32>} : memref<2x8x32x32xf32, #tpu.memory_space<vmem>>, vector<16xf32>,
        %broadcast_in_dim3A_1985 = arith.constant 0 : i32
        %broadcast_in_dim3A_1986 = vector.broadcast %broadcast_in_dim3A_1985 : i32 to vector<16xi32>
        %mul3A_1987 = arith.constant 2 : i32
        %mul3A_1988 = arith.muli %mul3A_1987, %shift_right_arithmetic3A_1953 : i32
        %add3A_1989 = arith.constant 0 : i32
        %add3A_1990 = arith.addi %mul3A_1988, %add3A_1989 : i32
        %broadcast_in_dim3A_1991 = vector.broadcast %add3A_1990 : i32 to vector<16xi32>
        %add3A_1992 = arith.constant 1 : i32
        %add3A_1993 = vector.broadcast %add3A_1992 : i32 to vector<16xi32>
        %add3A_1994 = arith.addi %add3A_1964, %add3A_1993 : vector<16xi32>
        %gather3A_1995 = arith.constant 0 : i32
        %gather3A_1996 = arith.constant 0 : i32
        %gather3A_1997 = arith.constant 0 : i32
        %gather3A_1998 = tpu.memref_slice %arg4[%scan3A_1693, %gather3A_1995, %gather3A_1996, %gather3A_1997] : memref<3x2x64x64xf32, #tpu.memory_space<vmem>> -> memref<1x2x64x64xf32, #tpu.memory_space<vmem>>
        %gather3A_1999 = tpu.memref_squeeze %gather3A_1998 : memref<1x2x64x64xf32, #tpu.memory_space<vmem>> -> memref<2x64x64xf32, #tpu.memory_space<vmem>>
        %gather3A_2000 = tpu.vector_load_idx %gather3A_1999[%broadcast_in_dim3A_1986, %broadcast_in_dim3A_1991, %add3A_1994] : memref<2x64x64xf32, #tpu.memory_space<vmem>>[vector<16xi32>, vector<16xi32>, vector<16xi32>], vector<16xf32>,
        %swap3A_2001 = arith.constant 0 : i32
        %swap3A_2002 = arith.constant 1 : i32
        %swap3A_2003 = arith.index_cast %swap3A_2001 : i32 to index
        %swap3A_2004 = arith.index_cast %swap3A_2002 : i32 to index
        %swap3A_2005 = arith.index_cast %shift_right_arithmetic3A_1953 : i32 to index
        %swap3A_2006 = arith.index_cast %mul3A_1957 : i32 to index
        %swap3A_2007 = tpu.vector_load %arg5[%swap3A_2003, %swap3A_2004, %swap3A_2005, %swap3A_2006] {strides = array<i32>} : memref<2x8x32x32xf32, #tpu.memory_space<vmem>>, vector<16xf32>,
        tpu.vector_store %arg5[%swap3A_2003, %swap3A_2004, %swap3A_2005, %swap3A_2006], %gather3A_2000 {strides = array<i32>} : memref<2x8x32x32xf32, #tpu.memory_space<vmem>>, vector<16xf32>,
        %broadcast_in_dim3A_2008 = arith.constant 0 : i32
        %broadcast_in_dim3A_2009 = vector.broadcast %broadcast_in_dim3A_2008 : i32 to vector<16xi32>
        %mul3A_2010 = arith.constant 2 : i32
        %mul3A_2011 = arith.muli %mul3A_2010, %shift_right_arithmetic3A_1953 : i32
        %add3A_2012 = arith.constant 1 : i32
        %add3A_2013 = arith.addi %mul3A_2011, %add3A_2012 : i32
        %broadcast_in_dim3A_2014 = vector.broadcast %add3A_2013 : i32 to vector<16xi32>
        %add3A_2015 = arith.constant 0 : i32
        %add3A_2016 = vector.broadcast %add3A_2015 : i32 to vector<16xi32>
        %add3A_2017 = arith.addi %add3A_1964, %add3A_2016 : vector<16xi32>
        %gather3A_2018 = arith.constant 0 : i32
        %gather3A_2019 = arith.constant 0 : i32
        %gather3A_2020 = arith.constant 0 : i32
        %gather3A_2021 = tpu.memref_slice %arg4[%scan3A_1693, %gather3A_2018, %gather3A_2019, %gather3A_2020] : memref<3x2x64x64xf32, #tpu.memory_space<vmem>> -> memref<1x2x64x64xf32, #tpu.memory_space<vmem>>
        %gather3A_2022 = tpu.memref_squeeze %gather3A_2021 : memref<1x2x64x64xf32, #tpu.memory_space<vmem>> -> memref<2x64x64xf32, #tpu.memory_space<vmem>>
        %gather3A_2023 = tpu.vector_load_idx %gather3A_2022[%broadcast_in_dim3A_2009, %broadcast_in_dim3A_2014, %add3A_2017] : memref<2x64x64xf32, #tpu.memory_space<vmem>>[vector<16xi32>, vector<16xi32>, vector<16xi32>], vector<16xf32>,
        %swap3A_2024 = arith.constant 0 : i32
        %swap3A_2025 = arith.constant 2 : i32
        %swap3A_2026 = arith.index_cast %swap3A_2024 : i32 to index
        %swap3A_2027 = arith.index_cast %swap3A_2025 : i32 to index
        %swap3A_2028 = arith.index_cast %shift_right_arithmetic3A_1953 : i32 to index
        %swap3A_2029 = arith.index_cast %mul3A_1957 : i32 to index
        %swap3A_2030 = tpu.vector_load %arg5[%swap3A_2026, %swap3A_2027, %swap3A_2028, %swap3A_2029] {strides = array<i32>} : memref<2x8x32x32xf32, #tpu.memory_space<vmem>>, vector<16xf32>,
        tpu.vector_store %arg5[%swap3A_2026, %swap3A_2027, %swap3A_2028, %swap3A_2029], %gather3A_2023 {strides = array<i32>} : memref<2x8x32x32xf32, #tpu.memory_space<vmem>>, vector<16xf32>,
        %broadcast_in_dim3A_2031 = arith.constant 0 : i32
        %broadcast_in_dim3A_2032 = vector.broadcast %broadcast_in_dim3A_2031 : i32 to vector<16xi32>
        %mul3A_2033 = arith.constant 2 : i32
        %mul3A_2034 = arith.muli %mul3A_2033, %shift_right_arithmetic3A_1953 : i32
        %add3A_2035 = arith.constant 1 : i32
        %add3A_2036 = arith.addi %mul3A_2034, %add3A_2035 : i32
        %broadcast_in_dim3A_2037 = vector.broadcast %add3A_2036 : i32 to vector<16xi32>
        %add3A_2038 = arith.constant 1 : i32
        %add3A_2039 = vector.broadcast %add3A_2038 : i32 to vector<16xi32>
        %add3A_2040 = arith.addi %add3A_1964, %add3A_2039 : vector<16xi32>
        %gather3A_2041 = arith.constant 0 : i32
        %gather3A_2042 = arith.constant 0 : i32
        %gather3A_2043 = arith.constant 0 : i32
        %gather3A_2044 = tpu.memref_slice %arg4[%scan3A_1693, %gather3A_2041, %gather3A_2042, %gather3A_2043] : memref<3x2x64x64xf32, #tpu.memory_space<vmem>> -> memref<1x2x64x64xf32, #tpu.memory_space<vmem>>
        %gather3A_2045 = tpu.memref_squeeze %gather3A_2044 : memref<1x2x64x64xf32, #tpu.memory_space<vmem>> -> memref<2x64x64xf32, #tpu.memory_space<vmem>>
        %gather3A_2046 = tpu.vector_load_idx %gather3A_2045[%broadcast_in_dim3A_2032, %broadcast_in_dim3A_2037, %add3A_2040] : memref<2x64x64xf32, #tpu.memory_space<vmem>>[vector<16xi32>, vector<16xi32>, vector<16xi32>], vector<16xf32>,
        %swap3A_2047 = arith.constant 0 : i32
        %swap3A_2048 = arith.constant 3 : i32
        %swap3A_2049 = arith.index_cast %swap3A_2047 : i32 to index
        %swap3A_2050 = arith.index_cast %swap3A_2048 : i32 to index
        %swap3A_2051 = arith.index_cast %shift_right_arithmetic3A_1953 : i32 to index
        %swap3A_2052 = arith.index_cast %mul3A_1957 : i32 to index
        %swap3A_2053 = tpu.vector_load %arg5[%swap3A_2049, %swap3A_2050, %swap3A_2051, %swap3A_2052] {strides = array<i32>} : memref<2x8x32x32xf32, #tpu.memory_space<vmem>>, vector<16xf32>,
        tpu.vector_store %arg5[%swap3A_2049, %swap3A_2050, %swap3A_2051, %swap3A_2052], %gather3A_2046 {strides = array<i32>} : memref<2x8x32x32xf32, #tpu.memory_space<vmem>>, vector<16xf32>,
        %broadcast_in_dim3A_2054 = arith.constant 1 : i32
        %broadcast_in_dim3A_2055 = vector.broadcast %broadcast_in_dim3A_2054 : i32 to vector<16xi32>
        %mul3A_2056 = arith.constant 2 : i32
        %mul3A_2057 = arith.muli %mul3A_2056, %shift_right_arithmetic3A_1953 : i32
        %add3A_2058 = arith.constant 0 : i32
        %add3A_2059 = arith.addi %mul3A_2057, %add3A_2058 : i32
        %broadcast_in_dim3A_2060 = vector.broadcast %add3A_2059 : i32 to vector<16xi32>
        %add3A_2061 = arith.constant 0 : i32
        %add3A_2062 = vector.broadcast %add3A_2061 : i32 to vector<16xi32>
        %add3A_2063 = arith.addi %add3A_1964, %add3A_2062 : vector<16xi32>
        %gather3A_2064 = arith.constant 0 : i32
        %gather3A_2065 = arith.constant 0 : i32
        %gather3A_2066 = arith.constant 0 : i32
        %gather3A_2067 = tpu.memref_slice %arg4[%scan3A_1693, %gather3A_2064, %gather3A_2065, %gather3A_2066] : memref<3x2x64x64xf32, #tpu.memory_space<vmem>> -> memref<1x2x64x64xf32, #tpu.memory_space<vmem>>
        %gather3A_2068 = tpu.memref_squeeze %gather3A_2067 : memref<1x2x64x64xf32, #tpu.memory_space<vmem>> -> memref<2x64x64xf32, #tpu.memory_space<vmem>>
        %gather3A_2069 = tpu.vector_load_idx %gather3A_2068[%broadcast_in_dim3A_2055, %broadcast_in_dim3A_2060, %add3A_2063] : memref<2x64x64xf32, #tpu.memory_space<vmem>>[vector<16xi32>, vector<16xi32>, vector<16xi32>], vector<16xf32>,
        %swap3A_2070 = arith.constant 0 : i32
        %swap3A_2071 = arith.constant 4 : i32
        %swap3A_2072 = arith.index_cast %swap3A_2070 : i32 to index
        %swap3A_2073 = arith.index_cast %swap3A_2071 : i32 to index
        %swap3A_2074 = arith.index_cast %shift_right_arithmetic3A_1953 : i32 to index
        %swap3A_2075 = arith.index_cast %mul3A_1957 : i32 to index
        %swap3A_2076 = tpu.vector_load %arg5[%swap3A_2072, %swap3A_2073, %swap3A_2074, %swap3A_2075] {strides = array<i32>} : memref<2x8x32x32xf32, #tpu.memory_space<vmem>>, vector<16xf32>,
        tpu.vector_store %arg5[%swap3A_2072, %swap3A_2073, %swap3A_2074, %swap3A_2075], %gather3A_2069 {strides = array<i32>} : memref<2x8x32x32xf32, #tpu.memory_space<vmem>>, vector<16xf32>,
        %broadcast_in_dim3A_2077 = arith.constant 1 : i32
        %broadcast_in_dim3A_2078 = vector.broadcast %broadcast_in_dim3A_2077 : i32 to vector<16xi32>
        %mul3A_2079 = arith.constant 2 : i32
        %mul3A_2080 = arith.muli %mul3A_2079, %shift_right_arithmetic3A_1953 : i32
        %add3A_2081 = arith.constant 0 : i32
        %add3A_2082 = arith.addi %mul3A_2080, %add3A_2081 : i32
        %broadcast_in_dim3A_2083 = vector.broadcast %add3A_2082 : i32 to vector<16xi32>
        %add3A_2084 = arith.constant 1 : i32
        %add3A_2085 = vector.broadcast %add3A_2084 : i32 to vector<16xi32>
        %add3A_2086 = arith.addi %add3A_1964, %add3A_2085 : vector<16xi32>
        %gather3A_2087 = arith.constant 0 : i32
        %gather3A_2088 = arith.constant 0 : i32
        %gather3A_2089 = arith.constant 0 : i32
        %gather3A_2090 = tpu.memref_slice %arg4[%scan3A_1693, %gather3A_2087, %gather3A_2088, %gather3A_2089] : memref<3x2x64x64xf32, #tpu.memory_space<vmem>> -> memref<1x2x64x64xf32, #tpu.memory_space<vmem>>
        %gather3A_2091 = tpu.memref_squeeze %gather3A_2090 : memref<1x2x64x64xf32, #tpu.memory_space<vmem>> -> memref<2x64x64xf32, #tpu.memory_space<vmem>>
        %gather3A_2092 = tpu.vector_load_idx %gather3A_2091[%broadcast_in_dim3A_2078, %broadcast_in_dim3A_2083, %add3A_2086] : memref<2x64x64xf32, #tpu.memory_space<vmem>>[vector<16xi32>, vector<16xi32>, vector<16xi32>], vector<16xf32>,
        %swap3A_2093 = arith.constant 0 : i32
        %swap3A_2094 = arith.constant 5 : i32
        %swap3A_2095 = arith.index_cast %swap3A_2093 : i32 to index
        %swap3A_2096 = arith.index_cast %swap3A_2094 : i32 to index
        %swap3A_2097 = arith.index_cast %shift_right_arithmetic3A_1953 : i32 to index
        %swap3A_2098 = arith.index_cast %mul3A_1957 : i32 to index
        %swap3A_2099 = tpu.vector_load %arg5[%swap3A_2095, %swap3A_2096, %swap3A_2097, %swap3A_2098] {strides = array<i32>} : memref<2x8x32x32xf32, #tpu.memory_space<vmem>>, vector<16xf32>,
        tpu.vector_store %arg5[%swap3A_2095, %swap3A_2096, %swap3A_2097, %swap3A_2098], %gather3A_2092 {strides = array<i32>} : memref<2x8x32x32xf32, #tpu.memory_space<vmem>>, vector<16xf32>,
        %broadcast_in_dim3A_2100 = arith.constant 1 : i32
        %broadcast_in_dim3A_2101 = vector.broadcast %broadcast_in_dim3A_2100 : i32 to vector<16xi32>
        %mul3A_2102 = arith.constant 2 : i32
        %mul3A_2103 = arith.muli %mul3A_2102, %shift_right_arithmetic3A_1953 : i32
        %add3A_2104 = arith.constant 1 : i32
        %add3A_2105 = arith.addi %mul3A_2103, %add3A_2104 : i32
        %broadcast_in_dim3A_2106 = vector.broadcast %add3A_2105 : i32 to vector<16xi32>
        %add3A_2107 = arith.constant 0 : i32
        %add3A_2108 = vector.broadcast %add3A_2107 : i32 to vector<16xi32>
        %add3A_2109 = arith.addi %add3A_1964, %add3A_2108 : vector<16xi32>
        %gather3A_2110 = arith.constant 0 : i32
        %gather3A_2111 = arith.constant 0 : i32
        %gather3A_2112 = arith.constant 0 : i32
        %gather3A_2113 = tpu.memref_slice %arg4[%scan3A_1693, %gather3A_2110, %gather3A_2111, %gather3A_2112] : memref<3x2x64x64xf32, #tpu.memory_space<vmem>> -> memref<1x2x64x64xf32, #tpu.memory_space<vmem>>
        %gather3A_2114 = tpu.memref_squeeze %gather3A_2113 : memref<1x2x64x64xf32, #tpu.memory_space<vmem>> -> memref<2x64x64xf32, #tpu.memory_space<vmem>>
        %gather3A_2115 = tpu.vector_load_idx %gather3A_2114[%broadcast_in_dim3A_2101, %broadcast_in_dim3A_2106, %add3A_2109] : memref<2x64x64xf32, #tpu.memory_space<vmem>>[vector<16xi32>, vector<16xi32>, vector<16xi32>], vector<16xf32>,
        %swap3A_2116 = arith.constant 0 : i32
        %swap3A_2117 = arith.constant 6 : i32
        %swap3A_2118 = arith.index_cast %swap3A_2116 : i32 to index
        %swap3A_2119 = arith.index_cast %swap3A_2117 : i32 to index
        %swap3A_2120 = arith.index_cast %shift_right_arithmetic3A_1953 : i32 to index
        %swap3A_2121 = arith.index_cast %mul3A_1957 : i32 to index
        %swap3A_2122 = tpu.vector_load %arg5[%swap3A_2118, %swap3A_2119, %swap3A_2120, %swap3A_2121] {strides = array<i32>} : memref<2x8x32x32xf32, #tpu.memory_space<vmem>>, vector<16xf32>,
        tpu.vector_store %arg5[%swap3A_2118, %swap3A_2119, %swap3A_2120, %swap3A_2121], %gather3A_2115 {strides = array<i32>} : memref<2x8x32x32xf32, #tpu.memory_space<vmem>>, vector<16xf32>,
        %broadcast_in_dim3A_2123 = arith.constant 1 : i32
        %broadcast_in_dim3A_2124 = vector.broadcast %broadcast_in_dim3A_2123 : i32 to vector<16xi32>
        %mul3A_2125 = arith.constant 2 : i32
        %mul3A_2126 = arith.muli %mul3A_2125, %shift_right_arithmetic3A_1953 : i32
        %add3A_2127 = arith.constant 1 : i32
        %add3A_2128 = arith.addi %mul3A_2126, %add3A_2127 : i32
        %broadcast_in_dim3A_2129 = vector.broadcast %add3A_2128 : i32 to vector<16xi32>
        %add3A_2130 = arith.constant 1 : i32
        %add3A_2131 = vector.broadcast %add3A_2130 : i32 to vector<16xi32>
        %add3A_2132 = arith.addi %add3A_1964, %add3A_2131 : vector<16xi32>
        %gather3A_2133 = arith.constant 0 : i32
        %gather3A_2134 = arith.constant 0 : i32
        %gather3A_2135 = arith.constant 0 : i32
        %gather3A_2136 = tpu.memref_slice %arg4[%scan3A_1693, %gather3A_2133, %gather3A_2134, %gather3A_2135] : memref<3x2x64x64xf32, #tpu.memory_space<vmem>> -> memref<1x2x64x64xf32, #tpu.memory_space<vmem>>
        %gather3A_2137 = tpu.memref_squeeze %gather3A_2136 : memref<1x2x64x64xf32, #tpu.memory_space<vmem>> -> memref<2x64x64xf32, #tpu.memory_space<vmem>>
        %gather3A_2138 = tpu.vector_load_idx %gather3A_2137[%broadcast_in_dim3A_2124, %broadcast_in_dim3A_2129, %add3A_2132] : memref<2x64x64xf32, #tpu.memory_space<vmem>>[vector<16xi32>, vector<16xi32>, vector<16xi32>], vector<16xf32>,
        %swap3A_2139 = arith.constant 0 : i32
        %swap3A_2140 = arith.constant 7 : i32
        %swap3A_2141 = arith.index_cast %swap3A_2139 : i32 to index
        %swap3A_2142 = arith.index_cast %swap3A_2140 : i32 to index
        %swap3A_2143 = arith.index_cast %shift_right_arithmetic3A_1953 : i32 to index
        %swap3A_2144 = arith.index_cast %mul3A_1957 : i32 to index
        %swap3A_2145 = tpu.vector_load %arg5[%swap3A_2141, %swap3A_2142, %swap3A_2143, %swap3A_2144] {strides = array<i32>} : memref<2x8x32x32xf32, #tpu.memory_space<vmem>>, vector<16xf32>,
        tpu.vector_store %arg5[%swap3A_2141, %swap3A_2142, %swap3A_2143, %swap3A_2144], %gather3A_2138 {strides = array<i32>} : memref<2x8x32x32xf32, #tpu.memory_space<vmem>>, vector<16xf32>,
      }
      %scan3A_1698 = arith.constant 64 : i32
      %add3A_1699 = arith.addi %mul3A_2, %add3A_1663 : i32
      %jit3A_1700 = arith.constant 1024 : i32
      %div3A_1701 = arith.divsi %add3A_1699, %jit3A_1700 : i32
      %sign3A_1702 = arith.constant 0 : i32
      %sign3A_1703 = arith.cmpi sgt, %add3A_1699, %sign3A_1702 : i32
      %sign3A_1704 = arith.extui %sign3A_1703 : i1 to i32
      %sign3A_1705 = arith.constant 0 : i32
      %sign3A_1706 = arith.cmpi slt, %add3A_1699, %sign3A_1705 : i32
      %sign3A_1707 = arith.extui %sign3A_1706 : i1 to i32
      %sign3A_1708 = arith.subi %sign3A_1704, %sign3A_1707 : i32
      %sign3A_1709 = arith.constant 0 : i32
      %sign3A_1710 = arith.cmpi sgt, %jit3A_1700, %sign3A_1709 : i32
      %sign3A_1711 = arith.extui %sign3A_1710 : i1 to i32
      %sign3A_1712 = arith.constant 0 : i32
      %sign3A_1713 = arith.cmpi slt, %jit3A_1700, %sign3A_1712 : i32
      %sign3A_1714 = arith.extui %sign3A_1713 : i1 to i32
      %sign3A_1715 = arith.subi %sign3A_1711, %sign3A_1714 : i32
      %ne3A_1716 = arith.cmpi ne, %sign3A_1708, %sign3A_1715 : i32
      %rem3A_1717 = arith.remsi %add3A_1699, %jit3A_1700 : i32
      %ne3A_1718 = arith.constant 0 : i32
      %ne3A_1719 = arith.cmpi ne, %rem3A_1717, %ne3A_1718 : i32
      %and3A_1720 = arith.andi %ne3A_1716, %ne3A_1719 : i1
      %sub3A_1721 = arith.constant 1 : i32
      %sub3A_1722 = arith.subi %div3A_1701, %sub3A_1721 : i32
      %select_n3A_1723 = arith.select %and3A_1720, %sub3A_1722, %div3A_1701 : i32
      %jit3A_1724 = arith.constant 1024 : i32
      %eq3A_1725 = arith.constant 0 : i32
      %eq3A_1726 = arith.cmpi eq, %jit3A_1724, %eq3A_1725 : i32
      %jit3A_1727 = arith.constant 1 : i32
      %select_n3A_1728 = arith.select %eq3A_1726, %jit3A_1727, %jit3A_1724 : i32
      %rem3A_1729 = arith.remsi %add3A_1699, %select_n3A_1728 : i32
      %ne3A_1730 = arith.constant 0 : i32
      %ne3A_1731 = arith.cmpi ne, %rem3A_1729, %ne3A_1730 : i32
      %lt3A_1732 = arith.constant 0 : i32
      %lt3A_1733 = arith.cmpi slt, %rem3A_1729, %lt3A_1732 : i32
      %lt3A_1734 = arith.constant 0 : i32
      %lt3A_1735 = arith.cmpi slt, %select_n3A_1728, %lt3A_1734 : i32
      %ne3A_1736 = arith.xori %lt3A_1733, %lt3A_1735 : i1
      %and3A_1737 = arith.andi %ne3A_1736, %ne3A_1731 : i1
      %add3A_1738 = arith.addi %rem3A_1729, %select_n3A_1728 : i32
      %select_n3A_1739 = arith.select %and3A_1737, %add3A_1738, %rem3A_1729 : i32
      %jit3A_1740 = arith.constant 32 : i32
      %div3A_1741 = arith.divsi %select_n3A_1739, %jit3A_1740 : i32
      %sign3A_1742 = arith.constant 0 : i32
      %sign3A_1743 = arith.cmpi sgt, %select_n3A_1739, %sign3A_1742 : i32
      %sign3A_1744 = arith.extui %sign3A_1743 : i1 to i32
      %sign3A_1745 = arith.constant 0 : i32
      %sign3A_1746 = arith.cmpi slt, %select_n3A_1739, %sign3A_1745 : i32
      %sign3A_1747 = arith.extui %sign3A_1746 : i1 to i32
      %sign3A_1748 = arith.subi %sign3A_1744, %sign3A_1747 : i32
      %sign3A_1749 = arith.constant 0 : i32
      %sign3A_1750 = arith.cmpi sgt, %jit3A_1740, %sign3A_1749 : i32
      %sign3A_1751 = arith.extui %sign3A_1750 : i1 to i32
      %sign3A_1752 = arith.constant 0 : i32
      %sign3A_1753 = arith.cmpi slt, %jit3A_1740, %sign3A_1752 : i32
      %sign3A_1754 = arith.extui %sign3A_1753 : i1 to i32
      %sign3A_1755 = arith.subi %sign3A_1751, %sign3A_1754 : i32
      %ne3A_1756 = arith.cmpi ne, %sign3A_1748, %sign3A_1755 : i32
      %rem3A_1757 = arith.remsi %select_n3A_1739, %jit3A_1740 : i32
      %ne3A_1758 = arith.constant 0 : i32
      %ne3A_1759 = arith.cmpi ne, %rem3A_1757, %ne3A_1758 : i32
      %and3A_1760 = arith.andi %ne3A_1756, %ne3A_1759 : i1
      %sub3A_1761 = arith.constant 1 : i32
      %sub3A_1762 = arith.subi %div3A_1741, %sub3A_1761 : i32
      %select_n3A_1763 = arith.select %and3A_1760, %sub3A_1762, %div3A_1741 : i32
      %jit3A_1764 = arith.constant 32 : i32
      %eq3A_1765 = arith.constant 0 : i32
      %eq3A_1766 = arith.cmpi eq, %jit3A_1764, %eq3A_1765 : i32
      %jit3A_1767 = arith.constant 1 : i32
      %select_n3A_1768 = arith.select %eq3A_1766, %jit3A_1767, %jit3A_1764 : i32
      %rem3A_1769 = arith.remsi %select_n3A_1739, %select_n3A_1768 : i32
      %ne3A_1770 = arith.constant 0 : i32
      %ne3A_1771 = arith.cmpi ne, %rem3A_1769, %ne3A_1770 : i32
      %lt3A_1772 = arith.constant 0 : i32
      %lt3A_1773 = arith.cmpi slt, %rem3A_1769, %lt3A_1772 : i32
      %lt3A_1774 = arith.constant 0 : i32
      %lt3A_1775 = arith.cmpi slt, %select_n3A_1768, %lt3A_1774 : i32
      %ne3A_1776 = arith.xori %lt3A_1773, %lt3A_1775 : i1
      %and3A_1777 = arith.andi %ne3A_1776, %ne3A_1771 : i1
      %add3A_1778 = arith.addi %rem3A_1769, %select_n3A_1768 : i32
      %select_n3A_1779 = arith.select %and3A_1777, %add3A_1778, %rem3A_1769 : i32
      %mul3A_1780 = arith.constant 8 : i32
      %mul3A_1781 = arith.muli %select_n3A_1763, %mul3A_1780 : i32
      %dma_start3A_1782 = arith.constant 0 : i32
      %dma_start3A_1783 = arith.constant 0 : i32
      %dma_start3A_1784 = arith.constant 0 : i32
      %dma_start3A_1785 = arith.constant 0 : i32
      %dma_start3A_1786 = tpu.memref_slice %arg5[%dma_start3A_1782, %dma_start3A_1783, %dma_start3A_1784, %dma_start3A_1785] : memref<2x8x32x32xf32, #tpu.memory_space<vmem>> -> memref<1x8x32x32xf32, #tpu.memory_space<vmem>>
      %dma_start3A_1787 = tpu.memref_squeeze %dma_start3A_1786 : memref<1x8x32x32xf32, #tpu.memory_space<vmem>> -> memref<8x32x32xf32, #tpu.memory_space<vmem>>
      %dma_start3A_1788 = arith.constant 0 : i32
      %dma_start3A_1789 = arith.constant 0 : i32
      %dma_start3A_1790 = tpu.memref_slice %arg3[%select_n3A_1723, %mul3A_1781, %select_n3A_1779, %dma_start3A_1788, %dma_start3A_1789] : memref<2x256x32x32x32xf32, #tpu.memory_space<hbm>> -> memref<1x8x1x32x32xf32, #tpu.memory_space<hbm>>
      %dma_start3A_1791 = tpu.memref_squeeze %dma_start3A_1790 : memref<1x8x1x32x32xf32, #tpu.memory_space<hbm>> -> memref<8x32x32xf32, #tpu.memory_space<hbm>>
      %dma_start3A_1792 = arith.constant 0 : i32
      %dma_start3A_1793 = arith.constant 0 : i32
      %dma_start3A_1794 = tpu.memref_slice %arg3[%select_n3A_1723, %mul3A_1781, %select_n3A_1779, %dma_start3A_1792, %dma_start3A_1793] : memref<2x256x32x32x32xf32, #tpu.memory_space<hbm>> -> memref<1x8x1x32x32xf32, #tpu.memory_space<hbm>>
      %dma_start3A_1795 = tpu.memref_squeeze %dma_start3A_1794 : memref<1x8x1x32x32xf32, #tpu.memory_space<hbm>> -> memref<8x32x32xf32, #tpu.memory_space<hbm>>
      %dma_start3A_1796 = arith.constant 0 : i32
      %dma_start3A_1797 = arith.constant 0 : i32
      %dma_start3A_1798 = arith.constant 0 : i32
      %dma_start3A_1799 = tpu.memref_slice %arg5[%dma_start3A_1782, %dma_start3A_1796, %dma_start3A_1797, %dma_start3A_1798] : memref<2x8x32x32xf32, #tpu.memory_space<vmem>> -> memref<1x8x32x32xf32, #tpu.memory_space<vmem>>
      %dma_start3A_1800 = tpu.memref_squeeze %dma_start3A_1799 : memref<1x8x32x32xf32, #tpu.memory_space<vmem>> -> memref<8x32x32xf32, #tpu.memory_space<vmem>>
      tpu.enqueue_dma source(%dma_start3A_1800 : memref<8x32x32xf32, #tpu.memory_space<vmem>>) target(%dma_start3A_1795 : memref<8x32x32xf32, #tpu.memory_space<hbm>>) target_semaphore(%arg9 : memref<!tpu.dma_semaphore, #tpu.memory_space<semaphore_mem>>)
      %lt3A_1801 = arith.constant 61 : i32
      %lt3A_1802 = arith.cmpi slt, %add3A_1663, %lt3A_1801 : i32
      %convert_element_type3A_1803 = arith.extui %lt3A_1802 : i1 to i32
      %cond3A_1804 = arith.constant 0 : i32
      %cond3A_1805 = arith.cmpi ne, %convert_element_type3A_1803, %cond3A_1804 : i32
      scf.if %cond3A_1805 {
        %add3A_1952 = arith.constant 3 : i32
        %add3A_1953 = arith.addi %add3A_1663, %add3A_1952 : i32
        %add3A_1954 = arith.addi %mul3A_2, %add3A_1953 : i32
        %jit3A_1955 = arith.constant 1024 : i32
        %div3A_1956 = arith.divsi %add3A_1954, %jit3A_1955 : i32
        %sign3A_1957 = arith.constant 0 : i32
        %sign3A_1958 = arith.cmpi sgt, %add3A_1954, %sign3A_1957 : i32
        %sign3A_1959 = arith.extui %sign3A_1958 : i1 to i32
        %sign3A_1960 = arith.constant 0 : i32
        %sign3A_1961 = arith.cmpi slt, %add3A_1954, %sign3A_1960 : i32
        %sign3A_1962 = arith.extui %sign3A_1961 : i1 to i32
        %sign3A_1963 = arith.subi %sign3A_1959, %sign3A_1962 : i32
        %sign3A_1964 = arith.constant 0 : i32
        %sign3A_1965 = arith.cmpi sgt, %jit3A_1955, %sign3A_1964 : i32
        %sign3A_1966 = arith.extui %sign3A_1965 : i1 to i32
        %sign3A_1967 = arith.constant 0 : i32
        %sign3A_1968 = arith.cmpi slt, %jit3A_1955, %sign3A_1967 : i32
        %sign3A_1969 = arith.extui %sign3A_1968 : i1 to i32
        %sign3A_1970 = arith.subi %sign3A_1966, %sign3A_1969 : i32
        %ne3A_1971 = arith.cmpi ne, %sign3A_1963, %sign3A_1970 : i32
        %rem3A_1972 = arith.remsi %add3A_1954, %jit3A_1955 : i32
        %ne3A_1973 = arith.constant 0 : i32
        %ne3A_1974 = arith.cmpi ne, %rem3A_1972, %ne3A_1973 : i32
        %and3A_1975 = arith.andi %ne3A_1971, %ne3A_1974 : i1
        %sub3A_1976 = arith.constant 1 : i32
        %sub3A_1977 = arith.subi %div3A_1956, %sub3A_1976 : i32
        %select_n3A_1978 = arith.select %and3A_1975, %sub3A_1977, %div3A_1956 : i32
        %jit3A_1979 = arith.constant 1024 : i32
        %eq3A_1980 = arith.constant 0 : i32
        %eq3A_1981 = arith.cmpi eq, %jit3A_1979, %eq3A_1980 : i32
        %jit3A_1982 = arith.constant 1 : i32
        %select_n3A_1983 = arith.select %eq3A_1981, %jit3A_1982, %jit3A_1979 : i32
        %rem3A_1984 = arith.remsi %add3A_1954, %select_n3A_1983 : i32
        %ne3A_1985 = arith.constant 0 : i32
        %ne3A_1986 = arith.cmpi ne, %rem3A_1984, %ne3A_1985 : i32
        %lt3A_1987 = arith.constant 0 : i32
        %lt3A_1988 = arith.cmpi slt, %rem3A_1984, %lt3A_1987 : i32
        %lt3A_1989 = arith.constant 0 : i32
        %lt3A_1990 = arith.cmpi slt, %select_n3A_1983, %lt3A_1989 : i32
        %ne3A_1991 = arith.xori %lt3A_1988, %lt3A_1990 : i1
        %and3A_1992 = arith.andi %ne3A_1991, %ne3A_1986 : i1
        %add3A_1993 = arith.addi %rem3A_1984, %select_n3A_1983 : i32
        %select_n3A_1994 = arith.select %and3A_1992, %add3A_1993, %rem3A_1984 : i32
        %jit3A_1995 = arith.constant 32 : i32
        %div3A_1996 = arith.divsi %select_n3A_1994, %jit3A_1995 : i32
        %sign3A_1997 = arith.constant 0 : i32
        %sign3A_1998 = arith.cmpi sgt, %select_n3A_1994, %sign3A_1997 : i32
        %sign3A_1999 = arith.extui %sign3A_1998 : i1 to i32
        %sign3A_2000 = arith.constant 0 : i32
        %sign3A_2001 = arith.cmpi slt, %select_n3A_1994, %sign3A_2000 : i32
        %sign3A_2002 = arith.extui %sign3A_2001 : i1 to i32
        %sign3A_2003 = arith.subi %sign3A_1999, %sign3A_2002 : i32
        %sign3A_2004 = arith.constant 0 : i32
        %sign3A_2005 = arith.cmpi sgt, %jit3A_1995, %sign3A_2004 : i32
        %sign3A_2006 = arith.extui %sign3A_2005 : i1 to i32
        %sign3A_2007 = arith.constant 0 : i32
        %sign3A_2008 = arith.cmpi slt, %jit3A_1995, %sign3A_2007 : i32
        %sign3A_2009 = arith.extui %sign3A_2008 : i1 to i32
        %sign3A_2010 = arith.subi %sign3A_2006, %sign3A_2009 : i32
        %ne3A_2011 = arith.cmpi ne, %sign3A_2003, %sign3A_2010 : i32
        %rem3A_2012 = arith.remsi %select_n3A_1994, %jit3A_1995 : i32
        %ne3A_2013 = arith.constant 0 : i32
        %ne3A_2014 = arith.cmpi ne, %rem3A_2012, %ne3A_2013 : i32
        %and3A_2015 = arith.andi %ne3A_2011, %ne3A_2014 : i1
        %sub3A_2016 = arith.constant 1 : i32
        %sub3A_2017 = arith.subi %div3A_1996, %sub3A_2016 : i32
        %select_n3A_2018 = arith.select %and3A_2015, %sub3A_2017, %div3A_1996 : i32
        %jit3A_2019 = arith.constant 32 : i32
        %eq3A_2020 = arith.constant 0 : i32
        %eq3A_2021 = arith.cmpi eq, %jit3A_2019, %eq3A_2020 : i32
        %jit3A_2022 = arith.constant 1 : i32
        %select_n3A_2023 = arith.select %eq3A_2021, %jit3A_2022, %jit3A_2019 : i32
        %rem3A_2024 = arith.remsi %select_n3A_1994, %select_n3A_2023 : i32
        %ne3A_2025 = arith.constant 0 : i32
        %ne3A_2026 = arith.cmpi ne, %rem3A_2024, %ne3A_2025 : i32
        %lt3A_2027 = arith.constant 0 : i32
        %lt3A_2028 = arith.cmpi slt, %rem3A_2024, %lt3A_2027 : i32
        %lt3A_2029 = arith.constant 0 : i32
        %lt3A_2030 = arith.cmpi slt, %select_n3A_2023, %lt3A_2029 : i32
        %ne3A_2031 = arith.xori %lt3A_2028, %lt3A_2030 : i1
        %and3A_2032 = arith.andi %ne3A_2031, %ne3A_2026 : i1
        %add3A_2033 = arith.addi %rem3A_2024, %select_n3A_2023 : i32
        %select_n3A_2034 = arith.select %and3A_2032, %add3A_2033, %rem3A_2024 : i32
        %mul3A_2035 = arith.constant 2 : i32
        %mul3A_2036 = arith.muli %mul3A_2035, %select_n3A_2034 : i32
        %dma_start3A_2037 = arith.constant 1 : i32
        %dma_start3A_2038 = arith.constant 0 : i32
        %dma_start3A_2039 = arith.constant 0 : i32
        %dma_start3A_2040 = arith.constant 0 : i32
        %dma_start3A_2041 = tpu.memref_slice %arg4[%dma_start3A_2037, %dma_start3A_2038, %dma_start3A_2039, %dma_start3A_2040] : memref<3x2x64x64xf32, #tpu.memory_space<vmem>> -> memref<1x2x64x64xf32, #tpu.memory_space<vmem>>
        %dma_start3A_2042 = tpu.memref_squeeze %dma_start3A_2041 : memref<1x2x64x64xf32, #tpu.memory_space<vmem>> -> memref<2x64x64xf32, #tpu.memory_space<vmem>>
        %dma_start3A_2043 = arith.constant 0 : i32
        %dma_start3A_2044 = arith.constant 0 : i32
        %dma_start3A_2045 = tpu.memref_slice %arg2[%select_n3A_1978, %select_n3A_2018, %mul3A_2036, %dma_start3A_2043, %dma_start3A_2044] : memref<2x32x64x64x64xf32, #tpu.memory_space<hbm>> -> memref<1x1x2x64x64xf32, #tpu.memory_space<hbm>>
        %dma_start3A_2046 = tpu.memref_squeeze %dma_start3A_2045 : memref<1x1x2x64x64xf32, #tpu.memory_space<hbm>> -> memref<2x64x64xf32, #tpu.memory_space<hbm>>
        %dma_start3A_2047 = arith.constant 0 : i32
        %dma_start3A_2048 = arith.constant 0 : i32
        %dma_start3A_2049 = arith.constant 0 : i32
        %dma_start3A_2050 = tpu.memref_slice %arg4[%dma_start3A_2037, %dma_start3A_2047, %dma_start3A_2048, %dma_start3A_2049] : memref<3x2x64x64xf32, #tpu.memory_space<vmem>> -> memref<1x2x64x64xf32, #tpu.memory_space<vmem>>
        %dma_start3A_2051 = tpu.memref_squeeze %dma_start3A_2050 : memref<1x2x64x64xf32, #tpu.memory_space<vmem>> -> memref<2x64x64xf32, #tpu.memory_space<vmem>>
        %dma_start3A_2052 = arith.constant 0 : i32
        %dma_start3A_2053 = arith.constant 0 : i32
        %dma_start3A_2054 = tpu.memref_slice %arg2[%select_n3A_1978, %select_n3A_2018, %mul3A_2036, %dma_start3A_2052, %dma_start3A_2053] : memref<2x32x64x64x64xf32, #tpu.memory_space<hbm>> -> memref<1x1x2x64x64xf32, #tpu.memory_space<hbm>>
        %dma_start3A_2055 = tpu.memref_squeeze %dma_start3A_2054 : memref<1x1x2x64x64xf32, #tpu.memory_space<hbm>> -> memref<2x64x64xf32, #tpu.memory_space<hbm>>
        tpu.enqueue_dma source(%dma_start3A_2055 : memref<2x64x64xf32, #tpu.memory_space<hbm>>) target(%dma_start3A_2051 : memref<2x64x64xf32, #tpu.memory_space<vmem>>) target_semaphore(%arg7 : memref<!tpu.dma_semaphore, #tpu.memory_space<semaphore_mem>>)
      } else {
      }
      %mul3A_1806 = arith.constant 6 : i32
      %mul3A_1807 = arith.muli %mul3A_1806, %scan3A_1078 : i32
      %add3A_1808 = arith.constant 5 : i32
      %add3A_1809 = arith.addi %mul3A_1807, %add3A_1808 : i32
      %dma_wait3A_1810 = arith.constant 0 : i32
      %dma_wait3A_1811 = arith.constant 0 : i32
      %dma_wait3A_1812 = arith.constant 2 : i32
      %dma_wait3A_1813 = arith.constant 0 : i32
      %dma_wait3A_1814 = arith.constant 0 : i32
      %dma_wait3A_1815 = arith.constant 0 : i32
      %dma_wait3A_1816 = tpu.memref_slice %arg4[%dma_wait3A_1812, %dma_wait3A_1813, %dma_wait3A_1814, %dma_wait3A_1815] : memref<3x2x64x64xf32, #tpu.memory_space<vmem>> -> memref<1x2x64x64xf32, #tpu.memory_space<vmem>>
      %dma_wait3A_1817 = tpu.memref_squeeze %dma_wait3A_1816 : memref<1x2x64x64xf32, #tpu.memory_space<vmem>> -> memref<2x64x64xf32, #tpu.memory_space<vmem>>
      %dma_wait3A_1818 = arith.constant 0 : i32
      %dma_wait3A_1819 = arith.constant 0 : i32
      %dma_wait3A_1820 = arith.constant 0 : i32
      %dma_wait3A_1821 = tpu.memref_slice %arg2[%dma_wait3A_1810, %dma_wait3A_1811, %dma_wait3A_1818, %dma_wait3A_1819, %dma_wait3A_1820] : memref<2x32x64x64x64xf32, #tpu.memory_space<hbm>> -> memref<1x1x2x64x64xf32, #tpu.memory_space<hbm>>
      %dma_wait3A_1822 = tpu.memref_squeeze %dma_wait3A_1821 : memref<1x1x2x64x64xf32, #tpu.memory_space<hbm>> -> memref<2x64x64xf32, #tpu.memory_space<hbm>>
      %dma_wait3A_1823 = arith.constant 0 : i32
      %dma_wait3A_1824 = arith.constant 0 : i32
      %dma_wait3A_1825 = arith.constant 0 : i32
      %dma_wait3A_1826 = tpu.memref_slice %arg4[%dma_wait3A_1812, %dma_wait3A_1823, %dma_wait3A_1824, %dma_wait3A_1825] : memref<3x2x64x64xf32, #tpu.memory_space<vmem>> -> memref<1x2x64x64xf32, #tpu.memory_space<vmem>>
      %dma_wait3A_1827 = tpu.memref_squeeze %dma_wait3A_1826 : memref<1x2x64x64xf32, #tpu.memory_space<vmem>> -> memref<2x64x64xf32, #tpu.memory_space<vmem>>
      %dma_wait3A_1828 = arith.constant 0 : i32
      %dma_wait3A_1829 = arith.constant 0 : i32
      %dma_wait3A_1830 = arith.constant 0 : i32
      %dma_wait3A_1831 = tpu.memref_slice %arg2[%dma_wait3A_1810, %dma_wait3A_1811, %dma_wait3A_1828, %dma_wait3A_1829, %dma_wait3A_1830] : memref<2x32x64x64x64xf32, #tpu.memory_space<hbm>> -> memref<1x1x2x64x64xf32, #tpu.memory_space<hbm>>
      %dma_wait3A_1832 = tpu.memref_squeeze %dma_wait3A_1831 : memref<1x1x2x64x64xf32, #tpu.memory_space<hbm>> -> memref<2x64x64xf32, #tpu.memory_space<hbm>>
      tpu.wait_dma2 semaphore(%arg8 : memref<!tpu.dma_semaphore, #tpu.memory_space<semaphore_mem>>) src(%dma_wait3A_1832 : memref<2x64x64xf32, #tpu.memory_space<hbm>>) dst(%dma_wait3A_1827 : memref<2x64x64xf32, #tpu.memory_space<vmem>>)
      %ge3A_1833 = arith.constant 2 : i32
      %ge3A_1834 = arith.cmpi sge, %add3A_1809, %ge3A_1833 : i32
      %convert_element_type3A_1835 = arith.extui %ge3A_1834 : i1 to i32
      %cond3A_1836 = arith.constant 0 : i32
      %cond3A_1837 = arith.cmpi ne, %convert_element_type3A_1835, %cond3A_1836 : i32
      scf.if %cond3A_1837 {
        %dma_wait3A_1952 = arith.constant 1 : i32
        %dma_wait3A_1953 = arith.constant 0 : i32
        %dma_wait3A_1954 = arith.constant 0 : i32
        %dma_wait3A_1955 = arith.constant 0 : i32
        %dma_wait3A_1956 = arith.constant 0 : i32
        %dma_wait3A_1957 = arith.constant 0 : i32
        %dma_wait3A_1958 = tpu.memref_slice %arg5[%dma_wait3A_1952, %dma_wait3A_1955, %dma_wait3A_1956, %dma_wait3A_1957] : memref<2x8x32x32xf32, #tpu.memory_space<vmem>> -> memref<1x8x32x32xf32, #tpu.memory_space<vmem>>
        %dma_wait3A_1959 = tpu.memref_squeeze %dma_wait3A_1958 : memref<1x8x32x32xf32, #tpu.memory_space<vmem>> -> memref<8x32x32xf32, #tpu.memory_space<vmem>>
        %dma_wait3A_1960 = arith.constant 0 : i32
        %dma_wait3A_1961 = arith.constant 0 : i32
        %dma_wait3A_1962 = arith.constant 0 : i32
        %dma_wait3A_1963 = tpu.memref_slice %arg3[%dma_wait3A_1953, %dma_wait3A_1960, %dma_wait3A_1954, %dma_wait3A_1961, %dma_wait3A_1962] : memref<2x256x32x32x32xf32, #tpu.memory_space<hbm>> -> memref<1x8x1x32x32xf32, #tpu.memory_space<hbm>>
        %dma_wait3A_1964 = tpu.memref_squeeze %dma_wait3A_1963 : memref<1x8x1x32x32xf32, #tpu.memory_space<hbm>> -> memref<8x32x32xf32, #tpu.memory_space<hbm>>
        %dma_wait3A_1965 = arith.constant 0 : i32
        %dma_wait3A_1966 = arith.constant 0 : i32
        %dma_wait3A_1967 = arith.constant 0 : i32
        %dma_wait3A_1968 = tpu.memref_slice %arg3[%dma_wait3A_1953, %dma_wait3A_1965, %dma_wait3A_1954, %dma_wait3A_1966, %dma_wait3A_1967] : memref<2x256x32x32x32xf32, #tpu.memory_space<hbm>> -> memref<1x8x1x32x32xf32, #tpu.memory_space<hbm>>
        %dma_wait3A_1969 = tpu.memref_squeeze %dma_wait3A_1968 : memref<1x8x1x32x32xf32, #tpu.memory_space<hbm>> -> memref<8x32x32xf32, #tpu.memory_space<hbm>>
        %dma_wait3A_1970 = arith.constant 0 : i32
        %dma_wait3A_1971 = arith.constant 0 : i32
        %dma_wait3A_1972 = arith.constant 0 : i32
        %dma_wait3A_1973 = tpu.memref_slice %arg5[%dma_wait3A_1952, %dma_wait3A_1970, %dma_wait3A_1971, %dma_wait3A_1972] : memref<2x8x32x32xf32, #tpu.memory_space<vmem>> -> memref<1x8x32x32xf32, #tpu.memory_space<vmem>>
        %dma_wait3A_1974 = tpu.memref_squeeze %dma_wait3A_1973 : memref<1x8x32x32xf32, #tpu.memory_space<vmem>> -> memref<8x32x32xf32, #tpu.memory_space<vmem>>
        tpu.wait_dma2 semaphore(%arg10 : memref<!tpu.dma_semaphore, #tpu.memory_space<semaphore_mem>>) src(%dma_wait3A_1974 : memref<8x32x32xf32, #tpu.memory_space<vmem>>) dst(%dma_wait3A_1969 : memref<8x32x32xf32, #tpu.memory_space<hbm>>)
      } else {
      }
      %scan3A_1838 = arith.constant 0 : i32
      %scan3A_1839 = arith.constant 2 : i32
      %scan3A_1840 = arith.constant 0 : i32
      %scan3A_1841 = arith.constant 64 : i32
      %scan3A_1842 = arith.addi %scan3A_1840, %scan3A_1841 : i32
      %scan3A_1843 = arith.constant 1 : i32
      scf.for %scan3A_1952 = %scan3A_1840 to %scan3A_1842 step %scan3A_1843  : i32 {
        %shift_right_arithmetic3A = arith.constant 1 : i32
        %shift_right_arithmetic3A_1953 = arith.shrsi %scan3A_1952, %shift_right_arithmetic3A : i32
        %and3A_1954 = arith.constant 1 : i32
        %and3A_1955 = arith.andi %scan3A_1952, %and3A_1954 : i32
        %mul3A_1956 = arith.constant 16 : i32
        %mul3A_1957 = arith.muli %and3A_1955, %mul3A_1956 : i32
        %mul3A_1958 = arith.constant 2 : i32
        %mul3A_1959 = arith.muli %mul3A_1958, %mul3A_1957 : i32
        %mul3A_1960 = arith.constant 2 : i32
        %mul3A_1961 = vector.broadcast %mul3A_1960 : i32 to vector<16xi32>
        %mul3A_1962 = arith.muli %iota3A, %mul3A_1961 : vector<16xi32>
        %add3A_1963 = vector.broadcast %mul3A_1959 : i32 to vector<16xi32>
        %add3A_1964 = arith.addi %add3A_1963, %mul3A_1962 : vector<16xi32>
        %broadcast_in_dim3A = arith.constant 0 : i32
        %broadcast_in_dim3A_1965 = vector.broadcast %broadcast_in_dim3A : i32 to vector<16xi32>
        %mul3A_1966 = arith.constant 2 : i32
        %mul3A_1967 = arith.muli %mul3A_1966, %shift_right_arithmetic3A_1953 : i32
        %add3A_1968 = arith.constant 0 : i32
        %add3A_1969 = arith.addi %mul3A_1967, %add3A_1968 : i32
        %broadcast_in_dim3A_1970 = vector.broadcast %add3A_1969 : i32 to vector<16xi32>
        %add3A_1971 = arith.constant 0 : i32
        %add3A_1972 = vector.broadcast %add3A_1971 : i32 to vector<16xi32>
        %add3A_1973 = arith.addi %add3A_1964, %add3A_1972 : vector<16xi32>
        %gather3A = arith.constant 0 : i32
        %gather3A_1974 = arith.constant 0 : i32
        %gather3A_1975 = arith.constant 0 : i32
        %gather3A_1976 = tpu.memref_slice %arg4[%scan3A_1839, %gather3A, %gather3A_1974, %gather3A_1975] : memref<3x2x64x64xf32, #tpu.memory_space<vmem>> -> memref<1x2x64x64xf32, #tpu.memory_space<vmem>>
        %gather3A_1977 = tpu.memref_squeeze %gather3A_1976 : memref<1x2x64x64xf32, #tpu.memory_space<vmem>> -> memref<2x64x64xf32, #tpu.memory_space<vmem>>
        %gather3A_1978 = tpu.vector_load_idx %gather3A_1977[%broadcast_in_dim3A_1965, %broadcast_in_dim3A_1970, %add3A_1973] : memref<2x64x64xf32, #tpu.memory_space<vmem>>[vector<16xi32>, vector<16xi32>, vector<16xi32>], vector<16xf32>,
        %swap3A = arith.constant 1 : i32
        %swap3A_1979 = arith.constant 0 : i32
        %swap3A_1980 = arith.index_cast %swap3A : i32 to index
        %swap3A_1981 = arith.index_cast %swap3A_1979 : i32 to index
        %swap3A_1982 = arith.index_cast %shift_right_arithmetic3A_1953 : i32 to index
        %swap3A_1983 = arith.index_cast %mul3A_1957 : i32 to index
        %swap3A_1984 = tpu.vector_load %arg5[%swap3A_1980, %swap3A_1981, %swap3A_1982, %swap3A_1983] {strides = array<i32>} : memref<2x8x32x32xf32, #tpu.memory_space<vmem>>, vector<16xf32>,
        tpu.vector_store %arg5[%swap3A_1980, %swap3A_1981, %swap3A_1982, %swap3A_1983], %gather3A_1978 {strides = array<i32>} : memref<2x8x32x32xf32, #tpu.memory_space<vmem>>, vector<16xf32>,
        %broadcast_in_dim3A_1985 = arith.constant 0 : i32
        %broadcast_in_dim3A_1986 = vector.broadcast %broadcast_in_dim3A_1985 : i32 to vector<16xi32>
        %mul3A_1987 = arith.constant 2 : i32
        %mul3A_1988 = arith.muli %mul3A_1987, %shift_right_arithmetic3A_1953 : i32
        %add3A_1989 = arith.constant 0 : i32
        %add3A_1990 = arith.addi %mul3A_1988, %add3A_1989 : i32
        %broadcast_in_dim3A_1991 = vector.broadcast %add3A_1990 : i32 to vector<16xi32>
        %add3A_1992 = arith.constant 1 : i32
        %add3A_1993 = vector.broadcast %add3A_1992 : i32 to vector<16xi32>
        %add3A_1994 = arith.addi %add3A_1964, %add3A_1993 : vector<16xi32>
        %gather3A_1995 = arith.constant 0 : i32
        %gather3A_1996 = arith.constant 0 : i32
        %gather3A_1997 = arith.constant 0 : i32
        %gather3A_1998 = tpu.memref_slice %arg4[%scan3A_1839, %gather3A_1995, %gather3A_1996, %gather3A_1997] : memref<3x2x64x64xf32, #tpu.memory_space<vmem>> -> memref<1x2x64x64xf32, #tpu.memory_space<vmem>>
        %gather3A_1999 = tpu.memref_squeeze %gather3A_1998 : memref<1x2x64x64xf32, #tpu.memory_space<vmem>> -> memref<2x64x64xf32, #tpu.memory_space<vmem>>
        %gather3A_2000 = tpu.vector_load_idx %gather3A_1999[%broadcast_in_dim3A_1986, %broadcast_in_dim3A_1991, %add3A_1994] : memref<2x64x64xf32, #tpu.memory_space<vmem>>[vector<16xi32>, vector<16xi32>, vector<16xi32>], vector<16xf32>,
        %swap3A_2001 = arith.constant 1 : i32
        %swap3A_2002 = arith.constant 1 : i32
        %swap3A_2003 = arith.index_cast %swap3A_2001 : i32 to index
        %swap3A_2004 = arith.index_cast %swap3A_2002 : i32 to index
        %swap3A_2005 = arith.index_cast %shift_right_arithmetic3A_1953 : i32 to index
        %swap3A_2006 = arith.index_cast %mul3A_1957 : i32 to index
        %swap3A_2007 = tpu.vector_load %arg5[%swap3A_2003, %swap3A_2004, %swap3A_2005, %swap3A_2006] {strides = array<i32>} : memref<2x8x32x32xf32, #tpu.memory_space<vmem>>, vector<16xf32>,
        tpu.vector_store %arg5[%swap3A_2003, %swap3A_2004, %swap3A_2005, %swap3A_2006], %gather3A_2000 {strides = array<i32>} : memref<2x8x32x32xf32, #tpu.memory_space<vmem>>, vector<16xf32>,
        %broadcast_in_dim3A_2008 = arith.constant 0 : i32
        %broadcast_in_dim3A_2009 = vector.broadcast %broadcast_in_dim3A_2008 : i32 to vector<16xi32>
        %mul3A_2010 = arith.constant 2 : i32
        %mul3A_2011 = arith.muli %mul3A_2010, %shift_right_arithmetic3A_1953 : i32
        %add3A_2012 = arith.constant 1 : i32
        %add3A_2013 = arith.addi %mul3A_2011, %add3A_2012 : i32
        %broadcast_in_dim3A_2014 = vector.broadcast %add3A_2013 : i32 to vector<16xi32>
        %add3A_2015 = arith.constant 0 : i32
        %add3A_2016 = vector.broadcast %add3A_2015 : i32 to vector<16xi32>
        %add3A_2017 = arith.addi %add3A_1964, %add3A_2016 : vector<16xi32>
        %gather3A_2018 = arith.constant 0 : i32
        %gather3A_2019 = arith.constant 0 : i32
        %gather3A_2020 = arith.constant 0 : i32
        %gather3A_2021 = tpu.memref_slice %arg4[%scan3A_1839, %gather3A_2018, %gather3A_2019, %gather3A_2020] : memref<3x2x64x64xf32, #tpu.memory_space<vmem>> -> memref<1x2x64x64xf32, #tpu.memory_space<vmem>>
        %gather3A_2022 = tpu.memref_squeeze %gather3A_2021 : memref<1x2x64x64xf32, #tpu.memory_space<vmem>> -> memref<2x64x64xf32, #tpu.memory_space<vmem>>
        %gather3A_2023 = tpu.vector_load_idx %gather3A_2022[%broadcast_in_dim3A_2009, %broadcast_in_dim3A_2014, %add3A_2017] : memref<2x64x64xf32, #tpu.memory_space<vmem>>[vector<16xi32>, vector<16xi32>, vector<16xi32>], vector<16xf32>,
        %swap3A_2024 = arith.constant 1 : i32
        %swap3A_2025 = arith.constant 2 : i32
        %swap3A_2026 = arith.index_cast %swap3A_2024 : i32 to index
        %swap3A_2027 = arith.index_cast %swap3A_2025 : i32 to index
        %swap3A_2028 = arith.index_cast %shift_right_arithmetic3A_1953 : i32 to index
        %swap3A_2029 = arith.index_cast %mul3A_1957 : i32 to index
        %swap3A_2030 = tpu.vector_load %arg5[%swap3A_2026, %swap3A_2027, %swap3A_2028, %swap3A_2029] {strides = array<i32>} : memref<2x8x32x32xf32, #tpu.memory_space<vmem>>, vector<16xf32>,
        tpu.vector_store %arg5[%swap3A_2026, %swap3A_2027, %swap3A_2028, %swap3A_2029], %gather3A_2023 {strides = array<i32>} : memref<2x8x32x32xf32, #tpu.memory_space<vmem>>, vector<16xf32>,
        %broadcast_in_dim3A_2031 = arith.constant 0 : i32
        %broadcast_in_dim3A_2032 = vector.broadcast %broadcast_in_dim3A_2031 : i32 to vector<16xi32>
        %mul3A_2033 = arith.constant 2 : i32
        %mul3A_2034 = arith.muli %mul3A_2033, %shift_right_arithmetic3A_1953 : i32
        %add3A_2035 = arith.constant 1 : i32
        %add3A_2036 = arith.addi %mul3A_2034, %add3A_2035 : i32
        %broadcast_in_dim3A_2037 = vector.broadcast %add3A_2036 : i32 to vector<16xi32>
        %add3A_2038 = arith.constant 1 : i32
        %add3A_2039 = vector.broadcast %add3A_2038 : i32 to vector<16xi32>
        %add3A_2040 = arith.addi %add3A_1964, %add3A_2039 : vector<16xi32>
        %gather3A_2041 = arith.constant 0 : i32
        %gather3A_2042 = arith.constant 0 : i32
        %gather3A_2043 = arith.constant 0 : i32
        %gather3A_2044 = tpu.memref_slice %arg4[%scan3A_1839, %gather3A_2041, %gather3A_2042, %gather3A_2043] : memref<3x2x64x64xf32, #tpu.memory_space<vmem>> -> memref<1x2x64x64xf32, #tpu.memory_space<vmem>>
        %gather3A_2045 = tpu.memref_squeeze %gather3A_2044 : memref<1x2x64x64xf32, #tpu.memory_space<vmem>> -> memref<2x64x64xf32, #tpu.memory_space<vmem>>
        %gather3A_2046 = tpu.vector_load_idx %gather3A_2045[%broadcast_in_dim3A_2032, %broadcast_in_dim3A_2037, %add3A_2040] : memref<2x64x64xf32, #tpu.memory_space<vmem>>[vector<16xi32>, vector<16xi32>, vector<16xi32>], vector<16xf32>,
        %swap3A_2047 = arith.constant 1 : i32
        %swap3A_2048 = arith.constant 3 : i32
        %swap3A_2049 = arith.index_cast %swap3A_2047 : i32 to index
        %swap3A_2050 = arith.index_cast %swap3A_2048 : i32 to index
        %swap3A_2051 = arith.index_cast %shift_right_arithmetic3A_1953 : i32 to index
        %swap3A_2052 = arith.index_cast %mul3A_1957 : i32 to index
        %swap3A_2053 = tpu.vector_load %arg5[%swap3A_2049, %swap3A_2050, %swap3A_2051, %swap3A_2052] {strides = array<i32>} : memref<2x8x32x32xf32, #tpu.memory_space<vmem>>, vector<16xf32>,
        tpu.vector_store %arg5[%swap3A_2049, %swap3A_2050, %swap3A_2051, %swap3A_2052], %gather3A_2046 {strides = array<i32>} : memref<2x8x32x32xf32, #tpu.memory_space<vmem>>, vector<16xf32>,
        %broadcast_in_dim3A_2054 = arith.constant 1 : i32
        %broadcast_in_dim3A_2055 = vector.broadcast %broadcast_in_dim3A_2054 : i32 to vector<16xi32>
        %mul3A_2056 = arith.constant 2 : i32
        %mul3A_2057 = arith.muli %mul3A_2056, %shift_right_arithmetic3A_1953 : i32
        %add3A_2058 = arith.constant 0 : i32
        %add3A_2059 = arith.addi %mul3A_2057, %add3A_2058 : i32
        %broadcast_in_dim3A_2060 = vector.broadcast %add3A_2059 : i32 to vector<16xi32>
        %add3A_2061 = arith.constant 0 : i32
        %add3A_2062 = vector.broadcast %add3A_2061 : i32 to vector<16xi32>
        %add3A_2063 = arith.addi %add3A_1964, %add3A_2062 : vector<16xi32>
        %gather3A_2064 = arith.constant 0 : i32
        %gather3A_2065 = arith.constant 0 : i32
        %gather3A_2066 = arith.constant 0 : i32
        %gather3A_2067 = tpu.memref_slice %arg4[%scan3A_1839, %gather3A_2064, %gather3A_2065, %gather3A_2066] : memref<3x2x64x64xf32, #tpu.memory_space<vmem>> -> memref<1x2x64x64xf32, #tpu.memory_space<vmem>>
        %gather3A_2068 = tpu.memref_squeeze %gather3A_2067 : memref<1x2x64x64xf32, #tpu.memory_space<vmem>> -> memref<2x64x64xf32, #tpu.memory_space<vmem>>
        %gather3A_2069 = tpu.vector_load_idx %gather3A_2068[%broadcast_in_dim3A_2055, %broadcast_in_dim3A_2060, %add3A_2063] : memref<2x64x64xf32, #tpu.memory_space<vmem>>[vector<16xi32>, vector<16xi32>, vector<16xi32>], vector<16xf32>,
        %swap3A_2070 = arith.constant 1 : i32
        %swap3A_2071 = arith.constant 4 : i32
        %swap3A_2072 = arith.index_cast %swap3A_2070 : i32 to index
        %swap3A_2073 = arith.index_cast %swap3A_2071 : i32 to index
        %swap3A_2074 = arith.index_cast %shift_right_arithmetic3A_1953 : i32 to index
        %swap3A_2075 = arith.index_cast %mul3A_1957 : i32 to index
        %swap3A_2076 = tpu.vector_load %arg5[%swap3A_2072, %swap3A_2073, %swap3A_2074, %swap3A_2075] {strides = array<i32>} : memref<2x8x32x32xf32, #tpu.memory_space<vmem>>, vector<16xf32>,
        tpu.vector_store %arg5[%swap3A_2072, %swap3A_2073, %swap3A_2074, %swap3A_2075], %gather3A_2069 {strides = array<i32>} : memref<2x8x32x32xf32, #tpu.memory_space<vmem>>, vector<16xf32>,
        %broadcast_in_dim3A_2077 = arith.constant 1 : i32
        %broadcast_in_dim3A_2078 = vector.broadcast %broadcast_in_dim3A_2077 : i32 to vector<16xi32>
        %mul3A_2079 = arith.constant 2 : i32
        %mul3A_2080 = arith.muli %mul3A_2079, %shift_right_arithmetic3A_1953 : i32
        %add3A_2081 = arith.constant 0 : i32
        %add3A_2082 = arith.addi %mul3A_2080, %add3A_2081 : i32
        %broadcast_in_dim3A_2083 = vector.broadcast %add3A_2082 : i32 to vector<16xi32>
        %add3A_2084 = arith.constant 1 : i32
        %add3A_2085 = vector.broadcast %add3A_2084 : i32 to vector<16xi32>
        %add3A_2086 = arith.addi %add3A_1964, %add3A_2085 : vector<16xi32>
        %gather3A_2087 = arith.constant 0 : i32
        %gather3A_2088 = arith.constant 0 : i32
        %gather3A_2089 = arith.constant 0 : i32
        %gather3A_2090 = tpu.memref_slice %arg4[%scan3A_1839, %gather3A_2087, %gather3A_2088, %gather3A_2089] : memref<3x2x64x64xf32, #tpu.memory_space<vmem>> -> memref<1x2x64x64xf32, #tpu.memory_space<vmem>>
        %gather3A_2091 = tpu.memref_squeeze %gather3A_2090 : memref<1x2x64x64xf32, #tpu.memory_space<vmem>> -> memref<2x64x64xf32, #tpu.memory_space<vmem>>
        %gather3A_2092 = tpu.vector_load_idx %gather3A_2091[%broadcast_in_dim3A_2078, %broadcast_in_dim3A_2083, %add3A_2086] : memref<2x64x64xf32, #tpu.memory_space<vmem>>[vector<16xi32>, vector<16xi32>, vector<16xi32>], vector<16xf32>,
        %swap3A_2093 = arith.constant 1 : i32
        %swap3A_2094 = arith.constant 5 : i32
        %swap3A_2095 = arith.index_cast %swap3A_2093 : i32 to index
        %swap3A_2096 = arith.index_cast %swap3A_2094 : i32 to index
        %swap3A_2097 = arith.index_cast %shift_right_arithmetic3A_1953 : i32 to index
        %swap3A_2098 = arith.index_cast %mul3A_1957 : i32 to index
        %swap3A_2099 = tpu.vector_load %arg5[%swap3A_2095, %swap3A_2096, %swap3A_2097, %swap3A_2098] {strides = array<i32>} : memref<2x8x32x32xf32, #tpu.memory_space<vmem>>, vector<16xf32>,
        tpu.vector_store %arg5[%swap3A_2095, %swap3A_2096, %swap3A_2097, %swap3A_2098], %gather3A_2092 {strides = array<i32>} : memref<2x8x32x32xf32, #tpu.memory_space<vmem>>, vector<16xf32>,
        %broadcast_in_dim3A_2100 = arith.constant 1 : i32
        %broadcast_in_dim3A_2101 = vector.broadcast %broadcast_in_dim3A_2100 : i32 to vector<16xi32>
        %mul3A_2102 = arith.constant 2 : i32
        %mul3A_2103 = arith.muli %mul3A_2102, %shift_right_arithmetic3A_1953 : i32
        %add3A_2104 = arith.constant 1 : i32
        %add3A_2105 = arith.addi %mul3A_2103, %add3A_2104 : i32
        %broadcast_in_dim3A_2106 = vector.broadcast %add3A_2105 : i32 to vector<16xi32>
        %add3A_2107 = arith.constant 0 : i32
        %add3A_2108 = vector.broadcast %add3A_2107 : i32 to vector<16xi32>
        %add3A_2109 = arith.addi %add3A_1964, %add3A_2108 : vector<16xi32>
        %gather3A_2110 = arith.constant 0 : i32
        %gather3A_2111 = arith.constant 0 : i32
        %gather3A_2112 = arith.constant 0 : i32
        %gather3A_2113 = tpu.memref_slice %arg4[%scan3A_1839, %gather3A_2110, %gather3A_2111, %gather3A_2112] : memref<3x2x64x64xf32, #tpu.memory_space<vmem>> -> memref<1x2x64x64xf32, #tpu.memory_space<vmem>>
        %gather3A_2114 = tpu.memref_squeeze %gather3A_2113 : memref<1x2x64x64xf32, #tpu.memory_space<vmem>> -> memref<2x64x64xf32, #tpu.memory_space<vmem>>
        %gather3A_2115 = tpu.vector_load_idx %gather3A_2114[%broadcast_in_dim3A_2101, %broadcast_in_dim3A_2106, %add3A_2109] : memref<2x64x64xf32, #tpu.memory_space<vmem>>[vector<16xi32>, vector<16xi32>, vector<16xi32>], vector<16xf32>,
        %swap3A_2116 = arith.constant 1 : i32
        %swap3A_2117 = arith.constant 6 : i32
        %swap3A_2118 = arith.index_cast %swap3A_2116 : i32 to index
        %swap3A_2119 = arith.index_cast %swap3A_2117 : i32 to index
        %swap3A_2120 = arith.index_cast %shift_right_arithmetic3A_1953 : i32 to index
        %swap3A_2121 = arith.index_cast %mul3A_1957 : i32 to index
        %swap3A_2122 = tpu.vector_load %arg5[%swap3A_2118, %swap3A_2119, %swap3A_2120, %swap3A_2121] {strides = array<i32>} : memref<2x8x32x32xf32, #tpu.memory_space<vmem>>, vector<16xf32>,
        tpu.vector_store %arg5[%swap3A_2118, %swap3A_2119, %swap3A_2120, %swap3A_2121], %gather3A_2115 {strides = array<i32>} : memref<2x8x32x32xf32, #tpu.memory_space<vmem>>, vector<16xf32>,
        %broadcast_in_dim3A_2123 = arith.constant 1 : i32
        %broadcast_in_dim3A_2124 = vector.broadcast %broadcast_in_dim3A_2123 : i32 to vector<16xi32>
        %mul3A_2125 = arith.constant 2 : i32
        %mul3A_2126 = arith.muli %mul3A_2125, %shift_right_arithmetic3A_1953 : i32
        %add3A_2127 = arith.constant 1 : i32
        %add3A_2128 = arith.addi %mul3A_2126, %add3A_2127 : i32
        %broadcast_in_dim3A_2129 = vector.broadcast %add3A_2128 : i32 to vector<16xi32>
        %add3A_2130 = arith.constant 1 : i32
        %add3A_2131 = vector.broadcast %add3A_2130 : i32 to vector<16xi32>
        %add3A_2132 = arith.addi %add3A_1964, %add3A_2131 : vector<16xi32>
        %gather3A_2133 = arith.constant 0 : i32
        %gather3A_2134 = arith.constant 0 : i32
        %gather3A_2135 = arith.constant 0 : i32
        %gather3A_2136 = tpu.memref_slice %arg4[%scan3A_1839, %gather3A_2133, %gather3A_2134, %gather3A_2135] : memref<3x2x64x64xf32, #tpu.memory_space<vmem>> -> memref<1x2x64x64xf32, #tpu.memory_space<vmem>>
        %gather3A_2137 = tpu.memref_squeeze %gather3A_2136 : memref<1x2x64x64xf32, #tpu.memory_space<vmem>> -> memref<2x64x64xf32, #tpu.memory_space<vmem>>
        %gather3A_2138 = tpu.vector_load_idx %gather3A_2137[%broadcast_in_dim3A_2124, %broadcast_in_dim3A_2129, %add3A_2132] : memref<2x64x64xf32, #tpu.memory_space<vmem>>[vector<16xi32>, vector<16xi32>, vector<16xi32>], vector<16xf32>,
        %swap3A_2139 = arith.constant 1 : i32
        %swap3A_2140 = arith.constant 7 : i32
        %swap3A_2141 = arith.index_cast %swap3A_2139 : i32 to index
        %swap3A_2142 = arith.index_cast %swap3A_2140 : i32 to index
        %swap3A_2143 = arith.index_cast %shift_right_arithmetic3A_1953 : i32 to index
        %swap3A_2144 = arith.index_cast %mul3A_1957 : i32 to index
        %swap3A_2145 = tpu.vector_load %arg5[%swap3A_2141, %swap3A_2142, %swap3A_2143, %swap3A_2144] {strides = array<i32>} : memref<2x8x32x32xf32, #tpu.memory_space<vmem>>, vector<16xf32>,
        tpu.vector_store %arg5[%swap3A_2141, %swap3A_2142, %swap3A_2143, %swap3A_2144], %gather3A_2138 {strides = array<i32>} : memref<2x8x32x32xf32, #tpu.memory_space<vmem>>, vector<16xf32>,
      }
      %scan3A_1844 = arith.constant 64 : i32
      %add3A_1845 = arith.addi %mul3A_2, %add3A_1809 : i32
      %jit3A_1846 = arith.constant 1024 : i32
      %div3A_1847 = arith.divsi %add3A_1845, %jit3A_1846 : i32
      %sign3A_1848 = arith.constant 0 : i32
      %sign3A_1849 = arith.cmpi sgt, %add3A_1845, %sign3A_1848 : i32
      %sign3A_1850 = arith.extui %sign3A_1849 : i1 to i32
      %sign3A_1851 = arith.constant 0 : i32
      %sign3A_1852 = arith.cmpi slt, %add3A_1845, %sign3A_1851 : i32
      %sign3A_1853 = arith.extui %sign3A_1852 : i1 to i32
      %sign3A_1854 = arith.subi %sign3A_1850, %sign3A_1853 : i32
      %sign3A_1855 = arith.constant 0 : i32
      %sign3A_1856 = arith.cmpi sgt, %jit3A_1846, %sign3A_1855 : i32
      %sign3A_1857 = arith.extui %sign3A_1856 : i1 to i32
      %sign3A_1858 = arith.constant 0 : i32
      %sign3A_1859 = arith.cmpi slt, %jit3A_1846, %sign3A_1858 : i32
      %sign3A_1860 = arith.extui %sign3A_1859 : i1 to i32
      %sign3A_1861 = arith.subi %sign3A_1857, %sign3A_1860 : i32
      %ne3A_1862 = arith.cmpi ne, %sign3A_1854, %sign3A_1861 : i32
      %rem3A_1863 = arith.remsi %add3A_1845, %jit3A_1846 : i32
      %ne3A_1864 = arith.constant 0 : i32
      %ne3A_1865 = arith.cmpi ne, %rem3A_1863, %ne3A_1864 : i32
      %and3A_1866 = arith.andi %ne3A_1862, %ne3A_1865 : i1
      %sub3A_1867 = arith.constant 1 : i32
      %sub3A_1868 = arith.subi %div3A_1847, %sub3A_1867 : i32
      %select_n3A_1869 = arith.select %and3A_1866, %sub3A_1868, %div3A_1847 : i32
      %jit3A_1870 = arith.constant 1024 : i32
      %eq3A_1871 = arith.constant 0 : i32
      %eq3A_1872 = arith.cmpi eq, %jit3A_1870, %eq3A_1871 : i32
      %jit3A_1873 = arith.constant 1 : i32
      %select_n3A_1874 = arith.select %eq3A_1872, %jit3A_1873, %jit3A_1870 : i32
      %rem3A_1875 = arith.remsi %add3A_1845, %select_n3A_1874 : i32
      %ne3A_1876 = arith.constant 0 : i32
      %ne3A_1877 = arith.cmpi ne, %rem3A_1875, %ne3A_1876 : i32
      %lt3A_1878 = arith.constant 0 : i32
      %lt3A_1879 = arith.cmpi slt, %rem3A_1875, %lt3A_1878 : i32
      %lt3A_1880 = arith.constant 0 : i32
      %lt3A_1881 = arith.cmpi slt, %select_n3A_1874, %lt3A_1880 : i32
      %ne3A_1882 = arith.xori %lt3A_1879, %lt3A_1881 : i1
      %and3A_1883 = arith.andi %ne3A_1882, %ne3A_1877 : i1
      %add3A_1884 = arith.addi %rem3A_1875, %select_n3A_1874 : i32
      %select_n3A_1885 = arith.select %and3A_1883, %add3A_1884, %rem3A_1875 : i32
      %jit3A_1886 = arith.constant 32 : i32
      %div3A_1887 = arith.divsi %select_n3A_1885, %jit3A_1886 : i32
      %sign3A_1888 = arith.constant 0 : i32
      %sign3A_1889 = arith.cmpi sgt, %select_n3A_1885, %sign3A_1888 : i32
      %sign3A_1890 = arith.extui %sign3A_1889 : i1 to i32
      %sign3A_1891 = arith.constant 0 : i32
      %sign3A_1892 = arith.cmpi slt, %select_n3A_1885, %sign3A_1891 : i32
      %sign3A_1893 = arith.extui %sign3A_1892 : i1 to i32
      %sign3A_1894 = arith.subi %sign3A_1890, %sign3A_1893 : i32
      %sign3A_1895 = arith.constant 0 : i32
      %sign3A_1896 = arith.cmpi sgt, %jit3A_1886, %sign3A_1895 : i32
      %sign3A_1897 = arith.extui %sign3A_1896 : i1 to i32
      %sign3A_1898 = arith.constant 0 : i32
      %sign3A_1899 = arith.cmpi slt, %jit3A_1886, %sign3A_1898 : i32
      %sign3A_1900 = arith.extui %sign3A_1899 : i1 to i32
      %sign3A_1901 = arith.subi %sign3A_1897, %sign3A_1900 : i32
      %ne3A_1902 = arith.cmpi ne, %sign3A_1894, %sign3A_1901 : i32
      %rem3A_1903 = arith.remsi %select_n3A_1885, %jit3A_1886 : i32
      %ne3A_1904 = arith.constant 0 : i32
      %ne3A_1905 = arith.cmpi ne, %rem3A_1903, %ne3A_1904 : i32
      %and3A_1906 = arith.andi %ne3A_1902, %ne3A_1905 : i1
      %sub3A_1907 = arith.constant 1 : i32
      %sub3A_1908 = arith.subi %div3A_1887, %sub3A_1907 : i32
      %select_n3A_1909 = arith.select %and3A_1906, %sub3A_1908, %div3A_1887 : i32
      %jit3A_1910 = arith.constant 32 : i32
      %eq3A_1911 = arith.constant 0 : i32
      %eq3A_1912 = arith.cmpi eq, %jit3A_1910, %eq3A_1911 : i32
      %jit3A_1913 = arith.constant 1 : i32
      %select_n3A_1914 = arith.select %eq3A_1912, %jit3A_1913, %jit3A_1910 : i32
      %rem3A_1915 = arith.remsi %select_n3A_1885, %select_n3A_1914 : i32
      %ne3A_1916 = arith.constant 0 : i32
      %ne3A_1917 = arith.cmpi ne, %rem3A_1915, %ne3A_1916 : i32
      %lt3A_1918 = arith.constant 0 : i32
      %lt3A_1919 = arith.cmpi slt, %rem3A_1915, %lt3A_1918 : i32
      %lt3A_1920 = arith.constant 0 : i32
      %lt3A_1921 = arith.cmpi slt, %select_n3A_1914, %lt3A_1920 : i32
      %ne3A_1922 = arith.xori %lt3A_1919, %lt3A_1921 : i1
      %and3A_1923 = arith.andi %ne3A_1922, %ne3A_1917 : i1
      %add3A_1924 = arith.addi %rem3A_1915, %select_n3A_1914 : i32
      %select_n3A_1925 = arith.select %and3A_1923, %add3A_1924, %rem3A_1915 : i32
      %mul3A_1926 = arith.constant 8 : i32
      %mul3A_1927 = arith.muli %select_n3A_1909, %mul3A_1926 : i32
      %dma_start3A_1928 = arith.constant 1 : i32
      %dma_start3A_1929 = arith.constant 0 : i32
      %dma_start3A_1930 = arith.constant 0 : i32
      %dma_start3A_1931 = arith.constant 0 : i32
      %dma_start3A_1932 = tpu.memref_slice %arg5[%dma_start3A_1928, %dma_start3A_1929, %dma_start3A_1930, %dma_start3A_1931] : memref<2x8x32x32xf32, #tpu.memory_space<vmem>> -> memref<1x8x32x32xf32, #tpu.memory_space<vmem>>
      %dma_start3A_1933 = tpu.memref_squeeze %dma_start3A_1932 : memref<1x8x32x32xf32, #tpu.memory_space<vmem>> -> memref<8x32x32xf32, #tpu.memory_space<vmem>>
      %dma_start3A_1934 = arith.constant 0 : i32
      %dma_start3A_1935 = arith.constant 0 : i32
      %dma_start3A_1936 = tpu.memref_slice %arg3[%select_n3A_1869, %mul3A_1927, %select_n3A_1925, %dma_start3A_1934, %dma_start3A_1935] : memref<2x256x32x32x32xf32, #tpu.memory_space<hbm>> -> memref<1x8x1x32x32xf32, #tpu.memory_space<hbm>>
      %dma_start3A_1937 = tpu.memref_squeeze %dma_start3A_1936 : memref<1x8x1x32x32xf32, #tpu.memory_space<hbm>> -> memref<8x32x32xf32, #tpu.memory_space<hbm>>
      %dma_start3A_1938 = arith.constant 0 : i32
      %dma_start3A_1939 = arith.constant 0 : i32
      %dma_start3A_1940 = tpu.memref_slice %arg3[%select_n3A_1869, %mul3A_1927, %select_n3A_1925, %dma_start3A_1938, %dma_start3A_1939] : memref<2x256x32x32x32xf32, #tpu.memory_space<hbm>> -> memref<1x8x1x32x32xf32, #tpu.memory_space<hbm>>
      %dma_start3A_1941 = tpu.memref_squeeze %dma_start3A_1940 : memref<1x8x1x32x32xf32, #tpu.memory_space<hbm>> -> memref<8x32x32xf32, #tpu.memory_space<hbm>>
      %dma_start3A_1942 = arith.constant 0 : i32
      %dma_start3A_1943 = arith.constant 0 : i32
      %dma_start3A_1944 = arith.constant 0 : i32
      %dma_start3A_1945 = tpu.memref_slice %arg5[%dma_start3A_1928, %dma_start3A_1942, %dma_start3A_1943, %dma_start3A_1944] : memref<2x8x32x32xf32, #tpu.memory_space<vmem>> -> memref<1x8x32x32xf32, #tpu.memory_space<vmem>>
      %dma_start3A_1946 = tpu.memref_squeeze %dma_start3A_1945 : memref<1x8x32x32xf32, #tpu.memory_space<vmem>> -> memref<8x32x32xf32, #tpu.memory_space<vmem>>
      tpu.enqueue_dma source(%dma_start3A_1946 : memref<8x32x32xf32, #tpu.memory_space<vmem>>) target(%dma_start3A_1941 : memref<8x32x32xf32, #tpu.memory_space<hbm>>) target_semaphore(%arg10 : memref<!tpu.dma_semaphore, #tpu.memory_space<semaphore_mem>>)
      %lt3A_1947 = arith.constant 61 : i32
      %lt3A_1948 = arith.cmpi slt, %add3A_1809, %lt3A_1947 : i32
      %convert_element_type3A_1949 = arith.extui %lt3A_1948 : i1 to i32
      %cond3A_1950 = arith.constant 0 : i32
      %cond3A_1951 = arith.cmpi ne, %convert_element_type3A_1949, %cond3A_1950 : i32
      scf.if %cond3A_1951 {
        %add3A_1952 = arith.constant 3 : i32
        %add3A_1953 = arith.addi %add3A_1809, %add3A_1952 : i32
        %add3A_1954 = arith.addi %mul3A_2, %add3A_1953 : i32
        %jit3A_1955 = arith.constant 1024 : i32
        %div3A_1956 = arith.divsi %add3A_1954, %jit3A_1955 : i32
        %sign3A_1957 = arith.constant 0 : i32
        %sign3A_1958 = arith.cmpi sgt, %add3A_1954, %sign3A_1957 : i32
        %sign3A_1959 = arith.extui %sign3A_1958 : i1 to i32
        %sign3A_1960 = arith.constant 0 : i32
        %sign3A_1961 = arith.cmpi slt, %add3A_1954, %sign3A_1960 : i32
        %sign3A_1962 = arith.extui %sign3A_1961 : i1 to i32
        %sign3A_1963 = arith.subi %sign3A_1959, %sign3A_1962 : i32
        %sign3A_1964 = arith.constant 0 : i32
        %sign3A_1965 = arith.cmpi sgt, %jit3A_1955, %sign3A_1964 : i32
        %sign3A_1966 = arith.extui %sign3A_1965 : i1 to i32
        %sign3A_1967 = arith.constant 0 : i32
        %sign3A_1968 = arith.cmpi slt, %jit3A_1955, %sign3A_1967 : i32
        %sign3A_1969 = arith.extui %sign3A_1968 : i1 to i32
        %sign3A_1970 = arith.subi %sign3A_1966, %sign3A_1969 : i32
        %ne3A_1971 = arith.cmpi ne, %sign3A_1963, %sign3A_1970 : i32
        %rem3A_1972 = arith.remsi %add3A_1954, %jit3A_1955 : i32
        %ne3A_1973 = arith.constant 0 : i32
        %ne3A_1974 = arith.cmpi ne, %rem3A_1972, %ne3A_1973 : i32
        %and3A_1975 = arith.andi %ne3A_1971, %ne3A_1974 : i1
        %sub3A_1976 = arith.constant 1 : i32
        %sub3A_1977 = arith.subi %div3A_1956, %sub3A_1976 : i32
        %select_n3A_1978 = arith.select %and3A_1975, %sub3A_1977, %div3A_1956 : i32
        %jit3A_1979 = arith.constant 1024 : i32
        %eq3A_1980 = arith.constant 0 : i32
        %eq3A_1981 = arith.cmpi eq, %jit3A_1979, %eq3A_1980 : i32
        %jit3A_1982 = arith.constant 1 : i32
        %select_n3A_1983 = arith.select %eq3A_1981, %jit3A_1982, %jit3A_1979 : i32
        %rem3A_1984 = arith.remsi %add3A_1954, %select_n3A_1983 : i32
        %ne3A_1985 = arith.constant 0 : i32
        %ne3A_1986 = arith.cmpi ne, %rem3A_1984, %ne3A_1985 : i32
        %lt3A_1987 = arith.constant 0 : i32
        %lt3A_1988 = arith.cmpi slt, %rem3A_1984, %lt3A_1987 : i32
        %lt3A_1989 = arith.constant 0 : i32
        %lt3A_1990 = arith.cmpi slt, %select_n3A_1983, %lt3A_1989 : i32
        %ne3A_1991 = arith.xori %lt3A_1988, %lt3A_1990 : i1
        %and3A_1992 = arith.andi %ne3A_1991, %ne3A_1986 : i1
        %add3A_1993 = arith.addi %rem3A_1984, %select_n3A_1983 : i32
        %select_n3A_1994 = arith.select %and3A_1992, %add3A_1993, %rem3A_1984 : i32
        %jit3A_1995 = arith.constant 32 : i32
        %div3A_1996 = arith.divsi %select_n3A_1994, %jit3A_1995 : i32
        %sign3A_1997 = arith.constant 0 : i32
        %sign3A_1998 = arith.cmpi sgt, %select_n3A_1994, %sign3A_1997 : i32
        %sign3A_1999 = arith.extui %sign3A_1998 : i1 to i32
        %sign3A_2000 = arith.constant 0 : i32
        %sign3A_2001 = arith.cmpi slt, %select_n3A_1994, %sign3A_2000 : i32
        %sign3A_2002 = arith.extui %sign3A_2001 : i1 to i32
        %sign3A_2003 = arith.subi %sign3A_1999, %sign3A_2002 : i32
        %sign3A_2004 = arith.constant 0 : i32
        %sign3A_2005 = arith.cmpi sgt, %jit3A_1995, %sign3A_2004 : i32
        %sign3A_2006 = arith.extui %sign3A_2005 : i1 to i32
        %sign3A_2007 = arith.constant 0 : i32
        %sign3A_2008 = arith.cmpi slt, %jit3A_1995, %sign3A_2007 : i32
        %sign3A_2009 = arith.extui %sign3A_2008 : i1 to i32
        %sign3A_2010 = arith.subi %sign3A_2006, %sign3A_2009 : i32
        %ne3A_2011 = arith.cmpi ne, %sign3A_2003, %sign3A_2010 : i32
        %rem3A_2012 = arith.remsi %select_n3A_1994, %jit3A_1995 : i32
        %ne3A_2013 = arith.constant 0 : i32
        %ne3A_2014 = arith.cmpi ne, %rem3A_2012, %ne3A_2013 : i32
        %and3A_2015 = arith.andi %ne3A_2011, %ne3A_2014 : i1
        %sub3A_2016 = arith.constant 1 : i32
        %sub3A_2017 = arith.subi %div3A_1996, %sub3A_2016 : i32
        %select_n3A_2018 = arith.select %and3A_2015, %sub3A_2017, %div3A_1996 : i32
        %jit3A_2019 = arith.constant 32 : i32
        %eq3A_2020 = arith.constant 0 : i32
        %eq3A_2021 = arith.cmpi eq, %jit3A_2019, %eq3A_2020 : i32
        %jit3A_2022 = arith.constant 1 : i32
        %select_n3A_2023 = arith.select %eq3A_2021, %jit3A_2022, %jit3A_2019 : i32
        %rem3A_2024 = arith.remsi %select_n3A_1994, %select_n3A_2023 : i32
        %ne3A_2025 = arith.constant 0 : i32
        %ne3A_2026 = arith.cmpi ne, %rem3A_2024, %ne3A_2025 : i32
        %lt3A_2027 = arith.constant 0 : i32
        %lt3A_2028 = arith.cmpi slt, %rem3A_2024, %lt3A_2027 : i32
        %lt3A_2029 = arith.constant 0 : i32
        %lt3A_2030 = arith.cmpi slt, %select_n3A_2023, %lt3A_2029 : i32
        %ne3A_2031 = arith.xori %lt3A_2028, %lt3A_2030 : i1
        %and3A_2032 = arith.andi %ne3A_2031, %ne3A_2026 : i1
        %add3A_2033 = arith.addi %rem3A_2024, %select_n3A_2023 : i32
        %select_n3A_2034 = arith.select %and3A_2032, %add3A_2033, %rem3A_2024 : i32
        %mul3A_2035 = arith.constant 2 : i32
        %mul3A_2036 = arith.muli %mul3A_2035, %select_n3A_2034 : i32
        %dma_start3A_2037 = arith.constant 2 : i32
        %dma_start3A_2038 = arith.constant 0 : i32
        %dma_start3A_2039 = arith.constant 0 : i32
        %dma_start3A_2040 = arith.constant 0 : i32
        %dma_start3A_2041 = tpu.memref_slice %arg4[%dma_start3A_2037, %dma_start3A_2038, %dma_start3A_2039, %dma_start3A_2040] : memref<3x2x64x64xf32, #tpu.memory_space<vmem>> -> memref<1x2x64x64xf32, #tpu.memory_space<vmem>>
        %dma_start3A_2042 = tpu.memref_squeeze %dma_start3A_2041 : memref<1x2x64x64xf32, #tpu.memory_space<vmem>> -> memref<2x64x64xf32, #tpu.memory_space<vmem>>
        %dma_start3A_2043 = arith.constant 0 : i32
        %dma_start3A_2044 = arith.constant 0 : i32
        %dma_start3A_2045 = tpu.memref_slice %arg2[%select_n3A_1978, %select_n3A_2018, %mul3A_2036, %dma_start3A_2043, %dma_start3A_2044] : memref<2x32x64x64x64xf32, #tpu.memory_space<hbm>> -> memref<1x1x2x64x64xf32, #tpu.memory_space<hbm>>
        %dma_start3A_2046 = tpu.memref_squeeze %dma_start3A_2045 : memref<1x1x2x64x64xf32, #tpu.memory_space<hbm>> -> memref<2x64x64xf32, #tpu.memory_space<hbm>>
        %dma_start3A_2047 = arith.constant 0 : i32
        %dma_start3A_2048 = arith.constant 0 : i32
        %dma_start3A_2049 = arith.constant 0 : i32
        %dma_start3A_2050 = tpu.memref_slice %arg4[%dma_start3A_2037, %dma_start3A_2047, %dma_start3A_2048, %dma_start3A_2049] : memref<3x2x64x64xf32, #tpu.memory_space<vmem>> -> memref<1x2x64x64xf32, #tpu.memory_space<vmem>>
        %dma_start3A_2051 = tpu.memref_squeeze %dma_start3A_2050 : memref<1x2x64x64xf32, #tpu.memory_space<vmem>> -> memref<2x64x64xf32, #tpu.memory_space<vmem>>
        %dma_start3A_2052 = arith.constant 0 : i32
        %dma_start3A_2053 = arith.constant 0 : i32
        %dma_start3A_2054 = tpu.memref_slice %arg2[%select_n3A_1978, %select_n3A_2018, %mul3A_2036, %dma_start3A_2052, %dma_start3A_2053] : memref<2x32x64x64x64xf32, #tpu.memory_space<hbm>> -> memref<1x1x2x64x64xf32, #tpu.memory_space<hbm>>
        %dma_start3A_2055 = tpu.memref_squeeze %dma_start3A_2054 : memref<1x1x2x64x64xf32, #tpu.memory_space<hbm>> -> memref<2x64x64xf32, #tpu.memory_space<hbm>>
        tpu.enqueue_dma source(%dma_start3A_2055 : memref<2x64x64xf32, #tpu.memory_space<hbm>>) target(%dma_start3A_2051 : memref<2x64x64xf32, #tpu.memory_space<vmem>>) target_semaphore(%arg8 : memref<!tpu.dma_semaphore, #tpu.memory_space<semaphore_mem>>)
      } else {
      }
    }
    %scan3A_305 = arith.constant 10 : i32
    %dma_wait3A = arith.constant 0 : i32
    %dma_wait3A_306 = arith.constant 0 : i32
    %dma_wait3A_307 = arith.constant 0 : i32
    %dma_wait3A_308 = arith.constant 0 : i32
    %dma_wait3A_309 = arith.constant 0 : i32
    %dma_wait3A_310 = arith.constant 0 : i32
    %dma_wait3A_311 = tpu.memref_slice %arg4[%dma_wait3A_307, %dma_wait3A_308, %dma_wait3A_309, %dma_wait3A_310] : memref<3x2x64x64xf32, #tpu.memory_space<vmem>> -> memref<1x2x64x64xf32, #tpu.memory_space<vmem>>
    %dma_wait3A_312 = tpu.memref_squeeze %dma_wait3A_311 : memref<1x2x64x64xf32, #tpu.memory_space<vmem>> -> memref<2x64x64xf32, #tpu.memory_space<vmem>>
    %dma_wait3A_313 = arith.constant 0 : i32
    %dma_wait3A_314 = arith.constant 0 : i32
    %dma_wait3A_315 = arith.constant 0 : i32
    %dma_wait3A_316 = tpu.memref_slice %arg2[%dma_wait3A, %dma_wait3A_306, %dma_wait3A_313, %dma_wait3A_314, %dma_wait3A_315] : memref<2x32x64x64x64xf32, #tpu.memory_space<hbm>> -> memref<1x1x2x64x64xf32, #tpu.memory_space<hbm>>
    %dma_wait3A_317 = tpu.memref_squeeze %dma_wait3A_316 : memref<1x1x2x64x64xf32, #tpu.memory_space<hbm>> -> memref<2x64x64xf32, #tpu.memory_space<hbm>>
    %dma_wait3A_318 = arith.constant 0 : i32
    %dma_wait3A_319 = arith.constant 0 : i32
    %dma_wait3A_320 = arith.constant 0 : i32
    %dma_wait3A_321 = tpu.memref_slice %arg4[%dma_wait3A_307, %dma_wait3A_318, %dma_wait3A_319, %dma_wait3A_320] : memref<3x2x64x64xf32, #tpu.memory_space<vmem>> -> memref<1x2x64x64xf32, #tpu.memory_space<vmem>>
    %dma_wait3A_322 = tpu.memref_squeeze %dma_wait3A_321 : memref<1x2x64x64xf32, #tpu.memory_space<vmem>> -> memref<2x64x64xf32, #tpu.memory_space<vmem>>
    %dma_wait3A_323 = arith.constant 0 : i32
    %dma_wait3A_324 = arith.constant 0 : i32
    %dma_wait3A_325 = arith.constant 0 : i32
    %dma_wait3A_326 = tpu.memref_slice %arg2[%dma_wait3A, %dma_wait3A_306, %dma_wait3A_323, %dma_wait3A_324, %dma_wait3A_325] : memref<2x32x64x64x64xf32, #tpu.memory_space<hbm>> -> memref<1x1x2x64x64xf32, #tpu.memory_space<hbm>>
    %dma_wait3A_327 = tpu.memref_squeeze %dma_wait3A_326 : memref<1x1x2x64x64xf32, #tpu.memory_space<hbm>> -> memref<2x64x64xf32, #tpu.memory_space<hbm>>
    tpu.wait_dma2 semaphore(%arg6 : memref<!tpu.dma_semaphore, #tpu.memory_space<semaphore_mem>>) src(%dma_wait3A_327 : memref<2x64x64xf32, #tpu.memory_space<hbm>>) dst(%dma_wait3A_322 : memref<2x64x64xf32, #tpu.memory_space<vmem>>)
    %dma_wait3A_328 = arith.constant 0 : i32
    %dma_wait3A_329 = arith.constant 0 : i32
    %dma_wait3A_330 = arith.constant 0 : i32
    %dma_wait3A_331 = arith.constant 0 : i32
    %dma_wait3A_332 = arith.constant 0 : i32
    %dma_wait3A_333 = arith.constant 0 : i32
    %dma_wait3A_334 = tpu.memref_slice %arg5[%dma_wait3A_328, %dma_wait3A_331, %dma_wait3A_332, %dma_wait3A_333] : memref<2x8x32x32xf32, #tpu.memory_space<vmem>> -> memref<1x8x32x32xf32, #tpu.memory_space<vmem>>
    %dma_wait3A_335 = tpu.memref_squeeze %dma_wait3A_334 : memref<1x8x32x32xf32, #tpu.memory_space<vmem>> -> memref<8x32x32xf32, #tpu.memory_space<vmem>>
    %dma_wait3A_336 = arith.constant 0 : i32
    %dma_wait3A_337 = arith.constant 0 : i32
    %dma_wait3A_338 = arith.constant 0 : i32
    %dma_wait3A_339 = tpu.memref_slice %arg3[%dma_wait3A_329, %dma_wait3A_336, %dma_wait3A_330, %dma_wait3A_337, %dma_wait3A_338] : memref<2x256x32x32x32xf32, #tpu.memory_space<hbm>> -> memref<1x8x1x32x32xf32, #tpu.memory_space<hbm>>
    %dma_wait3A_340 = tpu.memref_squeeze %dma_wait3A_339 : memref<1x8x1x32x32xf32, #tpu.memory_space<hbm>> -> memref<8x32x32xf32, #tpu.memory_space<hbm>>
    %dma_wait3A_341 = arith.constant 0 : i32
    %dma_wait3A_342 = arith.constant 0 : i32
    %dma_wait3A_343 = arith.constant 0 : i32
    %dma_wait3A_344 = tpu.memref_slice %arg3[%dma_wait3A_329, %dma_wait3A_341, %dma_wait3A_330, %dma_wait3A_342, %dma_wait3A_343] : memref<2x256x32x32x32xf32, #tpu.memory_space<hbm>> -> memref<1x8x1x32x32xf32, #tpu.memory_space<hbm>>
    %dma_wait3A_345 = tpu.memref_squeeze %dma_wait3A_344 : memref<1x8x1x32x32xf32, #tpu.memory_space<hbm>> -> memref<8x32x32xf32, #tpu.memory_space<hbm>>
    %dma_wait3A_346 = arith.constant 0 : i32
    %dma_wait3A_347 = arith.constant 0 : i32
    %dma_wait3A_348 = arith.constant 0 : i32
    %dma_wait3A_349 = tpu.memref_slice %arg5[%dma_wait3A_328, %dma_wait3A_346, %dma_wait3A_347, %dma_wait3A_348] : memref<2x8x32x32xf32, #tpu.memory_space<vmem>> -> memref<1x8x32x32xf32, #tpu.memory_space<vmem>>
    %dma_wait3A_350 = tpu.memref_squeeze %dma_wait3A_349 : memref<1x8x32x32xf32, #tpu.memory_space<vmem>> -> memref<8x32x32xf32, #tpu.memory_space<vmem>>
    tpu.wait_dma2 semaphore(%arg9 : memref<!tpu.dma_semaphore, #tpu.memory_space<semaphore_mem>>) src(%dma_wait3A_350 : memref<8x32x32xf32, #tpu.memory_space<vmem>>) dst(%dma_wait3A_345 : memref<8x32x32xf32, #tpu.memory_space<hbm>>)
    %scan3A_351 = arith.constant 0 : i32
    %scan3A_352 = arith.constant 0 : i32
    %scan3A_353 = arith.constant 0 : i32
    %scan3A_354 = arith.constant 64 : i32
    %scan3A_355 = arith.addi %scan3A_353, %scan3A_354 : i32
    %scan3A_356 = arith.constant 1 : i32
    scf.for %scan3A_1078 = %scan3A_353 to %scan3A_355 step %scan3A_356  : i32 {
      %shift_right_arithmetic3A = arith.constant 1 : i32
      %shift_right_arithmetic3A_1079 = arith.shrsi %scan3A_1078, %shift_right_arithmetic3A : i32
      %and3A_1080 = arith.constant 1 : i32
      %and3A_1081 = arith.andi %scan3A_1078, %and3A_1080 : i32
      %mul3A_1082 = arith.constant 16 : i32
      %mul3A_1083 = arith.muli %and3A_1081, %mul3A_1082 : i32
      %mul3A_1084 = arith.constant 2 : i32
      %mul3A_1085 = arith.muli %mul3A_1084, %mul3A_1083 : i32
      %mul3A_1086 = arith.constant 2 : i32
      %mul3A_1087 = vector.broadcast %mul3A_1086 : i32 to vector<16xi32>
      %mul3A_1088 = arith.muli %iota3A, %mul3A_1087 : vector<16xi32>
      %add3A_1089 = vector.broadcast %mul3A_1085 : i32 to vector<16xi32>
      %add3A_1090 = arith.addi %add3A_1089, %mul3A_1088 : vector<16xi32>
      %broadcast_in_dim3A = arith.constant 0 : i32
      %broadcast_in_dim3A_1091 = vector.broadcast %broadcast_in_dim3A : i32 to vector<16xi32>
      %mul3A_1092 = arith.constant 2 : i32
      %mul3A_1093 = arith.muli %mul3A_1092, %shift_right_arithmetic3A_1079 : i32
      %add3A_1094 = arith.constant 0 : i32
      %add3A_1095 = arith.addi %mul3A_1093, %add3A_1094 : i32
      %broadcast_in_dim3A_1096 = vector.broadcast %add3A_1095 : i32 to vector<16xi32>
      %add3A_1097 = arith.constant 0 : i32
      %add3A_1098 = vector.broadcast %add3A_1097 : i32 to vector<16xi32>
      %add3A_1099 = arith.addi %add3A_1090, %add3A_1098 : vector<16xi32>
      %gather3A = arith.constant 0 : i32
      %gather3A_1100 = arith.constant 0 : i32
      %gather3A_1101 = arith.constant 0 : i32
      %gather3A_1102 = tpu.memref_slice %arg4[%scan3A_352, %gather3A, %gather3A_1100, %gather3A_1101] : memref<3x2x64x64xf32, #tpu.memory_space<vmem>> -> memref<1x2x64x64xf32, #tpu.memory_space<vmem>>
      %gather3A_1103 = tpu.memref_squeeze %gather3A_1102 : memref<1x2x64x64xf32, #tpu.memory_space<vmem>> -> memref<2x64x64xf32, #tpu.memory_space<vmem>>
      %gather3A_1104 = tpu.vector_load_idx %gather3A_1103[%broadcast_in_dim3A_1091, %broadcast_in_dim3A_1096, %add3A_1099] : memref<2x64x64xf32, #tpu.memory_space<vmem>>[vector<16xi32>, vector<16xi32>, vector<16xi32>], vector<16xf32>,
      %swap3A = arith.constant 0 : i32
      %swap3A_1105 = arith.constant 0 : i32
      %swap3A_1106 = arith.index_cast %swap3A : i32 to index
      %swap3A_1107 = arith.index_cast %swap3A_1105 : i32 to index
      %swap3A_1108 = arith.index_cast %shift_right_arithmetic3A_1079 : i32 to index
      %swap3A_1109 = arith.index_cast %mul3A_1083 : i32 to index
      %swap3A_1110 = tpu.vector_load %arg5[%swap3A_1106, %swap3A_1107, %swap3A_1108, %swap3A_1109] {strides = array<i32>} : memref<2x8x32x32xf32, #tpu.memory_space<vmem>>, vector<16xf32>,
      tpu.vector_store %arg5[%swap3A_1106, %swap3A_1107, %swap3A_1108, %swap3A_1109], %gather3A_1104 {strides = array<i32>} : memref<2x8x32x32xf32, #tpu.memory_space<vmem>>, vector<16xf32>,
      %broadcast_in_dim3A_1111 = arith.constant 0 : i32
      %broadcast_in_dim3A_1112 = vector.broadcast %broadcast_in_dim3A_1111 : i32 to vector<16xi32>
      %mul3A_1113 = arith.constant 2 : i32
      %mul3A_1114 = arith.muli %mul3A_1113, %shift_right_arithmetic3A_1079 : i32
      %add3A_1115 = arith.constant 0 : i32
      %add3A_1116 = arith.addi %mul3A_1114, %add3A_1115 : i32
      %broadcast_in_dim3A_1117 = vector.broadcast %add3A_1116 : i32 to vector<16xi32>
      %add3A_1118 = arith.constant 1 : i32
      %add3A_1119 = vector.broadcast %add3A_1118 : i32 to vector<16xi32>
      %add3A_1120 = arith.addi %add3A_1090, %add3A_1119 : vector<16xi32>
      %gather3A_1121 = arith.constant 0 : i32
      %gather3A_1122 = arith.constant 0 : i32
      %gather3A_1123 = arith.constant 0 : i32
      %gather3A_1124 = tpu.memref_slice %arg4[%scan3A_352, %gather3A_1121, %gather3A_1122, %gather3A_1123] : memref<3x2x64x64xf32, #tpu.memory_space<vmem>> -> memref<1x2x64x64xf32, #tpu.memory_space<vmem>>
      %gather3A_1125 = tpu.memref_squeeze %gather3A_1124 : memref<1x2x64x64xf32, #tpu.memory_space<vmem>> -> memref<2x64x64xf32, #tpu.memory_space<vmem>>
      %gather3A_1126 = tpu.vector_load_idx %gather3A_1125[%broadcast_in_dim3A_1112, %broadcast_in_dim3A_1117, %add3A_1120] : memref<2x64x64xf32, #tpu.memory_space<vmem>>[vector<16xi32>, vector<16xi32>, vector<16xi32>], vector<16xf32>,
      %swap3A_1127 = arith.constant 0 : i32
      %swap3A_1128 = arith.constant 1 : i32
      %swap3A_1129 = arith.index_cast %swap3A_1127 : i32 to index
      %swap3A_1130 = arith.index_cast %swap3A_1128 : i32 to index
      %swap3A_1131 = arith.index_cast %shift_right_arithmetic3A_1079 : i32 to index
      %swap3A_1132 = arith.index_cast %mul3A_1083 : i32 to index
      %swap3A_1133 = tpu.vector_load %arg5[%swap3A_1129, %swap3A_1130, %swap3A_1131, %swap3A_1132] {strides = array<i32>} : memref<2x8x32x32xf32, #tpu.memory_space<vmem>>, vector<16xf32>,
      tpu.vector_store %arg5[%swap3A_1129, %swap3A_1130, %swap3A_1131, %swap3A_1132], %gather3A_1126 {strides = array<i32>} : memref<2x8x32x32xf32, #tpu.memory_space<vmem>>, vector<16xf32>,
      %broadcast_in_dim3A_1134 = arith.constant 0 : i32
      %broadcast_in_dim3A_1135 = vector.broadcast %broadcast_in_dim3A_1134 : i32 to vector<16xi32>
      %mul3A_1136 = arith.constant 2 : i32
      %mul3A_1137 = arith.muli %mul3A_1136, %shift_right_arithmetic3A_1079 : i32
      %add3A_1138 = arith.constant 1 : i32
      %add3A_1139 = arith.addi %mul3A_1137, %add3A_1138 : i32
      %broadcast_in_dim3A_1140 = vector.broadcast %add3A_1139 : i32 to vector<16xi32>
      %add3A_1141 = arith.constant 0 : i32
      %add3A_1142 = vector.broadcast %add3A_1141 : i32 to vector<16xi32>
      %add3A_1143 = arith.addi %add3A_1090, %add3A_1142 : vector<16xi32>
      %gather3A_1144 = arith.constant 0 : i32
      %gather3A_1145 = arith.constant 0 : i32
      %gather3A_1146 = arith.constant 0 : i32
      %gather3A_1147 = tpu.memref_slice %arg4[%scan3A_352, %gather3A_1144, %gather3A_1145, %gather3A_1146] : memref<3x2x64x64xf32, #tpu.memory_space<vmem>> -> memref<1x2x64x64xf32, #tpu.memory_space<vmem>>
      %gather3A_1148 = tpu.memref_squeeze %gather3A_1147 : memref<1x2x64x64xf32, #tpu.memory_space<vmem>> -> memref<2x64x64xf32, #tpu.memory_space<vmem>>
      %gather3A_1149 = tpu.vector_load_idx %gather3A_1148[%broadcast_in_dim3A_1135, %broadcast_in_dim3A_1140, %add3A_1143] : memref<2x64x64xf32, #tpu.memory_space<vmem>>[vector<16xi32>, vector<16xi32>, vector<16xi32>], vector<16xf32>,
      %swap3A_1150 = arith.constant 0 : i32
      %swap3A_1151 = arith.constant 2 : i32
      %swap3A_1152 = arith.index_cast %swap3A_1150 : i32 to index
      %swap3A_1153 = arith.index_cast %swap3A_1151 : i32 to index
      %swap3A_1154 = arith.index_cast %shift_right_arithmetic3A_1079 : i32 to index
      %swap3A_1155 = arith.index_cast %mul3A_1083 : i32 to index
      %swap3A_1156 = tpu.vector_load %arg5[%swap3A_1152, %swap3A_1153, %swap3A_1154, %swap3A_1155] {strides = array<i32>} : memref<2x8x32x32xf32, #tpu.memory_space<vmem>>, vector<16xf32>,
      tpu.vector_store %arg5[%swap3A_1152, %swap3A_1153, %swap3A_1154, %swap3A_1155], %gather3A_1149 {strides = array<i32>} : memref<2x8x32x32xf32, #tpu.memory_space<vmem>>, vector<16xf32>,
      %broadcast_in_dim3A_1157 = arith.constant 0 : i32
      %broadcast_in_dim3A_1158 = vector.broadcast %broadcast_in_dim3A_1157 : i32 to vector<16xi32>
      %mul3A_1159 = arith.constant 2 : i32
      %mul3A_1160 = arith.muli %mul3A_1159, %shift_right_arithmetic3A_1079 : i32
      %add3A_1161 = arith.constant 1 : i32
      %add3A_1162 = arith.addi %mul3A_1160, %add3A_1161 : i32
      %broadcast_in_dim3A_1163 = vector.broadcast %add3A_1162 : i32 to vector<16xi32>
      %add3A_1164 = arith.constant 1 : i32
      %add3A_1165 = vector.broadcast %add3A_1164 : i32 to vector<16xi32>
      %add3A_1166 = arith.addi %add3A_1090, %add3A_1165 : vector<16xi32>
      %gather3A_1167 = arith.constant 0 : i32
      %gather3A_1168 = arith.constant 0 : i32
      %gather3A_1169 = arith.constant 0 : i32
      %gather3A_1170 = tpu.memref_slice %arg4[%scan3A_352, %gather3A_1167, %gather3A_1168, %gather3A_1169] : memref<3x2x64x64xf32, #tpu.memory_space<vmem>> -> memref<1x2x64x64xf32, #tpu.memory_space<vmem>>
      %gather3A_1171 = tpu.memref_squeeze %gather3A_1170 : memref<1x2x64x64xf32, #tpu.memory_space<vmem>> -> memref<2x64x64xf32, #tpu.memory_space<vmem>>
      %gather3A_1172 = tpu.vector_load_idx %gather3A_1171[%broadcast_in_dim3A_1158, %broadcast_in_dim3A_1163, %add3A_1166] : memref<2x64x64xf32, #tpu.memory_space<vmem>>[vector<16xi32>, vector<16xi32>, vector<16xi32>], vector<16xf32>,
      %swap3A_1173 = arith.constant 0 : i32
      %swap3A_1174 = arith.constant 3 : i32
      %swap3A_1175 = arith.index_cast %swap3A_1173 : i32 to index
      %swap3A_1176 = arith.index_cast %swap3A_1174 : i32 to index
      %swap3A_1177 = arith.index_cast %shift_right_arithmetic3A_1079 : i32 to index
      %swap3A_1178 = arith.index_cast %mul3A_1083 : i32 to index
      %swap3A_1179 = tpu.vector_load %arg5[%swap3A_1175, %swap3A_1176, %swap3A_1177, %swap3A_1178] {strides = array<i32>} : memref<2x8x32x32xf32, #tpu.memory_space<vmem>>, vector<16xf32>,
      tpu.vector_store %arg5[%swap3A_1175, %swap3A_1176, %swap3A_1177, %swap3A_1178], %gather3A_1172 {strides = array<i32>} : memref<2x8x32x32xf32, #tpu.memory_space<vmem>>, vector<16xf32>,
      %broadcast_in_dim3A_1180 = arith.constant 1 : i32
      %broadcast_in_dim3A_1181 = vector.broadcast %broadcast_in_dim3A_1180 : i32 to vector<16xi32>
      %mul3A_1182 = arith.constant 2 : i32
      %mul3A_1183 = arith.muli %mul3A_1182, %shift_right_arithmetic3A_1079 : i32
      %add3A_1184 = arith.constant 0 : i32
      %add3A_1185 = arith.addi %mul3A_1183, %add3A_1184 : i32
      %broadcast_in_dim3A_1186 = vector.broadcast %add3A_1185 : i32 to vector<16xi32>
      %add3A_1187 = arith.constant 0 : i32
      %add3A_1188 = vector.broadcast %add3A_1187 : i32 to vector<16xi32>
      %add3A_1189 = arith.addi %add3A_1090, %add3A_1188 : vector<16xi32>
      %gather3A_1190 = arith.constant 0 : i32
      %gather3A_1191 = arith.constant 0 : i32
      %gather3A_1192 = arith.constant 0 : i32
      %gather3A_1193 = tpu.memref_slice %arg4[%scan3A_352, %gather3A_1190, %gather3A_1191, %gather3A_1192] : memref<3x2x64x64xf32, #tpu.memory_space<vmem>> -> memref<1x2x64x64xf32, #tpu.memory_space<vmem>>
      %gather3A_1194 = tpu.memref_squeeze %gather3A_1193 : memref<1x2x64x64xf32, #tpu.memory_space<vmem>> -> memref<2x64x64xf32, #tpu.memory_space<vmem>>
      %gather3A_1195 = tpu.vector_load_idx %gather3A_1194[%broadcast_in_dim3A_1181, %broadcast_in_dim3A_1186, %add3A_1189] : memref<2x64x64xf32, #tpu.memory_space<vmem>>[vector<16xi32>, vector<16xi32>, vector<16xi32>], vector<16xf32>,
      %swap3A_1196 = arith.constant 0 : i32
      %swap3A_1197 = arith.constant 4 : i32
      %swap3A_1198 = arith.index_cast %swap3A_1196 : i32 to index
      %swap3A_1199 = arith.index_cast %swap3A_1197 : i32 to index
      %swap3A_1200 = arith.index_cast %shift_right_arithmetic3A_1079 : i32 to index
      %swap3A_1201 = arith.index_cast %mul3A_1083 : i32 to index
      %swap3A_1202 = tpu.vector_load %arg5[%swap3A_1198, %swap3A_1199, %swap3A_1200, %swap3A_1201] {strides = array<i32>} : memref<2x8x32x32xf32, #tpu.memory_space<vmem>>, vector<16xf32>,
      tpu.vector_store %arg5[%swap3A_1198, %swap3A_1199, %swap3A_1200, %swap3A_1201], %gather3A_1195 {strides = array<i32>} : memref<2x8x32x32xf32, #tpu.memory_space<vmem>>, vector<16xf32>,
      %broadcast_in_dim3A_1203 = arith.constant 1 : i32
      %broadcast_in_dim3A_1204 = vector.broadcast %broadcast_in_dim3A_1203 : i32 to vector<16xi32>
      %mul3A_1205 = arith.constant 2 : i32
      %mul3A_1206 = arith.muli %mul3A_1205, %shift_right_arithmetic3A_1079 : i32
      %add3A_1207 = arith.constant 0 : i32
      %add3A_1208 = arith.addi %mul3A_1206, %add3A_1207 : i32
      %broadcast_in_dim3A_1209 = vector.broadcast %add3A_1208 : i32 to vector<16xi32>
      %add3A_1210 = arith.constant 1 : i32
      %add3A_1211 = vector.broadcast %add3A_1210 : i32 to vector<16xi32>
      %add3A_1212 = arith.addi %add3A_1090, %add3A_1211 : vector<16xi32>
      %gather3A_1213 = arith.constant 0 : i32
      %gather3A_1214 = arith.constant 0 : i32
      %gather3A_1215 = arith.constant 0 : i32
      %gather3A_1216 = tpu.memref_slice %arg4[%scan3A_352, %gather3A_1213, %gather3A_1214, %gather3A_1215] : memref<3x2x64x64xf32, #tpu.memory_space<vmem>> -> memref<1x2x64x64xf32, #tpu.memory_space<vmem>>
      %gather3A_1217 = tpu.memref_squeeze %gather3A_1216 : memref<1x2x64x64xf32, #tpu.memory_space<vmem>> -> memref<2x64x64xf32, #tpu.memory_space<vmem>>
      %gather3A_1218 = tpu.vector_load_idx %gather3A_1217[%broadcast_in_dim3A_1204, %broadcast_in_dim3A_1209, %add3A_1212] : memref<2x64x64xf32, #tpu.memory_space<vmem>>[vector<16xi32>, vector<16xi32>, vector<16xi32>], vector<16xf32>,
      %swap3A_1219 = arith.constant 0 : i32
      %swap3A_1220 = arith.constant 5 : i32
      %swap3A_1221 = arith.index_cast %swap3A_1219 : i32 to index
      %swap3A_1222 = arith.index_cast %swap3A_1220 : i32 to index
      %swap3A_1223 = arith.index_cast %shift_right_arithmetic3A_1079 : i32 to index
      %swap3A_1224 = arith.index_cast %mul3A_1083 : i32 to index
      %swap3A_1225 = tpu.vector_load %arg5[%swap3A_1221, %swap3A_1222, %swap3A_1223, %swap3A_1224] {strides = array<i32>} : memref<2x8x32x32xf32, #tpu.memory_space<vmem>>, vector<16xf32>,
      tpu.vector_store %arg5[%swap3A_1221, %swap3A_1222, %swap3A_1223, %swap3A_1224], %gather3A_1218 {strides = array<i32>} : memref<2x8x32x32xf32, #tpu.memory_space<vmem>>, vector<16xf32>,
      %broadcast_in_dim3A_1226 = arith.constant 1 : i32
      %broadcast_in_dim3A_1227 = vector.broadcast %broadcast_in_dim3A_1226 : i32 to vector<16xi32>
      %mul3A_1228 = arith.constant 2 : i32
      %mul3A_1229 = arith.muli %mul3A_1228, %shift_right_arithmetic3A_1079 : i32
      %add3A_1230 = arith.constant 1 : i32
      %add3A_1231 = arith.addi %mul3A_1229, %add3A_1230 : i32
      %broadcast_in_dim3A_1232 = vector.broadcast %add3A_1231 : i32 to vector<16xi32>
      %add3A_1233 = arith.constant 0 : i32
      %add3A_1234 = vector.broadcast %add3A_1233 : i32 to vector<16xi32>
      %add3A_1235 = arith.addi %add3A_1090, %add3A_1234 : vector<16xi32>
      %gather3A_1236 = arith.constant 0 : i32
      %gather3A_1237 = arith.constant 0 : i32
      %gather3A_1238 = arith.constant 0 : i32
      %gather3A_1239 = tpu.memref_slice %arg4[%scan3A_352, %gather3A_1236, %gather3A_1237, %gather3A_1238] : memref<3x2x64x64xf32, #tpu.memory_space<vmem>> -> memref<1x2x64x64xf32, #tpu.memory_space<vmem>>
      %gather3A_1240 = tpu.memref_squeeze %gather3A_1239 : memref<1x2x64x64xf32, #tpu.memory_space<vmem>> -> memref<2x64x64xf32, #tpu.memory_space<vmem>>
      %gather3A_1241 = tpu.vector_load_idx %gather3A_1240[%broadcast_in_dim3A_1227, %broadcast_in_dim3A_1232, %add3A_1235] : memref<2x64x64xf32, #tpu.memory_space<vmem>>[vector<16xi32>, vector<16xi32>, vector<16xi32>], vector<16xf32>,
      %swap3A_1242 = arith.constant 0 : i32
      %swap3A_1243 = arith.constant 6 : i32
      %swap3A_1244 = arith.index_cast %swap3A_1242 : i32 to index
      %swap3A_1245 = arith.index_cast %swap3A_1243 : i32 to index
      %swap3A_1246 = arith.index_cast %shift_right_arithmetic3A_1079 : i32 to index
      %swap3A_1247 = arith.index_cast %mul3A_1083 : i32 to index
      %swap3A_1248 = tpu.vector_load %arg5[%swap3A_1244, %swap3A_1245, %swap3A_1246, %swap3A_1247] {strides = array<i32>} : memref<2x8x32x32xf32, #tpu.memory_space<vmem>>, vector<16xf32>,
      tpu.vector_store %arg5[%swap3A_1244, %swap3A_1245, %swap3A_1246, %swap3A_1247], %gather3A_1241 {strides = array<i32>} : memref<2x8x32x32xf32, #tpu.memory_space<vmem>>, vector<16xf32>,
      %broadcast_in_dim3A_1249 = arith.constant 1 : i32
      %broadcast_in_dim3A_1250 = vector.broadcast %broadcast_in_dim3A_1249 : i32 to vector<16xi32>
      %mul3A_1251 = arith.constant 2 : i32
      %mul3A_1252 = arith.muli %mul3A_1251, %shift_right_arithmetic3A_1079 : i32
      %add3A_1253 = arith.constant 1 : i32
      %add3A_1254 = arith.addi %mul3A_1252, %add3A_1253 : i32
      %broadcast_in_dim3A_1255 = vector.broadcast %add3A_1254 : i32 to vector<16xi32>
      %add3A_1256 = arith.constant 1 : i32
      %add3A_1257 = vector.broadcast %add3A_1256 : i32 to vector<16xi32>
      %add3A_1258 = arith.addi %add3A_1090, %add3A_1257 : vector<16xi32>
      %gather3A_1259 = arith.constant 0 : i32
      %gather3A_1260 = arith.constant 0 : i32
      %gather3A_1261 = arith.constant 0 : i32
      %gather3A_1262 = tpu.memref_slice %arg4[%scan3A_352, %gather3A_1259, %gather3A_1260, %gather3A_1261] : memref<3x2x64x64xf32, #tpu.memory_space<vmem>> -> memref<1x2x64x64xf32, #tpu.memory_space<vmem>>
      %gather3A_1263 = tpu.memref_squeeze %gather3A_1262 : memref<1x2x64x64xf32, #tpu.memory_space<vmem>> -> memref<2x64x64xf32, #tpu.memory_space<vmem>>
      %gather3A_1264 = tpu.vector_load_idx %gather3A_1263[%broadcast_in_dim3A_1250, %broadcast_in_dim3A_1255, %add3A_1258] : memref<2x64x64xf32, #tpu.memory_space<vmem>>[vector<16xi32>, vector<16xi32>, vector<16xi32>], vector<16xf32>,
      %swap3A_1265 = arith.constant 0 : i32
      %swap3A_1266 = arith.constant 7 : i32
      %swap3A_1267 = arith.index_cast %swap3A_1265 : i32 to index
      %swap3A_1268 = arith.index_cast %swap3A_1266 : i32 to index
      %swap3A_1269 = arith.index_cast %shift_right_arithmetic3A_1079 : i32 to index
      %swap3A_1270 = arith.index_cast %mul3A_1083 : i32 to index
      %swap3A_1271 = tpu.vector_load %arg5[%swap3A_1267, %swap3A_1268, %swap3A_1269, %swap3A_1270] {strides = array<i32>} : memref<2x8x32x32xf32, #tpu.memory_space<vmem>>, vector<16xf32>,
      tpu.vector_store %arg5[%swap3A_1267, %swap3A_1268, %swap3A_1269, %swap3A_1270], %gather3A_1264 {strides = array<i32>} : memref<2x8x32x32xf32, #tpu.memory_space<vmem>>, vector<16xf32>,
    }
    %scan3A_357 = arith.constant 64 : i32
    %add3A_358 = arith.constant 60 : i32
    %add3A_359 = arith.addi %mul3A_2, %add3A_358 : i32
    %jit3A_360 = arith.constant 1024 : i32
    %div3A_361 = arith.divsi %add3A_359, %jit3A_360 : i32
    %sign3A_362 = arith.constant 0 : i32
    %sign3A_363 = arith.cmpi sgt, %add3A_359, %sign3A_362 : i32
    %sign3A_364 = arith.extui %sign3A_363 : i1 to i32
    %sign3A_365 = arith.constant 0 : i32
    %sign3A_366 = arith.cmpi slt, %add3A_359, %sign3A_365 : i32
    %sign3A_367 = arith.extui %sign3A_366 : i1 to i32
    %sign3A_368 = arith.subi %sign3A_364, %sign3A_367 : i32
    %sign3A_369 = arith.constant 0 : i32
    %sign3A_370 = arith.cmpi sgt, %jit3A_360, %sign3A_369 : i32
    %sign3A_371 = arith.extui %sign3A_370 : i1 to i32
    %sign3A_372 = arith.constant 0 : i32
    %sign3A_373 = arith.cmpi slt, %jit3A_360, %sign3A_372 : i32
    %sign3A_374 = arith.extui %sign3A_373 : i1 to i32
    %sign3A_375 = arith.subi %sign3A_371, %sign3A_374 : i32
    %ne3A_376 = arith.cmpi ne, %sign3A_368, %sign3A_375 : i32
    %rem3A_377 = arith.remsi %add3A_359, %jit3A_360 : i32
    %ne3A_378 = arith.constant 0 : i32
    %ne3A_379 = arith.cmpi ne, %rem3A_377, %ne3A_378 : i32
    %and3A_380 = arith.andi %ne3A_376, %ne3A_379 : i1
    %sub3A_381 = arith.constant 1 : i32
    %sub3A_382 = arith.subi %div3A_361, %sub3A_381 : i32
    %select_n3A_383 = arith.select %and3A_380, %sub3A_382, %div3A_361 : i32
    %jit3A_384 = arith.constant 1024 : i32
    %eq3A_385 = arith.constant 0 : i32
    %eq3A_386 = arith.cmpi eq, %jit3A_384, %eq3A_385 : i32
    %jit3A_387 = arith.constant 1 : i32
    %select_n3A_388 = arith.select %eq3A_386, %jit3A_387, %jit3A_384 : i32
    %rem3A_389 = arith.remsi %add3A_359, %select_n3A_388 : i32
    %ne3A_390 = arith.constant 0 : i32
    %ne3A_391 = arith.cmpi ne, %rem3A_389, %ne3A_390 : i32
    %lt3A_392 = arith.constant 0 : i32
    %lt3A_393 = arith.cmpi slt, %rem3A_389, %lt3A_392 : i32
    %lt3A_394 = arith.constant 0 : i32
    %lt3A_395 = arith.cmpi slt, %select_n3A_388, %lt3A_394 : i32
    %ne3A_396 = arith.xori %lt3A_393, %lt3A_395 : i1
    %and3A_397 = arith.andi %ne3A_396, %ne3A_391 : i1
    %add3A_398 = arith.addi %rem3A_389, %select_n3A_388 : i32
    %select_n3A_399 = arith.select %and3A_397, %add3A_398, %rem3A_389 : i32
    %jit3A_400 = arith.constant 32 : i32
    %div3A_401 = arith.divsi %select_n3A_399, %jit3A_400 : i32
    %sign3A_402 = arith.constant 0 : i32
    %sign3A_403 = arith.cmpi sgt, %select_n3A_399, %sign3A_402 : i32
    %sign3A_404 = arith.extui %sign3A_403 : i1 to i32
    %sign3A_405 = arith.constant 0 : i32
    %sign3A_406 = arith.cmpi slt, %select_n3A_399, %sign3A_405 : i32
    %sign3A_407 = arith.extui %sign3A_406 : i1 to i32
    %sign3A_408 = arith.subi %sign3A_404, %sign3A_407 : i32
    %sign3A_409 = arith.constant 0 : i32
    %sign3A_410 = arith.cmpi sgt, %jit3A_400, %sign3A_409 : i32
    %sign3A_411 = arith.extui %sign3A_410 : i1 to i32
    %sign3A_412 = arith.constant 0 : i32
    %sign3A_413 = arith.cmpi slt, %jit3A_400, %sign3A_412 : i32
    %sign3A_414 = arith.extui %sign3A_413 : i1 to i32
    %sign3A_415 = arith.subi %sign3A_411, %sign3A_414 : i32
    %ne3A_416 = arith.cmpi ne, %sign3A_408, %sign3A_415 : i32
    %rem3A_417 = arith.remsi %select_n3A_399, %jit3A_400 : i32
    %ne3A_418 = arith.constant 0 : i32
    %ne3A_419 = arith.cmpi ne, %rem3A_417, %ne3A_418 : i32
    %and3A_420 = arith.andi %ne3A_416, %ne3A_419 : i1
    %sub3A_421 = arith.constant 1 : i32
    %sub3A_422 = arith.subi %div3A_401, %sub3A_421 : i32
    %select_n3A_423 = arith.select %and3A_420, %sub3A_422, %div3A_401 : i32
    %jit3A_424 = arith.constant 32 : i32
    %eq3A_425 = arith.constant 0 : i32
    %eq3A_426 = arith.cmpi eq, %jit3A_424, %eq3A_425 : i32
    %jit3A_427 = arith.constant 1 : i32
    %select_n3A_428 = arith.select %eq3A_426, %jit3A_427, %jit3A_424 : i32
    %rem3A_429 = arith.remsi %select_n3A_399, %select_n3A_428 : i32
    %ne3A_430 = arith.constant 0 : i32
    %ne3A_431 = arith.cmpi ne, %rem3A_429, %ne3A_430 : i32
    %lt3A_432 = arith.constant 0 : i32
    %lt3A_433 = arith.cmpi slt, %rem3A_429, %lt3A_432 : i32
    %lt3A_434 = arith.constant 0 : i32
    %lt3A_435 = arith.cmpi slt, %select_n3A_428, %lt3A_434 : i32
    %ne3A_436 = arith.xori %lt3A_433, %lt3A_435 : i1
    %and3A_437 = arith.andi %ne3A_436, %ne3A_431 : i1
    %add3A_438 = arith.addi %rem3A_429, %select_n3A_428 : i32
    %select_n3A_439 = arith.select %and3A_437, %add3A_438, %rem3A_429 : i32
    %mul3A_440 = arith.constant 8 : i32
    %mul3A_441 = arith.muli %select_n3A_423, %mul3A_440 : i32
    %dma_start3A_442 = arith.constant 0 : i32
    %dma_start3A_443 = arith.constant 0 : i32
    %dma_start3A_444 = arith.constant 0 : i32
    %dma_start3A_445 = arith.constant 0 : i32
    %dma_start3A_446 = tpu.memref_slice %arg5[%dma_start3A_442, %dma_start3A_443, %dma_start3A_444, %dma_start3A_445] : memref<2x8x32x32xf32, #tpu.memory_space<vmem>> -> memref<1x8x32x32xf32, #tpu.memory_space<vmem>>
    %dma_start3A_447 = tpu.memref_squeeze %dma_start3A_446 : memref<1x8x32x32xf32, #tpu.memory_space<vmem>> -> memref<8x32x32xf32, #tpu.memory_space<vmem>>
    %dma_start3A_448 = arith.constant 0 : i32
    %dma_start3A_449 = arith.constant 0 : i32
    %dma_start3A_450 = tpu.memref_slice %arg3[%select_n3A_383, %mul3A_441, %select_n3A_439, %dma_start3A_448, %dma_start3A_449] : memref<2x256x32x32x32xf32, #tpu.memory_space<hbm>> -> memref<1x8x1x32x32xf32, #tpu.memory_space<hbm>>
    %dma_start3A_451 = tpu.memref_squeeze %dma_start3A_450 : memref<1x8x1x32x32xf32, #tpu.memory_space<hbm>> -> memref<8x32x32xf32, #tpu.memory_space<hbm>>
    %dma_start3A_452 = arith.constant 0 : i32
    %dma_start3A_453 = arith.constant 0 : i32
    %dma_start3A_454 = tpu.memref_slice %arg3[%select_n3A_383, %mul3A_441, %select_n3A_439, %dma_start3A_452, %dma_start3A_453] : memref<2x256x32x32x32xf32, #tpu.memory_space<hbm>> -> memref<1x8x1x32x32xf32, #tpu.memory_space<hbm>>
    %dma_start3A_455 = tpu.memref_squeeze %dma_start3A_454 : memref<1x8x1x32x32xf32, #tpu.memory_space<hbm>> -> memref<8x32x32xf32, #tpu.memory_space<hbm>>
    %dma_start3A_456 = arith.constant 0 : i32
    %dma_start3A_457 = arith.constant 0 : i32
    %dma_start3A_458 = arith.constant 0 : i32
    %dma_start3A_459 = tpu.memref_slice %arg5[%dma_start3A_442, %dma_start3A_456, %dma_start3A_457, %dma_start3A_458] : memref<2x8x32x32xf32, #tpu.memory_space<vmem>> -> memref<1x8x32x32xf32, #tpu.memory_space<vmem>>
    %dma_start3A_460 = tpu.memref_squeeze %dma_start3A_459 : memref<1x8x32x32xf32, #tpu.memory_space<vmem>> -> memref<8x32x32xf32, #tpu.memory_space<vmem>>
    tpu.enqueue_dma source(%dma_start3A_460 : memref<8x32x32xf32, #tpu.memory_space<vmem>>) target(%dma_start3A_455 : memref<8x32x32xf32, #tpu.memory_space<hbm>>) target_semaphore(%arg9 : memref<!tpu.dma_semaphore, #tpu.memory_space<semaphore_mem>>)
    %add3A_461 = arith.constant 63 : i32
    %add3A_462 = arith.addi %mul3A_2, %add3A_461 : i32
    %jit3A_463 = arith.constant 1024 : i32
    %div3A_464 = arith.divsi %add3A_462, %jit3A_463 : i32
    %sign3A_465 = arith.constant 0 : i32
    %sign3A_466 = arith.cmpi sgt, %add3A_462, %sign3A_465 : i32
    %sign3A_467 = arith.extui %sign3A_466 : i1 to i32
    %sign3A_468 = arith.constant 0 : i32
    %sign3A_469 = arith.cmpi slt, %add3A_462, %sign3A_468 : i32
    %sign3A_470 = arith.extui %sign3A_469 : i1 to i32
    %sign3A_471 = arith.subi %sign3A_467, %sign3A_470 : i32
    %sign3A_472 = arith.constant 0 : i32
    %sign3A_473 = arith.cmpi sgt, %jit3A_463, %sign3A_472 : i32
    %sign3A_474 = arith.extui %sign3A_473 : i1 to i32
    %sign3A_475 = arith.constant 0 : i32
    %sign3A_476 = arith.cmpi slt, %jit3A_463, %sign3A_475 : i32
    %sign3A_477 = arith.extui %sign3A_476 : i1 to i32
    %sign3A_478 = arith.subi %sign3A_474, %sign3A_477 : i32
    %ne3A_479 = arith.cmpi ne, %sign3A_471, %sign3A_478 : i32
    %rem3A_480 = arith.remsi %add3A_462, %jit3A_463 : i32
    %ne3A_481 = arith.constant 0 : i32
    %ne3A_482 = arith.cmpi ne, %rem3A_480, %ne3A_481 : i32
    %and3A_483 = arith.andi %ne3A_479, %ne3A_482 : i1
    %sub3A_484 = arith.constant 1 : i32
    %sub3A_485 = arith.subi %div3A_464, %sub3A_484 : i32
    %select_n3A_486 = arith.select %and3A_483, %sub3A_485, %div3A_464 : i32
    %jit3A_487 = arith.constant 1024 : i32
    %eq3A_488 = arith.constant 0 : i32
    %eq3A_489 = arith.cmpi eq, %jit3A_487, %eq3A_488 : i32
    %jit3A_490 = arith.constant 1 : i32
    %select_n3A_491 = arith.select %eq3A_489, %jit3A_490, %jit3A_487 : i32
    %rem3A_492 = arith.remsi %add3A_462, %select_n3A_491 : i32
    %ne3A_493 = arith.constant 0 : i32
    %ne3A_494 = arith.cmpi ne, %rem3A_492, %ne3A_493 : i32
    %lt3A_495 = arith.constant 0 : i32
    %lt3A_496 = arith.cmpi slt, %rem3A_492, %lt3A_495 : i32
    %lt3A_497 = arith.constant 0 : i32
    %lt3A_498 = arith.cmpi slt, %select_n3A_491, %lt3A_497 : i32
    %ne3A_499 = arith.xori %lt3A_496, %lt3A_498 : i1
    %and3A_500 = arith.andi %ne3A_499, %ne3A_494 : i1
    %add3A_501 = arith.addi %rem3A_492, %select_n3A_491 : i32
    %select_n3A_502 = arith.select %and3A_500, %add3A_501, %rem3A_492 : i32
    %jit3A_503 = arith.constant 32 : i32
    %div3A_504 = arith.divsi %select_n3A_502, %jit3A_503 : i32
    %sign3A_505 = arith.constant 0 : i32
    %sign3A_506 = arith.cmpi sgt, %select_n3A_502, %sign3A_505 : i32
    %sign3A_507 = arith.extui %sign3A_506 : i1 to i32
    %sign3A_508 = arith.constant 0 : i32
    %sign3A_509 = arith.cmpi slt, %select_n3A_502, %sign3A_508 : i32
    %sign3A_510 = arith.extui %sign3A_509 : i1 to i32
    %sign3A_511 = arith.subi %sign3A_507, %sign3A_510 : i32
    %sign3A_512 = arith.constant 0 : i32
    %sign3A_513 = arith.cmpi sgt, %jit3A_503, %sign3A_512 : i32
    %sign3A_514 = arith.extui %sign3A_513 : i1 to i32
    %sign3A_515 = arith.constant 0 : i32
    %sign3A_516 = arith.cmpi slt, %jit3A_503, %sign3A_515 : i32
    %sign3A_517 = arith.extui %sign3A_516 : i1 to i32
    %sign3A_518 = arith.subi %sign3A_514, %sign3A_517 : i32
    %ne3A_519 = arith.cmpi ne, %sign3A_511, %sign3A_518 : i32
    %rem3A_520 = arith.remsi %select_n3A_502, %jit3A_503 : i32
    %ne3A_521 = arith.constant 0 : i32
    %ne3A_522 = arith.cmpi ne, %rem3A_520, %ne3A_521 : i32
    %and3A_523 = arith.andi %ne3A_519, %ne3A_522 : i1
    %sub3A_524 = arith.constant 1 : i32
    %sub3A_525 = arith.subi %div3A_504, %sub3A_524 : i32
    %select_n3A_526 = arith.select %and3A_523, %sub3A_525, %div3A_504 : i32
    %jit3A_527 = arith.constant 32 : i32
    %eq3A_528 = arith.constant 0 : i32
    %eq3A_529 = arith.cmpi eq, %jit3A_527, %eq3A_528 : i32
    %jit3A_530 = arith.constant 1 : i32
    %select_n3A_531 = arith.select %eq3A_529, %jit3A_530, %jit3A_527 : i32
    %rem3A_532 = arith.remsi %select_n3A_502, %select_n3A_531 : i32
    %ne3A_533 = arith.constant 0 : i32
    %ne3A_534 = arith.cmpi ne, %rem3A_532, %ne3A_533 : i32
    %lt3A_535 = arith.constant 0 : i32
    %lt3A_536 = arith.cmpi slt, %rem3A_532, %lt3A_535 : i32
    %lt3A_537 = arith.constant 0 : i32
    %lt3A_538 = arith.cmpi slt, %select_n3A_531, %lt3A_537 : i32
    %ne3A_539 = arith.xori %lt3A_536, %lt3A_538 : i1
    %and3A_540 = arith.andi %ne3A_539, %ne3A_534 : i1
    %add3A_541 = arith.addi %rem3A_532, %select_n3A_531 : i32
    %select_n3A_542 = arith.select %and3A_540, %add3A_541, %rem3A_532 : i32
    %mul3A_543 = arith.constant 2 : i32
    %mul3A_544 = arith.muli %mul3A_543, %select_n3A_542 : i32
    %dma_start3A_545 = arith.constant 0 : i32
    %dma_start3A_546 = arith.constant 0 : i32
    %dma_start3A_547 = arith.constant 0 : i32
    %dma_start3A_548 = arith.constant 0 : i32
    %dma_start3A_549 = tpu.memref_slice %arg4[%dma_start3A_545, %dma_start3A_546, %dma_start3A_547, %dma_start3A_548] : memref<3x2x64x64xf32, #tpu.memory_space<vmem>> -> memref<1x2x64x64xf32, #tpu.memory_space<vmem>>
    %dma_start3A_550 = tpu.memref_squeeze %dma_start3A_549 : memref<1x2x64x64xf32, #tpu.memory_space<vmem>> -> memref<2x64x64xf32, #tpu.memory_space<vmem>>
    %dma_start3A_551 = arith.constant 0 : i32
    %dma_start3A_552 = arith.constant 0 : i32
    %dma_start3A_553 = tpu.memref_slice %arg2[%select_n3A_486, %select_n3A_526, %mul3A_544, %dma_start3A_551, %dma_start3A_552] : memref<2x32x64x64x64xf32, #tpu.memory_space<hbm>> -> memref<1x1x2x64x64xf32, #tpu.memory_space<hbm>>
    %dma_start3A_554 = tpu.memref_squeeze %dma_start3A_553 : memref<1x1x2x64x64xf32, #tpu.memory_space<hbm>> -> memref<2x64x64xf32, #tpu.memory_space<hbm>>
    %dma_start3A_555 = arith.constant 0 : i32
    %dma_start3A_556 = arith.constant 0 : i32
    %dma_start3A_557 = arith.constant 0 : i32
    %dma_start3A_558 = tpu.memref_slice %arg4[%dma_start3A_545, %dma_start3A_555, %dma_start3A_556, %dma_start3A_557] : memref<3x2x64x64xf32, #tpu.memory_space<vmem>> -> memref<1x2x64x64xf32, #tpu.memory_space<vmem>>
    %dma_start3A_559 = tpu.memref_squeeze %dma_start3A_558 : memref<1x2x64x64xf32, #tpu.memory_space<vmem>> -> memref<2x64x64xf32, #tpu.memory_space<vmem>>
    %dma_start3A_560 = arith.constant 0 : i32
    %dma_start3A_561 = arith.constant 0 : i32
    %dma_start3A_562 = tpu.memref_slice %arg2[%select_n3A_486, %select_n3A_526, %mul3A_544, %dma_start3A_560, %dma_start3A_561] : memref<2x32x64x64x64xf32, #tpu.memory_space<hbm>> -> memref<1x1x2x64x64xf32, #tpu.memory_space<hbm>>
    %dma_start3A_563 = tpu.memref_squeeze %dma_start3A_562 : memref<1x1x2x64x64xf32, #tpu.memory_space<hbm>> -> memref<2x64x64xf32, #tpu.memory_space<hbm>>
    tpu.enqueue_dma source(%dma_start3A_563 : memref<2x64x64xf32, #tpu.memory_space<hbm>>) target(%dma_start3A_559 : memref<2x64x64xf32, #tpu.memory_space<vmem>>) target_semaphore(%arg6 : memref<!tpu.dma_semaphore, #tpu.memory_space<semaphore_mem>>)
    %dma_wait3A_564 = arith.constant 0 : i32
    %dma_wait3A_565 = arith.constant 0 : i32
    %dma_wait3A_566 = arith.constant 1 : i32
    %dma_wait3A_567 = arith.constant 0 : i32
    %dma_wait3A_568 = arith.constant 0 : i32
    %dma_wait3A_569 = arith.constant 0 : i32
    %dma_wait3A_570 = tpu.memref_slice %arg4[%dma_wait3A_566, %dma_wait3A_567, %dma_wait3A_568, %dma_wait3A_569] : memref<3x2x64x64xf32, #tpu.memory_space<vmem>> -> memref<1x2x64x64xf32, #tpu.memory_space<vmem>>
    %dma_wait3A_571 = tpu.memref_squeeze %dma_wait3A_570 : memref<1x2x64x64xf32, #tpu.memory_space<vmem>> -> memref<2x64x64xf32, #tpu.memory_space<vmem>>
    %dma_wait3A_572 = arith.constant 0 : i32
    %dma_wait3A_573 = arith.constant 0 : i32
    %dma_wait3A_574 = arith.constant 0 : i32
    %dma_wait3A_575 = tpu.memref_slice %arg2[%dma_wait3A_564, %dma_wait3A_565, %dma_wait3A_572, %dma_wait3A_573, %dma_wait3A_574] : memref<2x32x64x64x64xf32, #tpu.memory_space<hbm>> -> memref<1x1x2x64x64xf32, #tpu.memory_space<hbm>>
    %dma_wait3A_576 = tpu.memref_squeeze %dma_wait3A_575 : memref<1x1x2x64x64xf32, #tpu.memory_space<hbm>> -> memref<2x64x64xf32, #tpu.memory_space<hbm>>
    %dma_wait3A_577 = arith.constant 0 : i32
    %dma_wait3A_578 = arith.constant 0 : i32
    %dma_wait3A_579 = arith.constant 0 : i32
    %dma_wait3A_580 = tpu.memref_slice %arg4[%dma_wait3A_566, %dma_wait3A_577, %dma_wait3A_578, %dma_wait3A_579] : memref<3x2x64x64xf32, #tpu.memory_space<vmem>> -> memref<1x2x64x64xf32, #tpu.memory_space<vmem>>
    %dma_wait3A_581 = tpu.memref_squeeze %dma_wait3A_580 : memref<1x2x64x64xf32, #tpu.memory_space<vmem>> -> memref<2x64x64xf32, #tpu.memory_space<vmem>>
    %dma_wait3A_582 = arith.constant 0 : i32
    %dma_wait3A_583 = arith.constant 0 : i32
    %dma_wait3A_584 = arith.constant 0 : i32
    %dma_wait3A_585 = tpu.memref_slice %arg2[%dma_wait3A_564, %dma_wait3A_565, %dma_wait3A_582, %dma_wait3A_583, %dma_wait3A_584] : memref<2x32x64x64x64xf32, #tpu.memory_space<hbm>> -> memref<1x1x2x64x64xf32, #tpu.memory_space<hbm>>
    %dma_wait3A_586 = tpu.memref_squeeze %dma_wait3A_585 : memref<1x1x2x64x64xf32, #tpu.memory_space<hbm>> -> memref<2x64x64xf32, #tpu.memory_space<hbm>>
    tpu.wait_dma2 semaphore(%arg7 : memref<!tpu.dma_semaphore, #tpu.memory_space<semaphore_mem>>) src(%dma_wait3A_586 : memref<2x64x64xf32, #tpu.memory_space<hbm>>) dst(%dma_wait3A_581 : memref<2x64x64xf32, #tpu.memory_space<vmem>>)
    %dma_wait3A_587 = arith.constant 1 : i32
    %dma_wait3A_588 = arith.constant 0 : i32
    %dma_wait3A_589 = arith.constant 0 : i32
    %dma_wait3A_590 = arith.constant 0 : i32
    %dma_wait3A_591 = arith.constant 0 : i32
    %dma_wait3A_592 = arith.constant 0 : i32
    %dma_wait3A_593 = tpu.memref_slice %arg5[%dma_wait3A_587, %dma_wait3A_590, %dma_wait3A_591, %dma_wait3A_592] : memref<2x8x32x32xf32, #tpu.memory_space<vmem>> -> memref<1x8x32x32xf32, #tpu.memory_space<vmem>>
    %dma_wait3A_594 = tpu.memref_squeeze %dma_wait3A_593 : memref<1x8x32x32xf32, #tpu.memory_space<vmem>> -> memref<8x32x32xf32, #tpu.memory_space<vmem>>
    %dma_wait3A_595 = arith.constant 0 : i32
    %dma_wait3A_596 = arith.constant 0 : i32
    %dma_wait3A_597 = arith.constant 0 : i32
    %dma_wait3A_598 = tpu.memref_slice %arg3[%dma_wait3A_588, %dma_wait3A_595, %dma_wait3A_589, %dma_wait3A_596, %dma_wait3A_597] : memref<2x256x32x32x32xf32, #tpu.memory_space<hbm>> -> memref<1x8x1x32x32xf32, #tpu.memory_space<hbm>>
    %dma_wait3A_599 = tpu.memref_squeeze %dma_wait3A_598 : memref<1x8x1x32x32xf32, #tpu.memory_space<hbm>> -> memref<8x32x32xf32, #tpu.memory_space<hbm>>
    %dma_wait3A_600 = arith.constant 0 : i32
    %dma_wait3A_601 = arith.constant 0 : i32
    %dma_wait3A_602 = arith.constant 0 : i32
    %dma_wait3A_603 = tpu.memref_slice %arg3[%dma_wait3A_588, %dma_wait3A_600, %dma_wait3A_589, %dma_wait3A_601, %dma_wait3A_602] : memref<2x256x32x32x32xf32, #tpu.memory_space<hbm>> -> memref<1x8x1x32x32xf32, #tpu.memory_space<hbm>>
    %dma_wait3A_604 = tpu.memref_squeeze %dma_wait3A_603 : memref<1x8x1x32x32xf32, #tpu.memory_space<hbm>> -> memref<8x32x32xf32, #tpu.memory_space<hbm>>
    %dma_wait3A_605 = arith.constant 0 : i32
    %dma_wait3A_606 = arith.constant 0 : i32
    %dma_wait3A_607 = arith.constant 0 : i32
    %dma_wait3A_608 = tpu.memref_slice %arg5[%dma_wait3A_587, %dma_wait3A_605, %dma_wait3A_606, %dma_wait3A_607] : memref<2x8x32x32xf32, #tpu.memory_space<vmem>> -> memref<1x8x32x32xf32, #tpu.memory_space<vmem>>
    %dma_wait3A_609 = tpu.memref_squeeze %dma_wait3A_608 : memref<1x8x32x32xf32, #tpu.memory_space<vmem>> -> memref<8x32x32xf32, #tpu.memory_space<vmem>>
    tpu.wait_dma2 semaphore(%arg10 : memref<!tpu.dma_semaphore, #tpu.memory_space<semaphore_mem>>) src(%dma_wait3A_609 : memref<8x32x32xf32, #tpu.memory_space<vmem>>) dst(%dma_wait3A_604 : memref<8x32x32xf32, #tpu.memory_space<hbm>>)
    %scan3A_610 = arith.constant 0 : i32
    %scan3A_611 = arith.constant 1 : i32
    %scan3A_612 = arith.constant 0 : i32
    %scan3A_613 = arith.constant 64 : i32
    %scan3A_614 = arith.addi %scan3A_612, %scan3A_613 : i32
    %scan3A_615 = arith.constant 1 : i32
    scf.for %scan3A_1078 = %scan3A_612 to %scan3A_614 step %scan3A_615  : i32 {
      %shift_right_arithmetic3A = arith.constant 1 : i32
      %shift_right_arithmetic3A_1079 = arith.shrsi %scan3A_1078, %shift_right_arithmetic3A : i32
      %and3A_1080 = arith.constant 1 : i32
      %and3A_1081 = arith.andi %scan3A_1078, %and3A_1080 : i32
      %mul3A_1082 = arith.constant 16 : i32
      %mul3A_1083 = arith.muli %and3A_1081, %mul3A_1082 : i32
      %mul3A_1084 = arith.constant 2 : i32
      %mul3A_1085 = arith.muli %mul3A_1084, %mul3A_1083 : i32
      %mul3A_1086 = arith.constant 2 : i32
      %mul3A_1087 = vector.broadcast %mul3A_1086 : i32 to vector<16xi32>
      %mul3A_1088 = arith.muli %iota3A, %mul3A_1087 : vector<16xi32>
      %add3A_1089 = vector.broadcast %mul3A_1085 : i32 to vector<16xi32>
      %add3A_1090 = arith.addi %add3A_1089, %mul3A_1088 : vector<16xi32>
      %broadcast_in_dim3A = arith.constant 0 : i32
      %broadcast_in_dim3A_1091 = vector.broadcast %broadcast_in_dim3A : i32 to vector<16xi32>
      %mul3A_1092 = arith.constant 2 : i32
      %mul3A_1093 = arith.muli %mul3A_1092, %shift_right_arithmetic3A_1079 : i32
      %add3A_1094 = arith.constant 0 : i32
      %add3A_1095 = arith.addi %mul3A_1093, %add3A_1094 : i32
      %broadcast_in_dim3A_1096 = vector.broadcast %add3A_1095 : i32 to vector<16xi32>
      %add3A_1097 = arith.constant 0 : i32
      %add3A_1098 = vector.broadcast %add3A_1097 : i32 to vector<16xi32>
      %add3A_1099 = arith.addi %add3A_1090, %add3A_1098 : vector<16xi32>
      %gather3A = arith.constant 0 : i32
      %gather3A_1100 = arith.constant 0 : i32
      %gather3A_1101 = arith.constant 0 : i32
      %gather3A_1102 = tpu.memref_slice %arg4[%scan3A_611, %gather3A, %gather3A_1100, %gather3A_1101] : memref<3x2x64x64xf32, #tpu.memory_space<vmem>> -> memref<1x2x64x64xf32, #tpu.memory_space<vmem>>
      %gather3A_1103 = tpu.memref_squeeze %gather3A_1102 : memref<1x2x64x64xf32, #tpu.memory_space<vmem>> -> memref<2x64x64xf32, #tpu.memory_space<vmem>>
      %gather3A_1104 = tpu.vector_load_idx %gather3A_1103[%broadcast_in_dim3A_1091, %broadcast_in_dim3A_1096, %add3A_1099] : memref<2x64x64xf32, #tpu.memory_space<vmem>>[vector<16xi32>, vector<16xi32>, vector<16xi32>], vector<16xf32>,
      %swap3A = arith.constant 1 : i32
      %swap3A_1105 = arith.constant 0 : i32
      %swap3A_1106 = arith.index_cast %swap3A : i32 to index
      %swap3A_1107 = arith.index_cast %swap3A_1105 : i32 to index
      %swap3A_1108 = arith.index_cast %shift_right_arithmetic3A_1079 : i32 to index
      %swap3A_1109 = arith.index_cast %mul3A_1083 : i32 to index
      %swap3A_1110 = tpu.vector_load %arg5[%swap3A_1106, %swap3A_1107, %swap3A_1108, %swap3A_1109] {strides = array<i32>} : memref<2x8x32x32xf32, #tpu.memory_space<vmem>>, vector<16xf32>,
      tpu.vector_store %arg5[%swap3A_1106, %swap3A_1107, %swap3A_1108, %swap3A_1109], %gather3A_1104 {strides = array<i32>} : memref<2x8x32x32xf32, #tpu.memory_space<vmem>>, vector<16xf32>,
      %broadcast_in_dim3A_1111 = arith.constant 0 : i32
      %broadcast_in_dim3A_1112 = vector.broadcast %broadcast_in_dim3A_1111 : i32 to vector<16xi32>
      %mul3A_1113 = arith.constant 2 : i32
      %mul3A_1114 = arith.muli %mul3A_1113, %shift_right_arithmetic3A_1079 : i32
      %add3A_1115 = arith.constant 0 : i32
      %add3A_1116 = arith.addi %mul3A_1114, %add3A_1115 : i32
      %broadcast_in_dim3A_1117 = vector.broadcast %add3A_1116 : i32 to vector<16xi32>
      %add3A_1118 = arith.constant 1 : i32
      %add3A_1119 = vector.broadcast %add3A_1118 : i32 to vector<16xi32>
      %add3A_1120 = arith.addi %add3A_1090, %add3A_1119 : vector<16xi32>
      %gather3A_1121 = arith.constant 0 : i32
      %gather3A_1122 = arith.constant 0 : i32
      %gather3A_1123 = arith.constant 0 : i32
      %gather3A_1124 = tpu.memref_slice %arg4[%scan3A_611, %gather3A_1121, %gather3A_1122, %gather3A_1123] : memref<3x2x64x64xf32, #tpu.memory_space<vmem>> -> memref<1x2x64x64xf32, #tpu.memory_space<vmem>>
      %gather3A_1125 = tpu.memref_squeeze %gather3A_1124 : memref<1x2x64x64xf32, #tpu.memory_space<vmem>> -> memref<2x64x64xf32, #tpu.memory_space<vmem>>
      %gather3A_1126 = tpu.vector_load_idx %gather3A_1125[%broadcast_in_dim3A_1112, %broadcast_in_dim3A_1117, %add3A_1120] : memref<2x64x64xf32, #tpu.memory_space<vmem>>[vector<16xi32>, vector<16xi32>, vector<16xi32>], vector<16xf32>,
      %swap3A_1127 = arith.constant 1 : i32
      %swap3A_1128 = arith.constant 1 : i32
      %swap3A_1129 = arith.index_cast %swap3A_1127 : i32 to index
      %swap3A_1130 = arith.index_cast %swap3A_1128 : i32 to index
      %swap3A_1131 = arith.index_cast %shift_right_arithmetic3A_1079 : i32 to index
      %swap3A_1132 = arith.index_cast %mul3A_1083 : i32 to index
      %swap3A_1133 = tpu.vector_load %arg5[%swap3A_1129, %swap3A_1130, %swap3A_1131, %swap3A_1132] {strides = array<i32>} : memref<2x8x32x32xf32, #tpu.memory_space<vmem>>, vector<16xf32>,
      tpu.vector_store %arg5[%swap3A_1129, %swap3A_1130, %swap3A_1131, %swap3A_1132], %gather3A_1126 {strides = array<i32>} : memref<2x8x32x32xf32, #tpu.memory_space<vmem>>, vector<16xf32>,
      %broadcast_in_dim3A_1134 = arith.constant 0 : i32
      %broadcast_in_dim3A_1135 = vector.broadcast %broadcast_in_dim3A_1134 : i32 to vector<16xi32>
      %mul3A_1136 = arith.constant 2 : i32
      %mul3A_1137 = arith.muli %mul3A_1136, %shift_right_arithmetic3A_1079 : i32
      %add3A_1138 = arith.constant 1 : i32
      %add3A_1139 = arith.addi %mul3A_1137, %add3A_1138 : i32
      %broadcast_in_dim3A_1140 = vector.broadcast %add3A_1139 : i32 to vector<16xi32>
      %add3A_1141 = arith.constant 0 : i32
      %add3A_1142 = vector.broadcast %add3A_1141 : i32 to vector<16xi32>
      %add3A_1143 = arith.addi %add3A_1090, %add3A_1142 : vector<16xi32>
      %gather3A_1144 = arith.constant 0 : i32
      %gather3A_1145 = arith.constant 0 : i32
      %gather3A_1146 = arith.constant 0 : i32
      %gather3A_1147 = tpu.memref_slice %arg4[%scan3A_611, %gather3A_1144, %gather3A_1145, %gather3A_1146] : memref<3x2x64x64xf32, #tpu.memory_space<vmem>> -> memref<1x2x64x64xf32, #tpu.memory_space<vmem>>
      %gather3A_1148 = tpu.memref_squeeze %gather3A_1147 : memref<1x2x64x64xf32, #tpu.memory_space<vmem>> -> memref<2x64x64xf32, #tpu.memory_space<vmem>>
      %gather3A_1149 = tpu.vector_load_idx %gather3A_1148[%broadcast_in_dim3A_1135, %broadcast_in_dim3A_1140, %add3A_1143] : memref<2x64x64xf32, #tpu.memory_space<vmem>>[vector<16xi32>, vector<16xi32>, vector<16xi32>], vector<16xf32>,
      %swap3A_1150 = arith.constant 1 : i32
      %swap3A_1151 = arith.constant 2 : i32
      %swap3A_1152 = arith.index_cast %swap3A_1150 : i32 to index
      %swap3A_1153 = arith.index_cast %swap3A_1151 : i32 to index
      %swap3A_1154 = arith.index_cast %shift_right_arithmetic3A_1079 : i32 to index
      %swap3A_1155 = arith.index_cast %mul3A_1083 : i32 to index
      %swap3A_1156 = tpu.vector_load %arg5[%swap3A_1152, %swap3A_1153, %swap3A_1154, %swap3A_1155] {strides = array<i32>} : memref<2x8x32x32xf32, #tpu.memory_space<vmem>>, vector<16xf32>,
      tpu.vector_store %arg5[%swap3A_1152, %swap3A_1153, %swap3A_1154, %swap3A_1155], %gather3A_1149 {strides = array<i32>} : memref<2x8x32x32xf32, #tpu.memory_space<vmem>>, vector<16xf32>,
      %broadcast_in_dim3A_1157 = arith.constant 0 : i32
      %broadcast_in_dim3A_1158 = vector.broadcast %broadcast_in_dim3A_1157 : i32 to vector<16xi32>
      %mul3A_1159 = arith.constant 2 : i32
      %mul3A_1160 = arith.muli %mul3A_1159, %shift_right_arithmetic3A_1079 : i32
      %add3A_1161 = arith.constant 1 : i32
      %add3A_1162 = arith.addi %mul3A_1160, %add3A_1161 : i32
      %broadcast_in_dim3A_1163 = vector.broadcast %add3A_1162 : i32 to vector<16xi32>
      %add3A_1164 = arith.constant 1 : i32
      %add3A_1165 = vector.broadcast %add3A_1164 : i32 to vector<16xi32>
      %add3A_1166 = arith.addi %add3A_1090, %add3A_1165 : vector<16xi32>
      %gather3A_1167 = arith.constant 0 : i32
      %gather3A_1168 = arith.constant 0 : i32
      %gather3A_1169 = arith.constant 0 : i32
      %gather3A_1170 = tpu.memref_slice %arg4[%scan3A_611, %gather3A_1167, %gather3A_1168, %gather3A_1169] : memref<3x2x64x64xf32, #tpu.memory_space<vmem>> -> memref<1x2x64x64xf32, #tpu.memory_space<vmem>>
      %gather3A_1171 = tpu.memref_squeeze %gather3A_1170 : memref<1x2x64x64xf32, #tpu.memory_space<vmem>> -> memref<2x64x64xf32, #tpu.memory_space<vmem>>
      %gather3A_1172 = tpu.vector_load_idx %gather3A_1171[%broadcast_in_dim3A_1158, %broadcast_in_dim3A_1163, %add3A_1166] : memref<2x64x64xf32, #tpu.memory_space<vmem>>[vector<16xi32>, vector<16xi32>, vector<16xi32>], vector<16xf32>,
      %swap3A_1173 = arith.constant 1 : i32
      %swap3A_1174 = arith.constant 3 : i32
      %swap3A_1175 = arith.index_cast %swap3A_1173 : i32 to index
      %swap3A_1176 = arith.index_cast %swap3A_1174 : i32 to index
      %swap3A_1177 = arith.index_cast %shift_right_arithmetic3A_1079 : i32 to index
      %swap3A_1178 = arith.index_cast %mul3A_1083 : i32 to index
      %swap3A_1179 = tpu.vector_load %arg5[%swap3A_1175, %swap3A_1176, %swap3A_1177, %swap3A_1178] {strides = array<i32>} : memref<2x8x32x32xf32, #tpu.memory_space<vmem>>, vector<16xf32>,
      tpu.vector_store %arg5[%swap3A_1175, %swap3A_1176, %swap3A_1177, %swap3A_1178], %gather3A_1172 {strides = array<i32>} : memref<2x8x32x32xf32, #tpu.memory_space<vmem>>, vector<16xf32>,
      %broadcast_in_dim3A_1180 = arith.constant 1 : i32
      %broadcast_in_dim3A_1181 = vector.broadcast %broadcast_in_dim3A_1180 : i32 to vector<16xi32>
      %mul3A_1182 = arith.constant 2 : i32
      %mul3A_1183 = arith.muli %mul3A_1182, %shift_right_arithmetic3A_1079 : i32
      %add3A_1184 = arith.constant 0 : i32
      %add3A_1185 = arith.addi %mul3A_1183, %add3A_1184 : i32
      %broadcast_in_dim3A_1186 = vector.broadcast %add3A_1185 : i32 to vector<16xi32>
      %add3A_1187 = arith.constant 0 : i32
      %add3A_1188 = vector.broadcast %add3A_1187 : i32 to vector<16xi32>
      %add3A_1189 = arith.addi %add3A_1090, %add3A_1188 : vector<16xi32>
      %gather3A_1190 = arith.constant 0 : i32
      %gather3A_1191 = arith.constant 0 : i32
      %gather3A_1192 = arith.constant 0 : i32
      %gather3A_1193 = tpu.memref_slice %arg4[%scan3A_611, %gather3A_1190, %gather3A_1191, %gather3A_1192] : memref<3x2x64x64xf32, #tpu.memory_space<vmem>> -> memref<1x2x64x64xf32, #tpu.memory_space<vmem>>
      %gather3A_1194 = tpu.memref_squeeze %gather3A_1193 : memref<1x2x64x64xf32, #tpu.memory_space<vmem>> -> memref<2x64x64xf32, #tpu.memory_space<vmem>>
      %gather3A_1195 = tpu.vector_load_idx %gather3A_1194[%broadcast_in_dim3A_1181, %broadcast_in_dim3A_1186, %add3A_1189] : memref<2x64x64xf32, #tpu.memory_space<vmem>>[vector<16xi32>, vector<16xi32>, vector<16xi32>], vector<16xf32>,
      %swap3A_1196 = arith.constant 1 : i32
      %swap3A_1197 = arith.constant 4 : i32
      %swap3A_1198 = arith.index_cast %swap3A_1196 : i32 to index
      %swap3A_1199 = arith.index_cast %swap3A_1197 : i32 to index
      %swap3A_1200 = arith.index_cast %shift_right_arithmetic3A_1079 : i32 to index
      %swap3A_1201 = arith.index_cast %mul3A_1083 : i32 to index
      %swap3A_1202 = tpu.vector_load %arg5[%swap3A_1198, %swap3A_1199, %swap3A_1200, %swap3A_1201] {strides = array<i32>} : memref<2x8x32x32xf32, #tpu.memory_space<vmem>>, vector<16xf32>,
      tpu.vector_store %arg5[%swap3A_1198, %swap3A_1199, %swap3A_1200, %swap3A_1201], %gather3A_1195 {strides = array<i32>} : memref<2x8x32x32xf32, #tpu.memory_space<vmem>>, vector<16xf32>,
      %broadcast_in_dim3A_1203 = arith.constant 1 : i32
      %broadcast_in_dim3A_1204 = vector.broadcast %broadcast_in_dim3A_1203 : i32 to vector<16xi32>
      %mul3A_1205 = arith.constant 2 : i32
      %mul3A_1206 = arith.muli %mul3A_1205, %shift_right_arithmetic3A_1079 : i32
      %add3A_1207 = arith.constant 0 : i32
      %add3A_1208 = arith.addi %mul3A_1206, %add3A_1207 : i32
      %broadcast_in_dim3A_1209 = vector.broadcast %add3A_1208 : i32 to vector<16xi32>
      %add3A_1210 = arith.constant 1 : i32
      %add3A_1211 = vector.broadcast %add3A_1210 : i32 to vector<16xi32>
      %add3A_1212 = arith.addi %add3A_1090, %add3A_1211 : vector<16xi32>
      %gather3A_1213 = arith.constant 0 : i32
      %gather3A_1214 = arith.constant 0 : i32
      %gather3A_1215 = arith.constant 0 : i32
      %gather3A_1216 = tpu.memref_slice %arg4[%scan3A_611, %gather3A_1213, %gather3A_1214, %gather3A_1215] : memref<3x2x64x64xf32, #tpu.memory_space<vmem>> -> memref<1x2x64x64xf32, #tpu.memory_space<vmem>>
      %gather3A_1217 = tpu.memref_squeeze %gather3A_1216 : memref<1x2x64x64xf32, #tpu.memory_space<vmem>> -> memref<2x64x64xf32, #tpu.memory_space<vmem>>
      %gather3A_1218 = tpu.vector_load_idx %gather3A_1217[%broadcast_in_dim3A_1204, %broadcast_in_dim3A_1209, %add3A_1212] : memref<2x64x64xf32, #tpu.memory_space<vmem>>[vector<16xi32>, vector<16xi32>, vector<16xi32>], vector<16xf32>,
      %swap3A_1219 = arith.constant 1 : i32
      %swap3A_1220 = arith.constant 5 : i32
      %swap3A_1221 = arith.index_cast %swap3A_1219 : i32 to index
      %swap3A_1222 = arith.index_cast %swap3A_1220 : i32 to index
      %swap3A_1223 = arith.index_cast %shift_right_arithmetic3A_1079 : i32 to index
      %swap3A_1224 = arith.index_cast %mul3A_1083 : i32 to index
      %swap3A_1225 = tpu.vector_load %arg5[%swap3A_1221, %swap3A_1222, %swap3A_1223, %swap3A_1224] {strides = array<i32>} : memref<2x8x32x32xf32, #tpu.memory_space<vmem>>, vector<16xf32>,
      tpu.vector_store %arg5[%swap3A_1221, %swap3A_1222, %swap3A_1223, %swap3A_1224], %gather3A_1218 {strides = array<i32>} : memref<2x8x32x32xf32, #tpu.memory_space<vmem>>, vector<16xf32>,
      %broadcast_in_dim3A_1226 = arith.constant 1 : i32
      %broadcast_in_dim3A_1227 = vector.broadcast %broadcast_in_dim3A_1226 : i32 to vector<16xi32>
      %mul3A_1228 = arith.constant 2 : i32
      %mul3A_1229 = arith.muli %mul3A_1228, %shift_right_arithmetic3A_1079 : i32
      %add3A_1230 = arith.constant 1 : i32
      %add3A_1231 = arith.addi %mul3A_1229, %add3A_1230 : i32
      %broadcast_in_dim3A_1232 = vector.broadcast %add3A_1231 : i32 to vector<16xi32>
      %add3A_1233 = arith.constant 0 : i32
      %add3A_1234 = vector.broadcast %add3A_1233 : i32 to vector<16xi32>
      %add3A_1235 = arith.addi %add3A_1090, %add3A_1234 : vector<16xi32>
      %gather3A_1236 = arith.constant 0 : i32
      %gather3A_1237 = arith.constant 0 : i32
      %gather3A_1238 = arith.constant 0 : i32
      %gather3A_1239 = tpu.memref_slice %arg4[%scan3A_611, %gather3A_1236, %gather3A_1237, %gather3A_1238] : memref<3x2x64x64xf32, #tpu.memory_space<vmem>> -> memref<1x2x64x64xf32, #tpu.memory_space<vmem>>
      %gather3A_1240 = tpu.memref_squeeze %gather3A_1239 : memref<1x2x64x64xf32, #tpu.memory_space<vmem>> -> memref<2x64x64xf32, #tpu.memory_space<vmem>>
      %gather3A_1241 = tpu.vector_load_idx %gather3A_1240[%broadcast_in_dim3A_1227, %broadcast_in_dim3A_1232, %add3A_1235] : memref<2x64x64xf32, #tpu.memory_space<vmem>>[vector<16xi32>, vector<16xi32>, vector<16xi32>], vector<16xf32>,
      %swap3A_1242 = arith.constant 1 : i32
      %swap3A_1243 = arith.constant 6 : i32
      %swap3A_1244 = arith.index_cast %swap3A_1242 : i32 to index
      %swap3A_1245 = arith.index_cast %swap3A_1243 : i32 to index
      %swap3A_1246 = arith.index_cast %shift_right_arithmetic3A_1079 : i32 to index
      %swap3A_1247 = arith.index_cast %mul3A_1083 : i32 to index
      %swap3A_1248 = tpu.vector_load %arg5[%swap3A_1244, %swap3A_1245, %swap3A_1246, %swap3A_1247] {strides = array<i32>} : memref<2x8x32x32xf32, #tpu.memory_space<vmem>>, vector<16xf32>,
      tpu.vector_store %arg5[%swap3A_1244, %swap3A_1245, %swap3A_1246, %swap3A_1247], %gather3A_1241 {strides = array<i32>} : memref<2x8x32x32xf32, #tpu.memory_space<vmem>>, vector<16xf32>,
      %broadcast_in_dim3A_1249 = arith.constant 1 : i32
      %broadcast_in_dim3A_1250 = vector.broadcast %broadcast_in_dim3A_1249 : i32 to vector<16xi32>
      %mul3A_1251 = arith.constant 2 : i32
      %mul3A_1252 = arith.muli %mul3A_1251, %shift_right_arithmetic3A_1079 : i32
      %add3A_1253 = arith.constant 1 : i32
      %add3A_1254 = arith.addi %mul3A_1252, %add3A_1253 : i32
      %broadcast_in_dim3A_1255 = vector.broadcast %add3A_1254 : i32 to vector<16xi32>
      %add3A_1256 = arith.constant 1 : i32
      %add3A_1257 = vector.broadcast %add3A_1256 : i32 to vector<16xi32>
      %add3A_1258 = arith.addi %add3A_1090, %add3A_1257 : vector<16xi32>
      %gather3A_1259 = arith.constant 0 : i32
      %gather3A_1260 = arith.constant 0 : i32
      %gather3A_1261 = arith.constant 0 : i32
      %gather3A_1262 = tpu.memref_slice %arg4[%scan3A_611, %gather3A_1259, %gather3A_1260, %gather3A_1261] : memref<3x2x64x64xf32, #tpu.memory_space<vmem>> -> memref<1x2x64x64xf32, #tpu.memory_space<vmem>>
      %gather3A_1263 = tpu.memref_squeeze %gather3A_1262 : memref<1x2x64x64xf32, #tpu.memory_space<vmem>> -> memref<2x64x64xf32, #tpu.memory_space<vmem>>
      %gather3A_1264 = tpu.vector_load_idx %gather3A_1263[%broadcast_in_dim3A_1250, %broadcast_in_dim3A_1255, %add3A_1258] : memref<2x64x64xf32, #tpu.memory_space<vmem>>[vector<16xi32>, vector<16xi32>, vector<16xi32>], vector<16xf32>,
      %swap3A_1265 = arith.constant 1 : i32
      %swap3A_1266 = arith.constant 7 : i32
      %swap3A_1267 = arith.index_cast %swap3A_1265 : i32 to index
      %swap3A_1268 = arith.index_cast %swap3A_1266 : i32 to index
      %swap3A_1269 = arith.index_cast %shift_right_arithmetic3A_1079 : i32 to index
      %swap3A_1270 = arith.index_cast %mul3A_1083 : i32 to index
      %swap3A_1271 = tpu.vector_load %arg5[%swap3A_1267, %swap3A_1268, %swap3A_1269, %swap3A_1270] {strides = array<i32>} : memref<2x8x32x32xf32, #tpu.memory_space<vmem>>, vector<16xf32>,
      tpu.vector_store %arg5[%swap3A_1267, %swap3A_1268, %swap3A_1269, %swap3A_1270], %gather3A_1264 {strides = array<i32>} : memref<2x8x32x32xf32, #tpu.memory_space<vmem>>, vector<16xf32>,
    }
    %scan3A_616 = arith.constant 64 : i32
    %add3A_617 = arith.constant 61 : i32
    %add3A_618 = arith.addi %mul3A_2, %add3A_617 : i32
    %jit3A_619 = arith.constant 1024 : i32
    %div3A_620 = arith.divsi %add3A_618, %jit3A_619 : i32
    %sign3A_621 = arith.constant 0 : i32
    %sign3A_622 = arith.cmpi sgt, %add3A_618, %sign3A_621 : i32
    %sign3A_623 = arith.extui %sign3A_622 : i1 to i32
    %sign3A_624 = arith.constant 0 : i32
    %sign3A_625 = arith.cmpi slt, %add3A_618, %sign3A_624 : i32
    %sign3A_626 = arith.extui %sign3A_625 : i1 to i32
    %sign3A_627 = arith.subi %sign3A_623, %sign3A_626 : i32
    %sign3A_628 = arith.constant 0 : i32
    %sign3A_629 = arith.cmpi sgt, %jit3A_619, %sign3A_628 : i32
    %sign3A_630 = arith.extui %sign3A_629 : i1 to i32
    %sign3A_631 = arith.constant 0 : i32
    %sign3A_632 = arith.cmpi slt, %jit3A_619, %sign3A_631 : i32
    %sign3A_633 = arith.extui %sign3A_632 : i1 to i32
    %sign3A_634 = arith.subi %sign3A_630, %sign3A_633 : i32
    %ne3A_635 = arith.cmpi ne, %sign3A_627, %sign3A_634 : i32
    %rem3A_636 = arith.remsi %add3A_618, %jit3A_619 : i32
    %ne3A_637 = arith.constant 0 : i32
    %ne3A_638 = arith.cmpi ne, %rem3A_636, %ne3A_637 : i32
    %and3A_639 = arith.andi %ne3A_635, %ne3A_638 : i1
    %sub3A_640 = arith.constant 1 : i32
    %sub3A_641 = arith.subi %div3A_620, %sub3A_640 : i32
    %select_n3A_642 = arith.select %and3A_639, %sub3A_641, %div3A_620 : i32
    %jit3A_643 = arith.constant 1024 : i32
    %eq3A_644 = arith.constant 0 : i32
    %eq3A_645 = arith.cmpi eq, %jit3A_643, %eq3A_644 : i32
    %jit3A_646 = arith.constant 1 : i32
    %select_n3A_647 = arith.select %eq3A_645, %jit3A_646, %jit3A_643 : i32
    %rem3A_648 = arith.remsi %add3A_618, %select_n3A_647 : i32
    %ne3A_649 = arith.constant 0 : i32
    %ne3A_650 = arith.cmpi ne, %rem3A_648, %ne3A_649 : i32
    %lt3A_651 = arith.constant 0 : i32
    %lt3A_652 = arith.cmpi slt, %rem3A_648, %lt3A_651 : i32
    %lt3A_653 = arith.constant 0 : i32
    %lt3A_654 = arith.cmpi slt, %select_n3A_647, %lt3A_653 : i32
    %ne3A_655 = arith.xori %lt3A_652, %lt3A_654 : i1
    %and3A_656 = arith.andi %ne3A_655, %ne3A_650 : i1
    %add3A_657 = arith.addi %rem3A_648, %select_n3A_647 : i32
    %select_n3A_658 = arith.select %and3A_656, %add3A_657, %rem3A_648 : i32
    %jit3A_659 = arith.constant 32 : i32
    %div3A_660 = arith.divsi %select_n3A_658, %jit3A_659 : i32
    %sign3A_661 = arith.constant 0 : i32
    %sign3A_662 = arith.cmpi sgt, %select_n3A_658, %sign3A_661 : i32
    %sign3A_663 = arith.extui %sign3A_662 : i1 to i32
    %sign3A_664 = arith.constant 0 : i32
    %sign3A_665 = arith.cmpi slt, %select_n3A_658, %sign3A_664 : i32
    %sign3A_666 = arith.extui %sign3A_665 : i1 to i32
    %sign3A_667 = arith.subi %sign3A_663, %sign3A_666 : i32
    %sign3A_668 = arith.constant 0 : i32
    %sign3A_669 = arith.cmpi sgt, %jit3A_659, %sign3A_668 : i32
    %sign3A_670 = arith.extui %sign3A_669 : i1 to i32
    %sign3A_671 = arith.constant 0 : i32
    %sign3A_672 = arith.cmpi slt, %jit3A_659, %sign3A_671 : i32
    %sign3A_673 = arith.extui %sign3A_672 : i1 to i32
    %sign3A_674 = arith.subi %sign3A_670, %sign3A_673 : i32
    %ne3A_675 = arith.cmpi ne, %sign3A_667, %sign3A_674 : i32
    %rem3A_676 = arith.remsi %select_n3A_658, %jit3A_659 : i32
    %ne3A_677 = arith.constant 0 : i32
    %ne3A_678 = arith.cmpi ne, %rem3A_676, %ne3A_677 : i32
    %and3A_679 = arith.andi %ne3A_675, %ne3A_678 : i1
    %sub3A_680 = arith.constant 1 : i32
    %sub3A_681 = arith.subi %div3A_660, %sub3A_680 : i32
    %select_n3A_682 = arith.select %and3A_679, %sub3A_681, %div3A_660 : i32
    %jit3A_683 = arith.constant 32 : i32
    %eq3A_684 = arith.constant 0 : i32
    %eq3A_685 = arith.cmpi eq, %jit3A_683, %eq3A_684 : i32
    %jit3A_686 = arith.constant 1 : i32
    %select_n3A_687 = arith.select %eq3A_685, %jit3A_686, %jit3A_683 : i32
    %rem3A_688 = arith.remsi %select_n3A_658, %select_n3A_687 : i32
    %ne3A_689 = arith.constant 0 : i32
    %ne3A_690 = arith.cmpi ne, %rem3A_688, %ne3A_689 : i32
    %lt3A_691 = arith.constant 0 : i32
    %lt3A_692 = arith.cmpi slt, %rem3A_688, %lt3A_691 : i32
    %lt3A_693 = arith.constant 0 : i32
    %lt3A_694 = arith.cmpi slt, %select_n3A_687, %lt3A_693 : i32
    %ne3A_695 = arith.xori %lt3A_692, %lt3A_694 : i1
    %and3A_696 = arith.andi %ne3A_695, %ne3A_690 : i1
    %add3A_697 = arith.addi %rem3A_688, %select_n3A_687 : i32
    %select_n3A_698 = arith.select %and3A_696, %add3A_697, %rem3A_688 : i32
    %mul3A_699 = arith.constant 8 : i32
    %mul3A_700 = arith.muli %select_n3A_682, %mul3A_699 : i32
    %dma_start3A_701 = arith.constant 1 : i32
    %dma_start3A_702 = arith.constant 0 : i32
    %dma_start3A_703 = arith.constant 0 : i32
    %dma_start3A_704 = arith.constant 0 : i32
    %dma_start3A_705 = tpu.memref_slice %arg5[%dma_start3A_701, %dma_start3A_702, %dma_start3A_703, %dma_start3A_704] : memref<2x8x32x32xf32, #tpu.memory_space<vmem>> -> memref<1x8x32x32xf32, #tpu.memory_space<vmem>>
    %dma_start3A_706 = tpu.memref_squeeze %dma_start3A_705 : memref<1x8x32x32xf32, #tpu.memory_space<vmem>> -> memref<8x32x32xf32, #tpu.memory_space<vmem>>
    %dma_start3A_707 = arith.constant 0 : i32
    %dma_start3A_708 = arith.constant 0 : i32
    %dma_start3A_709 = tpu.memref_slice %arg3[%select_n3A_642, %mul3A_700, %select_n3A_698, %dma_start3A_707, %dma_start3A_708] : memref<2x256x32x32x32xf32, #tpu.memory_space<hbm>> -> memref<1x8x1x32x32xf32, #tpu.memory_space<hbm>>
    %dma_start3A_710 = tpu.memref_squeeze %dma_start3A_709 : memref<1x8x1x32x32xf32, #tpu.memory_space<hbm>> -> memref<8x32x32xf32, #tpu.memory_space<hbm>>
    %dma_start3A_711 = arith.constant 0 : i32
    %dma_start3A_712 = arith.constant 0 : i32
    %dma_start3A_713 = tpu.memref_slice %arg3[%select_n3A_642, %mul3A_700, %select_n3A_698, %dma_start3A_711, %dma_start3A_712] : memref<2x256x32x32x32xf32, #tpu.memory_space<hbm>> -> memref<1x8x1x32x32xf32, #tpu.memory_space<hbm>>
    %dma_start3A_714 = tpu.memref_squeeze %dma_start3A_713 : memref<1x8x1x32x32xf32, #tpu.memory_space<hbm>> -> memref<8x32x32xf32, #tpu.memory_space<hbm>>
    %dma_start3A_715 = arith.constant 0 : i32
    %dma_start3A_716 = arith.constant 0 : i32
    %dma_start3A_717 = arith.constant 0 : i32
    %dma_start3A_718 = tpu.memref_slice %arg5[%dma_start3A_701, %dma_start3A_715, %dma_start3A_716, %dma_start3A_717] : memref<2x8x32x32xf32, #tpu.memory_space<vmem>> -> memref<1x8x32x32xf32, #tpu.memory_space<vmem>>
    %dma_start3A_719 = tpu.memref_squeeze %dma_start3A_718 : memref<1x8x32x32xf32, #tpu.memory_space<vmem>> -> memref<8x32x32xf32, #tpu.memory_space<vmem>>
    tpu.enqueue_dma source(%dma_start3A_719 : memref<8x32x32xf32, #tpu.memory_space<vmem>>) target(%dma_start3A_714 : memref<8x32x32xf32, #tpu.memory_space<hbm>>) target_semaphore(%arg10 : memref<!tpu.dma_semaphore, #tpu.memory_space<semaphore_mem>>)
    %dma_wait3A_720 = arith.constant 0 : i32
    %dma_wait3A_721 = arith.constant 0 : i32
    %dma_wait3A_722 = arith.constant 2 : i32
    %dma_wait3A_723 = arith.constant 0 : i32
    %dma_wait3A_724 = arith.constant 0 : i32
    %dma_wait3A_725 = arith.constant 0 : i32
    %dma_wait3A_726 = tpu.memref_slice %arg4[%dma_wait3A_722, %dma_wait3A_723, %dma_wait3A_724, %dma_wait3A_725] : memref<3x2x64x64xf32, #tpu.memory_space<vmem>> -> memref<1x2x64x64xf32, #tpu.memory_space<vmem>>
    %dma_wait3A_727 = tpu.memref_squeeze %dma_wait3A_726 : memref<1x2x64x64xf32, #tpu.memory_space<vmem>> -> memref<2x64x64xf32, #tpu.memory_space<vmem>>
    %dma_wait3A_728 = arith.constant 0 : i32
    %dma_wait3A_729 = arith.constant 0 : i32
    %dma_wait3A_730 = arith.constant 0 : i32
    %dma_wait3A_731 = tpu.memref_slice %arg2[%dma_wait3A_720, %dma_wait3A_721, %dma_wait3A_728, %dma_wait3A_729, %dma_wait3A_730] : memref<2x32x64x64x64xf32, #tpu.memory_space<hbm>> -> memref<1x1x2x64x64xf32, #tpu.memory_space<hbm>>
    %dma_wait3A_732 = tpu.memref_squeeze %dma_wait3A_731 : memref<1x1x2x64x64xf32, #tpu.memory_space<hbm>> -> memref<2x64x64xf32, #tpu.memory_space<hbm>>
    %dma_wait3A_733 = arith.constant 0 : i32
    %dma_wait3A_734 = arith.constant 0 : i32
    %dma_wait3A_735 = arith.constant 0 : i32
    %dma_wait3A_736 = tpu.memref_slice %arg4[%dma_wait3A_722, %dma_wait3A_733, %dma_wait3A_734, %dma_wait3A_735] : memref<3x2x64x64xf32, #tpu.memory_space<vmem>> -> memref<1x2x64x64xf32, #tpu.memory_space<vmem>>
    %dma_wait3A_737 = tpu.memref_squeeze %dma_wait3A_736 : memref<1x2x64x64xf32, #tpu.memory_space<vmem>> -> memref<2x64x64xf32, #tpu.memory_space<vmem>>
    %dma_wait3A_738 = arith.constant 0 : i32
    %dma_wait3A_739 = arith.constant 0 : i32
    %dma_wait3A_740 = arith.constant 0 : i32
    %dma_wait3A_741 = tpu.memref_slice %arg2[%dma_wait3A_720, %dma_wait3A_721, %dma_wait3A_738, %dma_wait3A_739, %dma_wait3A_740] : memref<2x32x64x64x64xf32, #tpu.memory_space<hbm>> -> memref<1x1x2x64x64xf32, #tpu.memory_space<hbm>>
    %dma_wait3A_742 = tpu.memref_squeeze %dma_wait3A_741 : memref<1x1x2x64x64xf32, #tpu.memory_space<hbm>> -> memref<2x64x64xf32, #tpu.memory_space<hbm>>
    tpu.wait_dma2 semaphore(%arg8 : memref<!tpu.dma_semaphore, #tpu.memory_space<semaphore_mem>>) src(%dma_wait3A_742 : memref<2x64x64xf32, #tpu.memory_space<hbm>>) dst(%dma_wait3A_737 : memref<2x64x64xf32, #tpu.memory_space<vmem>>)
    %dma_wait3A_743 = arith.constant 0 : i32
    %dma_wait3A_744 = arith.constant 0 : i32
    %dma_wait3A_745 = arith.constant 0 : i32
    %dma_wait3A_746 = arith.constant 0 : i32
    %dma_wait3A_747 = arith.constant 0 : i32
    %dma_wait3A_748 = arith.constant 0 : i32
    %dma_wait3A_749 = tpu.memref_slice %arg5[%dma_wait3A_743, %dma_wait3A_746, %dma_wait3A_747, %dma_wait3A_748] : memref<2x8x32x32xf32, #tpu.memory_space<vmem>> -> memref<1x8x32x32xf32, #tpu.memory_space<vmem>>
    %dma_wait3A_750 = tpu.memref_squeeze %dma_wait3A_749 : memref<1x8x32x32xf32, #tpu.memory_space<vmem>> -> memref<8x32x32xf32, #tpu.memory_space<vmem>>
    %dma_wait3A_751 = arith.constant 0 : i32
    %dma_wait3A_752 = arith.constant 0 : i32
    %dma_wait3A_753 = arith.constant 0 : i32
    %dma_wait3A_754 = tpu.memref_slice %arg3[%dma_wait3A_744, %dma_wait3A_751, %dma_wait3A_745, %dma_wait3A_752, %dma_wait3A_753] : memref<2x256x32x32x32xf32, #tpu.memory_space<hbm>> -> memref<1x8x1x32x32xf32, #tpu.memory_space<hbm>>
    %dma_wait3A_755 = tpu.memref_squeeze %dma_wait3A_754 : memref<1x8x1x32x32xf32, #tpu.memory_space<hbm>> -> memref<8x32x32xf32, #tpu.memory_space<hbm>>
    %dma_wait3A_756 = arith.constant 0 : i32
    %dma_wait3A_757 = arith.constant 0 : i32
    %dma_wait3A_758 = arith.constant 0 : i32
    %dma_wait3A_759 = tpu.memref_slice %arg3[%dma_wait3A_744, %dma_wait3A_756, %dma_wait3A_745, %dma_wait3A_757, %dma_wait3A_758] : memref<2x256x32x32x32xf32, #tpu.memory_space<hbm>> -> memref<1x8x1x32x32xf32, #tpu.memory_space<hbm>>
    %dma_wait3A_760 = tpu.memref_squeeze %dma_wait3A_759 : memref<1x8x1x32x32xf32, #tpu.memory_space<hbm>> -> memref<8x32x32xf32, #tpu.memory_space<hbm>>
    %dma_wait3A_761 = arith.constant 0 : i32
    %dma_wait3A_762 = arith.constant 0 : i32
    %dma_wait3A_763 = arith.constant 0 : i32
    %dma_wait3A_764 = tpu.memref_slice %arg5[%dma_wait3A_743, %dma_wait3A_761, %dma_wait3A_762, %dma_wait3A_763] : memref<2x8x32x32xf32, #tpu.memory_space<vmem>> -> memref<1x8x32x32xf32, #tpu.memory_space<vmem>>
    %dma_wait3A_765 = tpu.memref_squeeze %dma_wait3A_764 : memref<1x8x32x32xf32, #tpu.memory_space<vmem>> -> memref<8x32x32xf32, #tpu.memory_space<vmem>>
    tpu.wait_dma2 semaphore(%arg9 : memref<!tpu.dma_semaphore, #tpu.memory_space<semaphore_mem>>) src(%dma_wait3A_765 : memref<8x32x32xf32, #tpu.memory_space<vmem>>) dst(%dma_wait3A_760 : memref<8x32x32xf32, #tpu.memory_space<hbm>>)
    %scan3A_766 = arith.constant 0 : i32
    %scan3A_767 = arith.constant 2 : i32
    %scan3A_768 = arith.constant 0 : i32
    %scan3A_769 = arith.constant 64 : i32
    %scan3A_770 = arith.addi %scan3A_768, %scan3A_769 : i32
    %scan3A_771 = arith.constant 1 : i32
    scf.for %scan3A_1078 = %scan3A_768 to %scan3A_770 step %scan3A_771  : i32 {
      %shift_right_arithmetic3A = arith.constant 1 : i32
      %shift_right_arithmetic3A_1079 = arith.shrsi %scan3A_1078, %shift_right_arithmetic3A : i32
      %and3A_1080 = arith.constant 1 : i32
      %and3A_1081 = arith.andi %scan3A_1078, %and3A_1080 : i32
      %mul3A_1082 = arith.constant 16 : i32
      %mul3A_1083 = arith.muli %and3A_1081, %mul3A_1082 : i32
      %mul3A_1084 = arith.constant 2 : i32
      %mul3A_1085 = arith.muli %mul3A_1084, %mul3A_1083 : i32
      %mul3A_1086 = arith.constant 2 : i32
      %mul3A_1087 = vector.broadcast %mul3A_1086 : i32 to vector<16xi32>
      %mul3A_1088 = arith.muli %iota3A, %mul3A_1087 : vector<16xi32>
      %add3A_1089 = vector.broadcast %mul3A_1085 : i32 to vector<16xi32>
      %add3A_1090 = arith.addi %add3A_1089, %mul3A_1088 : vector<16xi32>
      %broadcast_in_dim3A = arith.constant 0 : i32
      %broadcast_in_dim3A_1091 = vector.broadcast %broadcast_in_dim3A : i32 to vector<16xi32>
      %mul3A_1092 = arith.constant 2 : i32
      %mul3A_1093 = arith.muli %mul3A_1092, %shift_right_arithmetic3A_1079 : i32
      %add3A_1094 = arith.constant 0 : i32
      %add3A_1095 = arith.addi %mul3A_1093, %add3A_1094 : i32
      %broadcast_in_dim3A_1096 = vector.broadcast %add3A_1095 : i32 to vector<16xi32>
      %add3A_1097 = arith.constant 0 : i32
      %add3A_1098 = vector.broadcast %add3A_1097 : i32 to vector<16xi32>
      %add3A_1099 = arith.addi %add3A_1090, %add3A_1098 : vector<16xi32>
      %gather3A = arith.constant 0 : i32
      %gather3A_1100 = arith.constant 0 : i32
      %gather3A_1101 = arith.constant 0 : i32
      %gather3A_1102 = tpu.memref_slice %arg4[%scan3A_767, %gather3A, %gather3A_1100, %gather3A_1101] : memref<3x2x64x64xf32, #tpu.memory_space<vmem>> -> memref<1x2x64x64xf32, #tpu.memory_space<vmem>>
      %gather3A_1103 = tpu.memref_squeeze %gather3A_1102 : memref<1x2x64x64xf32, #tpu.memory_space<vmem>> -> memref<2x64x64xf32, #tpu.memory_space<vmem>>
      %gather3A_1104 = tpu.vector_load_idx %gather3A_1103[%broadcast_in_dim3A_1091, %broadcast_in_dim3A_1096, %add3A_1099] : memref<2x64x64xf32, #tpu.memory_space<vmem>>[vector<16xi32>, vector<16xi32>, vector<16xi32>], vector<16xf32>,
      %swap3A = arith.constant 0 : i32
      %swap3A_1105 = arith.constant 0 : i32
      %swap3A_1106 = arith.index_cast %swap3A : i32 to index
      %swap3A_1107 = arith.index_cast %swap3A_1105 : i32 to index
      %swap3A_1108 = arith.index_cast %shift_right_arithmetic3A_1079 : i32 to index
      %swap3A_1109 = arith.index_cast %mul3A_1083 : i32 to index
      %swap3A_1110 = tpu.vector_load %arg5[%swap3A_1106, %swap3A_1107, %swap3A_1108, %swap3A_1109] {strides = array<i32>} : memref<2x8x32x32xf32, #tpu.memory_space<vmem>>, vector<16xf32>,
      tpu.vector_store %arg5[%swap3A_1106, %swap3A_1107, %swap3A_1108, %swap3A_1109], %gather3A_1104 {strides = array<i32>} : memref<2x8x32x32xf32, #tpu.memory_space<vmem>>, vector<16xf32>,
      %broadcast_in_dim3A_1111 = arith.constant 0 : i32
      %broadcast_in_dim3A_1112 = vector.broadcast %broadcast_in_dim3A_1111 : i32 to vector<16xi32>
      %mul3A_1113 = arith.constant 2 : i32
      %mul3A_1114 = arith.muli %mul3A_1113, %shift_right_arithmetic3A_1079 : i32
      %add3A_1115 = arith.constant 0 : i32
      %add3A_1116 = arith.addi %mul3A_1114, %add3A_1115 : i32
      %broadcast_in_dim3A_1117 = vector.broadcast %add3A_1116 : i32 to vector<16xi32>
      %add3A_1118 = arith.constant 1 : i32
      %add3A_1119 = vector.broadcast %add3A_1118 : i32 to vector<16xi32>
      %add3A_1120 = arith.addi %add3A_1090, %add3A_1119 : vector<16xi32>
      %gather3A_1121 = arith.constant 0 : i32
      %gather3A_1122 = arith.constant 0 : i32
      %gather3A_1123 = arith.constant 0 : i32
      %gather3A_1124 = tpu.memref_slice %arg4[%scan3A_767, %gather3A_1121, %gather3A_1122, %gather3A_1123] : memref<3x2x64x64xf32, #tpu.memory_space<vmem>> -> memref<1x2x64x64xf32, #tpu.memory_space<vmem>>
      %gather3A_1125 = tpu.memref_squeeze %gather3A_1124 : memref<1x2x64x64xf32, #tpu.memory_space<vmem>> -> memref<2x64x64xf32, #tpu.memory_space<vmem>>
      %gather3A_1126 = tpu.vector_load_idx %gather3A_1125[%broadcast_in_dim3A_1112, %broadcast_in_dim3A_1117, %add3A_1120] : memref<2x64x64xf32, #tpu.memory_space<vmem>>[vector<16xi32>, vector<16xi32>, vector<16xi32>], vector<16xf32>,
      %swap3A_1127 = arith.constant 0 : i32
      %swap3A_1128 = arith.constant 1 : i32
      %swap3A_1129 = arith.index_cast %swap3A_1127 : i32 to index
      %swap3A_1130 = arith.index_cast %swap3A_1128 : i32 to index
      %swap3A_1131 = arith.index_cast %shift_right_arithmetic3A_1079 : i32 to index
      %swap3A_1132 = arith.index_cast %mul3A_1083 : i32 to index
      %swap3A_1133 = tpu.vector_load %arg5[%swap3A_1129, %swap3A_1130, %swap3A_1131, %swap3A_1132] {strides = array<i32>} : memref<2x8x32x32xf32, #tpu.memory_space<vmem>>, vector<16xf32>,
      tpu.vector_store %arg5[%swap3A_1129, %swap3A_1130, %swap3A_1131, %swap3A_1132], %gather3A_1126 {strides = array<i32>} : memref<2x8x32x32xf32, #tpu.memory_space<vmem>>, vector<16xf32>,
      %broadcast_in_dim3A_1134 = arith.constant 0 : i32
      %broadcast_in_dim3A_1135 = vector.broadcast %broadcast_in_dim3A_1134 : i32 to vector<16xi32>
      %mul3A_1136 = arith.constant 2 : i32
      %mul3A_1137 = arith.muli %mul3A_1136, %shift_right_arithmetic3A_1079 : i32
      %add3A_1138 = arith.constant 1 : i32
      %add3A_1139 = arith.addi %mul3A_1137, %add3A_1138 : i32
      %broadcast_in_dim3A_1140 = vector.broadcast %add3A_1139 : i32 to vector<16xi32>
      %add3A_1141 = arith.constant 0 : i32
      %add3A_1142 = vector.broadcast %add3A_1141 : i32 to vector<16xi32>
      %add3A_1143 = arith.addi %add3A_1090, %add3A_1142 : vector<16xi32>
      %gather3A_1144 = arith.constant 0 : i32
      %gather3A_1145 = arith.constant 0 : i32
      %gather3A_1146 = arith.constant 0 : i32
      %gather3A_1147 = tpu.memref_slice %arg4[%scan3A_767, %gather3A_1144, %gather3A_1145, %gather3A_1146] : memref<3x2x64x64xf32, #tpu.memory_space<vmem>> -> memref<1x2x64x64xf32, #tpu.memory_space<vmem>>
      %gather3A_1148 = tpu.memref_squeeze %gather3A_1147 : memref<1x2x64x64xf32, #tpu.memory_space<vmem>> -> memref<2x64x64xf32, #tpu.memory_space<vmem>>
      %gather3A_1149 = tpu.vector_load_idx %gather3A_1148[%broadcast_in_dim3A_1135, %broadcast_in_dim3A_1140, %add3A_1143] : memref<2x64x64xf32, #tpu.memory_space<vmem>>[vector<16xi32>, vector<16xi32>, vector<16xi32>], vector<16xf32>,
      %swap3A_1150 = arith.constant 0 : i32
      %swap3A_1151 = arith.constant 2 : i32
      %swap3A_1152 = arith.index_cast %swap3A_1150 : i32 to index
      %swap3A_1153 = arith.index_cast %swap3A_1151 : i32 to index
      %swap3A_1154 = arith.index_cast %shift_right_arithmetic3A_1079 : i32 to index
      %swap3A_1155 = arith.index_cast %mul3A_1083 : i32 to index
      %swap3A_1156 = tpu.vector_load %arg5[%swap3A_1152, %swap3A_1153, %swap3A_1154, %swap3A_1155] {strides = array<i32>} : memref<2x8x32x32xf32, #tpu.memory_space<vmem>>, vector<16xf32>,
      tpu.vector_store %arg5[%swap3A_1152, %swap3A_1153, %swap3A_1154, %swap3A_1155], %gather3A_1149 {strides = array<i32>} : memref<2x8x32x32xf32, #tpu.memory_space<vmem>>, vector<16xf32>,
      %broadcast_in_dim3A_1157 = arith.constant 0 : i32
      %broadcast_in_dim3A_1158 = vector.broadcast %broadcast_in_dim3A_1157 : i32 to vector<16xi32>
      %mul3A_1159 = arith.constant 2 : i32
      %mul3A_1160 = arith.muli %mul3A_1159, %shift_right_arithmetic3A_1079 : i32
      %add3A_1161 = arith.constant 1 : i32
      %add3A_1162 = arith.addi %mul3A_1160, %add3A_1161 : i32
      %broadcast_in_dim3A_1163 = vector.broadcast %add3A_1162 : i32 to vector<16xi32>
      %add3A_1164 = arith.constant 1 : i32
      %add3A_1165 = vector.broadcast %add3A_1164 : i32 to vector<16xi32>
      %add3A_1166 = arith.addi %add3A_1090, %add3A_1165 : vector<16xi32>
      %gather3A_1167 = arith.constant 0 : i32
      %gather3A_1168 = arith.constant 0 : i32
      %gather3A_1169 = arith.constant 0 : i32
      %gather3A_1170 = tpu.memref_slice %arg4[%scan3A_767, %gather3A_1167, %gather3A_1168, %gather3A_1169] : memref<3x2x64x64xf32, #tpu.memory_space<vmem>> -> memref<1x2x64x64xf32, #tpu.memory_space<vmem>>
      %gather3A_1171 = tpu.memref_squeeze %gather3A_1170 : memref<1x2x64x64xf32, #tpu.memory_space<vmem>> -> memref<2x64x64xf32, #tpu.memory_space<vmem>>
      %gather3A_1172 = tpu.vector_load_idx %gather3A_1171[%broadcast_in_dim3A_1158, %broadcast_in_dim3A_1163, %add3A_1166] : memref<2x64x64xf32, #tpu.memory_space<vmem>>[vector<16xi32>, vector<16xi32>, vector<16xi32>], vector<16xf32>,
      %swap3A_1173 = arith.constant 0 : i32
      %swap3A_1174 = arith.constant 3 : i32
      %swap3A_1175 = arith.index_cast %swap3A_1173 : i32 to index
      %swap3A_1176 = arith.index_cast %swap3A_1174 : i32 to index
      %swap3A_1177 = arith.index_cast %shift_right_arithmetic3A_1079 : i32 to index
      %swap3A_1178 = arith.index_cast %mul3A_1083 : i32 to index
      %swap3A_1179 = tpu.vector_load %arg5[%swap3A_1175, %swap3A_1176, %swap3A_1177, %swap3A_1178] {strides = array<i32>} : memref<2x8x32x32xf32, #tpu.memory_space<vmem>>, vector<16xf32>,
      tpu.vector_store %arg5[%swap3A_1175, %swap3A_1176, %swap3A_1177, %swap3A_1178], %gather3A_1172 {strides = array<i32>} : memref<2x8x32x32xf32, #tpu.memory_space<vmem>>, vector<16xf32>,
      %broadcast_in_dim3A_1180 = arith.constant 1 : i32
      %broadcast_in_dim3A_1181 = vector.broadcast %broadcast_in_dim3A_1180 : i32 to vector<16xi32>
      %mul3A_1182 = arith.constant 2 : i32
      %mul3A_1183 = arith.muli %mul3A_1182, %shift_right_arithmetic3A_1079 : i32
      %add3A_1184 = arith.constant 0 : i32
      %add3A_1185 = arith.addi %mul3A_1183, %add3A_1184 : i32
      %broadcast_in_dim3A_1186 = vector.broadcast %add3A_1185 : i32 to vector<16xi32>
      %add3A_1187 = arith.constant 0 : i32
      %add3A_1188 = vector.broadcast %add3A_1187 : i32 to vector<16xi32>
      %add3A_1189 = arith.addi %add3A_1090, %add3A_1188 : vector<16xi32>
      %gather3A_1190 = arith.constant 0 : i32
      %gather3A_1191 = arith.constant 0 : i32
      %gather3A_1192 = arith.constant 0 : i32
      %gather3A_1193 = tpu.memref_slice %arg4[%scan3A_767, %gather3A_1190, %gather3A_1191, %gather3A_1192] : memref<3x2x64x64xf32, #tpu.memory_space<vmem>> -> memref<1x2x64x64xf32, #tpu.memory_space<vmem>>
      %gather3A_1194 = tpu.memref_squeeze %gather3A_1193 : memref<1x2x64x64xf32, #tpu.memory_space<vmem>> -> memref<2x64x64xf32, #tpu.memory_space<vmem>>
      %gather3A_1195 = tpu.vector_load_idx %gather3A_1194[%broadcast_in_dim3A_1181, %broadcast_in_dim3A_1186, %add3A_1189] : memref<2x64x64xf32, #tpu.memory_space<vmem>>[vector<16xi32>, vector<16xi32>, vector<16xi32>], vector<16xf32>,
      %swap3A_1196 = arith.constant 0 : i32
      %swap3A_1197 = arith.constant 4 : i32
      %swap3A_1198 = arith.index_cast %swap3A_1196 : i32 to index
      %swap3A_1199 = arith.index_cast %swap3A_1197 : i32 to index
      %swap3A_1200 = arith.index_cast %shift_right_arithmetic3A_1079 : i32 to index
      %swap3A_1201 = arith.index_cast %mul3A_1083 : i32 to index
      %swap3A_1202 = tpu.vector_load %arg5[%swap3A_1198, %swap3A_1199, %swap3A_1200, %swap3A_1201] {strides = array<i32>} : memref<2x8x32x32xf32, #tpu.memory_space<vmem>>, vector<16xf32>,
      tpu.vector_store %arg5[%swap3A_1198, %swap3A_1199, %swap3A_1200, %swap3A_1201], %gather3A_1195 {strides = array<i32>} : memref<2x8x32x32xf32, #tpu.memory_space<vmem>>, vector<16xf32>,
      %broadcast_in_dim3A_1203 = arith.constant 1 : i32
      %broadcast_in_dim3A_1204 = vector.broadcast %broadcast_in_dim3A_1203 : i32 to vector<16xi32>
      %mul3A_1205 = arith.constant 2 : i32
      %mul3A_1206 = arith.muli %mul3A_1205, %shift_right_arithmetic3A_1079 : i32
      %add3A_1207 = arith.constant 0 : i32
      %add3A_1208 = arith.addi %mul3A_1206, %add3A_1207 : i32
      %broadcast_in_dim3A_1209 = vector.broadcast %add3A_1208 : i32 to vector<16xi32>
      %add3A_1210 = arith.constant 1 : i32
      %add3A_1211 = vector.broadcast %add3A_1210 : i32 to vector<16xi32>
      %add3A_1212 = arith.addi %add3A_1090, %add3A_1211 : vector<16xi32>
      %gather3A_1213 = arith.constant 0 : i32
      %gather3A_1214 = arith.constant 0 : i32
      %gather3A_1215 = arith.constant 0 : i32
      %gather3A_1216 = tpu.memref_slice %arg4[%scan3A_767, %gather3A_1213, %gather3A_1214, %gather3A_1215] : memref<3x2x64x64xf32, #tpu.memory_space<vmem>> -> memref<1x2x64x64xf32, #tpu.memory_space<vmem>>
      %gather3A_1217 = tpu.memref_squeeze %gather3A_1216 : memref<1x2x64x64xf32, #tpu.memory_space<vmem>> -> memref<2x64x64xf32, #tpu.memory_space<vmem>>
      %gather3A_1218 = tpu.vector_load_idx %gather3A_1217[%broadcast_in_dim3A_1204, %broadcast_in_dim3A_1209, %add3A_1212] : memref<2x64x64xf32, #tpu.memory_space<vmem>>[vector<16xi32>, vector<16xi32>, vector<16xi32>], vector<16xf32>,
      %swap3A_1219 = arith.constant 0 : i32
      %swap3A_1220 = arith.constant 5 : i32
      %swap3A_1221 = arith.index_cast %swap3A_1219 : i32 to index
      %swap3A_1222 = arith.index_cast %swap3A_1220 : i32 to index
      %swap3A_1223 = arith.index_cast %shift_right_arithmetic3A_1079 : i32 to index
      %swap3A_1224 = arith.index_cast %mul3A_1083 : i32 to index
      %swap3A_1225 = tpu.vector_load %arg5[%swap3A_1221, %swap3A_1222, %swap3A_1223, %swap3A_1224] {strides = array<i32>} : memref<2x8x32x32xf32, #tpu.memory_space<vmem>>, vector<16xf32>,
      tpu.vector_store %arg5[%swap3A_1221, %swap3A_1222, %swap3A_1223, %swap3A_1224], %gather3A_1218 {strides = array<i32>} : memref<2x8x32x32xf32, #tpu.memory_space<vmem>>, vector<16xf32>,
      %broadcast_in_dim3A_1226 = arith.constant 1 : i32
      %broadcast_in_dim3A_1227 = vector.broadcast %broadcast_in_dim3A_1226 : i32 to vector<16xi32>
      %mul3A_1228 = arith.constant 2 : i32
      %mul3A_1229 = arith.muli %mul3A_1228, %shift_right_arithmetic3A_1079 : i32
      %add3A_1230 = arith.constant 1 : i32
      %add3A_1231 = arith.addi %mul3A_1229, %add3A_1230 : i32
      %broadcast_in_dim3A_1232 = vector.broadcast %add3A_1231 : i32 to vector<16xi32>
      %add3A_1233 = arith.constant 0 : i32
      %add3A_1234 = vector.broadcast %add3A_1233 : i32 to vector<16xi32>
      %add3A_1235 = arith.addi %add3A_1090, %add3A_1234 : vector<16xi32>
      %gather3A_1236 = arith.constant 0 : i32
      %gather3A_1237 = arith.constant 0 : i32
      %gather3A_1238 = arith.constant 0 : i32
      %gather3A_1239 = tpu.memref_slice %arg4[%scan3A_767, %gather3A_1236, %gather3A_1237, %gather3A_1238] : memref<3x2x64x64xf32, #tpu.memory_space<vmem>> -> memref<1x2x64x64xf32, #tpu.memory_space<vmem>>
      %gather3A_1240 = tpu.memref_squeeze %gather3A_1239 : memref<1x2x64x64xf32, #tpu.memory_space<vmem>> -> memref<2x64x64xf32, #tpu.memory_space<vmem>>
      %gather3A_1241 = tpu.vector_load_idx %gather3A_1240[%broadcast_in_dim3A_1227, %broadcast_in_dim3A_1232, %add3A_1235] : memref<2x64x64xf32, #tpu.memory_space<vmem>>[vector<16xi32>, vector<16xi32>, vector<16xi32>], vector<16xf32>,
      %swap3A_1242 = arith.constant 0 : i32
      %swap3A_1243 = arith.constant 6 : i32
      %swap3A_1244 = arith.index_cast %swap3A_1242 : i32 to index
      %swap3A_1245 = arith.index_cast %swap3A_1243 : i32 to index
      %swap3A_1246 = arith.index_cast %shift_right_arithmetic3A_1079 : i32 to index
      %swap3A_1247 = arith.index_cast %mul3A_1083 : i32 to index
      %swap3A_1248 = tpu.vector_load %arg5[%swap3A_1244, %swap3A_1245, %swap3A_1246, %swap3A_1247] {strides = array<i32>} : memref<2x8x32x32xf32, #tpu.memory_space<vmem>>, vector<16xf32>,
      tpu.vector_store %arg5[%swap3A_1244, %swap3A_1245, %swap3A_1246, %swap3A_1247], %gather3A_1241 {strides = array<i32>} : memref<2x8x32x32xf32, #tpu.memory_space<vmem>>, vector<16xf32>,
      %broadcast_in_dim3A_1249 = arith.constant 1 : i32
      %broadcast_in_dim3A_1250 = vector.broadcast %broadcast_in_dim3A_1249 : i32 to vector<16xi32>
      %mul3A_1251 = arith.constant 2 : i32
      %mul3A_1252 = arith.muli %mul3A_1251, %shift_right_arithmetic3A_1079 : i32
      %add3A_1253 = arith.constant 1 : i32
      %add3A_1254 = arith.addi %mul3A_1252, %add3A_1253 : i32
      %broadcast_in_dim3A_1255 = vector.broadcast %add3A_1254 : i32 to vector<16xi32>
      %add3A_1256 = arith.constant 1 : i32
      %add3A_1257 = vector.broadcast %add3A_1256 : i32 to vector<16xi32>
      %add3A_1258 = arith.addi %add3A_1090, %add3A_1257 : vector<16xi32>
      %gather3A_1259 = arith.constant 0 : i32
      %gather3A_1260 = arith.constant 0 : i32
      %gather3A_1261 = arith.constant 0 : i32
      %gather3A_1262 = tpu.memref_slice %arg4[%scan3A_767, %gather3A_1259, %gather3A_1260, %gather3A_1261] : memref<3x2x64x64xf32, #tpu.memory_space<vmem>> -> memref<1x2x64x64xf32, #tpu.memory_space<vmem>>
      %gather3A_1263 = tpu.memref_squeeze %gather3A_1262 : memref<1x2x64x64xf32, #tpu.memory_space<vmem>> -> memref<2x64x64xf32, #tpu.memory_space<vmem>>
      %gather3A_1264 = tpu.vector_load_idx %gather3A_1263[%broadcast_in_dim3A_1250, %broadcast_in_dim3A_1255, %add3A_1258] : memref<2x64x64xf32, #tpu.memory_space<vmem>>[vector<16xi32>, vector<16xi32>, vector<16xi32>], vector<16xf32>,
      %swap3A_1265 = arith.constant 0 : i32
      %swap3A_1266 = arith.constant 7 : i32
      %swap3A_1267 = arith.index_cast %swap3A_1265 : i32 to index
      %swap3A_1268 = arith.index_cast %swap3A_1266 : i32 to index
      %swap3A_1269 = arith.index_cast %shift_right_arithmetic3A_1079 : i32 to index
      %swap3A_1270 = arith.index_cast %mul3A_1083 : i32 to index
      %swap3A_1271 = tpu.vector_load %arg5[%swap3A_1267, %swap3A_1268, %swap3A_1269, %swap3A_1270] {strides = array<i32>} : memref<2x8x32x32xf32, #tpu.memory_space<vmem>>, vector<16xf32>,
      tpu.vector_store %arg5[%swap3A_1267, %swap3A_1268, %swap3A_1269, %swap3A_1270], %gather3A_1264 {strides = array<i32>} : memref<2x8x32x32xf32, #tpu.memory_space<vmem>>, vector<16xf32>,
    }
    %scan3A_772 = arith.constant 64 : i32
    %add3A_773 = arith.constant 62 : i32
    %add3A_774 = arith.addi %mul3A_2, %add3A_773 : i32
    %jit3A_775 = arith.constant 1024 : i32
    %div3A_776 = arith.divsi %add3A_774, %jit3A_775 : i32
    %sign3A_777 = arith.constant 0 : i32
    %sign3A_778 = arith.cmpi sgt, %add3A_774, %sign3A_777 : i32
    %sign3A_779 = arith.extui %sign3A_778 : i1 to i32
    %sign3A_780 = arith.constant 0 : i32
    %sign3A_781 = arith.cmpi slt, %add3A_774, %sign3A_780 : i32
    %sign3A_782 = arith.extui %sign3A_781 : i1 to i32
    %sign3A_783 = arith.subi %sign3A_779, %sign3A_782 : i32
    %sign3A_784 = arith.constant 0 : i32
    %sign3A_785 = arith.cmpi sgt, %jit3A_775, %sign3A_784 : i32
    %sign3A_786 = arith.extui %sign3A_785 : i1 to i32
    %sign3A_787 = arith.constant 0 : i32
    %sign3A_788 = arith.cmpi slt, %jit3A_775, %sign3A_787 : i32
    %sign3A_789 = arith.extui %sign3A_788 : i1 to i32
    %sign3A_790 = arith.subi %sign3A_786, %sign3A_789 : i32
    %ne3A_791 = arith.cmpi ne, %sign3A_783, %sign3A_790 : i32
    %rem3A_792 = arith.remsi %add3A_774, %jit3A_775 : i32
    %ne3A_793 = arith.constant 0 : i32
    %ne3A_794 = arith.cmpi ne, %rem3A_792, %ne3A_793 : i32
    %and3A_795 = arith.andi %ne3A_791, %ne3A_794 : i1
    %sub3A_796 = arith.constant 1 : i32
    %sub3A_797 = arith.subi %div3A_776, %sub3A_796 : i32
    %select_n3A_798 = arith.select %and3A_795, %sub3A_797, %div3A_776 : i32
    %jit3A_799 = arith.constant 1024 : i32
    %eq3A_800 = arith.constant 0 : i32
    %eq3A_801 = arith.cmpi eq, %jit3A_799, %eq3A_800 : i32
    %jit3A_802 = arith.constant 1 : i32
    %select_n3A_803 = arith.select %eq3A_801, %jit3A_802, %jit3A_799 : i32
    %rem3A_804 = arith.remsi %add3A_774, %select_n3A_803 : i32
    %ne3A_805 = arith.constant 0 : i32
    %ne3A_806 = arith.cmpi ne, %rem3A_804, %ne3A_805 : i32
    %lt3A_807 = arith.constant 0 : i32
    %lt3A_808 = arith.cmpi slt, %rem3A_804, %lt3A_807 : i32
    %lt3A_809 = arith.constant 0 : i32
    %lt3A_810 = arith.cmpi slt, %select_n3A_803, %lt3A_809 : i32
    %ne3A_811 = arith.xori %lt3A_808, %lt3A_810 : i1
    %and3A_812 = arith.andi %ne3A_811, %ne3A_806 : i1
    %add3A_813 = arith.addi %rem3A_804, %select_n3A_803 : i32
    %select_n3A_814 = arith.select %and3A_812, %add3A_813, %rem3A_804 : i32
    %jit3A_815 = arith.constant 32 : i32
    %div3A_816 = arith.divsi %select_n3A_814, %jit3A_815 : i32
    %sign3A_817 = arith.constant 0 : i32
    %sign3A_818 = arith.cmpi sgt, %select_n3A_814, %sign3A_817 : i32
    %sign3A_819 = arith.extui %sign3A_818 : i1 to i32
    %sign3A_820 = arith.constant 0 : i32
    %sign3A_821 = arith.cmpi slt, %select_n3A_814, %sign3A_820 : i32
    %sign3A_822 = arith.extui %sign3A_821 : i1 to i32
    %sign3A_823 = arith.subi %sign3A_819, %sign3A_822 : i32
    %sign3A_824 = arith.constant 0 : i32
    %sign3A_825 = arith.cmpi sgt, %jit3A_815, %sign3A_824 : i32
    %sign3A_826 = arith.extui %sign3A_825 : i1 to i32
    %sign3A_827 = arith.constant 0 : i32
    %sign3A_828 = arith.cmpi slt, %jit3A_815, %sign3A_827 : i32
    %sign3A_829 = arith.extui %sign3A_828 : i1 to i32
    %sign3A_830 = arith.subi %sign3A_826, %sign3A_829 : i32
    %ne3A_831 = arith.cmpi ne, %sign3A_823, %sign3A_830 : i32
    %rem3A_832 = arith.remsi %select_n3A_814, %jit3A_815 : i32
    %ne3A_833 = arith.constant 0 : i32
    %ne3A_834 = arith.cmpi ne, %rem3A_832, %ne3A_833 : i32
    %and3A_835 = arith.andi %ne3A_831, %ne3A_834 : i1
    %sub3A_836 = arith.constant 1 : i32
    %sub3A_837 = arith.subi %div3A_816, %sub3A_836 : i32
    %select_n3A_838 = arith.select %and3A_835, %sub3A_837, %div3A_816 : i32
    %jit3A_839 = arith.constant 32 : i32
    %eq3A_840 = arith.constant 0 : i32
    %eq3A_841 = arith.cmpi eq, %jit3A_839, %eq3A_840 : i32
    %jit3A_842 = arith.constant 1 : i32
    %select_n3A_843 = arith.select %eq3A_841, %jit3A_842, %jit3A_839 : i32
    %rem3A_844 = arith.remsi %select_n3A_814, %select_n3A_843 : i32
    %ne3A_845 = arith.constant 0 : i32
    %ne3A_846 = arith.cmpi ne, %rem3A_844, %ne3A_845 : i32
    %lt3A_847 = arith.constant 0 : i32
    %lt3A_848 = arith.cmpi slt, %rem3A_844, %lt3A_847 : i32
    %lt3A_849 = arith.constant 0 : i32
    %lt3A_850 = arith.cmpi slt, %select_n3A_843, %lt3A_849 : i32
    %ne3A_851 = arith.xori %lt3A_848, %lt3A_850 : i1
    %and3A_852 = arith.andi %ne3A_851, %ne3A_846 : i1
    %add3A_853 = arith.addi %rem3A_844, %select_n3A_843 : i32
    %select_n3A_854 = arith.select %and3A_852, %add3A_853, %rem3A_844 : i32
    %mul3A_855 = arith.constant 8 : i32
    %mul3A_856 = arith.muli %select_n3A_838, %mul3A_855 : i32
    %dma_start3A_857 = arith.constant 0 : i32
    %dma_start3A_858 = arith.constant 0 : i32
    %dma_start3A_859 = arith.constant 0 : i32
    %dma_start3A_860 = arith.constant 0 : i32
    %dma_start3A_861 = tpu.memref_slice %arg5[%dma_start3A_857, %dma_start3A_858, %dma_start3A_859, %dma_start3A_860] : memref<2x8x32x32xf32, #tpu.memory_space<vmem>> -> memref<1x8x32x32xf32, #tpu.memory_space<vmem>>
    %dma_start3A_862 = tpu.memref_squeeze %dma_start3A_861 : memref<1x8x32x32xf32, #tpu.memory_space<vmem>> -> memref<8x32x32xf32, #tpu.memory_space<vmem>>
    %dma_start3A_863 = arith.constant 0 : i32
    %dma_start3A_864 = arith.constant 0 : i32
    %dma_start3A_865 = tpu.memref_slice %arg3[%select_n3A_798, %mul3A_856, %select_n3A_854, %dma_start3A_863, %dma_start3A_864] : memref<2x256x32x32x32xf32, #tpu.memory_space<hbm>> -> memref<1x8x1x32x32xf32, #tpu.memory_space<hbm>>
    %dma_start3A_866 = tpu.memref_squeeze %dma_start3A_865 : memref<1x8x1x32x32xf32, #tpu.memory_space<hbm>> -> memref<8x32x32xf32, #tpu.memory_space<hbm>>
    %dma_start3A_867 = arith.constant 0 : i32
    %dma_start3A_868 = arith.constant 0 : i32
    %dma_start3A_869 = tpu.memref_slice %arg3[%select_n3A_798, %mul3A_856, %select_n3A_854, %dma_start3A_867, %dma_start3A_868] : memref<2x256x32x32x32xf32, #tpu.memory_space<hbm>> -> memref<1x8x1x32x32xf32, #tpu.memory_space<hbm>>
    %dma_start3A_870 = tpu.memref_squeeze %dma_start3A_869 : memref<1x8x1x32x32xf32, #tpu.memory_space<hbm>> -> memref<8x32x32xf32, #tpu.memory_space<hbm>>
    %dma_start3A_871 = arith.constant 0 : i32
    %dma_start3A_872 = arith.constant 0 : i32
    %dma_start3A_873 = arith.constant 0 : i32
    %dma_start3A_874 = tpu.memref_slice %arg5[%dma_start3A_857, %dma_start3A_871, %dma_start3A_872, %dma_start3A_873] : memref<2x8x32x32xf32, #tpu.memory_space<vmem>> -> memref<1x8x32x32xf32, #tpu.memory_space<vmem>>
    %dma_start3A_875 = tpu.memref_squeeze %dma_start3A_874 : memref<1x8x32x32xf32, #tpu.memory_space<vmem>> -> memref<8x32x32xf32, #tpu.memory_space<vmem>>
    tpu.enqueue_dma source(%dma_start3A_875 : memref<8x32x32xf32, #tpu.memory_space<vmem>>) target(%dma_start3A_870 : memref<8x32x32xf32, #tpu.memory_space<hbm>>) target_semaphore(%arg9 : memref<!tpu.dma_semaphore, #tpu.memory_space<semaphore_mem>>)
    %dma_wait3A_876 = arith.constant 0 : i32
    %dma_wait3A_877 = arith.constant 0 : i32
    %dma_wait3A_878 = arith.constant 0 : i32
    %dma_wait3A_879 = arith.constant 0 : i32
    %dma_wait3A_880 = arith.constant 0 : i32
    %dma_wait3A_881 = arith.constant 0 : i32
    %dma_wait3A_882 = tpu.memref_slice %arg4[%dma_wait3A_878, %dma_wait3A_879, %dma_wait3A_880, %dma_wait3A_881] : memref<3x2x64x64xf32, #tpu.memory_space<vmem>> -> memref<1x2x64x64xf32, #tpu.memory_space<vmem>>
    %dma_wait3A_883 = tpu.memref_squeeze %dma_wait3A_882 : memref<1x2x64x64xf32, #tpu.memory_space<vmem>> -> memref<2x64x64xf32, #tpu.memory_space<vmem>>
    %dma_wait3A_884 = arith.constant 0 : i32
    %dma_wait3A_885 = arith.constant 0 : i32
    %dma_wait3A_886 = arith.constant 0 : i32
    %dma_wait3A_887 = tpu.memref_slice %arg2[%dma_wait3A_876, %dma_wait3A_877, %dma_wait3A_884, %dma_wait3A_885, %dma_wait3A_886] : memref<2x32x64x64x64xf32, #tpu.memory_space<hbm>> -> memref<1x1x2x64x64xf32, #tpu.memory_space<hbm>>
    %dma_wait3A_888 = tpu.memref_squeeze %dma_wait3A_887 : memref<1x1x2x64x64xf32, #tpu.memory_space<hbm>> -> memref<2x64x64xf32, #tpu.memory_space<hbm>>
    %dma_wait3A_889 = arith.constant 0 : i32
    %dma_wait3A_890 = arith.constant 0 : i32
    %dma_wait3A_891 = arith.constant 0 : i32
    %dma_wait3A_892 = tpu.memref_slice %arg4[%dma_wait3A_878, %dma_wait3A_889, %dma_wait3A_890, %dma_wait3A_891] : memref<3x2x64x64xf32, #tpu.memory_space<vmem>> -> memref<1x2x64x64xf32, #tpu.memory_space<vmem>>
    %dma_wait3A_893 = tpu.memref_squeeze %dma_wait3A_892 : memref<1x2x64x64xf32, #tpu.memory_space<vmem>> -> memref<2x64x64xf32, #tpu.memory_space<vmem>>
    %dma_wait3A_894 = arith.constant 0 : i32
    %dma_wait3A_895 = arith.constant 0 : i32
    %dma_wait3A_896 = arith.constant 0 : i32
    %dma_wait3A_897 = tpu.memref_slice %arg2[%dma_wait3A_876, %dma_wait3A_877, %dma_wait3A_894, %dma_wait3A_895, %dma_wait3A_896] : memref<2x32x64x64x64xf32, #tpu.memory_space<hbm>> -> memref<1x1x2x64x64xf32, #tpu.memory_space<hbm>>
    %dma_wait3A_898 = tpu.memref_squeeze %dma_wait3A_897 : memref<1x1x2x64x64xf32, #tpu.memory_space<hbm>> -> memref<2x64x64xf32, #tpu.memory_space<hbm>>
    tpu.wait_dma2 semaphore(%arg6 : memref<!tpu.dma_semaphore, #tpu.memory_space<semaphore_mem>>) src(%dma_wait3A_898 : memref<2x64x64xf32, #tpu.memory_space<hbm>>) dst(%dma_wait3A_893 : memref<2x64x64xf32, #tpu.memory_space<vmem>>)
    %dma_wait3A_899 = arith.constant 1 : i32
    %dma_wait3A_900 = arith.constant 0 : i32
    %dma_wait3A_901 = arith.constant 0 : i32
    %dma_wait3A_902 = arith.constant 0 : i32
    %dma_wait3A_903 = arith.constant 0 : i32
    %dma_wait3A_904 = arith.constant 0 : i32
    %dma_wait3A_905 = tpu.memref_slice %arg5[%dma_wait3A_899, %dma_wait3A_902, %dma_wait3A_903, %dma_wait3A_904] : memref<2x8x32x32xf32, #tpu.memory_space<vmem>> -> memref<1x8x32x32xf32, #tpu.memory_space<vmem>>
    %dma_wait3A_906 = tpu.memref_squeeze %dma_wait3A_905 : memref<1x8x32x32xf32, #tpu.memory_space<vmem>> -> memref<8x32x32xf32, #tpu.memory_space<vmem>>
    %dma_wait3A_907 = arith.constant 0 : i32
    %dma_wait3A_908 = arith.constant 0 : i32
    %dma_wait3A_909 = arith.constant 0 : i32
    %dma_wait3A_910 = tpu.memref_slice %arg3[%dma_wait3A_900, %dma_wait3A_907, %dma_wait3A_901, %dma_wait3A_908, %dma_wait3A_909] : memref<2x256x32x32x32xf32, #tpu.memory_space<hbm>> -> memref<1x8x1x32x32xf32, #tpu.memory_space<hbm>>
    %dma_wait3A_911 = tpu.memref_squeeze %dma_wait3A_910 : memref<1x8x1x32x32xf32, #tpu.memory_space<hbm>> -> memref<8x32x32xf32, #tpu.memory_space<hbm>>
    %dma_wait3A_912 = arith.constant 0 : i32
    %dma_wait3A_913 = arith.constant 0 : i32
    %dma_wait3A_914 = arith.constant 0 : i32
    %dma_wait3A_915 = tpu.memref_slice %arg3[%dma_wait3A_900, %dma_wait3A_912, %dma_wait3A_901, %dma_wait3A_913, %dma_wait3A_914] : memref<2x256x32x32x32xf32, #tpu.memory_space<hbm>> -> memref<1x8x1x32x32xf32, #tpu.memory_space<hbm>>
    %dma_wait3A_916 = tpu.memref_squeeze %dma_wait3A_915 : memref<1x8x1x32x32xf32, #tpu.memory_space<hbm>> -> memref<8x32x32xf32, #tpu.memory_space<hbm>>
    %dma_wait3A_917 = arith.constant 0 : i32
    %dma_wait3A_918 = arith.constant 0 : i32
    %dma_wait3A_919 = arith.constant 0 : i32
    %dma_wait3A_920 = tpu.memref_slice %arg5[%dma_wait3A_899, %dma_wait3A_917, %dma_wait3A_918, %dma_wait3A_919] : memref<2x8x32x32xf32, #tpu.memory_space<vmem>> -> memref<1x8x32x32xf32, #tpu.memory_space<vmem>>
    %dma_wait3A_921 = tpu.memref_squeeze %dma_wait3A_920 : memref<1x8x32x32xf32, #tpu.memory_space<vmem>> -> memref<8x32x32xf32, #tpu.memory_space<vmem>>
    tpu.wait_dma2 semaphore(%arg10 : memref<!tpu.dma_semaphore, #tpu.memory_space<semaphore_mem>>) src(%dma_wait3A_921 : memref<8x32x32xf32, #tpu.memory_space<vmem>>) dst(%dma_wait3A_916 : memref<8x32x32xf32, #tpu.memory_space<hbm>>)
    %scan3A_922 = arith.constant 0 : i32
    %scan3A_923 = arith.constant 0 : i32
    %scan3A_924 = arith.constant 0 : i32
    %scan3A_925 = arith.constant 64 : i32
    %scan3A_926 = arith.addi %scan3A_924, %scan3A_925 : i32
    %scan3A_927 = arith.constant 1 : i32
    scf.for %scan3A_1078 = %scan3A_924 to %scan3A_926 step %scan3A_927  : i32 {
      %shift_right_arithmetic3A = arith.constant 1 : i32
      %shift_right_arithmetic3A_1079 = arith.shrsi %scan3A_1078, %shift_right_arithmetic3A : i32
      %and3A_1080 = arith.constant 1 : i32
      %and3A_1081 = arith.andi %scan3A_1078, %and3A_1080 : i32
      %mul3A_1082 = arith.constant 16 : i32
      %mul3A_1083 = arith.muli %and3A_1081, %mul3A_1082 : i32
      %mul3A_1084 = arith.constant 2 : i32
      %mul3A_1085 = arith.muli %mul3A_1084, %mul3A_1083 : i32
      %mul3A_1086 = arith.constant 2 : i32
      %mul3A_1087 = vector.broadcast %mul3A_1086 : i32 to vector<16xi32>
      %mul3A_1088 = arith.muli %iota3A, %mul3A_1087 : vector<16xi32>
      %add3A_1089 = vector.broadcast %mul3A_1085 : i32 to vector<16xi32>
      %add3A_1090 = arith.addi %add3A_1089, %mul3A_1088 : vector<16xi32>
      %broadcast_in_dim3A = arith.constant 0 : i32
      %broadcast_in_dim3A_1091 = vector.broadcast %broadcast_in_dim3A : i32 to vector<16xi32>
      %mul3A_1092 = arith.constant 2 : i32
      %mul3A_1093 = arith.muli %mul3A_1092, %shift_right_arithmetic3A_1079 : i32
      %add3A_1094 = arith.constant 0 : i32
      %add3A_1095 = arith.addi %mul3A_1093, %add3A_1094 : i32
      %broadcast_in_dim3A_1096 = vector.broadcast %add3A_1095 : i32 to vector<16xi32>
      %add3A_1097 = arith.constant 0 : i32
      %add3A_1098 = vector.broadcast %add3A_1097 : i32 to vector<16xi32>
      %add3A_1099 = arith.addi %add3A_1090, %add3A_1098 : vector<16xi32>
      %gather3A = arith.constant 0 : i32
      %gather3A_1100 = arith.constant 0 : i32
      %gather3A_1101 = arith.constant 0 : i32
      %gather3A_1102 = tpu.memref_slice %arg4[%scan3A_923, %gather3A, %gather3A_1100, %gather3A_1101] : memref<3x2x64x64xf32, #tpu.memory_space<vmem>> -> memref<1x2x64x64xf32, #tpu.memory_space<vmem>>
      %gather3A_1103 = tpu.memref_squeeze %gather3A_1102 : memref<1x2x64x64xf32, #tpu.memory_space<vmem>> -> memref<2x64x64xf32, #tpu.memory_space<vmem>>
      %gather3A_1104 = tpu.vector_load_idx %gather3A_1103[%broadcast_in_dim3A_1091, %broadcast_in_dim3A_1096, %add3A_1099] : memref<2x64x64xf32, #tpu.memory_space<vmem>>[vector<16xi32>, vector<16xi32>, vector<16xi32>], vector<16xf32>,
      %swap3A = arith.constant 1 : i32
      %swap3A_1105 = arith.constant 0 : i32
      %swap3A_1106 = arith.index_cast %swap3A : i32 to index
      %swap3A_1107 = arith.index_cast %swap3A_1105 : i32 to index
      %swap3A_1108 = arith.index_cast %shift_right_arithmetic3A_1079 : i32 to index
      %swap3A_1109 = arith.index_cast %mul3A_1083 : i32 to index
      %swap3A_1110 = tpu.vector_load %arg5[%swap3A_1106, %swap3A_1107, %swap3A_1108, %swap3A_1109] {strides = array<i32>} : memref<2x8x32x32xf32, #tpu.memory_space<vmem>>, vector<16xf32>,
      tpu.vector_store %arg5[%swap3A_1106, %swap3A_1107, %swap3A_1108, %swap3A_1109], %gather3A_1104 {strides = array<i32>} : memref<2x8x32x32xf32, #tpu.memory_space<vmem>>, vector<16xf32>,
      %broadcast_in_dim3A_1111 = arith.constant 0 : i32
      %broadcast_in_dim3A_1112 = vector.broadcast %broadcast_in_dim3A_1111 : i32 to vector<16xi32>
      %mul3A_1113 = arith.constant 2 : i32
      %mul3A_1114 = arith.muli %mul3A_1113, %shift_right_arithmetic3A_1079 : i32
      %add3A_1115 = arith.constant 0 : i32
      %add3A_1116 = arith.addi %mul3A_1114, %add3A_1115 : i32
      %broadcast_in_dim3A_1117 = vector.broadcast %add3A_1116 : i32 to vector<16xi32>
      %add3A_1118 = arith.constant 1 : i32
      %add3A_1119 = vector.broadcast %add3A_1118 : i32 to vector<16xi32>
      %add3A_1120 = arith.addi %add3A_1090, %add3A_1119 : vector<16xi32>
      %gather3A_1121 = arith.constant 0 : i32
      %gather3A_1122 = arith.constant 0 : i32
      %gather3A_1123 = arith.constant 0 : i32
      %gather3A_1124 = tpu.memref_slice %arg4[%scan3A_923, %gather3A_1121, %gather3A_1122, %gather3A_1123] : memref<3x2x64x64xf32, #tpu.memory_space<vmem>> -> memref<1x2x64x64xf32, #tpu.memory_space<vmem>>
      %gather3A_1125 = tpu.memref_squeeze %gather3A_1124 : memref<1x2x64x64xf32, #tpu.memory_space<vmem>> -> memref<2x64x64xf32, #tpu.memory_space<vmem>>
      %gather3A_1126 = tpu.vector_load_idx %gather3A_1125[%broadcast_in_dim3A_1112, %broadcast_in_dim3A_1117, %add3A_1120] : memref<2x64x64xf32, #tpu.memory_space<vmem>>[vector<16xi32>, vector<16xi32>, vector<16xi32>], vector<16xf32>,
      %swap3A_1127 = arith.constant 1 : i32
      %swap3A_1128 = arith.constant 1 : i32
      %swap3A_1129 = arith.index_cast %swap3A_1127 : i32 to index
      %swap3A_1130 = arith.index_cast %swap3A_1128 : i32 to index
      %swap3A_1131 = arith.index_cast %shift_right_arithmetic3A_1079 : i32 to index
      %swap3A_1132 = arith.index_cast %mul3A_1083 : i32 to index
      %swap3A_1133 = tpu.vector_load %arg5[%swap3A_1129, %swap3A_1130, %swap3A_1131, %swap3A_1132] {strides = array<i32>} : memref<2x8x32x32xf32, #tpu.memory_space<vmem>>, vector<16xf32>,
      tpu.vector_store %arg5[%swap3A_1129, %swap3A_1130, %swap3A_1131, %swap3A_1132], %gather3A_1126 {strides = array<i32>} : memref<2x8x32x32xf32, #tpu.memory_space<vmem>>, vector<16xf32>,
      %broadcast_in_dim3A_1134 = arith.constant 0 : i32
      %broadcast_in_dim3A_1135 = vector.broadcast %broadcast_in_dim3A_1134 : i32 to vector<16xi32>
      %mul3A_1136 = arith.constant 2 : i32
      %mul3A_1137 = arith.muli %mul3A_1136, %shift_right_arithmetic3A_1079 : i32
      %add3A_1138 = arith.constant 1 : i32
      %add3A_1139 = arith.addi %mul3A_1137, %add3A_1138 : i32
      %broadcast_in_dim3A_1140 = vector.broadcast %add3A_1139 : i32 to vector<16xi32>
      %add3A_1141 = arith.constant 0 : i32
      %add3A_1142 = vector.broadcast %add3A_1141 : i32 to vector<16xi32>
      %add3A_1143 = arith.addi %add3A_1090, %add3A_1142 : vector<16xi32>
      %gather3A_1144 = arith.constant 0 : i32
      %gather3A_1145 = arith.constant 0 : i32
      %gather3A_1146 = arith.constant 0 : i32
      %gather3A_1147 = tpu.memref_slice %arg4[%scan3A_923, %gather3A_1144, %gather3A_1145, %gather3A_1146] : memref<3x2x64x64xf32, #tpu.memory_space<vmem>> -> memref<1x2x64x64xf32, #tpu.memory_space<vmem>>
      %gather3A_1148 = tpu.memref_squeeze %gather3A_1147 : memref<1x2x64x64xf32, #tpu.memory_space<vmem>> -> memref<2x64x64xf32, #tpu.memory_space<vmem>>
      %gather3A_1149 = tpu.vector_load_idx %gather3A_1148[%broadcast_in_dim3A_1135, %broadcast_in_dim3A_1140, %add3A_1143] : memref<2x64x64xf32, #tpu.memory_space<vmem>>[vector<16xi32>, vector<16xi32>, vector<16xi32>], vector<16xf32>,
      %swap3A_1150 = arith.constant 1 : i32
      %swap3A_1151 = arith.constant 2 : i32
      %swap3A_1152 = arith.index_cast %swap3A_1150 : i32 to index
      %swap3A_1153 = arith.index_cast %swap3A_1151 : i32 to index
      %swap3A_1154 = arith.index_cast %shift_right_arithmetic3A_1079 : i32 to index
      %swap3A_1155 = arith.index_cast %mul3A_1083 : i32 to index
      %swap3A_1156 = tpu.vector_load %arg5[%swap3A_1152, %swap3A_1153, %swap3A_1154, %swap3A_1155] {strides = array<i32>} : memref<2x8x32x32xf32, #tpu.memory_space<vmem>>, vector<16xf32>,
      tpu.vector_store %arg5[%swap3A_1152, %swap3A_1153, %swap3A_1154, %swap3A_1155], %gather3A_1149 {strides = array<i32>} : memref<2x8x32x32xf32, #tpu.memory_space<vmem>>, vector<16xf32>,
      %broadcast_in_dim3A_1157 = arith.constant 0 : i32
      %broadcast_in_dim3A_1158 = vector.broadcast %broadcast_in_dim3A_1157 : i32 to vector<16xi32>
      %mul3A_1159 = arith.constant 2 : i32
      %mul3A_1160 = arith.muli %mul3A_1159, %shift_right_arithmetic3A_1079 : i32
      %add3A_1161 = arith.constant 1 : i32
      %add3A_1162 = arith.addi %mul3A_1160, %add3A_1161 : i32
      %broadcast_in_dim3A_1163 = vector.broadcast %add3A_1162 : i32 to vector<16xi32>
      %add3A_1164 = arith.constant 1 : i32
      %add3A_1165 = vector.broadcast %add3A_1164 : i32 to vector<16xi32>
      %add3A_1166 = arith.addi %add3A_1090, %add3A_1165 : vector<16xi32>
      %gather3A_1167 = arith.constant 0 : i32
      %gather3A_1168 = arith.constant 0 : i32
      %gather3A_1169 = arith.constant 0 : i32
      %gather3A_1170 = tpu.memref_slice %arg4[%scan3A_923, %gather3A_1167, %gather3A_1168, %gather3A_1169] : memref<3x2x64x64xf32, #tpu.memory_space<vmem>> -> memref<1x2x64x64xf32, #tpu.memory_space<vmem>>
      %gather3A_1171 = tpu.memref_squeeze %gather3A_1170 : memref<1x2x64x64xf32, #tpu.memory_space<vmem>> -> memref<2x64x64xf32, #tpu.memory_space<vmem>>
      %gather3A_1172 = tpu.vector_load_idx %gather3A_1171[%broadcast_in_dim3A_1158, %broadcast_in_dim3A_1163, %add3A_1166] : memref<2x64x64xf32, #tpu.memory_space<vmem>>[vector<16xi32>, vector<16xi32>, vector<16xi32>], vector<16xf32>,
      %swap3A_1173 = arith.constant 1 : i32
      %swap3A_1174 = arith.constant 3 : i32
      %swap3A_1175 = arith.index_cast %swap3A_1173 : i32 to index
      %swap3A_1176 = arith.index_cast %swap3A_1174 : i32 to index
      %swap3A_1177 = arith.index_cast %shift_right_arithmetic3A_1079 : i32 to index
      %swap3A_1178 = arith.index_cast %mul3A_1083 : i32 to index
      %swap3A_1179 = tpu.vector_load %arg5[%swap3A_1175, %swap3A_1176, %swap3A_1177, %swap3A_1178] {strides = array<i32>} : memref<2x8x32x32xf32, #tpu.memory_space<vmem>>, vector<16xf32>,
      tpu.vector_store %arg5[%swap3A_1175, %swap3A_1176, %swap3A_1177, %swap3A_1178], %gather3A_1172 {strides = array<i32>} : memref<2x8x32x32xf32, #tpu.memory_space<vmem>>, vector<16xf32>,
      %broadcast_in_dim3A_1180 = arith.constant 1 : i32
      %broadcast_in_dim3A_1181 = vector.broadcast %broadcast_in_dim3A_1180 : i32 to vector<16xi32>
      %mul3A_1182 = arith.constant 2 : i32
      %mul3A_1183 = arith.muli %mul3A_1182, %shift_right_arithmetic3A_1079 : i32
      %add3A_1184 = arith.constant 0 : i32
      %add3A_1185 = arith.addi %mul3A_1183, %add3A_1184 : i32
      %broadcast_in_dim3A_1186 = vector.broadcast %add3A_1185 : i32 to vector<16xi32>
      %add3A_1187 = arith.constant 0 : i32
      %add3A_1188 = vector.broadcast %add3A_1187 : i32 to vector<16xi32>
      %add3A_1189 = arith.addi %add3A_1090, %add3A_1188 : vector<16xi32>
      %gather3A_1190 = arith.constant 0 : i32
      %gather3A_1191 = arith.constant 0 : i32
      %gather3A_1192 = arith.constant 0 : i32
      %gather3A_1193 = tpu.memref_slice %arg4[%scan3A_923, %gather3A_1190, %gather3A_1191, %gather3A_1192] : memref<3x2x64x64xf32, #tpu.memory_space<vmem>> -> memref<1x2x64x64xf32, #tpu.memory_space<vmem>>
      %gather3A_1194 = tpu.memref_squeeze %gather3A_1193 : memref<1x2x64x64xf32, #tpu.memory_space<vmem>> -> memref<2x64x64xf32, #tpu.memory_space<vmem>>
      %gather3A_1195 = tpu.vector_load_idx %gather3A_1194[%broadcast_in_dim3A_1181, %broadcast_in_dim3A_1186, %add3A_1189] : memref<2x64x64xf32, #tpu.memory_space<vmem>>[vector<16xi32>, vector<16xi32>, vector<16xi32>], vector<16xf32>,
      %swap3A_1196 = arith.constant 1 : i32
      %swap3A_1197 = arith.constant 4 : i32
      %swap3A_1198 = arith.index_cast %swap3A_1196 : i32 to index
      %swap3A_1199 = arith.index_cast %swap3A_1197 : i32 to index
      %swap3A_1200 = arith.index_cast %shift_right_arithmetic3A_1079 : i32 to index
      %swap3A_1201 = arith.index_cast %mul3A_1083 : i32 to index
      %swap3A_1202 = tpu.vector_load %arg5[%swap3A_1198, %swap3A_1199, %swap3A_1200, %swap3A_1201] {strides = array<i32>} : memref<2x8x32x32xf32, #tpu.memory_space<vmem>>, vector<16xf32>,
      tpu.vector_store %arg5[%swap3A_1198, %swap3A_1199, %swap3A_1200, %swap3A_1201], %gather3A_1195 {strides = array<i32>} : memref<2x8x32x32xf32, #tpu.memory_space<vmem>>, vector<16xf32>,
      %broadcast_in_dim3A_1203 = arith.constant 1 : i32
      %broadcast_in_dim3A_1204 = vector.broadcast %broadcast_in_dim3A_1203 : i32 to vector<16xi32>
      %mul3A_1205 = arith.constant 2 : i32
      %mul3A_1206 = arith.muli %mul3A_1205, %shift_right_arithmetic3A_1079 : i32
      %add3A_1207 = arith.constant 0 : i32
      %add3A_1208 = arith.addi %mul3A_1206, %add3A_1207 : i32
      %broadcast_in_dim3A_1209 = vector.broadcast %add3A_1208 : i32 to vector<16xi32>
      %add3A_1210 = arith.constant 1 : i32
      %add3A_1211 = vector.broadcast %add3A_1210 : i32 to vector<16xi32>
      %add3A_1212 = arith.addi %add3A_1090, %add3A_1211 : vector<16xi32>
      %gather3A_1213 = arith.constant 0 : i32
      %gather3A_1214 = arith.constant 0 : i32
      %gather3A_1215 = arith.constant 0 : i32
      %gather3A_1216 = tpu.memref_slice %arg4[%scan3A_923, %gather3A_1213, %gather3A_1214, %gather3A_1215] : memref<3x2x64x64xf32, #tpu.memory_space<vmem>> -> memref<1x2x64x64xf32, #tpu.memory_space<vmem>>
      %gather3A_1217 = tpu.memref_squeeze %gather3A_1216 : memref<1x2x64x64xf32, #tpu.memory_space<vmem>> -> memref<2x64x64xf32, #tpu.memory_space<vmem>>
      %gather3A_1218 = tpu.vector_load_idx %gather3A_1217[%broadcast_in_dim3A_1204, %broadcast_in_dim3A_1209, %add3A_1212] : memref<2x64x64xf32, #tpu.memory_space<vmem>>[vector<16xi32>, vector<16xi32>, vector<16xi32>], vector<16xf32>,
      %swap3A_1219 = arith.constant 1 : i32
      %swap3A_1220 = arith.constant 5 : i32
      %swap3A_1221 = arith.index_cast %swap3A_1219 : i32 to index
      %swap3A_1222 = arith.index_cast %swap3A_1220 : i32 to index
      %swap3A_1223 = arith.index_cast %shift_right_arithmetic3A_1079 : i32 to index
      %swap3A_1224 = arith.index_cast %mul3A_1083 : i32 to index
      %swap3A_1225 = tpu.vector_load %arg5[%swap3A_1221, %swap3A_1222, %swap3A_1223, %swap3A_1224] {strides = array<i32>} : memref<2x8x32x32xf32, #tpu.memory_space<vmem>>, vector<16xf32>,
      tpu.vector_store %arg5[%swap3A_1221, %swap3A_1222, %swap3A_1223, %swap3A_1224], %gather3A_1218 {strides = array<i32>} : memref<2x8x32x32xf32, #tpu.memory_space<vmem>>, vector<16xf32>,
      %broadcast_in_dim3A_1226 = arith.constant 1 : i32
      %broadcast_in_dim3A_1227 = vector.broadcast %broadcast_in_dim3A_1226 : i32 to vector<16xi32>
      %mul3A_1228 = arith.constant 2 : i32
      %mul3A_1229 = arith.muli %mul3A_1228, %shift_right_arithmetic3A_1079 : i32
      %add3A_1230 = arith.constant 1 : i32
      %add3A_1231 = arith.addi %mul3A_1229, %add3A_1230 : i32
      %broadcast_in_dim3A_1232 = vector.broadcast %add3A_1231 : i32 to vector<16xi32>
      %add3A_1233 = arith.constant 0 : i32
      %add3A_1234 = vector.broadcast %add3A_1233 : i32 to vector<16xi32>
      %add3A_1235 = arith.addi %add3A_1090, %add3A_1234 : vector<16xi32>
      %gather3A_1236 = arith.constant 0 : i32
      %gather3A_1237 = arith.constant 0 : i32
      %gather3A_1238 = arith.constant 0 : i32
      %gather3A_1239 = tpu.memref_slice %arg4[%scan3A_923, %gather3A_1236, %gather3A_1237, %gather3A_1238] : memref<3x2x64x64xf32, #tpu.memory_space<vmem>> -> memref<1x2x64x64xf32, #tpu.memory_space<vmem>>
      %gather3A_1240 = tpu.memref_squeeze %gather3A_1239 : memref<1x2x64x64xf32, #tpu.memory_space<vmem>> -> memref<2x64x64xf32, #tpu.memory_space<vmem>>
      %gather3A_1241 = tpu.vector_load_idx %gather3A_1240[%broadcast_in_dim3A_1227, %broadcast_in_dim3A_1232, %add3A_1235] : memref<2x64x64xf32, #tpu.memory_space<vmem>>[vector<16xi32>, vector<16xi32>, vector<16xi32>], vector<16xf32>,
      %swap3A_1242 = arith.constant 1 : i32
      %swap3A_1243 = arith.constant 6 : i32
      %swap3A_1244 = arith.index_cast %swap3A_1242 : i32 to index
      %swap3A_1245 = arith.index_cast %swap3A_1243 : i32 to index
      %swap3A_1246 = arith.index_cast %shift_right_arithmetic3A_1079 : i32 to index
      %swap3A_1247 = arith.index_cast %mul3A_1083 : i32 to index
      %swap3A_1248 = tpu.vector_load %arg5[%swap3A_1244, %swap3A_1245, %swap3A_1246, %swap3A_1247] {strides = array<i32>} : memref<2x8x32x32xf32, #tpu.memory_space<vmem>>, vector<16xf32>,
      tpu.vector_store %arg5[%swap3A_1244, %swap3A_1245, %swap3A_1246, %swap3A_1247], %gather3A_1241 {strides = array<i32>} : memref<2x8x32x32xf32, #tpu.memory_space<vmem>>, vector<16xf32>,
      %broadcast_in_dim3A_1249 = arith.constant 1 : i32
      %broadcast_in_dim3A_1250 = vector.broadcast %broadcast_in_dim3A_1249 : i32 to vector<16xi32>
      %mul3A_1251 = arith.constant 2 : i32
      %mul3A_1252 = arith.muli %mul3A_1251, %shift_right_arithmetic3A_1079 : i32
      %add3A_1253 = arith.constant 1 : i32
      %add3A_1254 = arith.addi %mul3A_1252, %add3A_1253 : i32
      %broadcast_in_dim3A_1255 = vector.broadcast %add3A_1254 : i32 to vector<16xi32>
      %add3A_1256 = arith.constant 1 : i32
      %add3A_1257 = vector.broadcast %add3A_1256 : i32 to vector<16xi32>
      %add3A_1258 = arith.addi %add3A_1090, %add3A_1257 : vector<16xi32>
      %gather3A_1259 = arith.constant 0 : i32
      %gather3A_1260 = arith.constant 0 : i32
      %gather3A_1261 = arith.constant 0 : i32
      %gather3A_1262 = tpu.memref_slice %arg4[%scan3A_923, %gather3A_1259, %gather3A_1260, %gather3A_1261] : memref<3x2x64x64xf32, #tpu.memory_space<vmem>> -> memref<1x2x64x64xf32, #tpu.memory_space<vmem>>
      %gather3A_1263 = tpu.memref_squeeze %gather3A_1262 : memref<1x2x64x64xf32, #tpu.memory_space<vmem>> -> memref<2x64x64xf32, #tpu.memory_space<vmem>>
      %gather3A_1264 = tpu.vector_load_idx %gather3A_1263[%broadcast_in_dim3A_1250, %broadcast_in_dim3A_1255, %add3A_1258] : memref<2x64x64xf32, #tpu.memory_space<vmem>>[vector<16xi32>, vector<16xi32>, vector<16xi32>], vector<16xf32>,
      %swap3A_1265 = arith.constant 1 : i32
      %swap3A_1266 = arith.constant 7 : i32
      %swap3A_1267 = arith.index_cast %swap3A_1265 : i32 to index
      %swap3A_1268 = arith.index_cast %swap3A_1266 : i32 to index
      %swap3A_1269 = arith.index_cast %shift_right_arithmetic3A_1079 : i32 to index
      %swap3A_1270 = arith.index_cast %mul3A_1083 : i32 to index
      %swap3A_1271 = tpu.vector_load %arg5[%swap3A_1267, %swap3A_1268, %swap3A_1269, %swap3A_1270] {strides = array<i32>} : memref<2x8x32x32xf32, #tpu.memory_space<vmem>>, vector<16xf32>,
      tpu.vector_store %arg5[%swap3A_1267, %swap3A_1268, %swap3A_1269, %swap3A_1270], %gather3A_1264 {strides = array<i32>} : memref<2x8x32x32xf32, #tpu.memory_space<vmem>>, vector<16xf32>,
    }
    %scan3A_928 = arith.constant 64 : i32
    %add3A_929 = arith.constant 63 : i32
    %add3A_930 = arith.addi %mul3A_2, %add3A_929 : i32
    %jit3A_931 = arith.constant 1024 : i32
    %div3A_932 = arith.divsi %add3A_930, %jit3A_931 : i32
    %sign3A_933 = arith.constant 0 : i32
    %sign3A_934 = arith.cmpi sgt, %add3A_930, %sign3A_933 : i32
    %sign3A_935 = arith.extui %sign3A_934 : i1 to i32
    %sign3A_936 = arith.constant 0 : i32
    %sign3A_937 = arith.cmpi slt, %add3A_930, %sign3A_936 : i32
    %sign3A_938 = arith.extui %sign3A_937 : i1 to i32
    %sign3A_939 = arith.subi %sign3A_935, %sign3A_938 : i32
    %sign3A_940 = arith.constant 0 : i32
    %sign3A_941 = arith.cmpi sgt, %jit3A_931, %sign3A_940 : i32
    %sign3A_942 = arith.extui %sign3A_941 : i1 to i32
    %sign3A_943 = arith.constant 0 : i32
    %sign3A_944 = arith.cmpi slt, %jit3A_931, %sign3A_943 : i32
    %sign3A_945 = arith.extui %sign3A_944 : i1 to i32
    %sign3A_946 = arith.subi %sign3A_942, %sign3A_945 : i32
    %ne3A_947 = arith.cmpi ne, %sign3A_939, %sign3A_946 : i32
    %rem3A_948 = arith.remsi %add3A_930, %jit3A_931 : i32
    %ne3A_949 = arith.constant 0 : i32
    %ne3A_950 = arith.cmpi ne, %rem3A_948, %ne3A_949 : i32
    %and3A_951 = arith.andi %ne3A_947, %ne3A_950 : i1
    %sub3A_952 = arith.constant 1 : i32
    %sub3A_953 = arith.subi %div3A_932, %sub3A_952 : i32
    %select_n3A_954 = arith.select %and3A_951, %sub3A_953, %div3A_932 : i32
    %jit3A_955 = arith.constant 1024 : i32
    %eq3A_956 = arith.constant 0 : i32
    %eq3A_957 = arith.cmpi eq, %jit3A_955, %eq3A_956 : i32
    %jit3A_958 = arith.constant 1 : i32
    %select_n3A_959 = arith.select %eq3A_957, %jit3A_958, %jit3A_955 : i32
    %rem3A_960 = arith.remsi %add3A_930, %select_n3A_959 : i32
    %ne3A_961 = arith.constant 0 : i32
    %ne3A_962 = arith.cmpi ne, %rem3A_960, %ne3A_961 : i32
    %lt3A_963 = arith.constant 0 : i32
    %lt3A_964 = arith.cmpi slt, %rem3A_960, %lt3A_963 : i32
    %lt3A_965 = arith.constant 0 : i32
    %lt3A_966 = arith.cmpi slt, %select_n3A_959, %lt3A_965 : i32
    %ne3A_967 = arith.xori %lt3A_964, %lt3A_966 : i1
    %and3A_968 = arith.andi %ne3A_967, %ne3A_962 : i1
    %add3A_969 = arith.addi %rem3A_960, %select_n3A_959 : i32
    %select_n3A_970 = arith.select %and3A_968, %add3A_969, %rem3A_960 : i32
    %jit3A_971 = arith.constant 32 : i32
    %div3A_972 = arith.divsi %select_n3A_970, %jit3A_971 : i32
    %sign3A_973 = arith.constant 0 : i32
    %sign3A_974 = arith.cmpi sgt, %select_n3A_970, %sign3A_973 : i32
    %sign3A_975 = arith.extui %sign3A_974 : i1 to i32
    %sign3A_976 = arith.constant 0 : i32
    %sign3A_977 = arith.cmpi slt, %select_n3A_970, %sign3A_976 : i32
    %sign3A_978 = arith.extui %sign3A_977 : i1 to i32
    %sign3A_979 = arith.subi %sign3A_975, %sign3A_978 : i32
    %sign3A_980 = arith.constant 0 : i32
    %sign3A_981 = arith.cmpi sgt, %jit3A_971, %sign3A_980 : i32
    %sign3A_982 = arith.extui %sign3A_981 : i1 to i32
    %sign3A_983 = arith.constant 0 : i32
    %sign3A_984 = arith.cmpi slt, %jit3A_971, %sign3A_983 : i32
    %sign3A_985 = arith.extui %sign3A_984 : i1 to i32
    %sign3A_986 = arith.subi %sign3A_982, %sign3A_985 : i32
    %ne3A_987 = arith.cmpi ne, %sign3A_979, %sign3A_986 : i32
    %rem3A_988 = arith.remsi %select_n3A_970, %jit3A_971 : i32
    %ne3A_989 = arith.constant 0 : i32
    %ne3A_990 = arith.cmpi ne, %rem3A_988, %ne3A_989 : i32
    %and3A_991 = arith.andi %ne3A_987, %ne3A_990 : i1
    %sub3A_992 = arith.constant 1 : i32
    %sub3A_993 = arith.subi %div3A_972, %sub3A_992 : i32
    %select_n3A_994 = arith.select %and3A_991, %sub3A_993, %div3A_972 : i32
    %jit3A_995 = arith.constant 32 : i32
    %eq3A_996 = arith.constant 0 : i32
    %eq3A_997 = arith.cmpi eq, %jit3A_995, %eq3A_996 : i32
    %jit3A_998 = arith.constant 1 : i32
    %select_n3A_999 = arith.select %eq3A_997, %jit3A_998, %jit3A_995 : i32
    %rem3A_1000 = arith.remsi %select_n3A_970, %select_n3A_999 : i32
    %ne3A_1001 = arith.constant 0 : i32
    %ne3A_1002 = arith.cmpi ne, %rem3A_1000, %ne3A_1001 : i32
    %lt3A_1003 = arith.constant 0 : i32
    %lt3A_1004 = arith.cmpi slt, %rem3A_1000, %lt3A_1003 : i32
    %lt3A_1005 = arith.constant 0 : i32
    %lt3A_1006 = arith.cmpi slt, %select_n3A_999, %lt3A_1005 : i32
    %ne3A_1007 = arith.xori %lt3A_1004, %lt3A_1006 : i1
    %and3A_1008 = arith.andi %ne3A_1007, %ne3A_1002 : i1
    %add3A_1009 = arith.addi %rem3A_1000, %select_n3A_999 : i32
    %select_n3A_1010 = arith.select %and3A_1008, %add3A_1009, %rem3A_1000 : i32
    %mul3A_1011 = arith.constant 8 : i32
    %mul3A_1012 = arith.muli %select_n3A_994, %mul3A_1011 : i32
    %dma_start3A_1013 = arith.constant 1 : i32
    %dma_start3A_1014 = arith.constant 0 : i32
    %dma_start3A_1015 = arith.constant 0 : i32
    %dma_start3A_1016 = arith.constant 0 : i32
    %dma_start3A_1017 = tpu.memref_slice %arg5[%dma_start3A_1013, %dma_start3A_1014, %dma_start3A_1015, %dma_start3A_1016] : memref<2x8x32x32xf32, #tpu.memory_space<vmem>> -> memref<1x8x32x32xf32, #tpu.memory_space<vmem>>
    %dma_start3A_1018 = tpu.memref_squeeze %dma_start3A_1017 : memref<1x8x32x32xf32, #tpu.memory_space<vmem>> -> memref<8x32x32xf32, #tpu.memory_space<vmem>>
    %dma_start3A_1019 = arith.constant 0 : i32
    %dma_start3A_1020 = arith.constant 0 : i32
    %dma_start3A_1021 = tpu.memref_slice %arg3[%select_n3A_954, %mul3A_1012, %select_n3A_1010, %dma_start3A_1019, %dma_start3A_1020] : memref<2x256x32x32x32xf32, #tpu.memory_space<hbm>> -> memref<1x8x1x32x32xf32, #tpu.memory_space<hbm>>
    %dma_start3A_1022 = tpu.memref_squeeze %dma_start3A_1021 : memref<1x8x1x32x32xf32, #tpu.memory_space<hbm>> -> memref<8x32x32xf32, #tpu.memory_space<hbm>>
    %dma_start3A_1023 = arith.constant 0 : i32
    %dma_start3A_1024 = arith.constant 0 : i32
    %dma_start3A_1025 = tpu.memref_slice %arg3[%select_n3A_954, %mul3A_1012, %select_n3A_1010, %dma_start3A_1023, %dma_start3A_1024] : memref<2x256x32x32x32xf32, #tpu.memory_space<hbm>> -> memref<1x8x1x32x32xf32, #tpu.memory_space<hbm>>
    %dma_start3A_1026 = tpu.memref_squeeze %dma_start3A_1025 : memref<1x8x1x32x32xf32, #tpu.memory_space<hbm>> -> memref<8x32x32xf32, #tpu.memory_space<hbm>>
    %dma_start3A_1027 = arith.constant 0 : i32
    %dma_start3A_1028 = arith.constant 0 : i32
    %dma_start3A_1029 = arith.constant 0 : i32
    %dma_start3A_1030 = tpu.memref_slice %arg5[%dma_start3A_1013, %dma_start3A_1027, %dma_start3A_1028, %dma_start3A_1029] : memref<2x8x32x32xf32, #tpu.memory_space<vmem>> -> memref<1x8x32x32xf32, #tpu.memory_space<vmem>>
    %dma_start3A_1031 = tpu.memref_squeeze %dma_start3A_1030 : memref<1x8x32x32xf32, #tpu.memory_space<vmem>> -> memref<8x32x32xf32, #tpu.memory_space<vmem>>
    tpu.enqueue_dma source(%dma_start3A_1031 : memref<8x32x32xf32, #tpu.memory_space<vmem>>) target(%dma_start3A_1026 : memref<8x32x32xf32, #tpu.memory_space<hbm>>) target_semaphore(%arg10 : memref<!tpu.dma_semaphore, #tpu.memory_space<semaphore_mem>>)
    %dma_wait3A_1032 = arith.constant 0 : i32
    %dma_wait3A_1033 = arith.constant 0 : i32
    %dma_wait3A_1034 = arith.constant 0 : i32
    %dma_wait3A_1035 = arith.constant 0 : i32
    %dma_wait3A_1036 = arith.constant 0 : i32
    %dma_wait3A_1037 = arith.constant 0 : i32
    %dma_wait3A_1038 = tpu.memref_slice %arg5[%dma_wait3A_1032, %dma_wait3A_1035, %dma_wait3A_1036, %dma_wait3A_1037] : memref<2x8x32x32xf32, #tpu.memory_space<vmem>> -> memref<1x8x32x32xf32, #tpu.memory_space<vmem>>
    %dma_wait3A_1039 = tpu.memref_squeeze %dma_wait3A_1038 : memref<1x8x32x32xf32, #tpu.memory_space<vmem>> -> memref<8x32x32xf32, #tpu.memory_space<vmem>>
    %dma_wait3A_1040 = arith.constant 0 : i32
    %dma_wait3A_1041 = arith.constant 0 : i32
    %dma_wait3A_1042 = arith.constant 0 : i32
    %dma_wait3A_1043 = tpu.memref_slice %arg3[%dma_wait3A_1033, %dma_wait3A_1040, %dma_wait3A_1034, %dma_wait3A_1041, %dma_wait3A_1042] : memref<2x256x32x32x32xf32, #tpu.memory_space<hbm>> -> memref<1x8x1x32x32xf32, #tpu.memory_space<hbm>>
    %dma_wait3A_1044 = tpu.memref_squeeze %dma_wait3A_1043 : memref<1x8x1x32x32xf32, #tpu.memory_space<hbm>> -> memref<8x32x32xf32, #tpu.memory_space<hbm>>
    %dma_wait3A_1045 = arith.constant 0 : i32
    %dma_wait3A_1046 = arith.constant 0 : i32
    %dma_wait3A_1047 = arith.constant 0 : i32
    %dma_wait3A_1048 = tpu.memref_slice %arg3[%dma_wait3A_1033, %dma_wait3A_1045, %dma_wait3A_1034, %dma_wait3A_1046, %dma_wait3A_1047] : memref<2x256x32x32x32xf32, #tpu.memory_space<hbm>> -> memref<1x8x1x32x32xf32, #tpu.memory_space<hbm>>
    %dma_wait3A_1049 = tpu.memref_squeeze %dma_wait3A_1048 : memref<1x8x1x32x32xf32, #tpu.memory_space<hbm>> -> memref<8x32x32xf32, #tpu.memory_space<hbm>>
    %dma_wait3A_1050 = arith.constant 0 : i32
    %dma_wait3A_1051 = arith.constant 0 : i32
    %dma_wait3A_1052 = arith.constant 0 : i32
    %dma_wait3A_1053 = tpu.memref_slice %arg5[%dma_wait3A_1032, %dma_wait3A_1050, %dma_wait3A_1051, %dma_wait3A_1052] : memref<2x8x32x32xf32, #tpu.memory_space<vmem>> -> memref<1x8x32x32xf32, #tpu.memory_space<vmem>>
    %dma_wait3A_1054 = tpu.memref_squeeze %dma_wait3A_1053 : memref<1x8x32x32xf32, #tpu.memory_space<vmem>> -> memref<8x32x32xf32, #tpu.memory_space<vmem>>
    tpu.wait_dma2 semaphore(%arg9 : memref<!tpu.dma_semaphore, #tpu.memory_space<semaphore_mem>>) src(%dma_wait3A_1054 : memref<8x32x32xf32, #tpu.memory_space<vmem>>) dst(%dma_wait3A_1049 : memref<8x32x32xf32, #tpu.memory_space<hbm>>)
    %dma_wait3A_1055 = arith.constant 1 : i32
    %dma_wait3A_1056 = arith.constant 0 : i32
    %dma_wait3A_1057 = arith.constant 0 : i32
    %dma_wait3A_1058 = arith.constant 0 : i32
    %dma_wait3A_1059 = arith.constant 0 : i32
    %dma_wait3A_1060 = arith.constant 0 : i32
    %dma_wait3A_1061 = tpu.memref_slice %arg5[%dma_wait3A_1055, %dma_wait3A_1058, %dma_wait3A_1059, %dma_wait3A_1060] : memref<2x8x32x32xf32, #tpu.memory_space<vmem>> -> memref<1x8x32x32xf32, #tpu.memory_space<vmem>>
    %dma_wait3A_1062 = tpu.memref_squeeze %dma_wait3A_1061 : memref<1x8x32x32xf32, #tpu.memory_space<vmem>> -> memref<8x32x32xf32, #tpu.memory_space<vmem>>
    %dma_wait3A_1063 = arith.constant 0 : i32
    %dma_wait3A_1064 = arith.constant 0 : i32
    %dma_wait3A_1065 = arith.constant 0 : i32
    %dma_wait3A_1066 = tpu.memref_slice %arg3[%dma_wait3A_1056, %dma_wait3A_1063, %dma_wait3A_1057, %dma_wait3A_1064, %dma_wait3A_1065] : memref<2x256x32x32x32xf32, #tpu.memory_space<hbm>> -> memref<1x8x1x32x32xf32, #tpu.memory_space<hbm>>
    %dma_wait3A_1067 = tpu.memref_squeeze %dma_wait3A_1066 : memref<1x8x1x32x32xf32, #tpu.memory_space<hbm>> -> memref<8x32x32xf32, #tpu.memory_space<hbm>>
    %dma_wait3A_1068 = arith.constant 0 : i32
    %dma_wait3A_1069 = arith.constant 0 : i32
    %dma_wait3A_1070 = arith.constant 0 : i32
    %dma_wait3A_1071 = tpu.memref_slice %arg3[%dma_wait3A_1056, %dma_wait3A_1068, %dma_wait3A_1057, %dma_wait3A_1069, %dma_wait3A_1070] : memref<2x256x32x32x32xf32, #tpu.memory_space<hbm>> -> memref<1x8x1x32x32xf32, #tpu.memory_space<hbm>>
    %dma_wait3A_1072 = tpu.memref_squeeze %dma_wait3A_1071 : memref<1x8x1x32x32xf32, #tpu.memory_space<hbm>> -> memref<8x32x32xf32, #tpu.memory_space<hbm>>
    %dma_wait3A_1073 = arith.constant 0 : i32
    %dma_wait3A_1074 = arith.constant 0 : i32
    %dma_wait3A_1075 = arith.constant 0 : i32
    %dma_wait3A_1076 = tpu.memref_slice %arg5[%dma_wait3A_1055, %dma_wait3A_1073, %dma_wait3A_1074, %dma_wait3A_1075] : memref<2x8x32x32xf32, #tpu.memory_space<vmem>> -> memref<1x8x32x32xf32, #tpu.memory_space<vmem>>
    %dma_wait3A_1077 = tpu.memref_squeeze %dma_wait3A_1076 : memref<1x8x32x32xf32, #tpu.memory_space<vmem>> -> memref<8x32x32xf32, #tpu.memory_space<vmem>>
    tpu.wait_dma2 semaphore(%arg10 : memref<!tpu.dma_semaphore, #tpu.memory_space<semaphore_mem>>) src(%dma_wait3A_1077 : memref<8x32x32xf32, #tpu.memory_space<vmem>>) dst(%dma_wait3A_1072 : memref<8x32x32xf32, #tpu.memory_space<hbm>>)
    return
  }
}

</mosaic_0001>

<sc_bundles>
// kernel: kernel.3.cloned.1.call-start
scs
__scs_entry_jumppad:
0x0: {  	(pc) =	sbr.rel $0x88, $3  }
0x1: {  	(tag) =	ssettag $0x0;
	lr =	simm.s32 $0x1  }
0x2: {  	[smem:$0x3FA0] =	sst lr;
	_ =	strace $0xD0000000  }
0x3: {  	_ = 	snop  }
0x4: {  	_ = 	snop  }
0x5: {  	_ = 	snop  }
0x6: {  	_ = 	snop  }
0x7: {  	_ = 	snop  }
__scs_overlays_trampoline_lowered:
0x8: {  	[smem:$0x3FAF] =	sst s0  }
0x9: {  	[smem:$0x3FB0] =	sst s1  }
0xa: {  	[smem:$0x3FB1] =	sst s2  }
0xb: {  	[smem:$0x3FB2] =	sst s3  }
0xc: {  	[smem:$0x3FB3] =	sst s4  }
0xd: {  	[smem:$0x3FB4] =	sst s5  }
0xe: {  	[smem:$0x3FB5] =	sst s6  }
0xf: {  	[smem:$0x3FB6] =	sst s7  }
0x10: {  	[smem:$0x3FB7] =	sst s8  }
0x11: {  	[smem:$0x3FB8] =	sst s9;
	s0 =	simm.s32 @!p0 $0x0  }
0x12: {  	s1 =	sld [smem:$0x3F9E];
	s0 =	simm.s32 @p0 $0x1  }
0x13: {  	[smem:$0x3FB9] =	sst s0;
	s0 =	simm.s32 @!p1 $0x0  }
0x14: {  	s2 =	sld [smem:$0x3F9D];
	s0 =	simm.s32 @p1 $0x1  }
0x15: {  	[smem:$0x3FBA] =	sst s0;
	s0 =	simm.s32 @!p2 $0x0  }
0x16: {  	s3 =	sld [smem:$0x3FDB];
	s0 =	simm.s32 @p2 $0x1  }
0x17: {  	s4 =	simm.s32 $0x1BF5;
	[smem:$0x3FBC] =	sst s0  }
0x18: {  	s0 =	sld [smem:$0x3F9F];
	_ =	swait.ge [sflag:s4], $0x0  }
0x19: {  	s7 =	sld [smem:$0x3FA0]  }
0x1a: {  	s8 =	sadd.s32 $0xFFFFE003, lr  }
0x1b: {  	s9 =	sadd.s32 $0xFFFFFEF7, lr;
	s5 =	simm.s32 $0xFFFFFFFF;
	p2 =	slt.u32 s8, $0xFFFFF086  }
0x1c: {  	p1 =	slt.u32 s9, $0xF7A;
	s5 =	simm.s32 @!p2 $0x0  }
0x1d: {  	s5 =	simm.s32 @p1 $0x1;
	p0 =	seq.s32 s7, s2  }
0x1e: {  	s7 =	smul.u32 @!p0 $0xF7A, s2;
	p2 =	seq.s32 @!p0 s5, $0x0  }
0x1f: {  	s9 =	smul.u32 $0xF7A, s1;
	s8 =	simm.s32 @!p0 $0x1BF5;
	p2 =	por !p2, p0  }
0x20: {  	[sflag:s8] =	ssyncset.s32 @!p0 $0xFFFFF086;
	s6 =	sadd.s32 @!p0 s3, s7;
	s7 =	simm.s32 @!p0 $0x108  }
0x21: {  	s3 =	sadd.s32 s3, s9;
	s6 =	sadd.s32 @!p0 $0x88, s6;
	s7 =	simm.s32 @p2 $0x1082  }
0x22: {  	[simem:s7], [sflag:s8] =	dma.local @!p0 [hbm:s6], $0xF7A  }
0x23: {  	s9 =	sor.u32 $0xD0000000, s2;
	s6 =	simm.s32 $0x108;
	_ =	swait.ge @!p0 [sflag:s8], $0x0  }
0x24: {  	s3 =	sadd.s32 $0x88, s3;
	s6 =	simm.s32 @!p1 $0x1082;
	[sflag:s4] =	ssyncset.s32 $0xFFFFF086  }
0x25: {  	[simem:s6], [sflag:s4] =	dma.local [hbm:s3], $0xF7A  }
0x26: {  	[smem:$0x3FA0] =	sst s1;
	(tag) =	ssettag s2;
	_ =	strace s9  }
0x27: {  	s1 =	sld [smem:$0x3FB0]  }
0x28: {  	s2 =	sld [smem:$0x3FB1]  }
0x29: {  	s4 =	sld [smem:$0x3FB3]  }
0x2a: {  	p0 =	seq.s32 s5, $0x0;
	s5 =	sld [smem:$0x3FB4]  }
0x2b: {  	s6 =	sld [smem:$0x3FB5]  }
0x2c: {  	s7 =	sld [smem:$0x3FB6]  }
0x2d: {  	s3 =	simm.s32 $0x108;
	s8 =	sld [smem:$0x3FB7]  }
0x2e: {  	s3 =	simm.s32 @!p0 $0x1082;
	s9 =	sld [smem:$0x3FB8]  }
0x2f: {  	lr =	sadd.s32 s0, s3;
	s0 =	sld [smem:$0x3FAF]  }
0x30: {  	s3 =	sld [smem:$0x3FB2]  }
0x31: {  	[smem:$0x3FBB] =	sst s10  }
0x32: {  	s10 =	sld [smem:$0x3FB9];
	_ =	sdelay $0x3  }
0x33: {  	p0 =	seq.s32 s10, $0x1;
	s10 =	sld [smem:$0x3FBB];
	_ =	sdelay $0x3  }
0x34: {  	[smem:$0x3FBB] =	sst s10  }
0x35: {  	s10 =	sld [smem:$0x3FBA];
	_ =	sdelay $0x3  }
0x36: {  	p1 =	seq.s32 s10, $0x1;
	s10 =	sld [smem:$0x3FBB];
	_ =	sdelay $0x3  }
0x37: {  	[smem:$0x3FBB] =	sst s10  }
0x38: {  	s10 =	sld [smem:$0x3FBC]  }
0x39: {  	_ = 	snop;
	(pc) =	sbr.ind lr, $3  }
0x3a: {  	_ = 	snop  }
0x3b: {  	_ = 	snop  }
0x3c: {  	p2 =	seq.s32 s10, $0x1;
	s10 =	sld [smem:$0x3FBB]  }
0x3d: {  	_ =	shalt  }
0x3e: {  	_ =	shalt  }
0x3f: {  	_ =	shalt  }
0x40: {  	_ =	shalt  }
0x41: {  	_ =	shalt  }
0x42: {  	_ =	shalt  }
0x43: {  	_ =	shalt  }
0x44: {  	_ =	shalt  }
0x45: {  	_ =	shalt  }
0x46: {  	_ =	shalt  }
0x47: {  	_ =	shalt  }
0x48: {  	_ =	shalt  }
0x49: {  	_ =	shalt  }
0x4a: {  	_ =	shalt  }
0x4b: {  	_ =	shalt  }
0x4c: {  	_ =	shalt  }
0x4d: {  	_ =	shalt  }
0x4e: {  	_ =	shalt  }
0x4f: {  	_ =	shalt  }
0x50: {  	_ =	shalt  }
0x51: {  	_ =	shalt  }
0x52: {  	_ =	shalt  }
0x53: {  	_ =	shalt  }
0x54: {  	_ =	shalt  }
0x55: {  	_ =	shalt  }
0x56: {  	_ =	shalt  }
0x57: {  	_ =	shalt  }
0x58: {  	_ =	shalt  }
0x59: {  	_ =	shalt  }
0x5a: {  	_ =	shalt  }
0x5b: {  	_ =	shalt  }
0x5c: {  	_ =	shalt  }
0x5d: {  	_ =	shalt  }
0x5e: {  	_ =	shalt  }
0x5f: {  	_ =	shalt  }
0x60: {  	_ =	shalt  }
0x61: {  	_ =	shalt  }
0x62: {  	_ =	shalt  }
0x63: {  	_ =	shalt  }
0x64: {  	_ =	shalt  }
0x65: {  	_ =	shalt  }
0x66: {  	_ =	shalt  }
0x67: {  	_ =	shalt  }
0x68: {  	_ =	shalt  }
0x69: {  	_ =	shalt  }
0x6a: {  	_ =	shalt  }
0x6b: {  	_ =	shalt  }
0x6c: {  	_ =	shalt  }
0x6d: {  	_ =	shalt  }
0x6e: {  	_ =	shalt  }
0x6f: {  	_ =	shalt  }
0x70: {  	_ =	shalt  }
0x71: {  	_ =	shalt  }
0x72: {  	_ =	shalt  }
0x73: {  	_ =	shalt  }
0x74: {  	_ =	shalt  }
0x75: {  	_ =	shalt  }
0x76: {  	_ =	shalt  }
0x77: {  	_ =	shalt  }
0x78: {  	_ =	shalt  }
0x79: {  	_ =	shalt  }
0x7a: {  	_ =	shalt  }
0x7b: {  	_ =	shalt  }
0x7c: {  	_ =	shalt  }
0x7d: {  	_ =	shalt  }
0x7e: {  	_ =	shalt  }
0x7f: {  	_ =	shalt  }
0x80: {  	_ =	shalt  }
0x81: {  	_ =	shalt  }
0x82: {  	_ =	shalt  }
0x83: {  	_ =	shalt  }
0x84: {  	_ =	shalt  }
0x85: {  	_ =	shalt  }
0x86: {  	_ =	shalt  }
0x87: {  	_ =	shalt  }
.Lfunc_end0:
.L_simem_size_0:
called_computation_lowered:
.L_overlay_start_0:
0x88: {  	s2 =	sld [smem:$0x3FD9]  }
0x89: {  	s3 =	sld [smem:$0x3FFE];
	_ =	sdelay $0x1  }
0x8a: {  	s1 =	srdreg.scid  }
0x8b: {  	s0 =	sand.u32 $0x1, s1  }
0x8c: {  	s17 =	sshll.u32 s0, $0xA;
	s2 =	sadd.s32 s3, s2  }
0x8d: {  	s2 =	sadd.s32 s2, s17  }
0x8e: {  	[smem:$0x3FC7] =	sst s2  }
0x8f: {  	_ = 	snop  }
0x90: {  	s2 =	sld [smem:$0x3FC9];
	(tm) =	ssettm $0x1  }
0x91: {  	s18 =	sld [smem:$0x3FFB];
	_ =	sdelay $0x3  }
0x92: {  	_ =	strace s18  }
0x93: {  	s3 =	sld [smem:$0x3FFC];
	_ =	sdelay $0x3  }
0x94: {  	_ =	strace s3  }
0x95: {  	s3 =	sld [smem:$0x3FFD];
	_ =	sdelay $0x3  }
0x96: {  	_ =	strace s3  }
0x97: {  	_ =	strace $0x8FFFFFFF  }
0x98: {  	s19 =	sld [smem:$0x3FDB];
	_ =	sdelay $0x1  }
0x99: {  	s4 =	simm.s32 $_scs_section_size  }
0x9a: {  	s5 =	simm.s32 $_size__tile_overlayer_lowered;
	s6 =	simm.s32 $_tile_overlayer_lowered  }
0x9b: {  	s22 =	simm.s32 $0x1BFF;
	s21 =	sshll.u32 s6, $0x1;
	s3 =	sadd.s32 s4, s19  }
0x9c: {  	s7 =	simm.s32 $0x0;
	s20 =	sshll.u32 s5, $0x1;
	s5 =	sadd.s32 s21, s3  }
0x9d: {  	[timem:s7], [sflag:s22] =	dma.local [hbm:s5], s20  }
0x9e: {  	_ =	swait.ge [sflag:s22], s20  }
0x9f: {  	s4 =	ssub.s32 $0x0, s20;
	[sflag:s22] =	ssyncset.done $0x0  }
0xa0: {  	[sflag:s22] =	ssyncadd.s32 s4;
	_ =	sdelay $0x1  }
0xa1: {  	s23 =	simm.s32 $0x1B8B  }
0xa2: {  	_ =	swait.ge [sflag:s23], $0x1  }
0xa3: {  	[sflag:s23] =	ssyncset.done $0x0  }
0xa4: {  	s25 =	simm.s32 $0x1B8E;
	s24 =	sld [smem:$0x3FFE];
	[sflag:s23] =	ssyncadd.s32 $0xFFFFFFFF  }
0xa5: {  	s26 =	simm.s32 $execute0_lowered;
	[smem:$0x3FD2] =	sst s25  }
0xa6: {  	s5 =	sshll.u32 s26, $0x1;
	_ =	strace $0x80000046;
	[dreg:$0x1] =	wrdreg $0xFFFFFFFF  }
0xa7: {  	s28 =	simm.s32 $_size_execute0_lowered;
	s3 =	sadd.s32 s3, s5;
	[dreg:$0x0] =	wrdreg $0x0  }
0xa8: {  	s5 =	sshll.u32 s28, $0x1;
	[dreg:$0x2] =	wrdreg s3  }
0xa9: {  	[dreg:$0x3] =	wrdreg s5  }
0xaa: {  	[dreg:$0x4] =	wrdreg $0xC0  }
0xab: {  	_ =	task [dreg:s7], $0x5FFFF  }
0xac: {  	[dreg:$0x1] =	wrdreg $0xFFFFFFFF  }
0xad: {  	[dreg:$0x0] =	wrdreg $0x60  }
0xae: {  	[dreg:$0x2] =	wrdreg s2  }
0xaf: {  	[dreg:$0x3] =	wrdreg s24  }
0xb0: {  	[dreg:$0x4] =	wrdreg $0x9  }
0xb1: {  	_ =	task.clear_ibuf [dreg:s7], $0x5FFFF;
	_ =	strace $0x90000046  }
0xb2: {  	s29 =	simm.s32 $0x9;
	_ =	strace $0x80000048  }
0xb3: {  	_ =	swait.ge [sflag:s29], $0x1  }
0xb4: {  	[sflag:s29] =	ssyncadd.s32 $0xFFFFFFFF  }
0xb5: {  	_ =	strace $0x90000048  }
0xb6: {  	_ =	sfence  }
0xb7: {  	s30 =	sld [smem:$0x0];
	_ =	sdelay $0x2  }
0xb8: {  	s31 =	sshll.u32 s1, $0xD;
	s1 =	sshrl.u32 s1, $0x2  }
0xb9: {  	s3 =	sand.u32 $0x4000, s31;
	s1 =	sadd.s32 s1, s30  }
0xba: {  	s0 =	sor.u32 s3, s0;
	s1 =	sshll.u32 s1, $0x11  }
0xbb: {  	s0 =	sor.u32 s1, s0  }
0xbc: {  	s0 =	sadd.s32 $0x8F2B, s0  }
0xbd: {  	[sflag:s0] =	ssyncadd.remote.s32 $0x1  }
0xbe: {  	_ =	sfence.sel $0xFFFF  }
0xbf: {  	[dreg:$0x0] =	wrdreg $0xFFFFFFFF;
	(pc) =	sbr.abs _section_cstart, $3  }
0xc0: {  	[dreg:$0x1] =	wrdreg $0xFFFFFFFF  }
0xc1: {  	_ =	task.clear_ibuf [dreg:s7], $0x2FFFF;
	_ =	strace $0x9FFFFFFF  }
0xc2: {  	(tm) =	ssettm $0x7FFFFFFF  }
0xc3: {  	_ =	shalt  }
tec
execute0_lowered:
.L_overlay_start_1:
0x0: {  	(tag) =	ssettag $0x1  }
0x1: {  	s2 =	rddreg [dreg:$0x0]  }
0x2: {  	s0 =	rddreg [dreg:$0x1];
	s1 =	srdreg.scid  }
0x3: {  	s7 =	stileid.u32;
	s3 =	simm.s32 $0x0;
	s28 =	simm.s32 $0x3  }
0x4: {  	s29 =	simm.s32 $0x4;
	s30 =	simm.s32 $0x5;
	s1 =	sand.u32 $0x1, s1  }
0x5: {  	s4 =	sshll.u32 s7, $0x7;
	[smem:$0x7FF] =	sst s3;
	s7 =	sshrl.u32 s7, $0x3  }
0x6: {  	s5 =	sshll.u32 s1, $0x6;
	_ =	strace $0x80000047;
	s1 =	ssub.s32 $0x2, s1  }
0x7: {  	s25 =	sshll.u32 s7, $0x15;
	s7 =	sshll.u32 s7, $0x16;
	s4 =	sor.u32 s5, s4  }
0x8: {  	s5 =	sadd.s32 $0x400, s0;
	s18 =	sshrl.u32 s1, $0x1;
	s6 =	sshll.u32 s4, $0xB  }
0x9: {  	s0 =	ssub.s32 s1, s18;
	s21 =	sor.u32 $0x4, s4;
	s22 =	sor.u32 $0x2, s4  }
0xa: {  	s11 =	sor.u32 $0x6, s4;
	s12 =	sor.u32 $0x8, s4;
	s23 =	sshll.u32 s4, $0xC  }
0xb: {  	s24 =	sshrl.u32 s4, $0x5;
	s7 =	sadd.s32 s7, s5;
	[dreg:$0x6] =	wrdreg s21  }
0xc: {  	s6 =	sadd.s32 s2, s6;
	[dreg:$0x7] =	wrdreg s22;
	s1 =	sadd.s32 s23, s5  }
0xd: {  	s0 =	smax.u32 s0, $0x1;
	s21 =	simm.s32 $0x1;
	[dreg:$0x3] =	wrdreg s6  }
0xe: {  	s22 =	simm.s32 $0x1000;
	s19 =	sadd.s32 $0x800, s6;
	[dreg:$0xd] =	wrdreg s0  }
0xf: {  	s23 =	simm.s32 $0x20000;
	s20 =	sadd.s32 $0x1000, s6;
	[dreg:$0x4] =	wrdreg s19  }
0x10: {  	s6 =	sand.u32 $0x1E, s24;
	s8 =	sadd.s32 $0x23800, s1;
	[dreg:$0x5] =	wrdreg s20  }
0x11: {  	s26 =	sadd.s32 $0x23A00, s1;
	s1 =	sadd.s32 $0x23C00, s1;
	[dreg:$0x8] =	wrdreg s8  }
0x12: {  	s24 =	simm.s32 $0xC000;
	s6 =	sor.u32 $0x1, s6;
	[dreg:$0xa] =	wrdreg s26  }
0x13: {  	s8 =	sadd.s32 s25, s2;
	[dreg:$0xb] =	wrdreg s1;
	s13 =	sshll.u32 s6, $0x10  }
0x14: {  	v0 =	vlaneseq.u32;
	s19 =	simm.s32 $0x4000;
	s6 =	sshll.u32 s6, $0x11;
	s8 =	sadd.s32 s13, s8  }
0x15: {  	v0 =	vmul.u32 $0x2, v0;
	s20 =	simm.s32 $0x8000;
	s6 =	sadd.s32 s6, s7;
	s8 =	sadd.s32 $0xF800, s8  }
0x16: {  	s25 =	simm.s32 $0x2;
	s31 =	sadd.s32 $0x3E00, s6;
	[dreg:$0x9] =	wrdreg s8  }
0x17: {  	v1 =	vor.u32 $0x1, v0;
	s26 =	simm.s32 $0x14000;
	s1 =	simm.s32 $0x0;
	[dreg:$0xc] =	wrdreg s31  }
.LBB2_1:
0x18: {  	[dreg:$0xe] =	wrdreg s1  }
0x19: {  	s0 =	rddreg [dreg:$0x3]  }
0x1a: {  	[tilespmem:s3], [sflag:$0x1] =	stream.linear.gather [hbm4b:s0+s3], $0x4000, $0x38;
	[tilespmem:$0x1C000] =	vst v63  }
0x1b: {  	s18 =	rddreg [dreg:$0x4]  }
0x1c: {  	[tilespmem:s19], [sflag:$0x2] =	stream.linear.gather [hbm4b:s18+s3], $0x4000, $0x38;
	[tilespmem:$0x1C000] =	vst v63  }
0x1d: {  	s31 =	rddreg [dreg:$0x5];
	s0 =	simm.s32 $0x0  }
0x1e: {  	[tilespmem:s20], [sflag:$0x3] =	stream.linear.gather [hbm4b:s31+s3], $0x4000, $0x38;
	[tilespmem:$0x1C000] =	vst v63  }
.LBB2_2:
0x1f: {  	s7 =	simm.s32 $0x0  }
0x20: {  	s1 =	sand.u32 $0x1, s7  }
0x21: {  	s8 =	sand.u32 $0x3E, s7;
	s6 =	sshll.u32 s1, $0x5  }
0x22: {  	_ =	swait.ge [sflag:s21], $0x4000;
	s13 =	sshll.u32 s8, $0x7;
	v2 =	vor.u32 s6, v0  }
0x23: {  	p0 =	seq.s32 s0, $0x0;
	[sflag:s21] =	ssyncset.done $0x0;
	v3 =	vor.u32 s13, v2  }
0x24: {  	[sflag:s21] =	ssyncadd.s32 $0xFFFFC000;
	s8 =	simm.s32 @!p0 $0x4  }
0x25: {  	_ =	swait.ge @!p0 [sflag:s8], $0x8000  }
0x26: {  	[sflag:s8] =	ssyncset.done @!p0 $0x0  }
0x27: {  	[sflag:s8] =	ssyncadd.s32 @!p0 $0xFFFF8000  }
0x28: {  	v4 =	vor.u32 s6, v1;
	v3 =	vld.idx.msk [tilespmem:v3+s3+$0x0], $0xffff  }
0x29: {  	v5 =	vor.u32 s13, v4;
	_ =	sdelay $0x1  }
0x2a: {  	s18 =	sand.u32 $0xF80, s7;
	s1 =	sshll.u32 s1, $0x4  }
0x2b: {  	s8 =	sor.u32 s1, s18  }
0x2c: {  	s31 =	simm.s32 $0x0;
	[tilespmem:s8+$0xC000] =	vst v3  }
0x2d: {  	s1 =	sor.u32 $0x80, s31;
	v3 =	vld.idx.msk [tilespmem:v5+s3+$0x0], $0xffff  }
0x2e: {  	v61 =	vor.u32 s1, v2;
	_ =	sdelay $0x3  }
0x2f: {  	[tilespmem:s8+$0xD000] =	vst v3  }
0x30: {  	v3 =	vld.idx.msk [tilespmem:v61+s3+$0x0], $0xffff  }
0x31: {  	v62 =	vor.u32 s1, v4;
	_ =	sdelay $0x3  }
0x32: {  	[tilespmem:s8+$0xE000] =	vst v3;
	v3 =	vmov s13  }
0x33: {  	v5 =	vld.idx.msk [tilespmem:v62+s3+$0x0], $0xffff;
	v3 =	vor.u32 $0x2000, v3  }
0x34: {  	v6 =	vor.u32 v2, v3;
	_ =	sdelay $0x3  }
0x35: {  	[tilespmem:s8+$0xF000] =	vst v5  }
0x36: {  	v5 =	vld.idx.msk [tilespmem:v6+s3+$0x0], $0xffff  }
0x37: {  	v3 =	vor.u32 v4, v3;
	_ =	sdelay $0x3  }
0x38: {  	v63 =	vmov s1;
	[tilespmem:s8+$0x10000] =	vst v5  }
0x39: {  	v5 =	vor.u32 $0x2000, v63;
	v3 =	vld.idx.msk [tilespmem:v3+s3+$0x0], $0xffff  }
0x3a: {  	v2 =	vor.u32 v2, v5;
	_ =	sdelay $0x3  }
0x3b: {  	[tilespmem:s8+$0x11000] =	vst v3  }
0x3c: {  	v3 =	vld.idx.msk [tilespmem:v2+s3+$0x0], $0xffff  }
0x3d: {  	v2 =	vor.u32 v4, v5;
	_ =	sdelay $0x2  }
0x3e: {  	s13 =	simm.s32 $0x1  }
0x3f: {  	s14 =	simm.s32 $0x2;
	s1 =	smul.u32 $0x6, s0;
	s6 =	sand.u32 $0x1, s13;
	[tilespmem:s8+$0x12000] =	vst v3  }
.LBB2_3:
0x40: {  	p1 =	sne.s32 s14, $0x3F;
	s15 =	sshll.u32 s6, $0x5;
	s16 =	sand.u32 $0x3E, s13;
	v2 =	vld.idx.msk [tilespmem:v2+s3+$0x0], $0xffff  }
0x41: {  	v3 =	vor.u32 s15, v0;
	s16 =	sshll.u32 s16, $0x7  }
0x42: {  	v4 =	vor.u32 s16, v3;
	_ =	sdelay $0x3  }
0x43: {  	[tilespmem:s8+$0x13000] =	vst v2  }
0x44: {  	v2 =	vld.idx.msk [tilespmem:v4+s3+$0x0], $0xffff  }
0x45: {  	v4 =	vor.u32 s15, v1  }
0x46: {  	v5 =	vor.u32 s16, v4  }
0x47: {  	s7 =	sadd.s32 $0x40, s7  }
0x48: {  	s6 =	sshll.u32 s6, $0x4;
	s8 =	sand.u32 $0xF80, s7  }
0x49: {  	s8 =	sor.u32 s6, s8  }
0x4a: {  	[tilespmem:s8+$0xC000] =	vst v2  }
0x4b: {  	s6 =	sshll.u32 s13, $0x7;
	s13 =	smov.u32 s14;
	v2 =	vld.idx.msk [tilespmem:v5+s3+$0x0], $0xffff  }
0x4c: {  	s6 =	sor.u32 $0x80, s6  }
0x4d: {  	v5 =	vor.u32 s6, v3;
	_ =	sdelay $0x3  }
0x4e: {  	[tilespmem:s8+$0xD000] =	vst v2  }
0x4f: {  	v2 =	vld.idx.msk [tilespmem:v5+s3+$0x0], $0xffff;
	_ =	sdelay $0x1  }
0x50: {  	v5 =	vor.u32 s6, v4;
	_ =	sdelay $0x3  }
0x51: {  	[tilespmem:s8+$0xE000] =	vst v2  }
0x52: {  	v2 =	vmov s16;
	v5 =	vld.idx.msk [tilespmem:v5+s3+$0x0], $0xffff  }
0x53: {  	v2 =	vor.u32 $0x2000, v2  }
0x54: {  	v6 =	vor.u32 v3, v2;
	_ =	sdelay $0x3  }
0x55: {  	[tilespmem:s8+$0xF000] =	vst v5  }
0x56: {  	v5 =	vld.idx.msk [tilespmem:v6+s3+$0x0], $0xffff;
	_ =	sdelay $0x1  }
0x57: {  	v2 =	vor.u32 v4, v2;
	_ =	sdelay $0x3  }
0x58: {  	[tilespmem:s8+$0x10000] =	vst v5  }
0x59: {  	v5 =	vmov s6;
	v2 =	vld.idx.msk [tilespmem:v2+s3+$0x0], $0xffff  }
0x5a: {  	v5 =	vor.u32 $0x2000, v5  }
0x5b: {  	v3 =	vor.u32 v3, v5;
	_ =	sdelay $0x3  }
0x5c: {  	[tilespmem:s8+$0x11000] =	vst v2  }
0x5d: {  	v3 =	vld.idx.msk [tilespmem:v3+s3+$0x0], $0xffff;
	_ =	sdelay $0x1  }
.Ltmp0:
0x5e: {  	v2 =	vor.u32 v4, v5;
	(pc) =	sbr.rel @p1 .LBB2_3-.Ltmp0, $2  }
0x5f: {  	_ =	sdelay $0x2  }
0x60: {  	s14 =	sadd.s32 $0x1, s14;
	s6 =	sand.u32 $0x1, s13;
	[tilespmem:s8+$0x12000] =	vst v3  }
0x61: {  	_ =	sdelay $0x2  }
0x62: {  	s14 =	sshll.u32 s6, $0x5;
	s15 =	sand.u32 $0x3E, s13  }
0x63: {  	v2 =	vld.idx.msk [tilespmem:v2+s3+$0x0], $0xffff;
	v3 =	vor.u32 s14, v0;
	s15 =	sshll.u32 s15, $0x7  }
0x64: {  	v4 =	vor.u32 s15, v3;
	_ =	sdelay $0x3  }
0x65: {  	[tilespmem:s8+$0x13000] =	vst v2  }
0x66: {  	v54 =	vor.u32 s14, v1;
	v2 =	vld.idx.msk [tilespmem:v4+s3+$0x0], $0xffff  }
0x67: {  	v5 =	vor.u32 s15, v54  }
0x68: {  	s7 =	sadd.s32 $0x40, s7  }
0x69: {  	s10 =	sshll.u32 s6, $0x4;
	s7 =	sand.u32 $0xF80, s7  }
0x6a: {  	s6 =	sor.u32 s10, s7  }
0x6b: {  	s13 =	sshll.u32 s13, $0x7;
	[tilespmem:s6+$0xC000] =	vst v2  }
0x6c: {  	s7 =	sor.u32 $0x80, s13;
	v2 =	vld.idx.msk [tilespmem:v5+s3+$0x0], $0xffff  }
0x6d: {  	v55 =	vor.u32 s7, v3;
	_ =	sdelay $0x3  }
0x6e: {  	[tilespmem:s6+$0xD000] =	vst v2  }
0x6f: {  	v2 =	vld.idx.msk [tilespmem:v55+s3+$0x0], $0xffff  }
0x70: {  	v56 =	vor.u32 s7, v54;
	_ =	sdelay $0x3  }
0x71: {  	[tilespmem:s6+$0xE000] =	vst v2;
	v2 =	vmov s15  }
0x72: {  	v5 =	vld.idx.msk [tilespmem:v56+s3+$0x0], $0xffff;
	v2 =	vor.u32 $0x2000, v2  }
0x73: {  	v6 =	vor.u32 v3, v2;
	_ =	sdelay $0x3  }
0x74: {  	[tilespmem:s6+$0xF000] =	vst v5  }
0x75: {  	v5 =	vld.idx.msk [tilespmem:v6+s3+$0x0], $0xffff  }
0x76: {  	v2 =	vor.u32 v54, v2;
	_ =	sdelay $0x3  }
0x77: {  	v57 =	vmov s7;
	[tilespmem:s6+$0x10000] =	vst v5  }
0x78: {  	v5 =	vor.u32 $0x2000, v57;
	v2 =	vld.idx.msk [tilespmem:v2+s3+$0x0], $0xffff  }
0x79: {  	v3 =	vor.u32 v3, v5;
	_ =	sdelay $0x3  }
0x7a: {  	[tilespmem:s6+$0x11000] =	vst v2  }
0x7b: {  	v2 =	vld.idx.msk [tilespmem:v3+s3+$0x0], $0xffff  }
0x7c: {  	v3 =	vor.u32 v54, v5;
	_ =	sdelay $0x3  }
0x7d: {  	[tilespmem:s6+$0x12000] =	vst v2  }
0x7e: {  	v2 =	vld.idx.msk [tilespmem:v3+s3+$0x0], $0xffff  }
0x7f: {  	s14 =	sadd.s32 s4, s1  }
0x80: {  	s7 =	sshll.u32 s14, $0xC;
	s15 =	sshll.u32 s14, $0x9  }
0x81: {  	s13 =	sand.u32 $0xFE0000, s7;
	s7 =	sadd.s32 $0x3, s1;
	s8 =	sand.u32 $0x3C00, s15  }
0x82: {  	s18 =	sshll.u32 s7, $0xB;
	s16 =	sadd.s32 s5, s8;
	s8 =	sadd.s32 s4, s7  }
0x83: {  	s17 =	sadd.s32 s13, s16;
	s31 =	sshll.u32 s8, $0xB;
	[tilespmem:s6+$0x13000] =	vst v2;
	s6 =	sand.u32 $0xF800, s18  }
0x84: {  	[hbm4b:s17+s22] =	stream.strided.scatter [tilespmem:s24], [sflag:$0x4], $0x8000, s23, s22, $0x38;
	[tilespmem:$0x1C000] =	vst v63  }
0x85: {  	s14 =	sand.u32 $0x7F0000, s31;
	s6 =	sadd.s32 s2, s6  }
0x86: {  	s6 =	sadd.s32 s14, s6;
	s14 =	simm.s32 $0x0  }
0x87: {  	[tilespmem:s3], [sflag:$0x1] =	stream.linear.gather [hbm4b:s6+s3], $0x4000, $0x38;
	[tilespmem:$0x1C000] =	vst v63  }
0x88: {  	s9 =	sand.u32 $0x1, s14  }
0x89: {  	s16 =	sand.u32 $0x3E, s14;
	s10 =	sshll.u32 s9, $0x5  }
0x8a: {  	_ =	swait.ge [sflag:s25], $0x4000;
	s16 =	sshll.u32 s16, $0x7;
	v2 =	vor.u32 s10, v0  }
0x8b: {  	[sflag:s25] =	ssyncset.done $0x0;
	v3 =	vor.u32 s16, v2  }
0x8c: {  	s17 =	simm.s32 @!p0 $0x5;
	[sflag:s25] =	ssyncadd.s32 $0xFFFFC000  }
0x8d: {  	_ =	swait.ge @!p0 [sflag:s17], $0x8000  }
0x8e: {  	[sflag:s17] =	ssyncset.done @!p0 $0x0  }
0x8f: {  	[sflag:s17] =	ssyncadd.s32 @!p0 $0xFFFF8000  }
0x90: {  	v58 =	vor.u32 s10, v1;
	v3 =	vld.idx.msk [tilespmem:v3+s19+$0x0], $0xffff  }
0x91: {  	v59 =	vor.u32 s16, v58;
	_ =	sdelay $0x1  }
0x92: {  	s18 =	sand.u32 $0xF80, s14;
	s6 =	sshll.u32 s9, $0x4  }
0x93: {  	s15 =	sor.u32 s6, s18  }
0x94: {  	s31 =	simm.s32 $0x0;
	[tilespmem:s15+$0x14000] =	vst v3  }
0x95: {  	s6 =	sor.u32 $0x80, s31;
	v3 =	vld.idx.msk [tilespmem:v59+s19+$0x0], $0xffff  }
0x96: {  	v60 =	vor.u32 s6, v2;
	_ =	sdelay $0x3  }
0x97: {  	[tilespmem:s15+$0x15000] =	vst v3  }
0x98: {  	v3 =	vld.idx.msk [tilespmem:v60+s19+$0x0], $0xffff  }
0x99: {  	v61 =	vor.u32 s6, v58;
	_ =	sdelay $0x3  }
0x9a: {  	[tilespmem:s15+$0x16000] =	vst v3;
	v3 =	vmov s16  }
0x9b: {  	v5 =	vld.idx.msk [tilespmem:v61+s19+$0x0], $0xffff;
	v3 =	vor.u32 $0x2000, v3  }
0x9c: {  	v62 =	vor.u32 v2, v3;
	_ =	sdelay $0x3  }
0x9d: {  	[tilespmem:s15+$0x17000] =	vst v5  }
0x9e: {  	v5 =	vld.idx.msk [tilespmem:v62+s19+$0x0], $0xffff  }
0x9f: {  	v3 =	vor.u32 v58, v3;
	_ =	sdelay $0x3  }
0xa0: {  	v63 =	vmov s6;
	[tilespmem:s15+$0x18000] =	vst v5  }
0xa1: {  	v5 =	vor.u32 $0x2000, v63;
	v3 =	vld.idx.msk [tilespmem:v3+s19+$0x0], $0xffff  }
0xa2: {  	v2 =	vor.u32 v2, v5;
	_ =	sdelay $0x3  }
0xa3: {  	[tilespmem:s15+$0x19000] =	vst v3  }
0xa4: {  	v3 =	vld.idx.msk [tilespmem:v2+s19+$0x0], $0xffff  }
0xa5: {  	v2 =	vor.u32 v58, v5;
	_ =	sdelay $0x2  }
0xa6: {  	s16 =	simm.s32 $0x1  }
0xa7: {  	s17 =	simm.s32 $0x2;
	s6 =	sand.u32 $0x1, s16;
	[tilespmem:s15+$0x1A000] =	vst v3  }
.LBB2_5:
0xa8: {  	p0 =	sne.s32 s17, $0x3F;
	s18 =	sshll.u32 s6, $0x5;
	s31 =	sand.u32 $0x3E, s16;
	v2 =	vld.idx.msk [tilespmem:v2+s19+$0x0], $0xffff  }
0xa9: {  	v3 =	vor.u32 s18, v0;
	s31 =	sshll.u32 s31, $0x7  }
0xaa: {  	v4 =	vor.u32 s31, v3;
	_ =	sdelay $0x3  }
0xab: {  	[tilespmem:s15+$0x1B000] =	vst v2  }
0xac: {  	v2 =	vld.idx.msk [tilespmem:v4+s19+$0x0], $0xffff  }
0xad: {  	v4 =	vor.u32 s18, v1  }
0xae: {  	v5 =	vor.u32 s31, v4  }
0xaf: {  	s14 =	sadd.s32 $0x40, s14  }
0xb0: {  	s6 =	sshll.u32 s6, $0x4;
	s15 =	sand.u32 $0xF80, s14  }
0xb1: {  	s15 =	sor.u32 s6, s15  }
0xb2: {  	[tilespmem:s15+$0x14000] =	vst v2  }
0xb3: {  	s6 =	sshll.u32 s16, $0x7;
	s16 =	smov.u32 s17;
	v2 =	vld.idx.msk [tilespmem:v5+s19+$0x0], $0xffff  }
0xb4: {  	s6 =	sor.u32 $0x80, s6  }
0xb5: {  	v5 =	vor.u32 s6, v3;
	_ =	sdelay $0x3  }
0xb6: {  	[tilespmem:s15+$0x15000] =	vst v2  }
0xb7: {  	v2 =	vld.idx.msk [tilespmem:v5+s19+$0x0], $0xffff;
	_ =	sdelay $0x1  }
0xb8: {  	v5 =	vor.u32 s6, v4;
	_ =	sdelay $0x3  }
0xb9: {  	[tilespmem:s15+$0x16000] =	vst v2  }
0xba: {  	v2 =	vmov s31;
	v5 =	vld.idx.msk [tilespmem:v5+s19+$0x0], $0xffff  }
0xbb: {  	v2 =	vor.u32 $0x2000, v2  }
0xbc: {  	v6 =	vor.u32 v3, v2;
	_ =	sdelay $0x3  }
0xbd: {  	[tilespmem:s15+$0x17000] =	vst v5  }
0xbe: {  	v5 =	vld.idx.msk [tilespmem:v6+s19+$0x0], $0xffff;
	_ =	sdelay $0x1  }
0xbf: {  	v2 =	vor.u32 v4, v2;
	_ =	sdelay $0x3  }
0xc0: {  	[tilespmem:s15+$0x18000] =	vst v5  }
0xc1: {  	v5 =	vmov s6;
	v2 =	vld.idx.msk [tilespmem:v2+s19+$0x0], $0xffff  }
0xc2: {  	v5 =	vor.u32 $0x2000, v5  }
0xc3: {  	v3 =	vor.u32 v3, v5;
	_ =	sdelay $0x3  }
0xc4: {  	[tilespmem:s15+$0x19000] =	vst v2  }
0xc5: {  	v3 =	vld.idx.msk [tilespmem:v3+s19+$0x0], $0xffff;
	_ =	sdelay $0x1  }
.Ltmp1:
0xc6: {  	v2 =	vor.u32 v4, v5;
	(pc) =	sbr.rel @p0 .LBB2_5-.Ltmp1, $2  }
0xc7: {  	_ =	sdelay $0x2  }
0xc8: {  	s17 =	sadd.s32 $0x1, s17;
	s6 =	sand.u32 $0x1, s16;
	[tilespmem:s15+$0x1A000] =	vst v3  }
0xc9: {  	_ =	sdelay $0x2  }
0xca: {  	s17 =	sshll.u32 s6, $0x5;
	s18 =	sand.u32 $0x3E, s16  }
0xcb: {  	v2 =	vld.idx.msk [tilespmem:v2+s19+$0x0], $0xffff;
	v3 =	vor.u32 s17, v0;
	s18 =	sshll.u32 s18, $0x7  }
0xcc: {  	v4 =	vor.u32 s18, v3;
	_ =	sdelay $0x3  }
0xcd: {  	[tilespmem:s15+$0x1B000] =	vst v2  }
0xce: {  	v54 =	vor.u32 s17, v1;
	v2 =	vld.idx.msk [tilespmem:v4+s19+$0x0], $0xffff  }
0xcf: {  	v5 =	vor.u32 s18, v54  }
0xd0: {  	s14 =	sadd.s32 $0x40, s14  }
0xd1: {  	s10 =	sshll.u32 s6, $0x4;
	s14 =	sand.u32 $0xF80, s14  }
0xd2: {  	s6 =	sor.u32 s10, s14  }
0xd3: {  	s15 =	sshll.u32 s16, $0x7;
	[tilespmem:s6+$0x14000] =	vst v2  }
0xd4: {  	s14 =	sor.u32 $0x80, s15;
	v2 =	vld.idx.msk [tilespmem:v5+s19+$0x0], $0xffff  }
0xd5: {  	v55 =	vor.u32 s14, v3;
	_ =	sdelay $0x3  }
0xd6: {  	[tilespmem:s6+$0x15000] =	vst v2  }
0xd7: {  	v2 =	vld.idx.msk [tilespmem:v55+s19+$0x0], $0xffff  }
0xd8: {  	v56 =	vor.u32 s14, v54;
	_ =	sdelay $0x3  }
0xd9: {  	[tilespmem:s6+$0x16000] =	vst v2;
	v2 =	vmov s18  }
0xda: {  	v5 =	vld.idx.msk [tilespmem:v56+s19+$0x0], $0xffff;
	v2 =	vor.u32 $0x2000, v2  }
0xdb: {  	v6 =	vor.u32 v3, v2;
	_ =	sdelay $0x3  }
0xdc: {  	[tilespmem:s6+$0x17000] =	vst v5  }
0xdd: {  	v5 =	vld.idx.msk [tilespmem:v6+s19+$0x0], $0xffff  }
0xde: {  	v2 =	vor.u32 v54, v2;
	_ =	sdelay $0x3  }
0xdf: {  	v57 =	vmov s14;
	[tilespmem:s6+$0x18000] =	vst v5  }
0xe0: {  	v5 =	vor.u32 $0x2000, v57;
	v2 =	vld.idx.msk [tilespmem:v2+s19+$0x0], $0xffff  }
0xe1: {  	v3 =	vor.u32 v3, v5;
	_ =	sdelay $0x3  }
0xe2: {  	[tilespmem:s6+$0x19000] =	vst v2  }
0xe3: {  	v2 =	vld.idx.msk [tilespmem:v3+s19+$0x0], $0xffff  }
0xe4: {  	v3 =	vor.u32 v54, v5;
	_ =	sdelay $0x3  }
0xe5: {  	s16 =	smul.u32 $0xC00, s0;
	[tilespmem:s6+$0x1A000] =	vst v2  }
0xe6: {  	v2 =	vld.idx.msk [tilespmem:v3+s19+$0x0], $0xffff  }
0xe7: {  	s14 =	sand.u32 $0x3C00, s16  }
0xe8: {  	s14 =	sadd.s32 s14, s5  }
0xe9: {  	s13 =	sadd.s32 s13, s14;
	s18 =	rddreg [dreg:$0x6]  }
0xea: {  	s17 =	sadd.s32 $0x200, s13;
	s13 =	sadd.s32 s1, s18  }
0xeb: {  	[tilespmem:s6+$0x1B000] =	vst v2;
	s6 =	sshll.u32 s13, $0xB  }
0xec: {  	[hbm4b:s17+s22] =	stream.strided.scatter [tilespmem:s26], [sflag:$0x5], $0x8000, s23, s22, $0x38;
	[tilespmem:$0x1C000] =	vst v63  }
0xed: {  	s31 =	sand.u32 $0x1FF000, s6  }
0xee: {  	s6 =	sand.u32 $0x600000, s6;
	s14 =	sadd.s32 s2, s31  }
0xef: {  	s6 =	sadd.s32 s6, s14;
	s14 =	simm.s32 $0x0  }
0xf0: {  	[tilespmem:s19], [sflag:$0x2] =	stream.linear.gather [hbm4b:s6+s14], $0x4000, $0x38;
	[tilespmem:$0x1C000] =	vst v63  }
0xf1: {  	s9 =	sand.u32 $0x1, s14  }
0xf2: {  	s17 =	sand.u32 $0x3E, s14;
	s10 =	sshll.u32 s9, $0x5  }
0xf3: {  	_ =	swait.ge [sflag:s28], $0x4000;
	s16 =	sshll.u32 s17, $0x7;
	v2 =	vor.u32 s10, v0  }
0xf4: {  	[sflag:s28] =	ssyncset.done $0x0;
	v3 =	vor.u32 s16, v2  }
0xf5: {  	[sflag:s28] =	ssyncadd.s32 $0xFFFFC000  }
0xf6: {  	_ =	swait.ge [sflag:s29], $0x8000  }
0xf7: {  	[sflag:s29] =	ssyncset.done $0x0  }
0xf8: {  	[sflag:s29] =	ssyncadd.s32 $0xFFFF8000  }
0xf9: {  	v58 =	vor.u32 s10, v1;
	v3 =	vld.idx.msk [tilespmem:v3+s20+$0x0], $0xffff  }
0xfa: {  	v59 =	vor.u32 s16, v58;
	_ =	sdelay $0x1  }
0xfb: {  	s18 =	sand.u32 $0xF80, s14;
	s6 =	sshll.u32 s9, $0x4  }
0xfc: {  	s15 =	sor.u32 s6, s18  }
0xfd: {  	s31 =	simm.s32 $0x0;
	[tilespmem:s15+$0xC000] =	vst v3  }
0xfe: {  	s6 =	sor.u32 $0x80, s31;
	v3 =	vld.idx.msk [tilespmem:v59+s20+$0x0], $0xffff  }
0xff: {  	v60 =	vor.u32 s6, v2;
	_ =	sdelay $0x3  }
0x100: {  	[tilespmem:s15+$0xD000] =	vst v3  }
0x101: {  	v3 =	vld.idx.msk [tilespmem:v60+s20+$0x0], $0xffff  }
0x102: {  	v61 =	vor.u32 s6, v58;
	_ =	sdelay $0x3  }
0x103: {  	[tilespmem:s15+$0xE000] =	vst v3;
	v3 =	vmov s16  }
0x104: {  	v5 =	vld.idx.msk [tilespmem:v61+s20+$0x0], $0xffff;
	v3 =	vor.u32 $0x2000, v3  }
0x105: {  	v62 =	vor.u32 v2, v3;
	_ =	sdelay $0x3  }
0x106: {  	[tilespmem:s15+$0xF000] =	vst v5  }
0x107: {  	v5 =	vld.idx.msk [tilespmem:v62+s20+$0x0], $0xffff  }
0x108: {  	v3 =	vor.u32 v58, v3;
	_ =	sdelay $0x3  }
0x109: {  	v63 =	vmov s6;
	[tilespmem:s15+$0x10000] =	vst v5  }
0x10a: {  	v5 =	vor.u32 $0x2000, v63;
	v3 =	vld.idx.msk [tilespmem:v3+s20+$0x0], $0xffff  }
0x10b: {  	v2 =	vor.u32 v2, v5;
	_ =	sdelay $0x3  }
0x10c: {  	[tilespmem:s15+$0x11000] =	vst v3  }
0x10d: {  	v3 =	vld.idx.msk [tilespmem:v2+s20+$0x0], $0xffff  }
0x10e: {  	v2 =	vor.u32 v58, v5;
	_ =	sdelay $0x2  }
0x10f: {  	s16 =	simm.s32 $0x1  }
0x110: {  	s17 =	simm.s32 $0x2;
	s6 =	sand.u32 $0x1, s16;
	[tilespmem:s15+$0x12000] =	vst v3  }
.LBB2_7:
0x111: {  	p0 =	sne.s32 s17, $0x3F;
	s18 =	sshll.u32 s6, $0x5;
	s31 =	sand.u32 $0x3E, s16;
	v2 =	vld.idx.msk [tilespmem:v2+s20+$0x0], $0xffff  }
0x112: {  	v3 =	vor.u32 s18, v0;
	s31 =	sshll.u32 s31, $0x7  }
0x113: {  	v4 =	vor.u32 s31, v3;
	_ =	sdelay $0x3  }
0x114: {  	[tilespmem:s15+$0x13000] =	vst v2  }
0x115: {  	v2 =	vld.idx.msk [tilespmem:v4+s20+$0x0], $0xffff  }
0x116: {  	v4 =	vor.u32 s18, v1  }
0x117: {  	v5 =	vor.u32 s31, v4  }
0x118: {  	s14 =	sadd.s32 $0x40, s14  }
0x119: {  	s6 =	sshll.u32 s6, $0x4;
	s15 =	sand.u32 $0xF80, s14  }
0x11a: {  	s15 =	sor.u32 s6, s15  }
0x11b: {  	[tilespmem:s15+$0xC000] =	vst v2  }
0x11c: {  	s6 =	sshll.u32 s16, $0x7;
	s16 =	smov.u32 s17;
	v2 =	vld.idx.msk [tilespmem:v5+s20+$0x0], $0xffff  }
0x11d: {  	s6 =	sor.u32 $0x80, s6  }
0x11e: {  	v5 =	vor.u32 s6, v3;
	_ =	sdelay $0x3  }
0x11f: {  	[tilespmem:s15+$0xD000] =	vst v2  }
0x120: {  	v2 =	vld.idx.msk [tilespmem:v5+s20+$0x0], $0xffff;
	_ =	sdelay $0x1  }
0x121: {  	v5 =	vor.u32 s6, v4;
	_ =	sdelay $0x3  }
0x122: {  	[tilespmem:s15+$0xE000] =	vst v2  }
0x123: {  	v2 =	vmov s31;
	v5 =	vld.idx.msk [tilespmem:v5+s20+$0x0], $0xffff  }
0x124: {  	v2 =	vor.u32 $0x2000, v2  }
0x125: {  	v6 =	vor.u32 v3, v2;
	_ =	sdelay $0x3  }
0x126: {  	[tilespmem:s15+$0xF000] =	vst v5  }
0x127: {  	v5 =	vld.idx.msk [tilespmem:v6+s20+$0x0], $0xffff;
	_ =	sdelay $0x1  }
0x128: {  	v2 =	vor.u32 v4, v2;
	_ =	sdelay $0x3  }
0x129: {  	[tilespmem:s15+$0x10000] =	vst v5  }
0x12a: {  	v5 =	vmov s6;
	v2 =	vld.idx.msk [tilespmem:v2+s20+$0x0], $0xffff  }
0x12b: {  	v5 =	vor.u32 $0x2000, v5  }
0x12c: {  	v3 =	vor.u32 v3, v5;
	_ =	sdelay $0x3  }
0x12d: {  	[tilespmem:s15+$0x11000] =	vst v2  }
0x12e: {  	v3 =	vld.idx.msk [tilespmem:v3+s20+$0x0], $0xffff;
	_ =	sdelay $0x1  }
.Ltmp2:
0x12f: {  	v2 =	vor.u32 v4, v5;
	(pc) =	sbr.rel @p0 .LBB2_7-.Ltmp2, $2  }
0x130: {  	_ =	sdelay $0x2  }
0x131: {  	s17 =	sadd.s32 $0x1, s17;
	s6 =	sand.u32 $0x1, s16;
	[tilespmem:s15+$0x12000] =	vst v3  }
0x132: {  	_ =	sdelay $0x2  }
0x133: {  	s17 =	sshll.u32 s6, $0x5;
	s18 =	sand.u32 $0x3E, s16  }
0x134: {  	v2 =	vld.idx.msk [tilespmem:v2+s20+$0x0], $0xffff;
	v3 =	vor.u32 s17, v0;
	s18 =	sshll.u32 s18, $0x7  }
0x135: {  	v4 =	vor.u32 s18, v3;
	_ =	sdelay $0x3  }
0x136: {  	[tilespmem:s15+$0x13000] =	vst v2  }
0x137: {  	v54 =	vor.u32 s17, v1;
	v2 =	vld.idx.msk [tilespmem:v4+s20+$0x0], $0xffff  }
0x138: {  	v5 =	vor.u32 s18, v54  }
0x139: {  	s14 =	sadd.s32 $0x40, s14  }
0x13a: {  	s14 =	sand.u32 $0xF80, s14;
	s15 =	sshll.u32 s6, $0x4  }
0x13b: {  	s6 =	sor.u32 s15, s14  }
0x13c: {  	s17 =	sshll.u32 s16, $0x7;
	[tilespmem:s6+$0xC000] =	vst v2  }
0x13d: {  	s14 =	sor.u32 $0x80, s17;
	v2 =	vld.idx.msk [tilespmem:v5+s20+$0x0], $0xffff  }
0x13e: {  	v55 =	vor.u32 s14, v3;
	_ =	sdelay $0x3  }
0x13f: {  	[tilespmem:s6+$0xD000] =	vst v2  }
0x140: {  	v2 =	vld.idx.msk [tilespmem:v55+s20+$0x0], $0xffff  }
0x141: {  	v56 =	vor.u32 s14, v54;
	_ =	sdelay $0x3  }
0x142: {  	[tilespmem:s6+$0xE000] =	vst v2;
	v2 =	vmov s18  }
0x143: {  	v5 =	vld.idx.msk [tilespmem:v56+s20+$0x0], $0xffff;
	v2 =	vor.u32 $0x2000, v2  }
0x144: {  	v6 =	vor.u32 v3, v2;
	_ =	sdelay $0x3  }
0x145: {  	[tilespmem:s6+$0xF000] =	vst v5  }
0x146: {  	v5 =	vld.idx.msk [tilespmem:v6+s20+$0x0], $0xffff  }
0x147: {  	v2 =	vor.u32 v54, v2;
	_ =	sdelay $0x3  }
0x148: {  	v57 =	vmov s14;
	[tilespmem:s6+$0x10000] =	vst v5  }
0x149: {  	v5 =	vor.u32 $0x2000, v57;
	v2 =	vld.idx.msk [tilespmem:v2+s20+$0x0], $0xffff  }
0x14a: {  	v3 =	vor.u32 v3, v5;
	_ =	sdelay $0x3  }
0x14b: {  	[tilespmem:s6+$0x11000] =	vst v2  }
0x14c: {  	v2 =	vld.idx.msk [tilespmem:v3+s20+$0x0], $0xffff  }
0x14d: {  	v3 =	vor.u32 v54, v5;
	_ =	sdelay $0x2  }
0x14e: {  	s9 =	rddreg [dreg:$0x7]  }
0x14f: {  	s9 =	sadd.s32 s1, s9;
	[tilespmem:s6+$0x12000] =	vst v2  }
0x150: {  	s10 =	sshll.u32 s9, $0x9;
	v2 =	vld.idx.msk [tilespmem:v3+s20+$0x0], $0xffff  }
0x151: {  	s15 =	sand.u32 $0x3C00, s10;
	s14 =	sshll.u32 s9, $0xC  }
0x152: {  	s15 =	sadd.s32 s5, s15;
	s14 =	sand.u32 $0xFE0000, s14  }
0x153: {  	s16 =	sadd.s32 s14, s15;
	s14 =	sadd.s32 $0x5, s1  }
0x154: {  	s15 =	sadd.s32 s4, s14;
	s17 =	sshll.u32 s14, $0xB  }
0x155: {  	s18 =	sshll.u32 s15, $0xB;
	[tilespmem:s6+$0x13000] =	vst v2;
	s6 =	sand.u32 $0xF800, s17  }
0x156: {  	[hbm4b:s16+s22] =	stream.strided.scatter [tilespmem:s24], [sflag:$0x4], $0x8000, s23, s22, $0x38;
	[tilespmem:$0x1C000] =	vst v63  }
0x157: {  	s16 =	sand.u32 $0x7F0000, s18;
	s6 =	sadd.s32 s2, s6  }
0x158: {  	s6 =	sadd.s32 s16, s6;
	s16 =	simm.s32 $0x0  }
0x159: {  	[tilespmem:s20], [sflag:$0x3] =	stream.linear.gather [hbm4b:s6+s16], $0x4000, $0x38;
	[tilespmem:$0x1C000] =	vst v63  }
0x15a: {  	s6 =	sand.u32 $0x1, s16  }
0x15b: {  	s10 =	sand.u32 $0x3E, s16;
	s9 =	sshll.u32 s6, $0x5  }
0x15c: {  	_ =	swait.ge [sflag:s21], $0x4000;
	s18 =	sshll.u32 s10, $0x7;
	v2 =	vor.u32 s9, v0  }
0x15d: {  	[sflag:s21] =	ssyncset.done $0x0;
	v3 =	vor.u32 s18, v2  }
0x15e: {  	[sflag:s21] =	ssyncadd.s32 $0xFFFFC000  }
0x15f: {  	_ =	swait.ge [sflag:s30], $0x8000  }
0x160: {  	[sflag:s30] =	ssyncset.done $0x0  }
0x161: {  	[sflag:s30] =	ssyncadd.s32 $0xFFFF8000  }
0x162: {  	v58 =	vor.u32 s9, v1;
	v3 =	vld.idx.msk [tilespmem:v3+s3+$0x0], $0xffff  }
0x163: {  	v59 =	vor.u32 s18, v58;
	_ =	sdelay $0x1  }
0x164: {  	s6 =	sshll.u32 s6, $0x4;
	s9 =	sand.u32 $0xF80, s16  }
0x165: {  	s17 =	sor.u32 s6, s9  }
0x166: {  	s10 =	simm.s32 $0x0;
	[tilespmem:s17+$0x14000] =	vst v3  }
0x167: {  	s6 =	sor.u32 $0x80, s10;
	v3 =	vld.idx.msk [tilespmem:v59+s3+$0x0], $0xffff  }
0x168: {  	v60 =	vor.u32 s6, v2;
	_ =	sdelay $0x3  }
0x169: {  	[tilespmem:s17+$0x15000] =	vst v3  }
0x16a: {  	v3 =	vld.idx.msk [tilespmem:v60+s3+$0x0], $0xffff  }
0x16b: {  	v61 =	vor.u32 s6, v58;
	_ =	sdelay $0x3  }
0x16c: {  	[tilespmem:s17+$0x16000] =	vst v3;
	v3 =	vmov s18  }
0x16d: {  	v5 =	vld.idx.msk [tilespmem:v61+s3+$0x0], $0xffff;
	v3 =	vor.u32 $0x2000, v3  }
0x16e: {  	v62 =	vor.u32 v2, v3;
	_ =	sdelay $0x3  }
0x16f: {  	[tilespmem:s17+$0x17000] =	vst v5  }
0x170: {  	v5 =	vld.idx.msk [tilespmem:v62+s3+$0x0], $0xffff  }
0x171: {  	v3 =	vor.u32 v58, v3;
	_ =	sdelay $0x3  }
0x172: {  	v63 =	vmov s6;
	[tilespmem:s17+$0x18000] =	vst v5  }
0x173: {  	v5 =	vor.u32 $0x2000, v63;
	v3 =	vld.idx.msk [tilespmem:v3+s3+$0x0], $0xffff  }
0x174: {  	v2 =	vor.u32 v2, v5;
	_ =	sdelay $0x3  }
0x175: {  	[tilespmem:s17+$0x19000] =	vst v3  }
0x176: {  	v3 =	vld.idx.msk [tilespmem:v2+s3+$0x0], $0xffff  }
0x177: {  	v2 =	vor.u32 v58, v5;
	_ =	sdelay $0x2  }
0x178: {  	s18 =	simm.s32 $0x1  }
0x179: {  	s6 =	simm.s32 $0x2;
	s31 =	sand.u32 $0x1, s18;
	[tilespmem:s17+$0x1A000] =	vst v3  }
.LBB2_9:
0x17a: {  	p0 =	sne.s32 s6, $0x3F;
	s9 =	sshll.u32 s31, $0x5;
	s10 =	sand.u32 $0x3E, s18;
	v2 =	vld.idx.msk [tilespmem:v2+s3+$0x0], $0xffff  }
0x17b: {  	v3 =	vor.u32 s9, v0;
	s10 =	sshll.u32 s10, $0x7  }
0x17c: {  	v4 =	vor.u32 s10, v3;
	_ =	sdelay $0x3  }
0x17d: {  	[tilespmem:s17+$0x1B000] =	vst v2  }
0x17e: {  	v2 =	vld.idx.msk [tilespmem:v4+s3+$0x0], $0xffff  }
0x17f: {  	v4 =	vor.u32 s9, v1  }
0x180: {  	v5 =	vor.u32 s10, v4  }
0x181: {  	s16 =	sadd.s32 $0x40, s16  }
0x182: {  	s17 =	sand.u32 $0xF80, s16;
	s9 =	sshll.u32 s31, $0x4  }
0x183: {  	s17 =	sor.u32 s9, s17  }
0x184: {  	[tilespmem:s17+$0x14000] =	vst v2  }
0x185: {  	s9 =	sshll.u32 s18, $0x7;
	s18 =	smov.u32 s6;
	v2 =	vld.idx.msk [tilespmem:v5+s3+$0x0], $0xffff  }
0x186: {  	s9 =	sor.u32 $0x80, s9  }
0x187: {  	v5 =	vor.u32 s9, v3;
	_ =	sdelay $0x3  }
0x188: {  	[tilespmem:s17+$0x15000] =	vst v2  }
0x189: {  	v2 =	vld.idx.msk [tilespmem:v5+s3+$0x0], $0xffff;
	_ =	sdelay $0x1  }
0x18a: {  	v5 =	vor.u32 s9, v4;
	_ =	sdelay $0x3  }
0x18b: {  	[tilespmem:s17+$0x16000] =	vst v2  }
0x18c: {  	v2 =	vmov s10;
	v5 =	vld.idx.msk [tilespmem:v5+s3+$0x0], $0xffff  }
0x18d: {  	v2 =	vor.u32 $0x2000, v2  }
0x18e: {  	v6 =	vor.u32 v3, v2;
	_ =	sdelay $0x3  }
0x18f: {  	[tilespmem:s17+$0x17000] =	vst v5  }
0x190: {  	v5 =	vld.idx.msk [tilespmem:v6+s3+$0x0], $0xffff;
	_ =	sdelay $0x1  }
0x191: {  	v2 =	vor.u32 v4, v2;
	_ =	sdelay $0x3  }
0x192: {  	[tilespmem:s17+$0x18000] =	vst v5  }
0x193: {  	v5 =	vmov s9;
	v2 =	vld.idx.msk [tilespmem:v2+s3+$0x0], $0xffff  }
0x194: {  	v5 =	vor.u32 $0x2000, v5  }
0x195: {  	v3 =	vor.u32 v3, v5;
	_ =	sdelay $0x3  }
0x196: {  	[tilespmem:s17+$0x19000] =	vst v2  }
0x197: {  	v3 =	vld.idx.msk [tilespmem:v3+s3+$0x0], $0xffff;
	_ =	sdelay $0x1  }
.Ltmp3:
0x198: {  	v2 =	vor.u32 v4, v5;
	(pc) =	sbr.rel @p0 .LBB2_9-.Ltmp3, $2  }
0x199: {  	_ =	sdelay $0x2  }
0x19a: {  	s6 =	sadd.s32 $0x1, s6;
	s31 =	sand.u32 $0x1, s18;
	[tilespmem:s17+$0x1A000] =	vst v3  }
0x19b: {  	_ =	sdelay $0x2  }
0x19c: {  	s6 =	sshll.u32 s31, $0x5;
	s9 =	sand.u32 $0x3E, s18  }
0x19d: {  	v2 =	vld.idx.msk [tilespmem:v2+s3+$0x0], $0xffff;
	v3 =	vor.u32 s6, v0;
	s9 =	sshll.u32 s9, $0x7  }
0x19e: {  	v4 =	vor.u32 s9, v3;
	_ =	sdelay $0x3  }
0x19f: {  	[tilespmem:s17+$0x1B000] =	vst v2  }
0x1a0: {  	v54 =	vor.u32 s6, v1;
	v2 =	vld.idx.msk [tilespmem:v4+s3+$0x0], $0xffff  }
0x1a1: {  	v5 =	vor.u32 s9, v54  }
0x1a2: {  	s17 =	sadd.s32 $0x40, s16  }
0x1a3: {  	s10 =	sshll.u32 s31, $0x4;
	s6 =	sand.u32 $0xF80, s17  }
0x1a4: {  	s6 =	sor.u32 s10, s6  }
0x1a5: {  	s31 =	sshll.u32 s18, $0x7;
	[tilespmem:s6+$0x14000] =	vst v2  }
0x1a6: {  	s10 =	sor.u32 $0x80, s31;
	v2 =	vld.idx.msk [tilespmem:v5+s3+$0x0], $0xffff  }
0x1a7: {  	v55 =	vor.u32 s10, v3;
	_ =	sdelay $0x3  }
0x1a8: {  	[tilespmem:s6+$0x15000] =	vst v2  }
0x1a9: {  	v2 =	vld.idx.msk [tilespmem:v55+s3+$0x0], $0xffff  }
0x1aa: {  	v56 =	vor.u32 s10, v54;
	_ =	sdelay $0x3  }
0x1ab: {  	[tilespmem:s6+$0x16000] =	vst v2;
	v2 =	vmov s9  }
0x1ac: {  	v5 =	vld.idx.msk [tilespmem:v56+s3+$0x0], $0xffff;
	v2 =	vor.u32 $0x2000, v2  }
0x1ad: {  	v6 =	vor.u32 v3, v2;
	_ =	sdelay $0x3  }
0x1ae: {  	[tilespmem:s6+$0x17000] =	vst v5  }
0x1af: {  	v5 =	vld.idx.msk [tilespmem:v6+s3+$0x0], $0xffff  }
0x1b0: {  	v2 =	vor.u32 v54, v2;
	_ =	sdelay $0x3  }
0x1b1: {  	v57 =	vmov s10;
	[tilespmem:s6+$0x18000] =	vst v5  }
0x1b2: {  	v5 =	vor.u32 $0x2000, v57;
	v2 =	vld.idx.msk [tilespmem:v2+s3+$0x0], $0xffff  }
0x1b3: {  	v3 =	vor.u32 v3, v5;
	_ =	sdelay $0x3  }
0x1b4: {  	[tilespmem:s6+$0x19000] =	vst v2  }
0x1b5: {  	v2 =	vld.idx.msk [tilespmem:v3+s3+$0x0], $0xffff  }
0x1b6: {  	v3 =	vor.u32 v54, v5;
	_ =	sdelay $0x3  }
0x1b7: {  	[tilespmem:s6+$0x1A000] =	vst v2  }
0x1b8: {  	v2 =	vld.idx.msk [tilespmem:v3+s3+$0x0], $0xffff  }
0x1b9: {  	s7 =	sshll.u32 s7, $0x9  }
0x1ba: {  	s8 =	sshll.u32 s8, $0xC;
	s7 =	sand.u32 $0x3E00, s7  }
0x1bb: {  	s8 =	sand.u32 $0xFE0000, s8;
	s7 =	sadd.s32 s5, s7  }
0x1bc: {  	s7 =	sadd.s32 s8, s7;
	s8 =	sadd.s32 s1, s11  }
0x1bd: {  	[tilespmem:s6+$0x1B000] =	vst v2;
	s6 =	sshll.u32 s8, $0xB  }
0x1be: {  	[hbm4b:s7+s22] =	stream.strided.scatter [tilespmem:s26], [sflag:$0x5], $0x8000, s23, s22, $0x38;
	[tilespmem:$0x1C000] =	vst v63  }
0x1bf: {  	s9 =	sand.u32 $0x1FF000, s6  }
0x1c0: {  	s6 =	sand.u32 $0x600000, s6;
	s7 =	sadd.s32 s2, s9  }
0x1c1: {  	s6 =	sadd.s32 s6, s7;
	s7 =	simm.s32 $0x0  }
0x1c2: {  	[tilespmem:s7], [sflag:$0x1] =	stream.linear.gather [hbm4b:s6+s7], $0x4000, $0x38;
	[tilespmem:$0x1C000] =	vst v63  }
0x1c3: {  	s10 =	sand.u32 $0x1, s7  }
0x1c4: {  	s17 =	sand.u32 $0x3E, s7;
	s16 =	sshll.u32 s10, $0x5  }
0x1c5: {  	_ =	swait.ge [sflag:s25], $0x4000;
	s9 =	sshll.u32 s17, $0x7;
	v2 =	vor.u32 s16, v0  }
0x1c6: {  	[sflag:s25] =	ssyncset.done $0x0;
	v3 =	vor.u32 s9, v2  }
0x1c7: {  	[sflag:s25] =	ssyncadd.s32 $0xFFFFC000  }
0x1c8: {  	_ =	swait.ge [sflag:s29], $0x8000  }
0x1c9: {  	[sflag:s29] =	ssyncset.done $0x0  }
0x1ca: {  	[sflag:s29] =	ssyncadd.s32 $0xFFFF8000  }
0x1cb: {  	v58 =	vor.u32 s16, v1;
	v3 =	vld.idx.msk [tilespmem:v3+s19+$0x0], $0xffff  }
0x1cc: {  	v59 =	vor.u32 s9, v58;
	_ =	sdelay $0x1  }
0x1cd: {  	s18 =	sand.u32 $0xF80, s7;
	s6 =	sshll.u32 s10, $0x4  }
0x1ce: {  	s8 =	sor.u32 s6, s18  }
0x1cf: {  	s31 =	simm.s32 $0x0;
	[tilespmem:s8+$0xC000] =	vst v3  }
0x1d0: {  	s6 =	sor.u32 $0x80, s31;
	v3 =	vld.idx.msk [tilespmem:v59+s19+$0x0], $0xffff  }
0x1d1: {  	v60 =	vor.u32 s6, v2;
	_ =	sdelay $0x3  }
0x1d2: {  	[tilespmem:s8+$0xD000] =	vst v3  }
0x1d3: {  	v3 =	vld.idx.msk [tilespmem:v60+s19+$0x0], $0xffff  }
0x1d4: {  	v61 =	vor.u32 s6, v58;
	_ =	sdelay $0x3  }
0x1d5: {  	[tilespmem:s8+$0xE000] =	vst v3;
	v3 =	vmov s9  }
0x1d6: {  	v5 =	vld.idx.msk [tilespmem:v61+s19+$0x0], $0xffff;
	v3 =	vor.u32 $0x2000, v3  }
0x1d7: {  	v62 =	vor.u32 v2, v3;
	_ =	sdelay $0x3  }
0x1d8: {  	[tilespmem:s8+$0xF000] =	vst v5  }
0x1d9: {  	v5 =	vld.idx.msk [tilespmem:v62+s19+$0x0], $0xffff  }
0x1da: {  	v3 =	vor.u32 v58, v3;
	_ =	sdelay $0x3  }
0x1db: {  	v63 =	vmov s6;
	[tilespmem:s8+$0x10000] =	vst v5  }
0x1dc: {  	v5 =	vor.u32 $0x2000, v63;
	v3 =	vld.idx.msk [tilespmem:v3+s19+$0x0], $0xffff  }
0x1dd: {  	v2 =	vor.u32 v2, v5;
	_ =	sdelay $0x3  }
0x1de: {  	[tilespmem:s8+$0x11000] =	vst v3  }
0x1df: {  	v3 =	vld.idx.msk [tilespmem:v2+s19+$0x0], $0xffff  }
0x1e0: {  	v2 =	vor.u32 v58, v5;
	_ =	sdelay $0x2  }
0x1e1: {  	s16 =	simm.s32 $0x1  }
0x1e2: {  	s17 =	sand.u32 $0x1, s16;
	s6 =	simm.s32 $0x2;
	[tilespmem:s8+$0x12000] =	vst v3  }
.LBB2_11:
0x1e3: {  	p0 =	sne.s32 s6, $0x3F;
	s9 =	sshll.u32 s17, $0x5;
	s10 =	sand.u32 $0x3E, s16;
	v2 =	vld.idx.msk [tilespmem:v2+s19+$0x0], $0xffff  }
0x1e4: {  	v3 =	vor.u32 s9, v0;
	s10 =	sshll.u32 s10, $0x7  }
0x1e5: {  	v4 =	vor.u32 s10, v3;
	_ =	sdelay $0x3  }
0x1e6: {  	[tilespmem:s8+$0x13000] =	vst v2  }
0x1e7: {  	v2 =	vld.idx.msk [tilespmem:v4+s19+$0x0], $0xffff  }
0x1e8: {  	v4 =	vor.u32 s9, v1  }
0x1e9: {  	v5 =	vor.u32 s10, v4  }
0x1ea: {  	s7 =	sadd.s32 $0x40, s7  }
0x1eb: {  	s8 =	sshll.u32 s17, $0x4;
	s9 =	sand.u32 $0xF80, s7  }
0x1ec: {  	s8 =	sor.u32 s8, s9  }
0x1ed: {  	[tilespmem:s8+$0xC000] =	vst v2  }
0x1ee: {  	s9 =	sshll.u32 s16, $0x7;
	s16 =	smov.u32 s6;
	v2 =	vld.idx.msk [tilespmem:v5+s19+$0x0], $0xffff  }
0x1ef: {  	s9 =	sor.u32 $0x80, s9  }
0x1f0: {  	v5 =	vor.u32 s9, v3;
	_ =	sdelay $0x3  }
0x1f1: {  	[tilespmem:s8+$0xD000] =	vst v2  }
0x1f2: {  	v2 =	vld.idx.msk [tilespmem:v5+s19+$0x0], $0xffff;
	_ =	sdelay $0x1  }
0x1f3: {  	v5 =	vor.u32 s9, v4;
	_ =	sdelay $0x3  }
0x1f4: {  	[tilespmem:s8+$0xE000] =	vst v2  }
0x1f5: {  	v2 =	vmov s10;
	v5 =	vld.idx.msk [tilespmem:v5+s19+$0x0], $0xffff  }
0x1f6: {  	v2 =	vor.u32 $0x2000, v2  }
0x1f7: {  	v6 =	vor.u32 v3, v2;
	_ =	sdelay $0x3  }
0x1f8: {  	[tilespmem:s8+$0xF000] =	vst v5  }
0x1f9: {  	v5 =	vld.idx.msk [tilespmem:v6+s19+$0x0], $0xffff;
	_ =	sdelay $0x1  }
0x1fa: {  	v2 =	vor.u32 v4, v2;
	_ =	sdelay $0x3  }
0x1fb: {  	[tilespmem:s8+$0x10000] =	vst v5  }
0x1fc: {  	v5 =	vmov s9;
	v2 =	vld.idx.msk [tilespmem:v2+s19+$0x0], $0xffff  }
0x1fd: {  	v5 =	vor.u32 $0x2000, v5  }
0x1fe: {  	v3 =	vor.u32 v3, v5;
	_ =	sdelay $0x3  }
0x1ff: {  	[tilespmem:s8+$0x11000] =	vst v2  }
0x200: {  	v3 =	vld.idx.msk [tilespmem:v3+s19+$0x0], $0xffff;
	_ =	sdelay $0x1  }
.Ltmp4:
0x201: {  	v2 =	vor.u32 v4, v5;
	(pc) =	sbr.rel @p0 .LBB2_11-.Ltmp4, $2  }
0x202: {  	_ =	sdelay $0x2  }
0x203: {  	s6 =	sadd.s32 $0x1, s6;
	s17 =	sand.u32 $0x1, s16;
	[tilespmem:s8+$0x12000] =	vst v3  }
0x204: {  	_ =	sdelay $0x2  }
0x205: {  	s6 =	sshll.u32 s17, $0x5;
	s9 =	sand.u32 $0x3E, s16  }
0x206: {  	v2 =	vld.idx.msk [tilespmem:v2+s19+$0x0], $0xffff;
	v3 =	vor.u32 s6, v0;
	s9 =	sshll.u32 s9, $0x7  }
0x207: {  	v4 =	vor.u32 s9, v3;
	_ =	sdelay $0x3  }
0x208: {  	[tilespmem:s8+$0x13000] =	vst v2  }
0x209: {  	v54 =	vor.u32 s6, v1;
	v2 =	vld.idx.msk [tilespmem:v4+s19+$0x0], $0xffff  }
0x20a: {  	v5 =	vor.u32 s9, v54  }
0x20b: {  	s8 =	sadd.s32 $0x40, s7  }
0x20c: {  	s10 =	sshll.u32 s17, $0x4;
	s6 =	sand.u32 $0xF80, s8  }
0x20d: {  	s6 =	sor.u32 s10, s6  }
0x20e: {  	s17 =	sshll.u32 s16, $0x7;
	[tilespmem:s6+$0xC000] =	vst v2  }
0x20f: {  	s7 =	sor.u32 $0x80, s17;
	v2 =	vld.idx.msk [tilespmem:v5+s19+$0x0], $0xffff  }
0x210: {  	v55 =	vor.u32 s7, v3;
	_ =	sdelay $0x3  }
0x211: {  	[tilespmem:s6+$0xD000] =	vst v2  }
0x212: {  	v2 =	vld.idx.msk [tilespmem:v55+s19+$0x0], $0xffff  }
0x213: {  	v56 =	vor.u32 s7, v54;
	_ =	sdelay $0x3  }
0x214: {  	[tilespmem:s6+$0xE000] =	vst v2;
	v2 =	vmov s9  }
0x215: {  	v5 =	vld.idx.msk [tilespmem:v56+s19+$0x0], $0xffff;
	v2 =	vor.u32 $0x2000, v2  }
0x216: {  	v6 =	vor.u32 v3, v2;
	_ =	sdelay $0x3  }
0x217: {  	[tilespmem:s6+$0xF000] =	vst v5  }
0x218: {  	v5 =	vld.idx.msk [tilespmem:v6+s19+$0x0], $0xffff  }
0x219: {  	v2 =	vor.u32 v54, v2;
	_ =	sdelay $0x3  }
0x21a: {  	v57 =	vmov s7;
	[tilespmem:s6+$0x10000] =	vst v5  }
0x21b: {  	v5 =	vor.u32 $0x2000, v57;
	v2 =	vld.idx.msk [tilespmem:v2+s19+$0x0], $0xffff  }
0x21c: {  	v3 =	vor.u32 v3, v5;
	_ =	sdelay $0x3  }
0x21d: {  	[tilespmem:s6+$0x11000] =	vst v2  }
0x21e: {  	v2 =	vld.idx.msk [tilespmem:v3+s19+$0x0], $0xffff  }
0x21f: {  	v3 =	vor.u32 v54, v5;
	_ =	sdelay $0x3  }
0x220: {  	[tilespmem:s6+$0x12000] =	vst v2  }
0x221: {  	v2 =	vld.idx.msk [tilespmem:v3+s19+$0x0], $0xffff;
	_ =	sdelay $0x1  }
0x222: {  	s18 =	sshll.u32 s13, $0x9  }
0x223: {  	s31 =	sshll.u32 s13, $0xC;
	s7 =	sand.u32 $0x3C00, s18  }
0x224: {  	s8 =	sand.u32 $0xFE0000, s31;
	s7 =	sadd.s32 s5, s7;
	s9 =	sadd.s32 $0x7, s1  }
0x225: {  	s8 =	sadd.s32 s8, s7;
	s10 =	sadd.s32 s4, s9;
	[tilespmem:s6+$0x13000] =	vst v2;
	s6 =	sshll.u32 s9, $0xB  }
0x226: {  	[hbm4b:s8+s22] =	stream.strided.scatter [tilespmem:s24], [sflag:$0x4], $0x8000, s23, s22, $0x38;
	[tilespmem:$0x1C000] =	vst v63  }
0x227: {  	s7 =	sshll.u32 s10, $0xB;
	s6 =	sand.u32 $0xF800, s6  }
0x228: {  	s7 =	sand.u32 $0x7F0000, s7;
	s6 =	sadd.s32 s2, s6  }
0x229: {  	s6 =	sadd.s32 s7, s6;
	s7 =	simm.s32 $0x0  }
0x22a: {  	[tilespmem:s19], [sflag:$0x2] =	stream.linear.gather [hbm4b:s6+s7], $0x4000, $0x38;
	[tilespmem:$0x1C000] =	vst v63  }
0x22b: {  	s13 =	sand.u32 $0x1, s7  }
0x22c: {  	s17 =	sand.u32 $0x3E, s7;
	s16 =	sshll.u32 s13, $0x5  }
0x22d: {  	_ =	swait.ge [sflag:s28], $0x4000;
	s9 =	sshll.u32 s17, $0x7;
	v2 =	vor.u32 s16, v0  }
0x22e: {  	[sflag:s28] =	ssyncset.done $0x0;
	v3 =	vor.u32 s9, v2  }
0x22f: {  	[sflag:s28] =	ssyncadd.s32 $0xFFFFC000  }
0x230: {  	_ =	swait.ge [sflag:s30], $0x8000  }
0x231: {  	[sflag:s30] =	ssyncset.done $0x0  }
0x232: {  	[sflag:s30] =	ssyncadd.s32 $0xFFFF8000  }
0x233: {  	v58 =	vor.u32 s16, v1;
	v3 =	vld.idx.msk [tilespmem:v3+s20+$0x0], $0xffff  }
0x234: {  	v59 =	vor.u32 s9, v58;
	_ =	sdelay $0x1  }
0x235: {  	s18 =	sand.u32 $0xF80, s7;
	s6 =	sshll.u32 s13, $0x4  }
0x236: {  	s8 =	sor.u32 s6, s18  }
0x237: {  	s31 =	simm.s32 $0x0;
	[tilespmem:s8+$0x14000] =	vst v3  }
0x238: {  	s6 =	sor.u32 $0x80, s31;
	v3 =	vld.idx.msk [tilespmem:v59+s20+$0x0], $0xffff  }
0x239: {  	v60 =	vor.u32 s6, v2;
	_ =	sdelay $0x3  }
0x23a: {  	[tilespmem:s8+$0x15000] =	vst v3  }
0x23b: {  	v3 =	vld.idx.msk [tilespmem:v60+s20+$0x0], $0xffff  }
0x23c: {  	v61 =	vor.u32 s6, v58;
	_ =	sdelay $0x3  }
0x23d: {  	[tilespmem:s8+$0x16000] =	vst v3;
	v3 =	vmov s9  }
0x23e: {  	v5 =	vld.idx.msk [tilespmem:v61+s20+$0x0], $0xffff;
	v3 =	vor.u32 $0x2000, v3  }
0x23f: {  	v62 =	vor.u32 v2, v3;
	_ =	sdelay $0x3  }
0x240: {  	[tilespmem:s8+$0x17000] =	vst v5  }
0x241: {  	v5 =	vld.idx.msk [tilespmem:v62+s20+$0x0], $0xffff  }
0x242: {  	v3 =	vor.u32 v58, v3;
	_ =	sdelay $0x3  }
0x243: {  	v63 =	vmov s6;
	[tilespmem:s8+$0x18000] =	vst v5  }
0x244: {  	v5 =	vor.u32 $0x2000, v63;
	v3 =	vld.idx.msk [tilespmem:v3+s20+$0x0], $0xffff  }
0x245: {  	v2 =	vor.u32 v2, v5;
	_ =	sdelay $0x3  }
0x246: {  	[tilespmem:s8+$0x19000] =	vst v3  }
0x247: {  	v3 =	vld.idx.msk [tilespmem:v2+s20+$0x0], $0xffff  }
0x248: {  	v2 =	vor.u32 v58, v5;
	_ =	sdelay $0x2  }
0x249: {  	s13 =	simm.s32 $0x1  }
0x24a: {  	s16 =	sand.u32 $0x1, s13;
	s6 =	simm.s32 $0x2;
	[tilespmem:s8+$0x1A000] =	vst v3  }
.LBB2_13:
0x24b: {  	p0 =	sne.s32 s6, $0x3F;
	s9 =	sshll.u32 s16, $0x5;
	s10 =	sand.u32 $0x3E, s13;
	v2 =	vld.idx.msk [tilespmem:v2+s20+$0x0], $0xffff  }
0x24c: {  	v3 =	vor.u32 s9, v0;
	s10 =	sshll.u32 s10, $0x7  }
0x24d: {  	v4 =	vor.u32 s10, v3;
	_ =	sdelay $0x3  }
0x24e: {  	[tilespmem:s8+$0x1B000] =	vst v2  }
0x24f: {  	v2 =	vld.idx.msk [tilespmem:v4+s20+$0x0], $0xffff  }
0x250: {  	v4 =	vor.u32 s9, v1  }
0x251: {  	v5 =	vor.u32 s10, v4  }
0x252: {  	s7 =	sadd.s32 $0x40, s7  }
0x253: {  	s8 =	sshll.u32 s16, $0x4;
	s9 =	sand.u32 $0xF80, s7  }
0x254: {  	s8 =	sor.u32 s8, s9  }
0x255: {  	[tilespmem:s8+$0x14000] =	vst v2  }
0x256: {  	s9 =	sshll.u32 s13, $0x7;
	s13 =	smov.u32 s6;
	v2 =	vld.idx.msk [tilespmem:v5+s20+$0x0], $0xffff  }
0x257: {  	s9 =	sor.u32 $0x80, s9  }
0x258: {  	v5 =	vor.u32 s9, v3;
	_ =	sdelay $0x3  }
0x259: {  	[tilespmem:s8+$0x15000] =	vst v2  }
0x25a: {  	v2 =	vld.idx.msk [tilespmem:v5+s20+$0x0], $0xffff;
	_ =	sdelay $0x1  }
0x25b: {  	v5 =	vor.u32 s9, v4;
	_ =	sdelay $0x3  }
0x25c: {  	[tilespmem:s8+$0x16000] =	vst v2  }
0x25d: {  	v2 =	vmov s10;
	v5 =	vld.idx.msk [tilespmem:v5+s20+$0x0], $0xffff  }
0x25e: {  	v2 =	vor.u32 $0x2000, v2  }
0x25f: {  	v6 =	vor.u32 v3, v2;
	_ =	sdelay $0x3  }
0x260: {  	[tilespmem:s8+$0x17000] =	vst v5  }
0x261: {  	v5 =	vld.idx.msk [tilespmem:v6+s20+$0x0], $0xffff;
	_ =	sdelay $0x1  }
0x262: {  	v2 =	vor.u32 v4, v2;
	_ =	sdelay $0x3  }
0x263: {  	[tilespmem:s8+$0x18000] =	vst v5  }
0x264: {  	v5 =	vmov s9;
	v2 =	vld.idx.msk [tilespmem:v2+s20+$0x0], $0xffff  }
0x265: {  	v5 =	vor.u32 $0x2000, v5  }
0x266: {  	v3 =	vor.u32 v3, v5;
	_ =	sdelay $0x3  }
0x267: {  	[tilespmem:s8+$0x19000] =	vst v2  }
0x268: {  	v3 =	vld.idx.msk [tilespmem:v3+s20+$0x0], $0xffff;
	_ =	sdelay $0x1  }
.Ltmp5:
0x269: {  	v2 =	vor.u32 v4, v5;
	(pc) =	sbr.rel @p0 .LBB2_13-.Ltmp5, $2  }
0x26a: {  	_ =	sdelay $0x2  }
0x26b: {  	s6 =	sadd.s32 $0x1, s6;
	s16 =	sand.u32 $0x1, s13;
	[tilespmem:s8+$0x1A000] =	vst v3  }
0x26c: {  	_ =	sdelay $0x2  }
0x26d: {  	s6 =	sshll.u32 s16, $0x5;
	s9 =	sand.u32 $0x3E, s13  }
0x26e: {  	v2 =	vld.idx.msk [tilespmem:v2+s20+$0x0], $0xffff;
	v3 =	vor.u32 s6, v0;
	s9 =	sshll.u32 s9, $0x7  }
0x26f: {  	v4 =	vor.u32 s9, v3;
	_ =	sdelay $0x3  }
0x270: {  	[tilespmem:s8+$0x1B000] =	vst v2  }
0x271: {  	v60 =	vor.u32 s6, v1;
	v2 =	vld.idx.msk [tilespmem:v4+s20+$0x0], $0xffff  }
0x272: {  	v5 =	vor.u32 s9, v60  }
0x273: {  	s8 =	sadd.s32 $0x40, s7  }
0x274: {  	s10 =	sshll.u32 s16, $0x4;
	s6 =	sand.u32 $0xF80, s8  }
0x275: {  	s6 =	sor.u32 s10, s6  }
0x276: {  	s13 =	sshll.u32 s13, $0x7;
	[tilespmem:s6+$0x14000] =	vst v2  }
0x277: {  	s7 =	sor.u32 $0x80, s13;
	v2 =	vld.idx.msk [tilespmem:v5+s20+$0x0], $0xffff  }
0x278: {  	v61 =	vor.u32 s7, v3;
	_ =	sdelay $0x3  }
0x279: {  	[tilespmem:s6+$0x15000] =	vst v2  }
0x27a: {  	v2 =	vld.idx.msk [tilespmem:v61+s20+$0x0], $0xffff  }
0x27b: {  	v62 =	vor.u32 s7, v60;
	_ =	sdelay $0x3  }
0x27c: {  	[tilespmem:s6+$0x16000] =	vst v2;
	v2 =	vmov s9  }
0x27d: {  	v5 =	vld.idx.msk [tilespmem:v62+s20+$0x0], $0xffff;
	v2 =	vor.u32 $0x2000, v2  }
0x27e: {  	v6 =	vor.u32 v3, v2;
	_ =	sdelay $0x3  }
0x27f: {  	[tilespmem:s6+$0x17000] =	vst v5  }
0x280: {  	v5 =	vld.idx.msk [tilespmem:v6+s20+$0x0], $0xffff  }
0x281: {  	v2 =	vor.u32 v60, v2;
	_ =	sdelay $0x3  }
0x282: {  	v63 =	vmov s7;
	[tilespmem:s6+$0x18000] =	vst v5  }
0x283: {  	v5 =	vor.u32 $0x2000, v63;
	v2 =	vld.idx.msk [tilespmem:v2+s20+$0x0], $0xffff  }
0x284: {  	v3 =	vor.u32 v3, v5;
	_ =	sdelay $0x3  }
0x285: {  	[tilespmem:s6+$0x19000] =	vst v2  }
0x286: {  	v2 =	vld.idx.msk [tilespmem:v3+s20+$0x0], $0xffff  }
0x287: {  	v3 =	vor.u32 v60, v5;
	_ =	sdelay $0x3  }
0x288: {  	[tilespmem:s6+$0x1A000] =	vst v2  }
0x289: {  	v2 =	vld.idx.msk [tilespmem:v3+s20+$0x0], $0xffff  }
0x28a: {  	s16 =	sshll.u32 s14, $0x9;
	s1 =	sadd.s32 s1, s12  }
0x28b: {  	s17 =	sshll.u32 s15, $0xC;
	s0 =	sadd.s32 $0x1, s0;
	s1 =	sshll.u32 s1, $0xB  }
0x28c: {  	p0 =	sne.s32 s0, $0xA;
	s31 =	sand.u32 $0x1FF000, s1;
	s7 =	sand.u32 $0x3E00, s16  }
.Ltmp6:
0x28d: {  	s8 =	sand.u32 $0xFE0000, s17;
	s7 =	sadd.s32 s5, s7;
	(pc) =	sbr.rel @p0 .LBB2_2-.Ltmp6, $4  }
0x28e: {  	s1 =	sand.u32 $0x600000, s1;
	s18 =	sadd.s32 s8, s7;
	[tilespmem:s6+$0x1B000] =	vst v2;
	s6 =	sadd.s32 s2, s31  }
0x28f: {  	[hbm4b:s18+s22] =	stream.strided.scatter [tilespmem:s26], [sflag:$0x5], $0x8000, s23, s22, $0x38;
	[tilespmem:$0x1C000] =	vst v63  }
0x290: {  	s1 =	sadd.s32 s1, s6  }
0x291: {  	[tilespmem:s20], [sflag:$0x3] =	stream.linear.gather [hbm4b:s1+s3], $0x4000, $0x38;
	[tilespmem:$0x1C000] =	vst v63  }
0x292: {  	s0 =	simm.s32 $0x0  }
0x293: {  	s1 =	sand.u32 $0x1, s0  }
0x294: {  	s7 =	sand.u32 $0x3E, s0;
	s6 =	sshll.u32 s1, $0x5  }
0x295: {  	_ =	swait.ge [sflag:s21], $0x4000;
	s7 =	sshll.u32 s7, $0x7;
	v2 =	vor.u32 s6, v0  }
0x296: {  	[sflag:s21] =	ssyncset.done $0x0;
	v3 =	vor.u32 s7, v2  }
0x297: {  	[sflag:s21] =	ssyncadd.s32 $0xFFFFC000  }
0x298: {  	_ =	swait.ge [sflag:s29], $0x8000  }
0x299: {  	[sflag:s29] =	ssyncset.done $0x0  }
0x29a: {  	[sflag:s29] =	ssyncadd.s32 $0xFFFF8000  }
0x29b: {  	v4 =	vor.u32 s6, v1;
	v3 =	vld.idx.msk [tilespmem:v3+s3+$0x0], $0xffff  }
0x29c: {  	v5 =	vor.u32 s7, v4;
	_ =	sdelay $0x1  }
0x29d: {  	s18 =	sand.u32 $0xF80, s0;
	s1 =	sshll.u32 s1, $0x4  }
0x29e: {  	s1 =	sor.u32 s1, s18  }
0x29f: {  	s31 =	simm.s32 $0x0;
	[tilespmem:s1+$0xC000] =	vst v3  }
0x2a0: {  	s6 =	sor.u32 $0x80, s31;
	v3 =	vld.idx.msk [tilespmem:v5+s3+$0x0], $0xffff  }
0x2a1: {  	v61 =	vor.u32 s6, v2;
	_ =	sdelay $0x3  }
0x2a2: {  	[tilespmem:s1+$0xD000] =	vst v3  }
0x2a3: {  	v3 =	vld.idx.msk [tilespmem:v61+s3+$0x0], $0xffff  }
0x2a4: {  	v62 =	vor.u32 s6, v4;
	_ =	sdelay $0x3  }
0x2a5: {  	[tilespmem:s1+$0xE000] =	vst v3;
	v3 =	vmov s7  }
0x2a6: {  	v5 =	vld.idx.msk [tilespmem:v62+s3+$0x0], $0xffff;
	v3 =	vor.u32 $0x2000, v3  }
0x2a7: {  	v6 =	vor.u32 v2, v3;
	_ =	sdelay $0x3  }
0x2a8: {  	[tilespmem:s1+$0xF000] =	vst v5  }
0x2a9: {  	v5 =	vld.idx.msk [tilespmem:v6+s3+$0x0], $0xffff  }
0x2aa: {  	v3 =	vor.u32 v4, v3;
	_ =	sdelay $0x3  }
0x2ab: {  	v63 =	vmov s6;
	[tilespmem:s1+$0x10000] =	vst v5  }
0x2ac: {  	v5 =	vor.u32 $0x2000, v63;
	v3 =	vld.idx.msk [tilespmem:v3+s3+$0x0], $0xffff  }
0x2ad: {  	v2 =	vor.u32 v2, v5;
	_ =	sdelay $0x3  }
0x2ae: {  	[tilespmem:s1+$0x11000] =	vst v3  }
0x2af: {  	v3 =	vld.idx.msk [tilespmem:v2+s3+$0x0], $0xffff  }
0x2b0: {  	v2 =	vor.u32 v4, v5;
	_ =	sdelay $0x2  }
0x2b1: {  	s7 =	simm.s32 $0x1  }
0x2b2: {  	s6 =	simm.s32 $0x2;
	s8 =	sand.u32 $0x1, s7;
	[tilespmem:s1+$0x12000] =	vst v3  }
.LBB2_16:
0x2b3: {  	p0 =	sne.s32 s6, $0x3F;
	s9 =	sshll.u32 s8, $0x5;
	s10 =	sand.u32 $0x3E, s7;
	v2 =	vld.idx.msk [tilespmem:v2+s3+$0x0], $0xffff  }
0x2b4: {  	v3 =	vor.u32 s9, v0;
	s10 =	sshll.u32 s10, $0x7  }
0x2b5: {  	v4 =	vor.u32 s10, v3;
	_ =	sdelay $0x3  }
0x2b6: {  	[tilespmem:s1+$0x13000] =	vst v2  }
0x2b7: {  	v2 =	vld.idx.msk [tilespmem:v4+s3+$0x0], $0xffff  }
0x2b8: {  	v4 =	vor.u32 s9, v1  }
0x2b9: {  	v5 =	vor.u32 s10, v4  }
0x2ba: {  	s0 =	sadd.s32 $0x40, s0  }
0x2bb: {  	s1 =	sshll.u32 s8, $0x4;
	s8 =	sand.u32 $0xF80, s0  }
0x2bc: {  	s1 =	sor.u32 s1, s8  }
0x2bd: {  	[tilespmem:s1+$0xC000] =	vst v2  }
0x2be: {  	s8 =	sshll.u32 s7, $0x7;
	s7 =	smov.u32 s6;
	v2 =	vld.idx.msk [tilespmem:v5+s3+$0x0], $0xffff  }
0x2bf: {  	s8 =	sor.u32 $0x80, s8  }
0x2c0: {  	v5 =	vor.u32 s8, v3;
	_ =	sdelay $0x3  }
0x2c1: {  	[tilespmem:s1+$0xD000] =	vst v2  }
0x2c2: {  	v2 =	vld.idx.msk [tilespmem:v5+s3+$0x0], $0xffff;
	_ =	sdelay $0x1  }
0x2c3: {  	v5 =	vor.u32 s8, v4;
	_ =	sdelay $0x3  }
0x2c4: {  	[tilespmem:s1+$0xE000] =	vst v2  }
0x2c5: {  	v2 =	vmov s10;
	v5 =	vld.idx.msk [tilespmem:v5+s3+$0x0], $0xffff  }
0x2c6: {  	v2 =	vor.u32 $0x2000, v2  }
0x2c7: {  	v6 =	vor.u32 v3, v2;
	_ =	sdelay $0x3  }
0x2c8: {  	[tilespmem:s1+$0xF000] =	vst v5  }
0x2c9: {  	v5 =	vld.idx.msk [tilespmem:v6+s3+$0x0], $0xffff;
	_ =	sdelay $0x1  }
0x2ca: {  	v2 =	vor.u32 v4, v2;
	_ =	sdelay $0x3  }
0x2cb: {  	[tilespmem:s1+$0x10000] =	vst v5  }
0x2cc: {  	v5 =	vmov s8;
	v2 =	vld.idx.msk [tilespmem:v2+s3+$0x0], $0xffff  }
0x2cd: {  	v5 =	vor.u32 $0x2000, v5  }
0x2ce: {  	v3 =	vor.u32 v3, v5;
	_ =	sdelay $0x3  }
0x2cf: {  	[tilespmem:s1+$0x11000] =	vst v2  }
0x2d0: {  	v3 =	vld.idx.msk [tilespmem:v3+s3+$0x0], $0xffff;
	_ =	sdelay $0x1  }
.Ltmp7:
0x2d1: {  	v2 =	vor.u32 v4, v5;
	(pc) =	sbr.rel @p0 .LBB2_16-.Ltmp7, $2  }
0x2d2: {  	_ =	sdelay $0x2  }
0x2d3: {  	s6 =	sadd.s32 $0x1, s6;
	s8 =	sand.u32 $0x1, s7;
	[tilespmem:s1+$0x12000] =	vst v3  }
0x2d4: {  	_ =	sdelay $0x2  }
0x2d5: {  	s6 =	sshll.u32 s8, $0x5;
	s9 =	sand.u32 $0x3E, s7  }
0x2d6: {  	v2 =	vld.idx.msk [tilespmem:v2+s3+$0x0], $0xffff;
	v3 =	vor.u32 s6, v0;
	s9 =	sshll.u32 s9, $0x7  }
0x2d7: {  	v4 =	vor.u32 s9, v3;
	_ =	sdelay $0x3  }
0x2d8: {  	[tilespmem:s1+$0x13000] =	vst v2  }
0x2d9: {  	v54 =	vor.u32 s6, v1;
	v2 =	vld.idx.msk [tilespmem:v4+s3+$0x0], $0xffff  }
0x2da: {  	v5 =	vor.u32 s9, v54  }
0x2db: {  	s0 =	sadd.s32 $0x40, s0  }
0x2dc: {  	s8 =	sshll.u32 s8, $0x4;
	s0 =	sand.u32 $0xF80, s0  }
0x2dd: {  	s0 =	sor.u32 s8, s0  }
0x2de: {  	s10 =	sshll.u32 s7, $0x7;
	[tilespmem:s0+$0xC000] =	vst v2  }
0x2df: {  	s1 =	sor.u32 $0x80, s10;
	v2 =	vld.idx.msk [tilespmem:v5+s3+$0x0], $0xffff  }
0x2e0: {  	v55 =	vor.u32 s1, v3;
	_ =	sdelay $0x3  }
0x2e1: {  	[tilespmem:s0+$0xD000] =	vst v2  }
0x2e2: {  	v2 =	vld.idx.msk [tilespmem:v55+s3+$0x0], $0xffff  }
0x2e3: {  	v56 =	vor.u32 s1, v54;
	_ =	sdelay $0x3  }
0x2e4: {  	[tilespmem:s0+$0xE000] =	vst v2;
	v2 =	vmov s9  }
0x2e5: {  	v5 =	vld.idx.msk [tilespmem:v56+s3+$0x0], $0xffff;
	v2 =	vor.u32 $0x2000, v2  }
0x2e6: {  	v6 =	vor.u32 v3, v2;
	_ =	sdelay $0x3  }
0x2e7: {  	[tilespmem:s0+$0xF000] =	vst v5  }
0x2e8: {  	v5 =	vld.idx.msk [tilespmem:v6+s3+$0x0], $0xffff  }
0x2e9: {  	v2 =	vor.u32 v54, v2;
	_ =	sdelay $0x3  }
0x2ea: {  	v57 =	vmov s1;
	[tilespmem:s0+$0x10000] =	vst v5  }
0x2eb: {  	v5 =	vor.u32 $0x2000, v57;
	v2 =	vld.idx.msk [tilespmem:v2+s3+$0x0], $0xffff  }
0x2ec: {  	v3 =	vor.u32 v3, v5;
	_ =	sdelay $0x3  }
0x2ed: {  	[tilespmem:s0+$0x11000] =	vst v2  }
0x2ee: {  	v2 =	vld.idx.msk [tilespmem:v3+s3+$0x0], $0xffff  }
0x2ef: {  	v3 =	vor.u32 v54, v5;
	_ =	sdelay $0x3  }
0x2f0: {  	[tilespmem:s0+$0x12000] =	vst v2  }
0x2f1: {  	v2 =	vld.idx.msk [tilespmem:v3+s3+$0x0], $0xffff;
	_ =	sdelay $0x4  }
0x2f2: {  	s13 =	rddreg [dreg:$0x8];
	[tilespmem:s0+$0x13000] =	vst v2;
	s0 =	simm.s32 $0x0  }
0x2f3: {  	[hbm4b:s13+s22] =	stream.strided.scatter [tilespmem:s24], [sflag:$0x4], $0x8000, s23, s22, $0x38;
	[tilespmem:$0x1C000] =	vst v63  }
0x2f4: {  	s15 =	sand.u32 $0x1, s0  }
0x2f5: {  	s14 =	rddreg [dreg:$0x9];
	s17 =	sand.u32 $0x3E, s0;
	s16 =	sshll.u32 s15, $0x5  }
0x2f6: {  	[tilespmem:s0], [sflag:$0x1] =	stream.linear.gather [hbm4b:s14+s0], $0x4000, $0x38;
	[tilespmem:$0x1C000] =	vst v63  }
0x2f7: {  	s7 =	sshll.u32 s17, $0x7;
	v2 =	vor.u32 s16, v0;
	_ =	swait.ge [sflag:s25], $0x4000  }
0x2f8: {  	v3 =	vor.u32 s7, v2;
	[sflag:s25] =	ssyncset.done $0x0  }
0x2f9: {  	[sflag:s25] =	ssyncadd.s32 $0xFFFFC000  }
0x2fa: {  	_ =	swait.ge [sflag:s30], $0x8000  }
0x2fb: {  	[sflag:s30] =	ssyncset.done $0x0  }
0x2fc: {  	[sflag:s30] =	ssyncadd.s32 $0xFFFF8000  }
0x2fd: {  	v58 =	vor.u32 s16, v1;
	v3 =	vld.idx.msk [tilespmem:v3+s19+$0x0], $0xffff  }
0x2fe: {  	v59 =	vor.u32 s7, v58;
	_ =	sdelay $0x1  }
0x2ff: {  	s18 =	sand.u32 $0xF80, s0;
	s1 =	sshll.u32 s15, $0x4  }
0x300: {  	s1 =	sor.u32 s1, s18  }
0x301: {  	s31 =	simm.s32 $0x0;
	[tilespmem:s1+$0x14000] =	vst v3  }
0x302: {  	s6 =	sor.u32 $0x80, s31;
	v3 =	vld.idx.msk [tilespmem:v59+s19+$0x0], $0xffff  }
0x303: {  	v60 =	vor.u32 s6, v2;
	_ =	sdelay $0x3  }
0x304: {  	[tilespmem:s1+$0x15000] =	vst v3  }
0x305: {  	v3 =	vld.idx.msk [tilespmem:v60+s19+$0x0], $0xffff  }
0x306: {  	v61 =	vor.u32 s6, v58;
	_ =	sdelay $0x3  }
0x307: {  	[tilespmem:s1+$0x16000] =	vst v3;
	v3 =	vmov s7  }
0x308: {  	v5 =	vld.idx.msk [tilespmem:v61+s19+$0x0], $0xffff;
	v3 =	vor.u32 $0x2000, v3  }
0x309: {  	v62 =	vor.u32 v2, v3;
	_ =	sdelay $0x3  }
0x30a: {  	[tilespmem:s1+$0x17000] =	vst v5  }
0x30b: {  	v5 =	vld.idx.msk [tilespmem:v62+s19+$0x0], $0xffff  }
0x30c: {  	v3 =	vor.u32 v58, v3;
	_ =	sdelay $0x3  }
0x30d: {  	v63 =	vmov s6;
	[tilespmem:s1+$0x18000] =	vst v5  }
0x30e: {  	v5 =	vor.u32 $0x2000, v63;
	v3 =	vld.idx.msk [tilespmem:v3+s19+$0x0], $0xffff  }
0x30f: {  	v2 =	vor.u32 v2, v5;
	_ =	sdelay $0x3  }
0x310: {  	[tilespmem:s1+$0x19000] =	vst v3  }
0x311: {  	v3 =	vld.idx.msk [tilespmem:v2+s19+$0x0], $0xffff  }
0x312: {  	v2 =	vor.u32 v58, v5;
	_ =	sdelay $0x2  }
0x313: {  	s7 =	simm.s32 $0x1  }
0x314: {  	s6 =	simm.s32 $0x2;
	s8 =	sand.u32 $0x1, s7;
	[tilespmem:s1+$0x1A000] =	vst v3  }
.LBB2_18:
0x315: {  	p0 =	sne.s32 s6, $0x3F;
	s9 =	sshll.u32 s8, $0x5;
	s10 =	sand.u32 $0x3E, s7;
	v2 =	vld.idx.msk [tilespmem:v2+s19+$0x0], $0xffff  }
0x316: {  	v3 =	vor.u32 s9, v0;
	s10 =	sshll.u32 s10, $0x7  }
0x317: {  	v4 =	vor.u32 s10, v3;
	_ =	sdelay $0x3  }
0x318: {  	[tilespmem:s1+$0x1B000] =	vst v2  }
0x319: {  	v2 =	vld.idx.msk [tilespmem:v4+s19+$0x0], $0xffff  }
0x31a: {  	v4 =	vor.u32 s9, v1  }
0x31b: {  	v5 =	vor.u32 s10, v4  }
0x31c: {  	s0 =	sadd.s32 $0x40, s0  }
0x31d: {  	s1 =	sshll.u32 s8, $0x4;
	s8 =	sand.u32 $0xF80, s0  }
0x31e: {  	s1 =	sor.u32 s1, s8  }
0x31f: {  	[tilespmem:s1+$0x14000] =	vst v2  }
0x320: {  	s8 =	sshll.u32 s7, $0x7;
	s7 =	smov.u32 s6;
	v2 =	vld.idx.msk [tilespmem:v5+s19+$0x0], $0xffff  }
0x321: {  	s8 =	sor.u32 $0x80, s8  }
0x322: {  	v5 =	vor.u32 s8, v3;
	_ =	sdelay $0x3  }
0x323: {  	[tilespmem:s1+$0x15000] =	vst v2  }
0x324: {  	v2 =	vld.idx.msk [tilespmem:v5+s19+$0x0], $0xffff;
	_ =	sdelay $0x1  }
0x325: {  	v5 =	vor.u32 s8, v4;
	_ =	sdelay $0x3  }
0x326: {  	[tilespmem:s1+$0x16000] =	vst v2  }
0x327: {  	v2 =	vmov s10;
	v5 =	vld.idx.msk [tilespmem:v5+s19+$0x0], $0xffff  }
0x328: {  	v2 =	vor.u32 $0x2000, v2  }
0x329: {  	v6 =	vor.u32 v3, v2;
	_ =	sdelay $0x3  }
0x32a: {  	[tilespmem:s1+$0x17000] =	vst v5  }
0x32b: {  	v5 =	vld.idx.msk [tilespmem:v6+s19+$0x0], $0xffff;
	_ =	sdelay $0x1  }
0x32c: {  	v2 =	vor.u32 v4, v2;
	_ =	sdelay $0x3  }
0x32d: {  	[tilespmem:s1+$0x18000] =	vst v5  }
0x32e: {  	v5 =	vmov s8;
	v2 =	vld.idx.msk [tilespmem:v2+s19+$0x0], $0xffff  }
0x32f: {  	v5 =	vor.u32 $0x2000, v5  }
0x330: {  	v3 =	vor.u32 v3, v5;
	_ =	sdelay $0x3  }
0x331: {  	[tilespmem:s1+$0x19000] =	vst v2  }
0x332: {  	v3 =	vld.idx.msk [tilespmem:v3+s19+$0x0], $0xffff;
	_ =	sdelay $0x1  }
.Ltmp8:
0x333: {  	v2 =	vor.u32 v4, v5;
	(pc) =	sbr.rel @p0 .LBB2_18-.Ltmp8, $2  }
0x334: {  	_ =	sdelay $0x2  }
0x335: {  	s6 =	sadd.s32 $0x1, s6;
	s8 =	sand.u32 $0x1, s7;
	[tilespmem:s1+$0x1A000] =	vst v3  }
0x336: {  	_ =	sdelay $0x2  }
0x337: {  	s6 =	sshll.u32 s8, $0x5;
	s9 =	sand.u32 $0x3E, s7  }
0x338: {  	v2 =	vld.idx.msk [tilespmem:v2+s19+$0x0], $0xffff;
	v3 =	vor.u32 s6, v0;
	s9 =	sshll.u32 s9, $0x7  }
0x339: {  	v4 =	vor.u32 s9, v3;
	_ =	sdelay $0x3  }
0x33a: {  	[tilespmem:s1+$0x1B000] =	vst v2  }
0x33b: {  	v54 =	vor.u32 s6, v1;
	v2 =	vld.idx.msk [tilespmem:v4+s19+$0x0], $0xffff  }
0x33c: {  	v5 =	vor.u32 s9, v54  }
0x33d: {  	s0 =	sadd.s32 $0x40, s0  }
0x33e: {  	s10 =	sshll.u32 s8, $0x4;
	s0 =	sand.u32 $0xF80, s0  }
0x33f: {  	s0 =	sor.u32 s10, s0  }
0x340: {  	s13 =	sshll.u32 s7, $0x7;
	[tilespmem:s0+$0x14000] =	vst v2  }
0x341: {  	s1 =	sor.u32 $0x80, s13;
	v2 =	vld.idx.msk [tilespmem:v5+s19+$0x0], $0xffff  }
0x342: {  	v55 =	vor.u32 s1, v3;
	_ =	sdelay $0x3  }
0x343: {  	[tilespmem:s0+$0x15000] =	vst v2  }
0x344: {  	v2 =	vld.idx.msk [tilespmem:v55+s19+$0x0], $0xffff  }
0x345: {  	v56 =	vor.u32 s1, v54;
	_ =	sdelay $0x3  }
0x346: {  	[tilespmem:s0+$0x16000] =	vst v2;
	v2 =	vmov s9  }
0x347: {  	v5 =	vld.idx.msk [tilespmem:v56+s19+$0x0], $0xffff;
	v2 =	vor.u32 $0x2000, v2  }
0x348: {  	v6 =	vor.u32 v3, v2;
	_ =	sdelay $0x3  }
0x349: {  	[tilespmem:s0+$0x17000] =	vst v5  }
0x34a: {  	v5 =	vld.idx.msk [tilespmem:v6+s19+$0x0], $0xffff  }
0x34b: {  	v2 =	vor.u32 v54, v2;
	_ =	sdelay $0x3  }
0x34c: {  	v57 =	vmov s1;
	[tilespmem:s0+$0x18000] =	vst v5  }
0x34d: {  	v5 =	vor.u32 $0x2000, v57;
	v2 =	vld.idx.msk [tilespmem:v2+s19+$0x0], $0xffff  }
0x34e: {  	v3 =	vor.u32 v3, v5;
	_ =	sdelay $0x3  }
0x34f: {  	[tilespmem:s0+$0x19000] =	vst v2  }
0x350: {  	v2 =	vld.idx.msk [tilespmem:v3+s19+$0x0], $0xffff  }
0x351: {  	v3 =	vor.u32 v54, v5;
	_ =	sdelay $0x3  }
0x352: {  	[tilespmem:s0+$0x1A000] =	vst v2  }
0x353: {  	v2 =	vld.idx.msk [tilespmem:v3+s19+$0x0], $0xffff;
	_ =	sdelay $0x4  }
0x354: {  	s14 =	rddreg [dreg:$0xa];
	[tilespmem:s0+$0x1B000] =	vst v2;
	s0 =	simm.s32 $0x0  }
0x355: {  	[hbm4b:s14+s22] =	stream.strided.scatter [tilespmem:s26], [sflag:$0x5], $0x8000, s23, s22, $0x38;
	[tilespmem:$0x1C000] =	vst v63  }
0x356: {  	s15 =	sand.u32 $0x1, s0  }
0x357: {  	s17 =	sand.u32 $0x3E, s0;
	s16 =	sshll.u32 s15, $0x5  }
0x358: {  	_ =	swait.ge [sflag:s28], $0x4000;
	s7 =	sshll.u32 s17, $0x7;
	v2 =	vor.u32 s16, v0  }
0x359: {  	[sflag:s28] =	ssyncset.done $0x0;
	v3 =	vor.u32 s7, v2  }
0x35a: {  	[sflag:s28] =	ssyncadd.s32 $0xFFFFC000  }
0x35b: {  	_ =	swait.ge [sflag:s29], $0x8000  }
0x35c: {  	[sflag:s29] =	ssyncset.done $0x0  }
0x35d: {  	[sflag:s29] =	ssyncadd.s32 $0xFFFF8000  }
0x35e: {  	v58 =	vor.u32 s16, v1;
	v3 =	vld.idx.msk [tilespmem:v3+s20+$0x0], $0xffff  }
0x35f: {  	v59 =	vor.u32 s7, v58;
	_ =	sdelay $0x1  }
0x360: {  	s18 =	sand.u32 $0xF80, s0;
	s1 =	sshll.u32 s15, $0x4  }
0x361: {  	s1 =	sor.u32 s1, s18  }
0x362: {  	s31 =	simm.s32 $0x0;
	[tilespmem:s1+$0xC000] =	vst v3  }
0x363: {  	s6 =	sor.u32 $0x80, s31;
	v3 =	vld.idx.msk [tilespmem:v59+s20+$0x0], $0xffff  }
0x364: {  	v60 =	vor.u32 s6, v2;
	_ =	sdelay $0x3  }
0x365: {  	[tilespmem:s1+$0xD000] =	vst v3  }
0x366: {  	v3 =	vld.idx.msk [tilespmem:v60+s20+$0x0], $0xffff  }
0x367: {  	v61 =	vor.u32 s6, v58;
	_ =	sdelay $0x3  }
0x368: {  	[tilespmem:s1+$0xE000] =	vst v3;
	v3 =	vmov s7  }
0x369: {  	v5 =	vld.idx.msk [tilespmem:v61+s20+$0x0], $0xffff;
	v3 =	vor.u32 $0x2000, v3  }
0x36a: {  	v62 =	vor.u32 v2, v3;
	_ =	sdelay $0x3  }
0x36b: {  	[tilespmem:s1+$0xF000] =	vst v5  }
0x36c: {  	v5 =	vld.idx.msk [tilespmem:v62+s20+$0x0], $0xffff  }
0x36d: {  	v3 =	vor.u32 v58, v3;
	_ =	sdelay $0x3  }
0x36e: {  	v63 =	vmov s6;
	[tilespmem:s1+$0x10000] =	vst v5  }
0x36f: {  	v5 =	vor.u32 $0x2000, v63;
	v3 =	vld.idx.msk [tilespmem:v3+s20+$0x0], $0xffff  }
0x370: {  	v2 =	vor.u32 v2, v5;
	_ =	sdelay $0x3  }
0x371: {  	[tilespmem:s1+$0x11000] =	vst v3  }
0x372: {  	v3 =	vld.idx.msk [tilespmem:v2+s20+$0x0], $0xffff  }
0x373: {  	v2 =	vor.u32 v58, v5;
	_ =	sdelay $0x2  }
0x374: {  	s7 =	simm.s32 $0x1  }
0x375: {  	s6 =	simm.s32 $0x2;
	s8 =	sand.u32 $0x1, s7;
	[tilespmem:s1+$0x12000] =	vst v3  }
.LBB2_20:
0x376: {  	p0 =	sne.s32 s6, $0x3F;
	s9 =	sshll.u32 s8, $0x5;
	s10 =	sand.u32 $0x3E, s7;
	v2 =	vld.idx.msk [tilespmem:v2+s20+$0x0], $0xffff  }
0x377: {  	v3 =	vor.u32 s9, v0;
	s10 =	sshll.u32 s10, $0x7  }
0x378: {  	v4 =	vor.u32 s10, v3;
	_ =	sdelay $0x3  }
0x379: {  	[tilespmem:s1+$0x13000] =	vst v2  }
0x37a: {  	v2 =	vld.idx.msk [tilespmem:v4+s20+$0x0], $0xffff  }
0x37b: {  	v4 =	vor.u32 s9, v1  }
0x37c: {  	v5 =	vor.u32 s10, v4  }
0x37d: {  	s0 =	sadd.s32 $0x40, s0  }
0x37e: {  	s1 =	sshll.u32 s8, $0x4;
	s8 =	sand.u32 $0xF80, s0  }
0x37f: {  	s1 =	sor.u32 s1, s8  }
0x380: {  	[tilespmem:s1+$0xC000] =	vst v2  }
0x381: {  	s8 =	sshll.u32 s7, $0x7;
	s7 =	smov.u32 s6;
	v2 =	vld.idx.msk [tilespmem:v5+s20+$0x0], $0xffff  }
0x382: {  	s8 =	sor.u32 $0x80, s8  }
0x383: {  	v5 =	vor.u32 s8, v3;
	_ =	sdelay $0x3  }
0x384: {  	[tilespmem:s1+$0xD000] =	vst v2  }
0x385: {  	v2 =	vld.idx.msk [tilespmem:v5+s20+$0x0], $0xffff;
	_ =	sdelay $0x1  }
0x386: {  	v5 =	vor.u32 s8, v4;
	_ =	sdelay $0x3  }
0x387: {  	[tilespmem:s1+$0xE000] =	vst v2  }
0x388: {  	v2 =	vmov s10;
	v5 =	vld.idx.msk [tilespmem:v5+s20+$0x0], $0xffff  }
0x389: {  	v2 =	vor.u32 $0x2000, v2  }
0x38a: {  	v6 =	vor.u32 v3, v2;
	_ =	sdelay $0x3  }
0x38b: {  	[tilespmem:s1+$0xF000] =	vst v5  }
0x38c: {  	v5 =	vld.idx.msk [tilespmem:v6+s20+$0x0], $0xffff;
	_ =	sdelay $0x1  }
0x38d: {  	v2 =	vor.u32 v4, v2;
	_ =	sdelay $0x3  }
0x38e: {  	[tilespmem:s1+$0x10000] =	vst v5  }
0x38f: {  	v5 =	vmov s8;
	v2 =	vld.idx.msk [tilespmem:v2+s20+$0x0], $0xffff  }
0x390: {  	v5 =	vor.u32 $0x2000, v5  }
0x391: {  	v3 =	vor.u32 v3, v5;
	_ =	sdelay $0x3  }
0x392: {  	[tilespmem:s1+$0x11000] =	vst v2  }
0x393: {  	v3 =	vld.idx.msk [tilespmem:v3+s20+$0x0], $0xffff;
	_ =	sdelay $0x1  }
.Ltmp9:
0x394: {  	v2 =	vor.u32 v4, v5;
	(pc) =	sbr.rel @p0 .LBB2_20-.Ltmp9, $2  }
0x395: {  	_ =	sdelay $0x2  }
0x396: {  	s6 =	sadd.s32 $0x1, s6;
	s8 =	sand.u32 $0x1, s7;
	[tilespmem:s1+$0x12000] =	vst v3  }
0x397: {  	_ =	sdelay $0x2  }
0x398: {  	s6 =	sshll.u32 s8, $0x5;
	s9 =	sand.u32 $0x3E, s7  }
0x399: {  	v2 =	vld.idx.msk [tilespmem:v2+s20+$0x0], $0xffff;
	v3 =	vor.u32 s6, v0;
	s9 =	sshll.u32 s9, $0x7  }
0x39a: {  	v4 =	vor.u32 s9, v3;
	_ =	sdelay $0x3  }
0x39b: {  	[tilespmem:s1+$0x13000] =	vst v2  }
0x39c: {  	v54 =	vor.u32 s6, v1;
	v2 =	vld.idx.msk [tilespmem:v4+s20+$0x0], $0xffff  }
0x39d: {  	v5 =	vor.u32 s9, v54  }
0x39e: {  	s0 =	sadd.s32 $0x40, s0  }
0x39f: {  	s10 =	sshll.u32 s8, $0x4;
	s0 =	sand.u32 $0xF80, s0  }
0x3a0: {  	s0 =	sor.u32 s10, s0  }
0x3a1: {  	s13 =	sshll.u32 s7, $0x7;
	[tilespmem:s0+$0xC000] =	vst v2  }
0x3a2: {  	s1 =	sor.u32 $0x80, s13;
	v2 =	vld.idx.msk [tilespmem:v5+s20+$0x0], $0xffff  }
0x3a3: {  	v55 =	vor.u32 s1, v3;
	_ =	sdelay $0x3  }
0x3a4: {  	[tilespmem:s0+$0xD000] =	vst v2  }
0x3a5: {  	v2 =	vld.idx.msk [tilespmem:v55+s20+$0x0], $0xffff  }
0x3a6: {  	v56 =	vor.u32 s1, v54;
	_ =	sdelay $0x3  }
0x3a7: {  	[tilespmem:s0+$0xE000] =	vst v2;
	v2 =	vmov s9  }
0x3a8: {  	v5 =	vld.idx.msk [tilespmem:v56+s20+$0x0], $0xffff;
	v2 =	vor.u32 $0x2000, v2  }
0x3a9: {  	v6 =	vor.u32 v3, v2;
	_ =	sdelay $0x3  }
0x3aa: {  	[tilespmem:s0+$0xF000] =	vst v5  }
0x3ab: {  	v5 =	vld.idx.msk [tilespmem:v6+s20+$0x0], $0xffff  }
0x3ac: {  	v2 =	vor.u32 v54, v2;
	_ =	sdelay $0x3  }
0x3ad: {  	v57 =	vmov s1;
	[tilespmem:s0+$0x10000] =	vst v5  }
0x3ae: {  	v5 =	vor.u32 $0x2000, v57;
	v2 =	vld.idx.msk [tilespmem:v2+s20+$0x0], $0xffff  }
0x3af: {  	v3 =	vor.u32 v3, v5;
	_ =	sdelay $0x3  }
0x3b0: {  	[tilespmem:s0+$0x11000] =	vst v2  }
0x3b1: {  	v2 =	vld.idx.msk [tilespmem:v3+s20+$0x0], $0xffff  }
0x3b2: {  	v3 =	vor.u32 v54, v5;
	_ =	sdelay $0x3  }
0x3b3: {  	[tilespmem:s0+$0x12000] =	vst v2  }
0x3b4: {  	v2 =	vld.idx.msk [tilespmem:v3+s20+$0x0], $0xffff;
	_ =	sdelay $0x4  }
0x3b5: {  	s14 =	rddreg [dreg:$0xb];
	[tilespmem:s0+$0x13000] =	vst v2;
	s0 =	simm.s32 $0x0  }
0x3b6: {  	[hbm4b:s14+s22] =	stream.strided.scatter [tilespmem:s24], [sflag:$0x4], $0x8000, s23, s22, $0x38;
	[tilespmem:$0x1C000] =	vst v63  }
0x3b7: {  	s15 =	sand.u32 $0x1, s0  }
0x3b8: {  	s17 =	sand.u32 $0x3E, s0;
	s16 =	sshll.u32 s15, $0x5  }
0x3b9: {  	_ =	swait.ge [sflag:s21], $0x4000;
	s7 =	sshll.u32 s17, $0x7;
	v2 =	vor.u32 s16, v0  }
0x3ba: {  	[sflag:s21] =	ssyncset.done $0x0;
	v3 =	vor.u32 s7, v2  }
0x3bb: {  	[sflag:s21] =	ssyncadd.s32 $0xFFFFC000  }
0x3bc: {  	_ =	swait.ge [sflag:s30], $0x8000  }
0x3bd: {  	[sflag:s30] =	ssyncset.done $0x0  }
0x3be: {  	[sflag:s30] =	ssyncadd.s32 $0xFFFF8000  }
0x3bf: {  	v58 =	vor.u32 s16, v1;
	v3 =	vld.idx.msk [tilespmem:v3+s3+$0x0], $0xffff  }
0x3c0: {  	v59 =	vor.u32 s7, v58;
	_ =	sdelay $0x1  }
0x3c1: {  	s18 =	sand.u32 $0xF80, s0;
	s1 =	sshll.u32 s15, $0x4  }
0x3c2: {  	s1 =	sor.u32 s1, s18  }
0x3c3: {  	s31 =	simm.s32 $0x0;
	[tilespmem:s1+$0x14000] =	vst v3  }
0x3c4: {  	s6 =	sor.u32 $0x80, s31;
	v3 =	vld.idx.msk [tilespmem:v59+s3+$0x0], $0xffff  }
0x3c5: {  	v60 =	vor.u32 s6, v2;
	_ =	sdelay $0x3  }
0x3c6: {  	[tilespmem:s1+$0x15000] =	vst v3  }
0x3c7: {  	v3 =	vld.idx.msk [tilespmem:v60+s3+$0x0], $0xffff  }
0x3c8: {  	v61 =	vor.u32 s6, v58;
	_ =	sdelay $0x3  }
0x3c9: {  	[tilespmem:s1+$0x16000] =	vst v3;
	v3 =	vmov s7  }
0x3ca: {  	v5 =	vld.idx.msk [tilespmem:v61+s3+$0x0], $0xffff;
	v3 =	vor.u32 $0x2000, v3  }
0x3cb: {  	v62 =	vor.u32 v2, v3;
	_ =	sdelay $0x3  }
0x3cc: {  	[tilespmem:s1+$0x17000] =	vst v5  }
0x3cd: {  	v5 =	vld.idx.msk [tilespmem:v62+s3+$0x0], $0xffff  }
0x3ce: {  	v3 =	vor.u32 v58, v3;
	_ =	sdelay $0x3  }
0x3cf: {  	v63 =	vmov s6;
	[tilespmem:s1+$0x18000] =	vst v5  }
0x3d0: {  	v5 =	vor.u32 $0x2000, v63;
	v3 =	vld.idx.msk [tilespmem:v3+s3+$0x0], $0xffff  }
0x3d1: {  	v2 =	vor.u32 v2, v5;
	_ =	sdelay $0x3  }
0x3d2: {  	[tilespmem:s1+$0x19000] =	vst v3  }
0x3d3: {  	v3 =	vld.idx.msk [tilespmem:v2+s3+$0x0], $0xffff  }
0x3d4: {  	v2 =	vor.u32 v58, v5;
	_ =	sdelay $0x2  }
0x3d5: {  	s7 =	simm.s32 $0x1  }
0x3d6: {  	s6 =	simm.s32 $0x2;
	s8 =	sand.u32 $0x1, s7;
	[tilespmem:s1+$0x1A000] =	vst v3  }
.LBB2_22:
0x3d7: {  	p0 =	sne.s32 s6, $0x3F;
	s9 =	sshll.u32 s8, $0x5;
	s10 =	sand.u32 $0x3E, s7;
	v2 =	vld.idx.msk [tilespmem:v2+s3+$0x0], $0xffff  }
0x3d8: {  	v3 =	vor.u32 s9, v0;
	s10 =	sshll.u32 s10, $0x7  }
0x3d9: {  	v4 =	vor.u32 s10, v3;
	_ =	sdelay $0x3  }
0x3da: {  	[tilespmem:s1+$0x1B000] =	vst v2  }
0x3db: {  	v2 =	vld.idx.msk [tilespmem:v4+s3+$0x0], $0xffff  }
0x3dc: {  	v4 =	vor.u32 s9, v1  }
0x3dd: {  	v5 =	vor.u32 s10, v4  }
0x3de: {  	s0 =	sadd.s32 $0x40, s0  }
0x3df: {  	s1 =	sshll.u32 s8, $0x4;
	s8 =	sand.u32 $0xF80, s0  }
0x3e0: {  	s1 =	sor.u32 s1, s8  }
0x3e1: {  	[tilespmem:s1+$0x14000] =	vst v2  }
0x3e2: {  	s8 =	sshll.u32 s7, $0x7;
	s7 =	smov.u32 s6;
	v2 =	vld.idx.msk [tilespmem:v5+s3+$0x0], $0xffff  }
0x3e3: {  	s8 =	sor.u32 $0x80, s8  }
0x3e4: {  	v5 =	vor.u32 s8, v3;
	_ =	sdelay $0x3  }
0x3e5: {  	[tilespmem:s1+$0x15000] =	vst v2  }
0x3e6: {  	v2 =	vld.idx.msk [tilespmem:v5+s3+$0x0], $0xffff;
	_ =	sdelay $0x1  }
0x3e7: {  	v5 =	vor.u32 s8, v4;
	_ =	sdelay $0x3  }
0x3e8: {  	[tilespmem:s1+$0x16000] =	vst v2  }
0x3e9: {  	v2 =	vmov s10;
	v5 =	vld.idx.msk [tilespmem:v5+s3+$0x0], $0xffff  }
0x3ea: {  	v2 =	vor.u32 $0x2000, v2  }
0x3eb: {  	v6 =	vor.u32 v3, v2;
	_ =	sdelay $0x3  }
0x3ec: {  	[tilespmem:s1+$0x17000] =	vst v5  }
0x3ed: {  	v5 =	vld.idx.msk [tilespmem:v6+s3+$0x0], $0xffff;
	_ =	sdelay $0x1  }
0x3ee: {  	v2 =	vor.u32 v4, v2;
	_ =	sdelay $0x3  }
0x3ef: {  	[tilespmem:s1+$0x18000] =	vst v5  }
0x3f0: {  	v5 =	vmov s8;
	v2 =	vld.idx.msk [tilespmem:v2+s3+$0x0], $0xffff  }
0x3f1: {  	v5 =	vor.u32 $0x2000, v5  }
0x3f2: {  	v3 =	vor.u32 v3, v5;
	_ =	sdelay $0x3  }
0x3f3: {  	[tilespmem:s1+$0x19000] =	vst v2  }
0x3f4: {  	v3 =	vld.idx.msk [tilespmem:v3+s3+$0x0], $0xffff;
	_ =	sdelay $0x1  }
.Ltmp10:
0x3f5: {  	v2 =	vor.u32 v4, v5;
	(pc) =	sbr.rel @p0 .LBB2_22-.Ltmp10, $2  }
0x3f6: {  	_ =	sdelay $0x2  }
0x3f7: {  	s6 =	sadd.s32 $0x1, s6;
	s8 =	sand.u32 $0x1, s7;
	[tilespmem:s1+$0x1A000] =	vst v3  }
0x3f8: {  	_ =	sdelay $0x2  }
0x3f9: {  	s6 =	sshll.u32 s8, $0x5;
	s9 =	sand.u32 $0x3E, s7  }
0x3fa: {  	v2 =	vld.idx.msk [tilespmem:v2+s3+$0x0], $0xffff;
	v3 =	vor.u32 s6, v0;
	s9 =	sshll.u32 s9, $0x7  }
0x3fb: {  	v4 =	vor.u32 s9, v3;
	_ =	sdelay $0x3  }
0x3fc: {  	[tilespmem:s1+$0x1B000] =	vst v2  }
0x3fd: {  	v60 =	vor.u32 s6, v1;
	v2 =	vld.idx.msk [tilespmem:v4+s3+$0x0], $0xffff  }
0x3fe: {  	v5 =	vor.u32 s9, v60  }
0x3ff: {  	s0 =	sadd.s32 $0x40, s0  }
0x400: {  	s15 =	sshll.u32 s8, $0x4;
	s0 =	sand.u32 $0xF80, s0  }
0x401: {  	s0 =	sor.u32 s15, s0  }
0x402: {  	s16 =	sshll.u32 s7, $0x7;
	[tilespmem:s0+$0x14000] =	vst v2  }
0x403: {  	s1 =	sor.u32 $0x80, s16;
	v2 =	vld.idx.msk [tilespmem:v5+s3+$0x0], $0xffff  }
0x404: {  	v61 =	vor.u32 s1, v3;
	_ =	sdelay $0x3  }
0x405: {  	[tilespmem:s0+$0x15000] =	vst v2  }
0x406: {  	v2 =	vld.idx.msk [tilespmem:v61+s3+$0x0], $0xffff  }
0x407: {  	v62 =	vor.u32 s1, v60;
	_ =	sdelay $0x3  }
0x408: {  	[tilespmem:s0+$0x16000] =	vst v2;
	v2 =	vmov s9  }
0x409: {  	v5 =	vld.idx.msk [tilespmem:v62+s3+$0x0], $0xffff;
	v2 =	vor.u32 $0x2000, v2  }
0x40a: {  	v6 =	vor.u32 v3, v2;
	_ =	sdelay $0x3  }
0x40b: {  	[tilespmem:s0+$0x17000] =	vst v5  }
0x40c: {  	v5 =	vld.idx.msk [tilespmem:v6+s3+$0x0], $0xffff  }
0x40d: {  	v2 =	vor.u32 v60, v2;
	_ =	sdelay $0x3  }
0x40e: {  	v63 =	vmov s1;
	[tilespmem:s0+$0x18000] =	vst v5  }
0x40f: {  	v5 =	vor.u32 $0x2000, v63;
	v2 =	vld.idx.msk [tilespmem:v2+s3+$0x0], $0xffff  }
0x410: {  	v3 =	vor.u32 v3, v5;
	_ =	sdelay $0x3  }
0x411: {  	[tilespmem:s0+$0x19000] =	vst v2  }
0x412: {  	v2 =	vld.idx.msk [tilespmem:v3+s3+$0x0], $0xffff  }
0x413: {  	v3 =	vor.u32 v60, v5;
	_ =	sdelay $0x3  }
0x414: {  	[tilespmem:s0+$0x1A000] =	vst v2  }
0x415: {  	v2 =	vld.idx.msk [tilespmem:v3+s3+$0x0], $0xffff;
	_ =	sdelay $0x4  }
0x416: {  	s17 =	rddreg [dreg:$0xc];
	[tilespmem:s0+$0x1B000] =	vst v2  }
0x417: {  	[hbm4b:s17+s22] =	stream.strided.scatter [tilespmem:s26], [sflag:$0x5], $0x8000, s23, s22, $0x38;
	[tilespmem:$0x1C000] =	vst v63  }
0x418: {  	_ =	swait.ge [sflag:s29], $0x8000  }
0x419: {  	[sflag:s29] =	ssyncset.done $0x0  }
0x41a: {  	[sflag:s29] =	ssyncadd.s32 $0xFFFF8000  }
0x41b: {  	_ =	swait.ge [sflag:s30], $0x8000  }
0x41c: {  	s18 =	rddreg [dreg:$0xe]  }
0x41d: {  	s31 =	rddreg [dreg:$0xd];
	s1 =	sadd.s32 $0x1, s18  }
0x41e: {  	p0 =	sne.s32 s1, s31  }
.Ltmp11:
0x41f: {  	_ = 	snop;
	(pc) =	sbr.rel @p0 .LBB2_1-.Ltmp11, $3  }
0x420: {  	_ =	sdelay $0x1  }
0x421: {  	[sflag:s30] =	ssyncset.done $0x0  }
0x422: {  	[sflag:s30] =	ssyncadd.s32 $0xFFFF8000  }
0x423: {  	_ =	sfence.sel $0x180000  }
0x424: {  	[bflag:$0x0] =	sbarrier.arrive $0xFFFF  }
0x425: {  	_ =	strace $0x90000047  }
0x426: {  	s0 =	stileid.u32;
	[bflag:$0x2] =	sbarrier.arrive $0xFFFF  }
0x427: {  	p0 =	sne.s32 s0, $0x0;
	s0 =	rddreg [dreg:$0x2]  }
0x428: {  	s0 =	sadd.s32 @!p0 $0x100000, s0  }
0x429: {  	[sflag:s0] =	ssyncadd.tile.s32 @!p0 $0x1;
	_ =	shalt  }
.Lfunc_end2:
_tile_overlayer_lowered:
.L_overlay_start_2:
0x42a: {  	(tag) =	ssettag $0x2  }
0x42b: {  	s0 =	rddreg [dreg:$0x0];
	s2 =	stileid.u32  }
0x42c: {  	s1 =	rddreg [dreg:$0x1];
	p0 =	sne.s32 s2, $0x0  }
0x42d: {  	s3 =	rddreg [dreg:$0x2];
	[bflag:$0x3] =	sbarrier.arrive $0xFFFF;
	s2 =	simm.s32 @!p0 $0x1C06  }
0x42e: {  	[timem:s3], [sflag:s2] =	dma.local @!p0 [hbm:s0], s1  }
0x42f: {  	s0 =	simm.s32 @!p0 $0x6  }
0x430: {  	_ =	swait.ge @!p0 [sflag:s0], s1  }
0x431: {  	s1 =	ssub.s32 @!p0 $0x0, s1;
	[sflag:s0] =	ssyncset.done @!p0 $0x0  }
0x432: {  	[sflag:s0] =	ssyncadd.s32 @!p0 s1  }
0x433: {  	[bflag:$0x3] =	sbarrier.arrive $0xFFFF  }
0x434: {  	_ =	shalt  }

</sc_bundles>
